<compile_context>
chip_gen: v7x
topology: tpu7x:2x2x1
jax: 0.10.2.dev20260603
libtpu: 0.0.44.dev20260713+nightly
codegen_flags: <defaults>
</compile_context>

<pallas_src>
import functools

import jax
import jax.numpy as jnp
from jax import lax
from jax.experimental import pallas as pl
from jax.experimental.pallas import tpu as pltpu
from jax.experimental.pallas import tpu_sc as plsc

NC = 2
NS = 16
NW = NC * NS
LN = 16
CH = 128

N_U = 50000
N_M = 10000
D = 64

R_U = 25088
R_M = 5120


def _zdiv(rows_pt):
    for z in range(min(rows_pt, 128), 0, -1):
        if rows_pt % z == 0:
            return z
    return 1


def _zero_rows(buf, nrows, width):
    z16 = jnp.zeros((LN,), jnp.float32)

    def body(i, c):
        for k in range(width // LN):
            buf[i, pl.ds(k * LN, LN)] = z16
        return c

    lax.fori_loop(0, nrows, body, 0)


def _fill_ones(buf, nrows):
    one16 = jnp.ones((LN,), jnp.float32)

    def body(i, c):
        buf[i, pl.ds(0, LN)] = one16
        return c

    lax.fori_loop(0, nrows, body, 0)


def _make_segsum(n_dst, r_shard, e_total):
    acc_rows = r_shard + LN
    rows_pt = r_shard // NS
    zr = _zdiv(rows_pt)
    nz = rows_pt // zr
    nchunks = e_total // CH
    npt = -(-nchunks // NS)

    mesh = plsc.VectorSubcoreMesh(core_axis_name="c", subcore_axis_name="s")

    @functools.partial(
        pl.kernel,
        out_type=jax.ShapeDtypeStruct((2 * r_shard, D), jnp.float32),
        mesh=mesh,
        compiler_params=pltpu.CompilerParams(use_tc_tiling_on_sc=False),
        scratch_types=[
            pltpu.VMEM((CH,), jnp.int32),
            pltpu.VMEM((CH,), jnp.int32),
            pltpu.VMEM((CH,), jnp.int32),
            pltpu.VMEM((CH, D), jnp.float32),
            pltpu.VMEM_SHARED((acc_rows, D), jnp.float32),
            pltpu.SemaphoreType.DMA,
        ],
    )
    def seg(src_hbm, dst_hbm, table_hbm, out_hbm, gbuf, draw, dloc, rows, acc, sem):
        c = lax.axis_index("c")
        s = lax.axis_index("s")
        lo = c * r_shard
        hi = jnp.minimum(n_dst, lo + r_shard)

        _zero_rows(rows, zr, D)

        def zbody(t, carry):
            pltpu.sync_copy(rows.at[pl.ds(0, zr)],
                            acc.at[pl.ds(s * rows_pt + t * zr, zr)])
            return carry

        lax.fori_loop(0, nz, zbody, 0)
        plsc.subcore_barrier()

        def chunk(jj, carry):
            j = jj * NS + s

            @pl.when(j < nchunks)
            def _():
                off = j * CH
                pltpu.sync_copy(src_hbm.at[pl.ds(off, CH)], gbuf)
                pltpu.sync_copy(dst_hbm.at[pl.ds(off, CH)], draw)
                for g in range(CH // LN):
                    d = draw[pl.ds(g * LN, LN)]
                    inr = (d >= lo) & (d < hi)
                    dloc[pl.ds(g * LN, LN)] = jnp.where(inr, d - lo, r_shard)
                pltpu.async_copy(table_hbm.at[gbuf], rows, sem).wait()
                pltpu.sync_copy(rows, acc.at[dloc], add=True)

            return carry

        lax.fori_loop(0, npt, chunk, 0)
        plsc.subcore_barrier()
        pltpu.sync_copy(acc.at[pl.ds(s * rows_pt, rows_pt)],
                        out_hbm.at[pl.ds(c * r_shard + s * rows_pt, rows_pt)])

    return seg


def _make_counts(e_total):
    rpt_u = R_U // NS
    rpt_m = R_M // NS
    zr_u = _zdiv(rpt_u)
    zr_m = _zdiv(rpt_m)
    nchunks = e_total // CH
    npt = -(-nchunks // NS)

    mesh = plsc.VectorSubcoreMesh(core_axis_name="c", subcore_axis_name="s")

    @functools.partial(
        pl.kernel,
        out_type=(jax.ShapeDtypeStruct((2 * R_U, LN), jnp.float32),
                  jax.ShapeDtypeStruct((2 * R_M, LN), jnp.float32)),
        mesh=mesh,
        compiler_params=pltpu.CompilerParams(use_tc_tiling_on_sc=False),
        scratch_types=[
            pltpu.VMEM((CH,), jnp.int32),
            pltpu.VMEM((CH,), jnp.int32),
            pltpu.VMEM((CH,), jnp.int32),
            pltpu.VMEM((CH,), jnp.int32),
            pltpu.VMEM((CH, LN), jnp.float32),
            pltpu.VMEM_SHARED((R_U + LN, LN), jnp.float32),
            pltpu.VMEM_SHARED((R_M + LN, LN), jnp.float32),
        ],
    )
    def cnts(eu_hbm, em_hbm, cu_hbm, cm_hbm, ubuf, mbuf, uloc, mloc, ones,
             accu, accm):
        c = lax.axis_index("c")
        s = lax.axis_index("s")
        lo_u = c * R_U
        hi_u = jnp.minimum(N_U, lo_u + R_U)
        lo_m = c * R_M
        hi_m = jnp.minimum(N_M, lo_m + R_M)

        _zero_rows(ones, max(zr_u, zr_m), LN)

        def zu(t, carry):
            pltpu.sync_copy(ones.at[pl.ds(0, zr_u)],
                            accu.at[pl.ds(s * rpt_u + t * zr_u, zr_u)])
            return carry

        lax.fori_loop(0, rpt_u // zr_u, zu, 0)

        def zm(t, carry):
            pltpu.sync_copy(ones.at[pl.ds(0, zr_m)],
                            accm.at[pl.ds(s * rpt_m + t * zr_m, zr_m)])
            return carry

        lax.fori_loop(0, rpt_m // zr_m, zm, 0)

        _fill_ones(ones, CH)
        plsc.subcore_barrier()

        def chunk(jj, carry):
            j = jj * NS + s

            @pl.when(j < nchunks)
            def _():
                off = j * CH
                pltpu.sync_copy(eu_hbm.at[pl.ds(off, CH)], ubuf)
                pltpu.sync_copy(em_hbm.at[pl.ds(off, CH)], mbuf)
                for g in range(CH // LN):
                    u = ubuf[pl.ds(g * LN, LN)]
                    m = mbuf[pl.ds(g * LN, LN)]
                    uin = (u >= lo_u) & (u < hi_u)
                    minr = (m >= lo_m) & (m < hi_m)
                    uloc[pl.ds(g * LN, LN)] = jnp.where(uin, u - lo_u, R_U)
                    mloc[pl.ds(g * LN, LN)] = jnp.where(minr, m - lo_m, R_M)
                pltpu.sync_copy(ones, accu.at[uloc], add=True)
                pltpu.sync_copy(ones, accm.at[mloc], add=True)

            return carry

        lax.fori_loop(0, npt, chunk, 0)
        plsc.subcore_barrier()
        pltpu.sync_copy(accu.at[pl.ds(s * rpt_u, rpt_u)],
                        cu_hbm.at[pl.ds(c * R_U + s * rpt_u, rpt_u)])
        pltpu.sync_copy(accm.at[pl.ds(s * rpt_m, rpt_m)],
                        cm_hbm.at[pl.ds(c * R_M + s * rpt_m, rpt_m)])

    return cnts


def _tc_layer(sum_pad, cnt16, x_pad, wl, b, wr, relu):
    rows = sum_pad.shape[0]
    br = 256
    grid = rows // br

    def body(sum_ref, cnt_ref, x_ref, wl_ref, b_ref, wr_ref, o_ref):
        cnt = jnp.sum(cnt_ref[...], axis=1, keepdims=True) * (1.0 / LN)
        inv = 1.0 / jnp.maximum(cnt, 1.0)
        mean = sum_ref[...] * inv
        out = (jnp.dot(mean, wl_ref[...], preferred_element_type=jnp.float32)
               + b_ref[...]
               + jnp.dot(x_ref[...], wr_ref[...],
                         preferred_element_type=jnp.float32))
        if relu:
            out = jnp.maximum(out, 0.0)
        o_ref[...] = out

    return pl.pallas_call(
        body,
        grid=(grid,),
        in_specs=[
            pl.BlockSpec((br, D), lambda i: (i, 0)),
            pl.BlockSpec((br, LN), lambda i: (i, 0)),
            pl.BlockSpec((br, D), lambda i: (i, 0)),
            pl.BlockSpec((D, D), lambda i: (0, 0)),
            pl.BlockSpec((1, D), lambda i: (0, 0)),
            pl.BlockSpec((D, D), lambda i: (0, 0)),
        ],
        out_specs=pl.BlockSpec((br, D), lambda i: (i, 0)),
        out_shape=jax.ShapeDtypeStruct((rows, D), jnp.float32),
    )(sum_pad, cnt16, x_pad, wl, b.reshape(1, D), wr)


def _make_decoder(b_pad):
    nchunks = b_pad // CH
    npt = -(-nchunks // NW)

    mesh = plsc.VectorSubcoreMesh(core_axis_name="c", subcore_axis_name="s")

    @functools.partial(
        pl.kernel,
        out_type=jax.ShapeDtypeStruct((b_pad,), jnp.float32),
        mesh=mesh,
        compiler_params=pltpu.CompilerParams(use_tc_tiling_on_sc=False,
                                             needs_layout_passes=False),
        scratch_types=[
            pltpu.VMEM((CH,), jnp.int32),
            pltpu.VMEM((CH,), jnp.int32),
            pltpu.VMEM((CH, D), jnp.float32),
            pltpu.VMEM((CH, D), jnp.float32),
            pltpu.VMEM((LN, LN), jnp.float32),
            pltpu.VMEM((CH,), jnp.float32),
            pltpu.SemaphoreType.DMA,
            pltpu.SemaphoreType.DMA,
        ],
    )
    def dec(xu_hbm, xm_hbm, ls_hbm, ld_hbm, out_hbm,
            aidx, bidx, arows, brows, ptile, ochunk, sema, semb):
        c = lax.axis_index("c")
        s = lax.axis_index("s")
        w = c * NS + s
        iota16 = lax.iota(jnp.int32, LN)

        def chunk(k, carry):
            j = k * NW + w

            @pl.when(j < nchunks)
            def _():
                off = j * CH
                pltpu.sync_copy(ls_hbm.at[pl.ds(off, CH)], aidx)
                pltpu.sync_copy(ld_hbm.at[pl.ds(off, CH)], bidx)
                cpa = pltpu.async_copy(xu_hbm.at[aidx], arows, sema)
                cpb = pltpu.async_copy(xm_hbm.at[bidx], brows, semb)
                cpa.wait()
                cpb.wait()
                for g in range(CH // LN):
                    def rbody(r, carry2):
                        row = g * LN + r
                        acc = (arows[row, pl.ds(0, LN)]
                               * brows[row, pl.ds(0, LN)])
                        for q in range(1, D // LN):
                            acc = acc + (arows[row, pl.ds(q * LN, LN)]
                                         * brows[row, pl.ds(q * LN, LN)])
                        ptile[r, pl.ds(0, LN)] = acc
                        return carry2

                    lax.fori_loop(0, LN, rbody, 0)

                    def cbody(q, accv):
                        col = plsc.load_gather(
                            ptile, [iota16, jnp.full((LN,), q, jnp.int32)])
                        return accv + col

                    out16 = lax.fori_loop(0, LN, cbody,
                                          jnp.zeros((LN,), jnp.float32))
                    ochunk[pl.ds(g * LN, LN)] = out16
                pltpu.sync_copy(ochunk, out_hbm.at[pl.ds(off, CH)])

            return carry

        lax.fori_loop(0, npt, chunk, 0)

    return dec


def kernel(x_user, x_movie, params, edge_src_user, edge_dst_movie,
           label_src_user, label_dst_movie):
    eu = edge_src_user.astype(jnp.int32)
    em = edge_dst_movie.astype(jnp.int32)
    ls = label_src_user.astype(jnp.int32)
    ld = label_dst_movie.astype(jnp.int32)
    e_total = eu.shape[0]
    b_lab = ls.shape[0]
    b_pad = -(-b_lab // CH) * CH

    xu = jnp.pad(x_user, ((0, 2 * R_U - N_U), (0, 0)))
    xm = jnp.pad(x_movie, ((0, 2 * R_M - N_M), (0, 0)))
    ls_p = jnp.pad(ls, (0, b_pad - b_lab))
    ld_p = jnp.pad(ld, (0, b_pad - b_lab))

    counts = _make_counts(e_total)
    cnt_u16, cnt_m16 = counts(eu, em)

    seg_m = _make_segsum(N_M, R_M, e_total)
    seg_u = _make_segsum(N_U, R_U, e_total)

    p = params
    for l in range(3):
        sum_m = seg_m(eu, em, xu)
        sum_u = seg_u(em, eu, xm)
        relu = l < 2
        xm = _tc_layer(sum_m, cnt_m16, xm,
                       p["Wl%d_um" % l], p["bl%d_um" % l], p["Wr%d_um" % l],
                       relu)
        xu = _tc_layer(sum_u, cnt_u16, xu,
                       p["Wl%d_mu" % l], p["bl%d_mu" % l], p["Wr%d_mu" % l],
                       relu)

    dec = _make_decoder(b_pad)
    out = dec(xu, xm, ls_p, ld_p)
    return out[:b_lab]

# --- scband reference (transcript-rebuilt; emitter-appended) ---
"""Pipeline reference for scband-model-21818433863799 (READ-ONLY COPY).

The authoritative reference and input builder live on the scoring server;
editing this copy changes nothing except your own understanding.
"""

import jax, jax.numpy as jnp
import numpy as np

N_U = 50000
N_M = 10000
E = 800000
D = 64
H = 64
B = 100000


def _glorot(key, shape):
    return (jax.random.normal(key, shape, dtype=jnp.float32) * (1.0 / np.sqrt(shape[0]))).astype(jnp.float32)


def setup_inputs(seed: int = 0):
    key = jax.random.key(seed)
    ks = jax.random.split(key, 32)
    x_user = jax.random.normal(ks[0], (N_U, D), dtype=jnp.float32)
    x_movie = jax.random.normal(ks[1], (N_M, D), dtype=jnp.float32)
    edge_src_user = jax.random.randint(ks[2], (E,), 0, N_U, dtype=jnp.int64)
    edge_dst_movie = jax.random.randint(ks[3], (E,), 0, N_M, dtype=jnp.int64)
    label_src_user = jax.random.randint(ks[4], (B,), 0, N_U, dtype=jnp.int64)
    label_dst_movie = jax.random.randint(ks[5], (B,), 0, N_M, dtype=jnp.int64)
    params = {}
    i = 6
    for l in range(3):
        din = D if l == 0 else H
        for et in ('um', 'mu'):
            params['Wl%d_%s' % (l, et)] = _glorot(ks[i], (din, H)); i += 1
            params['bl%d_%s' % (l, et)] = jnp.zeros((H,), dtype=jnp.float32)
            params['Wr%d_%s' % (l, et)] = _glorot(ks[i], (din, H)); i += 1
    return {'x_user': x_user, 'x_movie': x_movie, 'params': params,
            'edge_src_user': edge_src_user, 'edge_dst_movie': edge_dst_movie,
            'label_src_user': label_src_user, 'label_dst_movie': label_dst_movie}


def _hetero_sage_layer(xu, xm, eu, em, p, l):
    # edge type (user -> movie): SAGEConv with mean aggregation
    ones = jnp.ones((eu.shape[0], 1), dtype=jnp.float32)
    sum_m = jax.ops.segment_sum(xu[eu], em, num_segments=N_M)
    cnt_m = jax.ops.segment_sum(ones, em, num_segments=N_M)
    mean_m = sum_m / jnp.clip(cnt_m, 1.0)
    out_m = mean_m @ p['Wl%d_um' % l] + p['bl%d_um' % l] + xm @ p['Wr%d_um' % l]
    # edge type (movie -> user): reverse edges from ToUndirected
    sum_u = jax.ops.segment_sum(xm[em], eu, num_segments=N_U)
    cnt_u = jax.ops.segment_sum(ones, eu, num_segments=N_U)
    mean_u = sum_u / jnp.clip(cnt_u, 1.0)
    out_u = mean_u @ p['Wl%d_mu' % l] + p['bl%d_mu' % l] + xu @ p['Wr%d_mu' % l]
    return out_u, out_m


def reference(x_user, x_movie, params, edge_src_user, edge_dst_movie, label_src_user, label_dst_movie):
    xu, xm = x_user, x_movie
    xu, xm = _hetero_sage_layer(xu, xm, edge_src_user, edge_dst_movie, params, 0)
    xu, xm = jax.nn.relu(xu), jax.nn.relu(xm)
    xu, xm = _hetero_sage_layer(xu, xm, edge_src_user, edge_dst_movie, params, 1)
    xu, xm = jax.nn.relu(xu), jax.nn.relu(xm)
    xu, xm = _hetero_sage_layer(xu, xm, edge_src_user, edge_dst_movie, params, 2)
    # InnerProductDecoder
    x_src = xu[label_src_user]
    x_dst = xm[label_dst_movie]
    return (x_src * x_dst).sum(axis=-1)

if __name__ == "__main__":
    import jax
    _d = setup_inputs()
    print(jax.jit(kernel)(*tuple(_d.values())))

</pallas_src>

<mosaic_0001>
#map = affine_map<(d0, d1) -> (0)>
#map1 = affine_map<(d0, d1) -> (0, 0)>
module attributes {stable_mosaic.version = 14 : i64} {
  func.func @cnts(%arg0: i32, %arg1: i32, %arg2: memref<800000xi32, #tpu.memory_space<hbm>>, %arg3: memref<800000xi32, #tpu.memory_space<hbm>>, %arg4: memref<50176x16xf32, #tpu.memory_space<hbm>>, %arg5: memref<10240x16xf32, #tpu.memory_space<hbm>>, %arg6: memref<128xi32, #tpu.memory_space<vmem>>, %arg7: memref<128xi32, #tpu.memory_space<vmem>>, %arg8: memref<128xi32, #tpu.memory_space<vmem>>, %arg9: memref<128xi32, #tpu.memory_space<vmem>>, %arg10: memref<128x16xf32, #tpu.memory_space<vmem>>, %arg11: memref<25104x16xf32, #tpu.memory_space<vmem_shared>>, %arg12: memref<5136x16xf32, #tpu.memory_space<vmem_shared>>) attributes {dimension_semantics = [#tpu.dimension_semantics<core_parallel>, #tpu.dimension_semantics<subcore_parallel>], iteration_bounds = array<i64: 2, 16>, scalar_prefetch = 0 : i64, scratch_operands = 7 : i64, tpu.core_type = #tpu.core_type<sc_vector_subcore>, window_params = [{transform_indices = #map}, {transform_indices = #map}, {transform_indices = #map1}, {transform_indices = #map1}]} {
    %mul3A = arith.constant 25088 : i32
    %mul3A_0 = arith.muli %arg0, %mul3A : i32
    %add3A = arith.constant 25088 : i32
    %add3A_1 = arith.addi %mul3A_0, %add3A : i32
    %min3A = arith.constant 50000 : i32
    %min3A_2 = arith.minsi %min3A, %add3A_1 : i32
    %mul3A_3 = arith.constant 5120 : i32
    %mul3A_4 = arith.muli %arg0, %mul3A_3 : i32
    %add3A_5 = arith.constant 5120 : i32
    %add3A_6 = arith.addi %mul3A_4, %add3A_5 : i32
    %min3A_7 = arith.constant 10000 : i32
    %min3A_8 = arith.minsi %min3A_7, %add3A_6 : i32
    %broadcast_in_dim3A = arith.constant 0.000000e+00 : f32
    %broadcast_in_dim3A_9 = vector.broadcast %broadcast_in_dim3A : f32 to vector<16xf32>
    %scan3A = arith.constant 0 : i32
    %scan3A_10 = arith.constant 0 : i32
    %scan3A_11 = arith.constant 112 : i32
    %scan3A_12 = arith.addi %scan3A_10, %scan3A_11 : i32
    %scan3A_13 = arith.constant 1 : i32
    scf.for %scan3A_56 = %scan3A_10 to %scan3A_12 step %scan3A_13  : i32 {
      %swap3A = arith.index_cast %scan3A_56 : i32 to index
      %swap3A_57 = arith.constant 0 : index
      %swap3A_58 = tpu.vector_load %arg10[%swap3A, %swap3A_57] {strides = array<i32>} : memref<128x16xf32, #tpu.memory_space<vmem>>, vector<1x16xf32>,
      %swap3A_59 = vector.shape_cast %swap3A_58 : vector<1x16xf32> to vector<16xf32>
      %swap3A_60 = vector.shape_cast %broadcast_in_dim3A_9 : vector<16xf32> to vector<1x16xf32>
      tpu.vector_store %arg10[%swap3A, %swap3A_57], %swap3A_60 {strides = array<i32>} : memref<128x16xf32, #tpu.memory_space<vmem>>, vector<1x16xf32>,
    }
    %scan3A_14 = arith.constant 112 : i32
    %scan3A_15 = arith.constant 0 : i32
    %scan3A_16 = arith.constant 0 : i32
    %scan3A_17 = arith.constant 14 : i32
    %scan3A_18 = arith.addi %scan3A_16, %scan3A_17 : i32
    %scan3A_19 = arith.constant 1 : i32
    scf.for %scan3A_56 = %scan3A_16 to %scan3A_18 step %scan3A_19  : i32 {
      %mul3A_57 = arith.constant 1568 : i32
      %mul3A_58 = arith.muli %arg1, %mul3A_57 : i32
      %mul3A_59 = arith.constant 112 : i32
      %mul3A_60 = arith.muli %scan3A_56, %mul3A_59 : i32
      %add3A_61 = arith.addi %mul3A_58, %mul3A_60 : i32
      "tpu.region"() ({
        %run_scoped3A = tpu.sem_alloc : memref<!tpu.dma_semaphore, #tpu.memory_space<semaphore_mem>>
        %dma_start3A = arith.constant 0 : i32
        %dma_start3A_62 = arith.constant 0 : i32
        %dma_start3A_63 = tpu.memref_slice %arg10[%dma_start3A, %dma_start3A_62] : memref<128x16xf32, #tpu.memory_space<vmem>> -> memref<112x16xf32, #tpu.memory_space<vmem>>
        %dma_start3A_64 = arith.constant 0 : i32
        %dma_start3A_65 = tpu.memref_slice %arg11[%add3A_61, %dma_start3A_64] : memref<25104x16xf32, #tpu.memory_space<vmem_shared>> -> memref<112x16xf32, #tpu.memory_space<vmem_shared>>
        %dma_start3A_66 = arith.constant 0 : i32
        %dma_start3A_67 = tpu.memref_slice %arg11[%add3A_61, %dma_start3A_66] : memref<25104x16xf32, #tpu.memory_space<vmem_shared>> -> memref<112x16xf32, #tpu.memory_space<vmem_shared>>
        %dma_start3A_68 = arith.constant 0 : i32
        %dma_start3A_69 = arith.constant 0 : i32
        %dma_start3A_70 = tpu.memref_slice %arg10[%dma_start3A_68, %dma_start3A_69] : memref<128x16xf32, #tpu.memory_space<vmem>> -> memref<112x16xf32, #tpu.memory_space<vmem>>
        tpu.enqueue_dma source(%dma_start3A_70 : memref<112x16xf32, #tpu.memory_space<vmem>>) target(%dma_start3A_67 : memref<112x16xf32, #tpu.memory_space<vmem_shared>>) target_semaphore(%run_scoped3A : memref<!tpu.dma_semaphore, #tpu.memory_space<semaphore_mem>>)
        %dma_wait3A = arith.constant 0 : i32
        %dma_wait3A_71 = arith.constant 0 : i32
        %dma_wait3A_72 = tpu.memref_slice %arg10[%dma_wait3A, %dma_wait3A_71] : memref<128x16xf32, #tpu.memory_space<vmem>> -> memref<112x16xf32, #tpu.memory_space<vmem>>
        %dma_wait3A_73 = arith.constant 0 : i32
        %dma_wait3A_74 = tpu.memref_slice %arg11[%add3A_61, %dma_wait3A_73] : memref<25104x16xf32, #tpu.memory_space<vmem_shared>> -> memref<112x16xf32, #tpu.memory_space<vmem_shared>>
        %dma_wait3A_75 = arith.constant 0 : i32
        %dma_wait3A_76 = tpu.memref_slice %arg11[%add3A_61, %dma_wait3A_75] : memref<25104x16xf32, #tpu.memory_space<vmem_shared>> -> memref<112x16xf32, #tpu.memory_space<vmem_shared>>
        %dma_wait3A_77 = arith.constant 0 : i32
        %dma_wait3A_78 = arith.constant 0 : i32
        %dma_wait3A_79 = tpu.memref_slice %arg10[%dma_wait3A_77, %dma_wait3A_78] : memref<128x16xf32, #tpu.memory_space<vmem>> -> memref<112x16xf32, #tpu.memory_space<vmem>>
        tpu.wait_dma2 semaphore(%run_scoped3A : memref<!tpu.dma_semaphore, #tpu.memory_space<semaphore_mem>>) src(%dma_wait3A_79 : memref<112x16xf32, #tpu.memory_space<vmem>>) dst(%dma_wait3A_76 : memref<112x16xf32, #tpu.memory_space<vmem_shared>>)
        tpu.yield
      }) : () -> ()
    }
    %scan3A_20 = arith.constant 14 : i32
    %scan3A_21 = arith.constant 0 : i32
    %scan3A_22 = arith.constant 0 : i32
    %scan3A_23 = arith.constant 4 : i32
    %scan3A_24 = arith.addi %scan3A_22, %scan3A_23 : i32
    %scan3A_25 = arith.constant 1 : i32
    scf.for %scan3A_56 = %scan3A_22 to %scan3A_24 step %scan3A_25  : i32 {
      %mul3A_57 = arith.constant 320 : i32
      %mul3A_58 = arith.muli %arg1, %mul3A_57 : i32
      %mul3A_59 = arith.constant 80 : i32
      %mul3A_60 = arith.muli %scan3A_56, %mul3A_59 : i32
      %add3A_61 = arith.addi %mul3A_58, %mul3A_60 : i32
      "tpu.region"() ({
        %run_scoped3A = tpu.sem_alloc : memref<!tpu.dma_semaphore, #tpu.memory_space<semaphore_mem>>
        %dma_start3A = arith.constant 0 : i32
        %dma_start3A_62 = arith.constant 0 : i32
        %dma_start3A_63 = tpu.memref_slice %arg10[%dma_start3A, %dma_start3A_62] : memref<128x16xf32, #tpu.memory_space<vmem>> -> memref<80x16xf32, #tpu.memory_space<vmem>>
        %dma_start3A_64 = arith.constant 0 : i32
        %dma_start3A_65 = tpu.memref_slice %arg12[%add3A_61, %dma_start3A_64] : memref<5136x16xf32, #tpu.memory_space<vmem_shared>> -> memref<80x16xf32, #tpu.memory_space<vmem_shared>>
        %dma_start3A_66 = arith.constant 0 : i32
        %dma_start3A_67 = tpu.memref_slice %arg12[%add3A_61, %dma_start3A_66] : memref<5136x16xf32, #tpu.memory_space<vmem_shared>> -> memref<80x16xf32, #tpu.memory_space<vmem_shared>>
        %dma_start3A_68 = arith.constant 0 : i32
        %dma_start3A_69 = arith.constant 0 : i32
        %dma_start3A_70 = tpu.memref_slice %arg10[%dma_start3A_68, %dma_start3A_69] : memref<128x16xf32, #tpu.memory_space<vmem>> -> memref<80x16xf32, #tpu.memory_space<vmem>>
        tpu.enqueue_dma source(%dma_start3A_70 : memref<80x16xf32, #tpu.memory_space<vmem>>) target(%dma_start3A_67 : memref<80x16xf32, #tpu.memory_space<vmem_shared>>) target_semaphore(%run_scoped3A : memref<!tpu.dma_semaphore, #tpu.memory_space<semaphore_mem>>)
        %dma_wait3A = arith.constant 0 : i32
        %dma_wait3A_71 = arith.constant 0 : i32
        %dma_wait3A_72 = tpu.memref_slice %arg10[%dma_wait3A, %dma_wait3A_71] : memref<128x16xf32, #tpu.memory_space<vmem>> -> memref<80x16xf32, #tpu.memory_space<vmem>>
        %dma_wait3A_73 = arith.constant 0 : i32
        %dma_wait3A_74 = tpu.memref_slice %arg12[%add3A_61, %dma_wait3A_73] : memref<5136x16xf32, #tpu.memory_space<vmem_shared>> -> memref<80x16xf32, #tpu.memory_space<vmem_shared>>
        %dma_wait3A_75 = arith.constant 0 : i32
        %dma_wait3A_76 = tpu.memref_slice %arg12[%add3A_61, %dma_wait3A_75] : memref<5136x16xf32, #tpu.memory_space<vmem_shared>> -> memref<80x16xf32, #tpu.memory_space<vmem_shared>>
        %dma_wait3A_77 = arith.constant 0 : i32
        %dma_wait3A_78 = arith.constant 0 : i32
        %dma_wait3A_79 = tpu.memref_slice %arg10[%dma_wait3A_77, %dma_wait3A_78] : memref<128x16xf32, #tpu.memory_space<vmem>> -> memref<80x16xf32, #tpu.memory_space<vmem>>
        tpu.wait_dma2 semaphore(%run_scoped3A : memref<!tpu.dma_semaphore, #tpu.memory_space<semaphore_mem>>) src(%dma_wait3A_79 : memref<80x16xf32, #tpu.memory_space<vmem>>) dst(%dma_wait3A_76 : memref<80x16xf32, #tpu.memory_space<vmem_shared>>)
        tpu.yield
      }) : () -> ()
    }
    %scan3A_26 = arith.constant 4 : i32
    %broadcast_in_dim3A_27 = arith.constant 1.000000e+00 : f32
    %broadcast_in_dim3A_28 = vector.broadcast %broadcast_in_dim3A_27 : f32 to vector<16xf32>
    %scan3A_29 = arith.constant 0 : i32
    %scan3A_30 = arith.constant 0 : i32
    %scan3A_31 = arith.constant 128 : i32
    %scan3A_32 = arith.addi %scan3A_30, %scan3A_31 : i32
    %scan3A_33 = arith.constant 1 : i32
    scf.for %scan3A_56 = %scan3A_30 to %scan3A_32 step %scan3A_33  : i32 {
      %swap3A = arith.index_cast %scan3A_56 : i32 to index
      %swap3A_57 = arith.constant 0 : index
      %swap3A_58 = tpu.vector_load %arg10[%swap3A, %swap3A_57] {strides = array<i32>} : memref<128x16xf32, #tpu.memory_space<vmem>>, vector<1x16xf32>,
      %swap3A_59 = vector.shape_cast %swap3A_58 : vector<1x16xf32> to vector<16xf32>
      %swap3A_60 = vector.shape_cast %broadcast_in_dim3A_28 : vector<16xf32> to vector<1x16xf32>
      tpu.vector_store %arg10[%swap3A, %swap3A_57], %swap3A_60 {strides = array<i32>} : memref<128x16xf32, #tpu.memory_space<vmem>>, vector<1x16xf32>,
    }
    %scan3A_34 = arith.constant 128 : i32
    %barrier3A = arith.constant 0 : index
    tpu.barrier barrier_id(%barrier3A)
    %scan3A_35 = arith.constant 0 : i32
    %scan3A_36 = arith.constant 0 : i32
    %scan3A_37 = arith.constant 391 : i32
    %scan3A_38 = arith.addi %scan3A_36, %scan3A_37 : i32
    %scan3A_39 = arith.constant 1 : i32
    scf.for %scan3A_56 = %scan3A_36 to %scan3A_38 step %scan3A_39  : i32 {
      %mul3A_57 = arith.constant 16 : i32
      %mul3A_58 = arith.muli %scan3A_56, %mul3A_57 : i32
      %add3A_59 = arith.addi %mul3A_58, %arg1 : i32
      %lt3A = arith.constant 6250 : i32
      %lt3A_60 = arith.cmpi slt, %add3A_59, %lt3A : i32
      %convert_element_type3A = arith.extui %lt3A_60 : i1 to i32
      %cond3A = arith.constant 0 : i32
      %cond3A_61 = arith.cmpi ne, %convert_element_type3A, %cond3A : i32
      scf.if %cond3A_61 {
        %mul3A_62 = arith.constant 128 : i32
        %mul3A_63 = arith.muli %add3A_59, %mul3A_62 : i32
        "tpu.region"() ({
          %run_scoped3A = tpu.sem_alloc : memref<!tpu.dma_semaphore, #tpu.memory_space<semaphore_mem>>
          %dma_start3A = tpu.memref_slice %arg2[%mul3A_63] : memref<800000xi32, #tpu.memory_space<hbm>> -> memref<128xi32, #tpu.memory_space<hbm>>
          %dma_start3A_329 = tpu.memref_slice %arg2[%mul3A_63] : memref<800000xi32, #tpu.memory_space<hbm>> -> memref<128xi32, #tpu.memory_space<hbm>>
          tpu.enqueue_dma source(%dma_start3A_329 : memref<128xi32, #tpu.memory_space<hbm>>) target(%arg6 : memref<128xi32, #tpu.memory_space<vmem>>) target_semaphore(%run_scoped3A : memref<!tpu.dma_semaphore, #tpu.memory_space<semaphore_mem>>)
          %dma_wait3A = tpu.memref_slice %arg2[%mul3A_63] : memref<800000xi32, #tpu.memory_space<hbm>> -> memref<128xi32, #tpu.memory_space<hbm>>
          %dma_wait3A_330 = tpu.memref_slice %arg2[%mul3A_63] : memref<800000xi32, #tpu.memory_space<hbm>> -> memref<128xi32, #tpu.memory_space<hbm>>
          tpu.wait_dma2 semaphore(%run_scoped3A : memref<!tpu.dma_semaphore, #tpu.memory_space<semaphore_mem>>) src(%dma_wait3A_330 : memref<128xi32, #tpu.memory_space<hbm>>) dst(%arg6 : memref<128xi32, #tpu.memory_space<vmem>>)
          tpu.yield
        }) : () -> ()
        "tpu.region"() ({
          %run_scoped3A = tpu.sem_alloc : memref<!tpu.dma_semaphore, #tpu.memory_space<semaphore_mem>>
          %dma_start3A = tpu.memref_slice %arg3[%mul3A_63] : memref<800000xi32, #tpu.memory_space<hbm>> -> memref<128xi32, #tpu.memory_space<hbm>>
          %dma_start3A_329 = tpu.memref_slice %arg3[%mul3A_63] : memref<800000xi32, #tpu.memory_space<hbm>> -> memref<128xi32, #tpu.memory_space<hbm>>
          tpu.enqueue_dma source(%dma_start3A_329 : memref<128xi32, #tpu.memory_space<hbm>>) target(%arg7 : memref<128xi32, #tpu.memory_space<vmem>>) target_semaphore(%run_scoped3A : memref<!tpu.dma_semaphore, #tpu.memory_space<semaphore_mem>>)
          %dma_wait3A = tpu.memref_slice %arg3[%mul3A_63] : memref<800000xi32, #tpu.memory_space<hbm>> -> memref<128xi32, #tpu.memory_space<hbm>>
          %dma_wait3A_330 = tpu.memref_slice %arg3[%mul3A_63] : memref<800000xi32, #tpu.memory_space<hbm>> -> memref<128xi32, #tpu.memory_space<hbm>>
          tpu.wait_dma2 semaphore(%run_scoped3A : memref<!tpu.dma_semaphore, #tpu.memory_space<semaphore_mem>>) src(%dma_wait3A_330 : memref<128xi32, #tpu.memory_space<hbm>>) dst(%arg7 : memref<128xi32, #tpu.memory_space<vmem>>)
          tpu.yield
        }) : () -> ()
        %get3A = arith.constant 0 : index
        %get3A_64 = tpu.vector_load %arg6[%get3A] {strides = array<i32>} : memref<128xi32, #tpu.memory_space<vmem>>, vector<16xi32>,
        %get3A_65 = vector.shape_cast %get3A_64 : vector<16xi32> to vector<16xi32>
        %get3A_66 = arith.constant 0 : index
        %get3A_67 = tpu.vector_load %arg7[%get3A_66] {strides = array<i32>} : memref<128xi32, #tpu.memory_space<vmem>>, vector<16xi32>,
        %get3A_68 = vector.shape_cast %get3A_67 : vector<16xi32> to vector<16xi32>
        %ge3A = vector.broadcast %mul3A_0 : i32 to vector<16xi32>
        %ge3A_69 = arith.cmpi sge, %get3A_65, %ge3A : vector<16xi32>
        %lt3A_70 = vector.broadcast %min3A_2 : i32 to vector<16xi32>
        %lt3A_71 = arith.cmpi slt, %get3A_65, %lt3A_70 : vector<16xi32>
        %and3A = arith.andi %ge3A_69, %lt3A_71 : vector<16xi1>
        %ge3A_72 = vector.broadcast %mul3A_4 : i32 to vector<16xi32>
        %ge3A_73 = arith.cmpi sge, %get3A_68, %ge3A_72 : vector<16xi32>
        %lt3A_74 = vector.broadcast %min3A_8 : i32 to vector<16xi32>
        %lt3A_75 = arith.cmpi slt, %get3A_68, %lt3A_74 : vector<16xi32>
        %and3A_76 = arith.andi %ge3A_73, %lt3A_75 : vector<16xi1>
        %sub3A = vector.broadcast %mul3A_0 : i32 to vector<16xi32>
        %sub3A_77 = arith.subi %get3A_65, %sub3A : vector<16xi32>
        %jit3A = arith.constant 25088 : i32
        %broadcast_in_dim3A_78 = vector.broadcast %jit3A : i32 to vector<16xi32>
        %select_n3A = arith.select %and3A, %sub3A_77, %broadcast_in_dim3A_78 : vector<16xi1>, vector<16xi32>
        %swap3A = arith.constant 0 : index
        %swap3A_79 = tpu.vector_load %arg8[%swap3A] {strides = array<i32>} : memref<128xi32, #tpu.memory_space<vmem>>, vector<16xi32>,
        %swap3A_80 = vector.shape_cast %swap3A_79 : vector<16xi32> to vector<16xi32>
        %swap3A_81 = vector.shape_cast %select_n3A : vector<16xi32> to vector<16xi32>
        tpu.vector_store %arg8[%swap3A], %swap3A_81 {strides = array<i32>} : memref<128xi32, #tpu.memory_space<vmem>>, vector<16xi32>,
        %sub3A_82 = vector.broadcast %mul3A_4 : i32 to vector<16xi32>
        %sub3A_83 = arith.subi %get3A_68, %sub3A_82 : vector<16xi32>
        %jit3A_84 = arith.constant 5120 : i32
        %broadcast_in_dim3A_85 = vector.broadcast %jit3A_84 : i32 to vector<16xi32>
        %select_n3A_86 = arith.select %and3A_76, %sub3A_83, %broadcast_in_dim3A_85 : vector<16xi1>, vector<16xi32>
        %swap3A_87 = arith.constant 0 : index
        %swap3A_88 = tpu.vector_load %arg9[%swap3A_87] {strides = array<i32>} : memref<128xi32, #tpu.memory_space<vmem>>, vector<16xi32>,
        %swap3A_89 = vector.shape_cast %swap3A_88 : vector<16xi32> to vector<16xi32>
        %swap3A_90 = vector.shape_cast %select_n3A_86 : vector<16xi32> to vector<16xi32>
        tpu.vector_store %arg9[%swap3A_87], %swap3A_90 {strides = array<i32>} : memref<128xi32, #tpu.memory_space<vmem>>, vector<16xi32>,
        %get3A_91 = arith.constant 16 : index
        %get3A_92 = tpu.vector_load %arg6[%get3A_91] {strides = array<i32>} : memref<128xi32, #tpu.memory_space<vmem>>, vector<16xi32>,
        %get3A_93 = vector.shape_cast %get3A_92 : vector<16xi32> to vector<16xi32>
        %get3A_94 = arith.constant 16 : index
        %get3A_95 = tpu.vector_load %arg7[%get3A_94] {strides = array<i32>} : memref<128xi32, #tpu.memory_space<vmem>>, vector<16xi32>,
        %get3A_96 = vector.shape_cast %get3A_95 : vector<16xi32> to vector<16xi32>
        %ge3A_97 = vector.broadcast %mul3A_0 : i32 to vector<16xi32>
        %ge3A_98 = arith.cmpi sge, %get3A_93, %ge3A_97 : vector<16xi32>
        %lt3A_99 = vector.broadcast %min3A_2 : i32 to vector<16xi32>
        %lt3A_100 = arith.cmpi slt, %get3A_93, %lt3A_99 : vector<16xi32>
        %and3A_101 = arith.andi %ge3A_98, %lt3A_100 : vector<16xi1>
        %ge3A_102 = vector.broadcast %mul3A_4 : i32 to vector<16xi32>
        %ge3A_103 = arith.cmpi sge, %get3A_96, %ge3A_102 : vector<16xi32>
        %lt3A_104 = vector.broadcast %min3A_8 : i32 to vector<16xi32>
        %lt3A_105 = arith.cmpi slt, %get3A_96, %lt3A_104 : vector<16xi32>
        %and3A_106 = arith.andi %ge3A_103, %lt3A_105 : vector<16xi1>
        %sub3A_107 = vector.broadcast %mul3A_0 : i32 to vector<16xi32>
        %sub3A_108 = arith.subi %get3A_93, %sub3A_107 : vector<16xi32>
        %jit3A_109 = arith.constant 25088 : i32
        %broadcast_in_dim3A_110 = vector.broadcast %jit3A_109 : i32 to vector<16xi32>
        %select_n3A_111 = arith.select %and3A_101, %sub3A_108, %broadcast_in_dim3A_110 : vector<16xi1>, vector<16xi32>
        %swap3A_112 = arith.constant 16 : index
        %swap3A_113 = tpu.vector_load %arg8[%swap3A_112] {strides = array<i32>} : memref<128xi32, #tpu.memory_space<vmem>>, vector<16xi32>,
        %swap3A_114 = vector.shape_cast %swap3A_113 : vector<16xi32> to vector<16xi32>
        %swap3A_115 = vector.shape_cast %select_n3A_111 : vector<16xi32> to vector<16xi32>
        tpu.vector_store %arg8[%swap3A_112], %swap3A_115 {strides = array<i32>} : memref<128xi32, #tpu.memory_space<vmem>>, vector<16xi32>,
        %sub3A_116 = vector.broadcast %mul3A_4 : i32 to vector<16xi32>
        %sub3A_117 = arith.subi %get3A_96, %sub3A_116 : vector<16xi32>
        %jit3A_118 = arith.constant 5120 : i32
        %broadcast_in_dim3A_119 = vector.broadcast %jit3A_118 : i32 to vector<16xi32>
        %select_n3A_120 = arith.select %and3A_106, %sub3A_117, %broadcast_in_dim3A_119 : vector<16xi1>, vector<16xi32>
        %swap3A_121 = arith.constant 16 : index
        %swap3A_122 = tpu.vector_load %arg9[%swap3A_121] {strides = array<i32>} : memref<128xi32, #tpu.memory_space<vmem>>, vector<16xi32>,
        %swap3A_123 = vector.shape_cast %swap3A_122 : vector<16xi32> to vector<16xi32>
        %swap3A_124 = vector.shape_cast %select_n3A_120 : vector<16xi32> to vector<16xi32>
        tpu.vector_store %arg9[%swap3A_121], %swap3A_124 {strides = array<i32>} : memref<128xi32, #tpu.memory_space<vmem>>, vector<16xi32>,
        %get3A_125 = arith.constant 32 : index
        %get3A_126 = tpu.vector_load %arg6[%get3A_125] {strides = array<i32>} : memref<128xi32, #tpu.memory_space<vmem>>, vector<16xi32>,
        %get3A_127 = vector.shape_cast %get3A_126 : vector<16xi32> to vector<16xi32>
        %get3A_128 = arith.constant 32 : index
        %get3A_129 = tpu.vector_load %arg7[%get3A_128] {strides = array<i32>} : memref<128xi32, #tpu.memory_space<vmem>>, vector<16xi32>,
        %get3A_130 = vector.shape_cast %get3A_129 : vector<16xi32> to vector<16xi32>
        %ge3A_131 = vector.broadcast %mul3A_0 : i32 to vector<16xi32>
        %ge3A_132 = arith.cmpi sge, %get3A_127, %ge3A_131 : vector<16xi32>
        %lt3A_133 = vector.broadcast %min3A_2 : i32 to vector<16xi32>
        %lt3A_134 = arith.cmpi slt, %get3A_127, %lt3A_133 : vector<16xi32>
        %and3A_135 = arith.andi %ge3A_132, %lt3A_134 : vector<16xi1>
        %ge3A_136 = vector.broadcast %mul3A_4 : i32 to vector<16xi32>
        %ge3A_137 = arith.cmpi sge, %get3A_130, %ge3A_136 : vector<16xi32>
        %lt3A_138 = vector.broadcast %min3A_8 : i32 to vector<16xi32>
        %lt3A_139 = arith.cmpi slt, %get3A_130, %lt3A_138 : vector<16xi32>
        %and3A_140 = arith.andi %ge3A_137, %lt3A_139 : vector<16xi1>
        %sub3A_141 = vector.broadcast %mul3A_0 : i32 to vector<16xi32>
        %sub3A_142 = arith.subi %get3A_127, %sub3A_141 : vector<16xi32>
        %jit3A_143 = arith.constant 25088 : i32
        %broadcast_in_dim3A_144 = vector.broadcast %jit3A_143 : i32 to vector<16xi32>
        %select_n3A_145 = arith.select %and3A_135, %sub3A_142, %broadcast_in_dim3A_144 : vector<16xi1>, vector<16xi32>
        %swap3A_146 = arith.constant 32 : index
        %swap3A_147 = tpu.vector_load %arg8[%swap3A_146] {strides = array<i32>} : memref<128xi32, #tpu.memory_space<vmem>>, vector<16xi32>,
        %swap3A_148 = vector.shape_cast %swap3A_147 : vector<16xi32> to vector<16xi32>
        %swap3A_149 = vector.shape_cast %select_n3A_145 : vector<16xi32> to vector<16xi32>
        tpu.vector_store %arg8[%swap3A_146], %swap3A_149 {strides = array<i32>} : memref<128xi32, #tpu.memory_space<vmem>>, vector<16xi32>,
        %sub3A_150 = vector.broadcast %mul3A_4 : i32 to vector<16xi32>
        %sub3A_151 = arith.subi %get3A_130, %sub3A_150 : vector<16xi32>
        %jit3A_152 = arith.constant 5120 : i32
        %broadcast_in_dim3A_153 = vector.broadcast %jit3A_152 : i32 to vector<16xi32>
        %select_n3A_154 = arith.select %and3A_140, %sub3A_151, %broadcast_in_dim3A_153 : vector<16xi1>, vector<16xi32>
        %swap3A_155 = arith.constant 32 : index
        %swap3A_156 = tpu.vector_load %arg9[%swap3A_155] {strides = array<i32>} : memref<128xi32, #tpu.memory_space<vmem>>, vector<16xi32>,
        %swap3A_157 = vector.shape_cast %swap3A_156 : vector<16xi32> to vector<16xi32>
        %swap3A_158 = vector.shape_cast %select_n3A_154 : vector<16xi32> to vector<16xi32>
        tpu.vector_store %arg9[%swap3A_155], %swap3A_158 {strides = array<i32>} : memref<128xi32, #tpu.memory_space<vmem>>, vector<16xi32>,
        %get3A_159 = arith.constant 48 : index
        %get3A_160 = tpu.vector_load %arg6[%get3A_159] {strides = array<i32>} : memref<128xi32, #tpu.memory_space<vmem>>, vector<16xi32>,
        %get3A_161 = vector.shape_cast %get3A_160 : vector<16xi32> to vector<16xi32>
        %get3A_162 = arith.constant 48 : index
        %get3A_163 = tpu.vector_load %arg7[%get3A_162] {strides = array<i32>} : memref<128xi32, #tpu.memory_space<vmem>>, vector<16xi32>,
        %get3A_164 = vector.shape_cast %get3A_163 : vector<16xi32> to vector<16xi32>
        %ge3A_165 = vector.broadcast %mul3A_0 : i32 to vector<16xi32>
        %ge3A_166 = arith.cmpi sge, %get3A_161, %ge3A_165 : vector<16xi32>
        %lt3A_167 = vector.broadcast %min3A_2 : i32 to vector<16xi32>
        %lt3A_168 = arith.cmpi slt, %get3A_161, %lt3A_167 : vector<16xi32>
        %and3A_169 = arith.andi %ge3A_166, %lt3A_168 : vector<16xi1>
        %ge3A_170 = vector.broadcast %mul3A_4 : i32 to vector<16xi32>
        %ge3A_171 = arith.cmpi sge, %get3A_164, %ge3A_170 : vector<16xi32>
        %lt3A_172 = vector.broadcast %min3A_8 : i32 to vector<16xi32>
        %lt3A_173 = arith.cmpi slt, %get3A_164, %lt3A_172 : vector<16xi32>
        %and3A_174 = arith.andi %ge3A_171, %lt3A_173 : vector<16xi1>
        %sub3A_175 = vector.broadcast %mul3A_0 : i32 to vector<16xi32>
        %sub3A_176 = arith.subi %get3A_161, %sub3A_175 : vector<16xi32>
        %jit3A_177 = arith.constant 25088 : i32
        %broadcast_in_dim3A_178 = vector.broadcast %jit3A_177 : i32 to vector<16xi32>
        %select_n3A_179 = arith.select %and3A_169, %sub3A_176, %broadcast_in_dim3A_178 : vector<16xi1>, vector<16xi32>
        %swap3A_180 = arith.constant 48 : index
        %swap3A_181 = tpu.vector_load %arg8[%swap3A_180] {strides = array<i32>} : memref<128xi32, #tpu.memory_space<vmem>>, vector<16xi32>,
        %swap3A_182 = vector.shape_cast %swap3A_181 : vector<16xi32> to vector<16xi32>
        %swap3A_183 = vector.shape_cast %select_n3A_179 : vector<16xi32> to vector<16xi32>
        tpu.vector_store %arg8[%swap3A_180], %swap3A_183 {strides = array<i32>} : memref<128xi32, #tpu.memory_space<vmem>>, vector<16xi32>,
        %sub3A_184 = vector.broadcast %mul3A_4 : i32 to vector<16xi32>
        %sub3A_185 = arith.subi %get3A_164, %sub3A_184 : vector<16xi32>
        %jit3A_186 = arith.constant 5120 : i32
        %broadcast_in_dim3A_187 = vector.broadcast %jit3A_186 : i32 to vector<16xi32>
        %select_n3A_188 = arith.select %and3A_174, %sub3A_185, %broadcast_in_dim3A_187 : vector<16xi1>, vector<16xi32>
        %swap3A_189 = arith.constant 48 : index
        %swap3A_190 = tpu.vector_load %arg9[%swap3A_189] {strides = array<i32>} : memref<128xi32, #tpu.memory_space<vmem>>, vector<16xi32>,
        %swap3A_191 = vector.shape_cast %swap3A_190 : vector<16xi32> to vector<16xi32>
        %swap3A_192 = vector.shape_cast %select_n3A_188 : vector<16xi32> to vector<16xi32>
        tpu.vector_store %arg9[%swap3A_189], %swap3A_192 {strides = array<i32>} : memref<128xi32, #tpu.memory_space<vmem>>, vector<16xi32>,
        %get3A_193 = arith.constant 64 : index
        %get3A_194 = tpu.vector_load %arg6[%get3A_193] {strides = array<i32>} : memref<128xi32, #tpu.memory_space<vmem>>, vector<16xi32>,
        %get3A_195 = vector.shape_cast %get3A_194 : vector<16xi32> to vector<16xi32>
        %get3A_196 = arith.constant 64 : index
        %get3A_197 = tpu.vector_load %arg7[%get3A_196] {strides = array<i32>} : memref<128xi32, #tpu.memory_space<vmem>>, vector<16xi32>,
        %get3A_198 = vector.shape_cast %get3A_197 : vector<16xi32> to vector<16xi32>
        %ge3A_199 = vector.broadcast %mul3A_0 : i32 to vector<16xi32>
        %ge3A_200 = arith.cmpi sge, %get3A_195, %ge3A_199 : vector<16xi32>
        %lt3A_201 = vector.broadcast %min3A_2 : i32 to vector<16xi32>
        %lt3A_202 = arith.cmpi slt, %get3A_195, %lt3A_201 : vector<16xi32>
        %and3A_203 = arith.andi %ge3A_200, %lt3A_202 : vector<16xi1>
        %ge3A_204 = vector.broadcast %mul3A_4 : i32 to vector<16xi32>
        %ge3A_205 = arith.cmpi sge, %get3A_198, %ge3A_204 : vector<16xi32>
        %lt3A_206 = vector.broadcast %min3A_8 : i32 to vector<16xi32>
        %lt3A_207 = arith.cmpi slt, %get3A_198, %lt3A_206 : vector<16xi32>
        %and3A_208 = arith.andi %ge3A_205, %lt3A_207 : vector<16xi1>
        %sub3A_209 = vector.broadcast %mul3A_0 : i32 to vector<16xi32>
        %sub3A_210 = arith.subi %get3A_195, %sub3A_209 : vector<16xi32>
        %jit3A_211 = arith.constant 25088 : i32
        %broadcast_in_dim3A_212 = vector.broadcast %jit3A_211 : i32 to vector<16xi32>
        %select_n3A_213 = arith.select %and3A_203, %sub3A_210, %broadcast_in_dim3A_212 : vector<16xi1>, vector<16xi32>
        %swap3A_214 = arith.constant 64 : index
        %swap3A_215 = tpu.vector_load %arg8[%swap3A_214] {strides = array<i32>} : memref<128xi32, #tpu.memory_space<vmem>>, vector<16xi32>,
        %swap3A_216 = vector.shape_cast %swap3A_215 : vector<16xi32> to vector<16xi32>
        %swap3A_217 = vector.shape_cast %select_n3A_213 : vector<16xi32> to vector<16xi32>
        tpu.vector_store %arg8[%swap3A_214], %swap3A_217 {strides = array<i32>} : memref<128xi32, #tpu.memory_space<vmem>>, vector<16xi32>,
        %sub3A_218 = vector.broadcast %mul3A_4 : i32 to vector<16xi32>
        %sub3A_219 = arith.subi %get3A_198, %sub3A_218 : vector<16xi32>
        %jit3A_220 = arith.constant 5120 : i32
        %broadcast_in_dim3A_221 = vector.broadcast %jit3A_220 : i32 to vector<16xi32>
        %select_n3A_222 = arith.select %and3A_208, %sub3A_219, %broadcast_in_dim3A_221 : vector<16xi1>, vector<16xi32>
        %swap3A_223 = arith.constant 64 : index
        %swap3A_224 = tpu.vector_load %arg9[%swap3A_223] {strides = array<i32>} : memref<128xi32, #tpu.memory_space<vmem>>, vector<16xi32>,
        %swap3A_225 = vector.shape_cast %swap3A_224 : vector<16xi32> to vector<16xi32>
        %swap3A_226 = vector.shape_cast %select_n3A_222 : vector<16xi32> to vector<16xi32>
        tpu.vector_store %arg9[%swap3A_223], %swap3A_226 {strides = array<i32>} : memref<128xi32, #tpu.memory_space<vmem>>, vector<16xi32>,
        %get3A_227 = arith.constant 80 : index
        %get3A_228 = tpu.vector_load %arg6[%get3A_227] {strides = array<i32>} : memref<128xi32, #tpu.memory_space<vmem>>, vector<16xi32>,
        %get3A_229 = vector.shape_cast %get3A_228 : vector<16xi32> to vector<16xi32>
        %get3A_230 = arith.constant 80 : index
        %get3A_231 = tpu.vector_load %arg7[%get3A_230] {strides = array<i32>} : memref<128xi32, #tpu.memory_space<vmem>>, vector<16xi32>,
        %get3A_232 = vector.shape_cast %get3A_231 : vector<16xi32> to vector<16xi32>
        %ge3A_233 = vector.broadcast %mul3A_0 : i32 to vector<16xi32>
        %ge3A_234 = arith.cmpi sge, %get3A_229, %ge3A_233 : vector<16xi32>
        %lt3A_235 = vector.broadcast %min3A_2 : i32 to vector<16xi32>
        %lt3A_236 = arith.cmpi slt, %get3A_229, %lt3A_235 : vector<16xi32>
        %and3A_237 = arith.andi %ge3A_234, %lt3A_236 : vector<16xi1>
        %ge3A_238 = vector.broadcast %mul3A_4 : i32 to vector<16xi32>
        %ge3A_239 = arith.cmpi sge, %get3A_232, %ge3A_238 : vector<16xi32>
        %lt3A_240 = vector.broadcast %min3A_8 : i32 to vector<16xi32>
        %lt3A_241 = arith.cmpi slt, %get3A_232, %lt3A_240 : vector<16xi32>
        %and3A_242 = arith.andi %ge3A_239, %lt3A_241 : vector<16xi1>
        %sub3A_243 = vector.broadcast %mul3A_0 : i32 to vector<16xi32>
        %sub3A_244 = arith.subi %get3A_229, %sub3A_243 : vector<16xi32>
        %jit3A_245 = arith.constant 25088 : i32
        %broadcast_in_dim3A_246 = vector.broadcast %jit3A_245 : i32 to vector<16xi32>
        %select_n3A_247 = arith.select %and3A_237, %sub3A_244, %broadcast_in_dim3A_246 : vector<16xi1>, vector<16xi32>
        %swap3A_248 = arith.constant 80 : index
        %swap3A_249 = tpu.vector_load %arg8[%swap3A_248] {strides = array<i32>} : memref<128xi32, #tpu.memory_space<vmem>>, vector<16xi32>,
        %swap3A_250 = vector.shape_cast %swap3A_249 : vector<16xi32> to vector<16xi32>
        %swap3A_251 = vector.shape_cast %select_n3A_247 : vector<16xi32> to vector<16xi32>
        tpu.vector_store %arg8[%swap3A_248], %swap3A_251 {strides = array<i32>} : memref<128xi32, #tpu.memory_space<vmem>>, vector<16xi32>,
        %sub3A_252 = vector.broadcast %mul3A_4 : i32 to vector<16xi32>
        %sub3A_253 = arith.subi %get3A_232, %sub3A_252 : vector<16xi32>
        %jit3A_254 = arith.constant 5120 : i32
        %broadcast_in_dim3A_255 = vector.broadcast %jit3A_254 : i32 to vector<16xi32>
        %select_n3A_256 = arith.select %and3A_242, %sub3A_253, %broadcast_in_dim3A_255 : vector<16xi1>, vector<16xi32>
        %swap3A_257 = arith.constant 80 : index
        %swap3A_258 = tpu.vector_load %arg9[%swap3A_257] {strides = array<i32>} : memref<128xi32, #tpu.memory_space<vmem>>, vector<16xi32>,
        %swap3A_259 = vector.shape_cast %swap3A_258 : vector<16xi32> to vector<16xi32>
        %swap3A_260 = vector.shape_cast %select_n3A_256 : vector<16xi32> to vector<16xi32>
        tpu.vector_store %arg9[%swap3A_257], %swap3A_260 {strides = array<i32>} : memref<128xi32, #tpu.memory_space<vmem>>, vector<16xi32>,
        %get3A_261 = arith.constant 96 : index
        %get3A_262 = tpu.vector_load %arg6[%get3A_261] {strides = array<i32>} : memref<128xi32, #tpu.memory_space<vmem>>, vector<16xi32>,
        %get3A_263 = vector.shape_cast %get3A_262 : vector<16xi32> to vector<16xi32>
        %get3A_264 = arith.constant 96 : index
        %get3A_265 = tpu.vector_load %arg7[%get3A_264] {strides = array<i32>} : memref<128xi32, #tpu.memory_space<vmem>>, vector<16xi32>,
        %get3A_266 = vector.shape_cast %get3A_265 : vector<16xi32> to vector<16xi32>
        %ge3A_267 = vector.broadcast %mul3A_0 : i32 to vector<16xi32>
        %ge3A_268 = arith.cmpi sge, %get3A_263, %ge3A_267 : vector<16xi32>
        %lt3A_269 = vector.broadcast %min3A_2 : i32 to vector<16xi32>
        %lt3A_270 = arith.cmpi slt, %get3A_263, %lt3A_269 : vector<16xi32>
        %and3A_271 = arith.andi %ge3A_268, %lt3A_270 : vector<16xi1>
        %ge3A_272 = vector.broadcast %mul3A_4 : i32 to vector<16xi32>
        %ge3A_273 = arith.cmpi sge, %get3A_266, %ge3A_272 : vector<16xi32>
        %lt3A_274 = vector.broadcast %min3A_8 : i32 to vector<16xi32>
        %lt3A_275 = arith.cmpi slt, %get3A_266, %lt3A_274 : vector<16xi32>
        %and3A_276 = arith.andi %ge3A_273, %lt3A_275 : vector<16xi1>
        %sub3A_277 = vector.broadcast %mul3A_0 : i32 to vector<16xi32>
        %sub3A_278 = arith.subi %get3A_263, %sub3A_277 : vector<16xi32>
        %jit3A_279 = arith.constant 25088 : i32
        %broadcast_in_dim3A_280 = vector.broadcast %jit3A_279 : i32 to vector<16xi32>
        %select_n3A_281 = arith.select %and3A_271, %sub3A_278, %broadcast_in_dim3A_280 : vector<16xi1>, vector<16xi32>
        %swap3A_282 = arith.constant 96 : index
        %swap3A_283 = tpu.vector_load %arg8[%swap3A_282] {strides = array<i32>} : memref<128xi32, #tpu.memory_space<vmem>>, vector<16xi32>,
        %swap3A_284 = vector.shape_cast %swap3A_283 : vector<16xi32> to vector<16xi32>
        %swap3A_285 = vector.shape_cast %select_n3A_281 : vector<16xi32> to vector<16xi32>
        tpu.vector_store %arg8[%swap3A_282], %swap3A_285 {strides = array<i32>} : memref<128xi32, #tpu.memory_space<vmem>>, vector<16xi32>,
        %sub3A_286 = vector.broadcast %mul3A_4 : i32 to vector<16xi32>
        %sub3A_287 = arith.subi %get3A_266, %sub3A_286 : vector<16xi32>
        %jit3A_288 = arith.constant 5120 : i32
        %broadcast_in_dim3A_289 = vector.broadcast %jit3A_288 : i32 to vector<16xi32>
        %select_n3A_290 = arith.select %and3A_276, %sub3A_287, %broadcast_in_dim3A_289 : vector<16xi1>, vector<16xi32>
        %swap3A_291 = arith.constant 96 : index
        %swap3A_292 = tpu.vector_load %arg9[%swap3A_291] {strides = array<i32>} : memref<128xi32, #tpu.memory_space<vmem>>, vector<16xi32>,
        %swap3A_293 = vector.shape_cast %swap3A_292 : vector<16xi32> to vector<16xi32>
        %swap3A_294 = vector.shape_cast %select_n3A_290 : vector<16xi32> to vector<16xi32>
        tpu.vector_store %arg9[%swap3A_291], %swap3A_294 {strides = array<i32>} : memref<128xi32, #tpu.memory_space<vmem>>, vector<16xi32>,
        %get3A_295 = arith.constant 112 : index
        %get3A_296 = tpu.vector_load %arg6[%get3A_295] {strides = array<i32>} : memref<128xi32, #tpu.memory_space<vmem>>, vector<16xi32>,
        %get3A_297 = vector.shape_cast %get3A_296 : vector<16xi32> to vector<16xi32>
        %get3A_298 = arith.constant 112 : index
        %get3A_299 = tpu.vector_load %arg7[%get3A_298] {strides = array<i32>} : memref<128xi32, #tpu.memory_space<vmem>>, vector<16xi32>,
        %get3A_300 = vector.shape_cast %get3A_299 : vector<16xi32> to vector<16xi32>
        %ge3A_301 = vector.broadcast %mul3A_0 : i32 to vector<16xi32>
        %ge3A_302 = arith.cmpi sge, %get3A_297, %ge3A_301 : vector<16xi32>
        %lt3A_303 = vector.broadcast %min3A_2 : i32 to vector<16xi32>
        %lt3A_304 = arith.cmpi slt, %get3A_297, %lt3A_303 : vector<16xi32>
        %and3A_305 = arith.andi %ge3A_302, %lt3A_304 : vector<16xi1>
        %ge3A_306 = vector.broadcast %mul3A_4 : i32 to vector<16xi32>
        %ge3A_307 = arith.cmpi sge, %get3A_300, %ge3A_306 : vector<16xi32>
        %lt3A_308 = vector.broadcast %min3A_8 : i32 to vector<16xi32>
        %lt3A_309 = arith.cmpi slt, %get3A_300, %lt3A_308 : vector<16xi32>
        %and3A_310 = arith.andi %ge3A_307, %lt3A_309 : vector<16xi1>
        %sub3A_311 = vector.broadcast %mul3A_0 : i32 to vector<16xi32>
        %sub3A_312 = arith.subi %get3A_297, %sub3A_311 : vector<16xi32>
        %jit3A_313 = arith.constant 25088 : i32
        %broadcast_in_dim3A_314 = vector.broadcast %jit3A_313 : i32 to vector<16xi32>
        %select_n3A_315 = arith.select %and3A_305, %sub3A_312, %broadcast_in_dim3A_314 : vector<16xi1>, vector<16xi32>
        %swap3A_316 = arith.constant 112 : index
        %swap3A_317 = tpu.vector_load %arg8[%swap3A_316] {strides = array<i32>} : memref<128xi32, #tpu.memory_space<vmem>>, vector<16xi32>,
        %swap3A_318 = vector.shape_cast %swap3A_317 : vector<16xi32> to vector<16xi32>
        %swap3A_319 = vector.shape_cast %select_n3A_315 : vector<16xi32> to vector<16xi32>
        tpu.vector_store %arg8[%swap3A_316], %swap3A_319 {strides = array<i32>} : memref<128xi32, #tpu.memory_space<vmem>>, vector<16xi32>,
        %sub3A_320 = vector.broadcast %mul3A_4 : i32 to vector<16xi32>
        %sub3A_321 = arith.subi %get3A_300, %sub3A_320 : vector<16xi32>
        %jit3A_322 = arith.constant 5120 : i32
        %broadcast_in_dim3A_323 = vector.broadcast %jit3A_322 : i32 to vector<16xi32>
        %select_n3A_324 = arith.select %and3A_310, %sub3A_321, %broadcast_in_dim3A_323 : vector<16xi1>, vector<16xi32>
        %swap3A_325 = arith.constant 112 : index
        %swap3A_326 = tpu.vector_load %arg9[%swap3A_325] {strides = array<i32>} : memref<128xi32, #tpu.memory_space<vmem>>, vector<16xi32>,
        %swap3A_327 = vector.shape_cast %swap3A_326 : vector<16xi32> to vector<16xi32>
        %swap3A_328 = vector.shape_cast %select_n3A_324 : vector<16xi32> to vector<16xi32>
        tpu.vector_store %arg9[%swap3A_325], %swap3A_328 {strides = array<i32>} : memref<128xi32, #tpu.memory_space<vmem>>, vector<16xi32>,
        "tpu.region"() ({
          %run_scoped3A = tpu.sem_alloc : memref<!tpu.dma_semaphore, #tpu.memory_space<semaphore_mem>>
          %dma_start3A = arith.constant 0 : i32
          %dma_start3A_329 = arith.constant 0 : i32
          %dma_start3A_330 = tpu.memref_slice %arg11[%dma_start3A, %dma_start3A_329] : memref<25104x16xf32, #tpu.memory_space<vmem_shared>> -> memref<25104x16xf32, #tpu.memory_space<vmem_shared>>
          tpu.enqueue_indirect_dma source(%arg10 : memref<128x16xf32, #tpu.memory_space<vmem>>) target(%dma_start3A_330 : memref<25104x16xf32, #tpu.memory_space<vmem_shared>>) offsets(%arg8 : memref<128xi32, #tpu.memory_space<vmem>>) semaphore(%run_scoped3A : memref<!tpu.dma_semaphore, #tpu.memory_space<semaphore_mem>>) {add = true}
          %dma_wait3A = arith.constant 0 : i32
          %dma_wait3A_331 = arith.constant 0 : i32
          %dma_wait3A_332 = tpu.memref_slice %arg11[%dma_wait3A, %dma_wait3A_331] : memref<25104x16xf32, #tpu.memory_space<vmem_shared>> -> memref<25104x16xf32, #tpu.memory_space<vmem_shared>>
          tpu.wait_indirect_dma semaphore(%run_scoped3A : memref<!tpu.dma_semaphore, #tpu.memory_space<semaphore_mem>>) src(%arg10 : memref<128x16xf32, #tpu.memory_space<vmem>>) dst(%dma_wait3A_332 : memref<25104x16xf32, #tpu.memory_space<vmem_shared>>)
          tpu.yield
        }) : () -> ()
        "tpu.region"() ({
          %run_scoped3A = tpu.sem_alloc : memref<!tpu.dma_semaphore, #tpu.memory_space<semaphore_mem>>
          %dma_start3A = arith.constant 0 : i32
          %dma_start3A_329 = arith.constant 0 : i32
          %dma_start3A_330 = tpu.memref_slice %arg12[%dma_start3A, %dma_start3A_329] : memref<5136x16xf32, #tpu.memory_space<vmem_shared>> -> memref<5136x16xf32, #tpu.memory_space<vmem_shared>>
          tpu.enqueue_indirect_dma source(%arg10 : memref<128x16xf32, #tpu.memory_space<vmem>>) target(%dma_start3A_330 : memref<5136x16xf32, #tpu.memory_space<vmem_shared>>) offsets(%arg9 : memref<128xi32, #tpu.memory_space<vmem>>) semaphore(%run_scoped3A : memref<!tpu.dma_semaphore, #tpu.memory_space<semaphore_mem>>) {add = true}
          %dma_wait3A = arith.constant 0 : i32
          %dma_wait3A_331 = arith.constant 0 : i32
          %dma_wait3A_332 = tpu.memref_slice %arg12[%dma_wait3A, %dma_wait3A_331] : memref<5136x16xf32, #tpu.memory_space<vmem_shared>> -> memref<5136x16xf32, #tpu.memory_space<vmem_shared>>
          tpu.wait_indirect_dma semaphore(%run_scoped3A : memref<!tpu.dma_semaphore, #tpu.memory_space<semaphore_mem>>) src(%arg10 : memref<128x16xf32, #tpu.memory_space<vmem>>) dst(%dma_wait3A_332 : memref<5136x16xf32, #tpu.memory_space<vmem_shared>>)
          tpu.yield
        }) : () -> ()
      } else {
      }
    }
    %scan3A_40 = arith.constant 391 : i32
    %barrier3A_41 = arith.constant 0 : index
    tpu.barrier barrier_id(%barrier3A_41)
    %mul3A_42 = arith.constant 1568 : i32
    %mul3A_43 = arith.muli %arg1, %mul3A_42 : i32
    %mul3A_44 = arith.constant 25088 : i32
    %mul3A_45 = arith.muli %arg0, %mul3A_44 : i32
    %mul3A_46 = arith.constant 1568 : i32
    %mul3A_47 = arith.muli %arg1, %mul3A_46 : i32
    %add3A_48 = arith.addi %mul3A_45, %mul3A_47 : i32
    "tpu.region"() ({
      %run_scoped3A = tpu.sem_alloc : memref<!tpu.dma_semaphore, #tpu.memory_space<semaphore_mem>>
      %dma_start3A = arith.constant 0 : i32
      %dma_start3A_56 = tpu.memref_slice %arg4[%add3A_48, %dma_start3A] : memref<50176x16xf32, #tpu.memory_space<hbm>> -> memref<1568x16xf32, #tpu.memory_space<hbm>>
      %dma_start3A_57 = arith.constant 0 : i32
      %dma_start3A_58 = tpu.memref_slice %arg11[%mul3A_43, %dma_start3A_57] : memref<25104x16xf32, #tpu.memory_space<vmem_shared>> -> memref<1568x16xf32, #tpu.memory_space<vmem_shared>>
      tpu.enqueue_dma source(%dma_start3A_58 : memref<1568x16xf32, #tpu.memory_space<vmem_shared>>) target(%dma_start3A_56 : memref<1568x16xf32, #tpu.memory_space<hbm>>) target_semaphore(%run_scoped3A : memref<!tpu.dma_semaphore, #tpu.memory_space<semaphore_mem>>)
      %dma_wait3A = arith.constant 0 : i32
      %dma_wait3A_59 = tpu.memref_slice %arg4[%add3A_48, %dma_wait3A] : memref<50176x16xf32, #tpu.memory_space<hbm>> -> memref<1568x16xf32, #tpu.memory_space<hbm>>
      %dma_wait3A_60 = arith.constant 0 : i32
      %dma_wait3A_61 = tpu.memref_slice %arg11[%mul3A_43, %dma_wait3A_60] : memref<25104x16xf32, #tpu.memory_space<vmem_shared>> -> memref<1568x16xf32, #tpu.memory_space<vmem_shared>>
      tpu.wait_dma2 semaphore(%run_scoped3A : memref<!tpu.dma_semaphore, #tpu.memory_space<semaphore_mem>>) src(%dma_wait3A_61 : memref<1568x16xf32, #tpu.memory_space<vmem_shared>>) dst(%dma_wait3A_59 : memref<1568x16xf32, #tpu.memory_space<hbm>>)
      tpu.yield
    }) : () -> ()
    %mul3A_49 = arith.constant 320 : i32
    %mul3A_50 = arith.muli %arg1, %mul3A_49 : i32
    %mul3A_51 = arith.constant 5120 : i32
    %mul3A_52 = arith.muli %arg0, %mul3A_51 : i32
    %mul3A_53 = arith.constant 320 : i32
    %mul3A_54 = arith.muli %arg1, %mul3A_53 : i32
    %add3A_55 = arith.addi %mul3A_52, %mul3A_54 : i32
    "tpu.region"() ({
      %run_scoped3A = tpu.sem_alloc : memref<!tpu.dma_semaphore, #tpu.memory_space<semaphore_mem>>
      %dma_start3A = arith.constant 0 : i32
      %dma_start3A_56 = tpu.memref_slice %arg5[%add3A_55, %dma_start3A] : memref<10240x16xf32, #tpu.memory_space<hbm>> -> memref<320x16xf32, #tpu.memory_space<hbm>>
      %dma_start3A_57 = arith.constant 0 : i32
      %dma_start3A_58 = tpu.memref_slice %arg12[%mul3A_50, %dma_start3A_57] : memref<5136x16xf32, #tpu.memory_space<vmem_shared>> -> memref<320x16xf32, #tpu.memory_space<vmem_shared>>
      tpu.enqueue_dma source(%dma_start3A_58 : memref<320x16xf32, #tpu.memory_space<vmem_shared>>) target(%dma_start3A_56 : memref<320x16xf32, #tpu.memory_space<hbm>>) target_semaphore(%run_scoped3A : memref<!tpu.dma_semaphore, #tpu.memory_space<semaphore_mem>>)
      %dma_wait3A = arith.constant 0 : i32
      %dma_wait3A_59 = tpu.memref_slice %arg5[%add3A_55, %dma_wait3A] : memref<10240x16xf32, #tpu.memory_space<hbm>> -> memref<320x16xf32, #tpu.memory_space<hbm>>
      %dma_wait3A_60 = arith.constant 0 : i32
      %dma_wait3A_61 = tpu.memref_slice %arg12[%mul3A_50, %dma_wait3A_60] : memref<5136x16xf32, #tpu.memory_space<vmem_shared>> -> memref<320x16xf32, #tpu.memory_space<vmem_shared>>
      tpu.wait_dma2 semaphore(%run_scoped3A : memref<!tpu.dma_semaphore, #tpu.memory_space<semaphore_mem>>) src(%dma_wait3A_61 : memref<320x16xf32, #tpu.memory_space<vmem_shared>>) dst(%dma_wait3A_59 : memref<320x16xf32, #tpu.memory_space<hbm>>)
      tpu.yield
    }) : () -> ()
    return
  }
}

#map = affine_map<(d0, d1) -> (0)>
#map1 = affine_map<(d0, d1) -> (0, 0)>
module attributes {stable_mosaic.version = 14 : i64} {
  func.func @seg(%arg0: i32, %arg1: i32, %arg2: memref<800000xi32, #tpu.memory_space<hbm>>, %arg3: memref<800000xi32, #tpu.memory_space<hbm>>, %arg4: memref<10240x64xf32, #tpu.memory_space<hbm>>, %arg5: memref<50176x64xf32, #tpu.memory_space<hbm>>, %arg6: memref<128xi32, #tpu.memory_space<vmem>>, %arg7: memref<128xi32, #tpu.memory_space<vmem>>, %arg8: memref<128xi32, #tpu.memory_space<vmem>>, %arg9: memref<128x64xf32, #tpu.memory_space<vmem>>, %arg10: memref<25104x64xf32, #tpu.memory_space<vmem_shared>>, %arg11: memref<!tpu.dma_semaphore, #tpu.memory_space<semaphore_mem>>) attributes {dimension_semantics = [#tpu.dimension_semantics<core_parallel>, #tpu.dimension_semantics<subcore_parallel>], iteration_bounds = array<i64: 2, 16>, scalar_prefetch = 0 : i64, scratch_operands = 6 : i64, tpu.core_type = #tpu.core_type<sc_vector_subcore>, window_params = [{transform_indices = #map}, {transform_indices = #map}, {transform_indices = #map1}, {transform_indices = #map1}]} {
    %mul3A = arith.constant 25088 : i32
    %mul3A_0 = arith.muli %arg0, %mul3A : i32
    %add3A = arith.constant 25088 : i32
    %add3A_1 = arith.addi %mul3A_0, %add3A : i32
    %min3A = arith.constant 50000 : i32
    %min3A_2 = arith.minsi %min3A, %add3A_1 : i32
    %broadcast_in_dim3A = arith.constant 0.000000e+00 : f32
    %broadcast_in_dim3A_3 = vector.broadcast %broadcast_in_dim3A : f32 to vector<16xf32>
    %scan3A = arith.constant 0 : i32
    %scan3A_4 = arith.constant 0 : i32
    %scan3A_5 = arith.constant 112 : i32
    %scan3A_6 = arith.addi %scan3A_4, %scan3A_5 : i32
    %scan3A_7 = arith.constant 1 : i32
    scf.for %scan3A_29 = %scan3A_4 to %scan3A_6 step %scan3A_7  : i32 {
      %swap3A = arith.index_cast %scan3A_29 : i32 to index
      %swap3A_30 = arith.constant 0 : index
      %swap3A_31 = tpu.vector_load %arg9[%swap3A, %swap3A_30] {strides = array<i32>} : memref<128x64xf32, #tpu.memory_space<vmem>>, vector<1x16xf32>,
      %swap3A_32 = vector.shape_cast %swap3A_31 : vector<1x16xf32> to vector<16xf32>
      %swap3A_33 = vector.shape_cast %broadcast_in_dim3A_3 : vector<16xf32> to vector<1x16xf32>
      tpu.vector_store %arg9[%swap3A, %swap3A_30], %swap3A_33 {strides = array<i32>} : memref<128x64xf32, #tpu.memory_space<vmem>>, vector<1x16xf32>,
      %swap3A_34 = arith.index_cast %scan3A_29 : i32 to index
      %swap3A_35 = arith.constant 16 : index
      %swap3A_36 = tpu.vector_load %arg9[%swap3A_34, %swap3A_35] {strides = array<i32>} : memref<128x64xf32, #tpu.memory_space<vmem>>, vector<1x16xf32>,
      %swap3A_37 = vector.shape_cast %swap3A_36 : vector<1x16xf32> to vector<16xf32>
      %swap3A_38 = vector.shape_cast %broadcast_in_dim3A_3 : vector<16xf32> to vector<1x16xf32>
      tpu.vector_store %arg9[%swap3A_34, %swap3A_35], %swap3A_38 {strides = array<i32>} : memref<128x64xf32, #tpu.memory_space<vmem>>, vector<1x16xf32>,
      %swap3A_39 = arith.index_cast %scan3A_29 : i32 to index
      %swap3A_40 = arith.constant 32 : index
      %swap3A_41 = tpu.vector_load %arg9[%swap3A_39, %swap3A_40] {strides = array<i32>} : memref<128x64xf32, #tpu.memory_space<vmem>>, vector<1x16xf32>,
      %swap3A_42 = vector.shape_cast %swap3A_41 : vector<1x16xf32> to vector<16xf32>
      %swap3A_43 = vector.shape_cast %broadcast_in_dim3A_3 : vector<16xf32> to vector<1x16xf32>
      tpu.vector_store %arg9[%swap3A_39, %swap3A_40], %swap3A_43 {strides = array<i32>} : memref<128x64xf32, #tpu.memory_space<vmem>>, vector<1x16xf32>,
      %swap3A_44 = arith.index_cast %scan3A_29 : i32 to index
      %swap3A_45 = arith.constant 48 : index
      %swap3A_46 = tpu.vector_load %arg9[%swap3A_44, %swap3A_45] {strides = array<i32>} : memref<128x64xf32, #tpu.memory_space<vmem>>, vector<1x16xf32>,
      %swap3A_47 = vector.shape_cast %swap3A_46 : vector<1x16xf32> to vector<16xf32>
      %swap3A_48 = vector.shape_cast %broadcast_in_dim3A_3 : vector<16xf32> to vector<1x16xf32>
      tpu.vector_store %arg9[%swap3A_44, %swap3A_45], %swap3A_48 {strides = array<i32>} : memref<128x64xf32, #tpu.memory_space<vmem>>, vector<1x16xf32>,
    }
    %scan3A_8 = arith.constant 112 : i32
    %scan3A_9 = arith.constant 0 : i32
    %scan3A_10 = arith.constant 0 : i32
    %scan3A_11 = arith.constant 14 : i32
    %scan3A_12 = arith.addi %scan3A_10, %scan3A_11 : i32
    %scan3A_13 = arith.constant 1 : i32
    scf.for %scan3A_29 = %scan3A_10 to %scan3A_12 step %scan3A_13  : i32 {
      %mul3A_30 = arith.constant 1568 : i32
      %mul3A_31 = arith.muli %arg1, %mul3A_30 : i32
      %mul3A_32 = arith.constant 112 : i32
      %mul3A_33 = arith.muli %scan3A_29, %mul3A_32 : i32
      %add3A_34 = arith.addi %mul3A_31, %mul3A_33 : i32
      "tpu.region"() ({
        %run_scoped3A = tpu.sem_alloc : memref<!tpu.dma_semaphore, #tpu.memory_space<semaphore_mem>>
        %dma_start3A = arith.constant 0 : i32
        %dma_start3A_35 = arith.constant 0 : i32
        %dma_start3A_36 = tpu.memref_slice %arg9[%dma_start3A, %dma_start3A_35] : memref<128x64xf32, #tpu.memory_space<vmem>> -> memref<112x64xf32, #tpu.memory_space<vmem>>
        %dma_start3A_37 = arith.constant 0 : i32
        %dma_start3A_38 = tpu.memref_slice %arg10[%add3A_34, %dma_start3A_37] : memref<25104x64xf32, #tpu.memory_space<vmem_shared>> -> memref<112x64xf32, #tpu.memory_space<vmem_shared>>
        %dma_start3A_39 = arith.constant 0 : i32
        %dma_start3A_40 = tpu.memref_slice %arg10[%add3A_34, %dma_start3A_39] : memref<25104x64xf32, #tpu.memory_space<vmem_shared>> -> memref<112x64xf32, #tpu.memory_space<vmem_shared>>
        %dma_start3A_41 = arith.constant 0 : i32
        %dma_start3A_42 = arith.constant 0 : i32
        %dma_start3A_43 = tpu.memref_slice %arg9[%dma_start3A_41, %dma_start3A_42] : memref<128x64xf32, #tpu.memory_space<vmem>> -> memref<112x64xf32, #tpu.memory_space<vmem>>
        tpu.enqueue_dma source(%dma_start3A_43 : memref<112x64xf32, #tpu.memory_space<vmem>>) target(%dma_start3A_40 : memref<112x64xf32, #tpu.memory_space<vmem_shared>>) target_semaphore(%run_scoped3A : memref<!tpu.dma_semaphore, #tpu.memory_space<semaphore_mem>>)
        %dma_wait3A = arith.constant 0 : i32
        %dma_wait3A_44 = arith.constant 0 : i32
        %dma_wait3A_45 = tpu.memref_slice %arg9[%dma_wait3A, %dma_wait3A_44] : memref<128x64xf32, #tpu.memory_space<vmem>> -> memref<112x64xf32, #tpu.memory_space<vmem>>
        %dma_wait3A_46 = arith.constant 0 : i32
        %dma_wait3A_47 = tpu.memref_slice %arg10[%add3A_34, %dma_wait3A_46] : memref<25104x64xf32, #tpu.memory_space<vmem_shared>> -> memref<112x64xf32, #tpu.memory_space<vmem_shared>>
        %dma_wait3A_48 = arith.constant 0 : i32
        %dma_wait3A_49 = tpu.memref_slice %arg10[%add3A_34, %dma_wait3A_48] : memref<25104x64xf32, #tpu.memory_space<vmem_shared>> -> memref<112x64xf32, #tpu.memory_space<vmem_shared>>
        %dma_wait3A_50 = arith.constant 0 : i32
        %dma_wait3A_51 = arith.constant 0 : i32
        %dma_wait3A_52 = tpu.memref_slice %arg9[%dma_wait3A_50, %dma_wait3A_51] : memref<128x64xf32, #tpu.memory_space<vmem>> -> memref<112x64xf32, #tpu.memory_space<vmem>>
        tpu.wait_dma2 semaphore(%run_scoped3A : memref<!tpu.dma_semaphore, #tpu.memory_space<semaphore_mem>>) src(%dma_wait3A_52 : memref<112x64xf32, #tpu.memory_space<vmem>>) dst(%dma_wait3A_49 : memref<112x64xf32, #tpu.memory_space<vmem_shared>>)
        tpu.yield
      }) : () -> ()
    }
    %scan3A_14 = arith.constant 14 : i32
    %barrier3A = arith.constant 0 : index
    tpu.barrier barrier_id(%barrier3A)
    %scan3A_15 = arith.constant 0 : i32
    %scan3A_16 = arith.constant 0 : i32
    %scan3A_17 = arith.constant 391 : i32
    %scan3A_18 = arith.addi %scan3A_16, %scan3A_17 : i32
    %scan3A_19 = arith.constant 1 : i32
    scf.for %scan3A_29 = %scan3A_16 to %scan3A_18 step %scan3A_19  : i32 {
      %mul3A_30 = arith.constant 16 : i32
      %mul3A_31 = arith.muli %scan3A_29, %mul3A_30 : i32
      %add3A_32 = arith.addi %mul3A_31, %arg1 : i32
      %lt3A = arith.constant 6250 : i32
      %lt3A_33 = arith.cmpi slt, %add3A_32, %lt3A : i32
      %convert_element_type3A = arith.extui %lt3A_33 : i1 to i32
      %cond3A = arith.constant 0 : i32
      %cond3A_34 = arith.cmpi ne, %convert_element_type3A, %cond3A : i32
      scf.if %cond3A_34 {
        %mul3A_35 = arith.constant 128 : i32
        %mul3A_36 = arith.muli %add3A_32, %mul3A_35 : i32
        "tpu.region"() ({
          %run_scoped3A = tpu.sem_alloc : memref<!tpu.dma_semaphore, #tpu.memory_space<semaphore_mem>>
          %dma_start3A_170 = tpu.memref_slice %arg2[%mul3A_36] : memref<800000xi32, #tpu.memory_space<hbm>> -> memref<128xi32, #tpu.memory_space<hbm>>
          %dma_start3A_171 = tpu.memref_slice %arg2[%mul3A_36] : memref<800000xi32, #tpu.memory_space<hbm>> -> memref<128xi32, #tpu.memory_space<hbm>>
          tpu.enqueue_dma source(%dma_start3A_171 : memref<128xi32, #tpu.memory_space<hbm>>) target(%arg6 : memref<128xi32, #tpu.memory_space<vmem>>) target_semaphore(%run_scoped3A : memref<!tpu.dma_semaphore, #tpu.memory_space<semaphore_mem>>)
          %dma_wait3A_172 = tpu.memref_slice %arg2[%mul3A_36] : memref<800000xi32, #tpu.memory_space<hbm>> -> memref<128xi32, #tpu.memory_space<hbm>>
          %dma_wait3A_173 = tpu.memref_slice %arg2[%mul3A_36] : memref<800000xi32, #tpu.memory_space<hbm>> -> memref<128xi32, #tpu.memory_space<hbm>>
          tpu.wait_dma2 semaphore(%run_scoped3A : memref<!tpu.dma_semaphore, #tpu.memory_space<semaphore_mem>>) src(%dma_wait3A_173 : memref<128xi32, #tpu.memory_space<hbm>>) dst(%arg6 : memref<128xi32, #tpu.memory_space<vmem>>)
          tpu.yield
        }) : () -> ()
        "tpu.region"() ({
          %run_scoped3A = tpu.sem_alloc : memref<!tpu.dma_semaphore, #tpu.memory_space<semaphore_mem>>
          %dma_start3A_170 = tpu.memref_slice %arg3[%mul3A_36] : memref<800000xi32, #tpu.memory_space<hbm>> -> memref<128xi32, #tpu.memory_space<hbm>>
          %dma_start3A_171 = tpu.memref_slice %arg3[%mul3A_36] : memref<800000xi32, #tpu.memory_space<hbm>> -> memref<128xi32, #tpu.memory_space<hbm>>
          tpu.enqueue_dma source(%dma_start3A_171 : memref<128xi32, #tpu.memory_space<hbm>>) target(%arg7 : memref<128xi32, #tpu.memory_space<vmem>>) target_semaphore(%run_scoped3A : memref<!tpu.dma_semaphore, #tpu.memory_space<semaphore_mem>>)
          %dma_wait3A_172 = tpu.memref_slice %arg3[%mul3A_36] : memref<800000xi32, #tpu.memory_space<hbm>> -> memref<128xi32, #tpu.memory_space<hbm>>
          %dma_wait3A_173 = tpu.memref_slice %arg3[%mul3A_36] : memref<800000xi32, #tpu.memory_space<hbm>> -> memref<128xi32, #tpu.memory_space<hbm>>
          tpu.wait_dma2 semaphore(%run_scoped3A : memref<!tpu.dma_semaphore, #tpu.memory_space<semaphore_mem>>) src(%dma_wait3A_173 : memref<128xi32, #tpu.memory_space<hbm>>) dst(%arg7 : memref<128xi32, #tpu.memory_space<vmem>>)
          tpu.yield
        }) : () -> ()
        %get3A = arith.constant 0 : index
        %get3A_37 = tpu.vector_load %arg7[%get3A] {strides = array<i32>} : memref<128xi32, #tpu.memory_space<vmem>>, vector<16xi32>,
        %get3A_38 = vector.shape_cast %get3A_37 : vector<16xi32> to vector<16xi32>
        %ge3A = vector.broadcast %mul3A_0 : i32 to vector<16xi32>
        %ge3A_39 = arith.cmpi sge, %get3A_38, %ge3A : vector<16xi32>
        %lt3A_40 = vector.broadcast %min3A_2 : i32 to vector<16xi32>
        %lt3A_41 = arith.cmpi slt, %get3A_38, %lt3A_40 : vector<16xi32>
        %and3A = arith.andi %ge3A_39, %lt3A_41 : vector<16xi1>
        %sub3A = vector.broadcast %mul3A_0 : i32 to vector<16xi32>
        %sub3A_42 = arith.subi %get3A_38, %sub3A : vector<16xi32>
        %jit3A = arith.constant 25088 : i32
        %broadcast_in_dim3A_43 = vector.broadcast %jit3A : i32 to vector<16xi32>
        %select_n3A = arith.select %and3A, %sub3A_42, %broadcast_in_dim3A_43 : vector<16xi1>, vector<16xi32>
        %swap3A = arith.constant 0 : index
        %swap3A_44 = tpu.vector_load %arg8[%swap3A] {strides = array<i32>} : memref<128xi32, #tpu.memory_space<vmem>>, vector<16xi32>,
        %swap3A_45 = vector.shape_cast %swap3A_44 : vector<16xi32> to vector<16xi32>
        %swap3A_46 = vector.shape_cast %select_n3A : vector<16xi32> to vector<16xi32>
        tpu.vector_store %arg8[%swap3A], %swap3A_46 {strides = array<i32>} : memref<128xi32, #tpu.memory_space<vmem>>, vector<16xi32>,
        %get3A_47 = arith.constant 16 : index
        %get3A_48 = tpu.vector_load %arg7[%get3A_47] {strides = array<i32>} : memref<128xi32, #tpu.memory_space<vmem>>, vector<16xi32>,
        %get3A_49 = vector.shape_cast %get3A_48 : vector<16xi32> to vector<16xi32>
        %ge3A_50 = vector.broadcast %mul3A_0 : i32 to vector<16xi32>
        %ge3A_51 = arith.cmpi sge, %get3A_49, %ge3A_50 : vector<16xi32>
        %lt3A_52 = vector.broadcast %min3A_2 : i32 to vector<16xi32>
        %lt3A_53 = arith.cmpi slt, %get3A_49, %lt3A_52 : vector<16xi32>
        %and3A_54 = arith.andi %ge3A_51, %lt3A_53 : vector<16xi1>
        %sub3A_55 = vector.broadcast %mul3A_0 : i32 to vector<16xi32>
        %sub3A_56 = arith.subi %get3A_49, %sub3A_55 : vector<16xi32>
        %jit3A_57 = arith.constant 25088 : i32
        %broadcast_in_dim3A_58 = vector.broadcast %jit3A_57 : i32 to vector<16xi32>
        %select_n3A_59 = arith.select %and3A_54, %sub3A_56, %broadcast_in_dim3A_58 : vector<16xi1>, vector<16xi32>
        %swap3A_60 = arith.constant 16 : index
        %swap3A_61 = tpu.vector_load %arg8[%swap3A_60] {strides = array<i32>} : memref<128xi32, #tpu.memory_space<vmem>>, vector<16xi32>,
        %swap3A_62 = vector.shape_cast %swap3A_61 : vector<16xi32> to vector<16xi32>
        %swap3A_63 = vector.shape_cast %select_n3A_59 : vector<16xi32> to vector<16xi32>
        tpu.vector_store %arg8[%swap3A_60], %swap3A_63 {strides = array<i32>} : memref<128xi32, #tpu.memory_space<vmem>>, vector<16xi32>,
        %get3A_64 = arith.constant 32 : index
        %get3A_65 = tpu.vector_load %arg7[%get3A_64] {strides = array<i32>} : memref<128xi32, #tpu.memory_space<vmem>>, vector<16xi32>,
        %get3A_66 = vector.shape_cast %get3A_65 : vector<16xi32> to vector<16xi32>
        %ge3A_67 = vector.broadcast %mul3A_0 : i32 to vector<16xi32>
        %ge3A_68 = arith.cmpi sge, %get3A_66, %ge3A_67 : vector<16xi32>
        %lt3A_69 = vector.broadcast %min3A_2 : i32 to vector<16xi32>
        %lt3A_70 = arith.cmpi slt, %get3A_66, %lt3A_69 : vector<16xi32>
        %and3A_71 = arith.andi %ge3A_68, %lt3A_70 : vector<16xi1>
        %sub3A_72 = vector.broadcast %mul3A_0 : i32 to vector<16xi32>
        %sub3A_73 = arith.subi %get3A_66, %sub3A_72 : vector<16xi32>
        %jit3A_74 = arith.constant 25088 : i32
        %broadcast_in_dim3A_75 = vector.broadcast %jit3A_74 : i32 to vector<16xi32>
        %select_n3A_76 = arith.select %and3A_71, %sub3A_73, %broadcast_in_dim3A_75 : vector<16xi1>, vector<16xi32>
        %swap3A_77 = arith.constant 32 : index
        %swap3A_78 = tpu.vector_load %arg8[%swap3A_77] {strides = array<i32>} : memref<128xi32, #tpu.memory_space<vmem>>, vector<16xi32>,
        %swap3A_79 = vector.shape_cast %swap3A_78 : vector<16xi32> to vector<16xi32>
        %swap3A_80 = vector.shape_cast %select_n3A_76 : vector<16xi32> to vector<16xi32>
        tpu.vector_store %arg8[%swap3A_77], %swap3A_80 {strides = array<i32>} : memref<128xi32, #tpu.memory_space<vmem>>, vector<16xi32>,
        %get3A_81 = arith.constant 48 : index
        %get3A_82 = tpu.vector_load %arg7[%get3A_81] {strides = array<i32>} : memref<128xi32, #tpu.memory_space<vmem>>, vector<16xi32>,
        %get3A_83 = vector.shape_cast %get3A_82 : vector<16xi32> to vector<16xi32>
        %ge3A_84 = vector.broadcast %mul3A_0 : i32 to vector<16xi32>
        %ge3A_85 = arith.cmpi sge, %get3A_83, %ge3A_84 : vector<16xi32>
        %lt3A_86 = vector.broadcast %min3A_2 : i32 to vector<16xi32>
        %lt3A_87 = arith.cmpi slt, %get3A_83, %lt3A_86 : vector<16xi32>
        %and3A_88 = arith.andi %ge3A_85, %lt3A_87 : vector<16xi1>
        %sub3A_89 = vector.broadcast %mul3A_0 : i32 to vector<16xi32>
        %sub3A_90 = arith.subi %get3A_83, %sub3A_89 : vector<16xi32>
        %jit3A_91 = arith.constant 25088 : i32
        %broadcast_in_dim3A_92 = vector.broadcast %jit3A_91 : i32 to vector<16xi32>
        %select_n3A_93 = arith.select %and3A_88, %sub3A_90, %broadcast_in_dim3A_92 : vector<16xi1>, vector<16xi32>
        %swap3A_94 = arith.constant 48 : index
        %swap3A_95 = tpu.vector_load %arg8[%swap3A_94] {strides = array<i32>} : memref<128xi32, #tpu.memory_space<vmem>>, vector<16xi32>,
        %swap3A_96 = vector.shape_cast %swap3A_95 : vector<16xi32> to vector<16xi32>
        %swap3A_97 = vector.shape_cast %select_n3A_93 : vector<16xi32> to vector<16xi32>
        tpu.vector_store %arg8[%swap3A_94], %swap3A_97 {strides = array<i32>} : memref<128xi32, #tpu.memory_space<vmem>>, vector<16xi32>,
        %get3A_98 = arith.constant 64 : index
        %get3A_99 = tpu.vector_load %arg7[%get3A_98] {strides = array<i32>} : memref<128xi32, #tpu.memory_space<vmem>>, vector<16xi32>,
        %get3A_100 = vector.shape_cast %get3A_99 : vector<16xi32> to vector<16xi32>
        %ge3A_101 = vector.broadcast %mul3A_0 : i32 to vector<16xi32>
        %ge3A_102 = arith.cmpi sge, %get3A_100, %ge3A_101 : vector<16xi32>
        %lt3A_103 = vector.broadcast %min3A_2 : i32 to vector<16xi32>
        %lt3A_104 = arith.cmpi slt, %get3A_100, %lt3A_103 : vector<16xi32>
        %and3A_105 = arith.andi %ge3A_102, %lt3A_104 : vector<16xi1>
        %sub3A_106 = vector.broadcast %mul3A_0 : i32 to vector<16xi32>
        %sub3A_107 = arith.subi %get3A_100, %sub3A_106 : vector<16xi32>
        %jit3A_108 = arith.constant 25088 : i32
        %broadcast_in_dim3A_109 = vector.broadcast %jit3A_108 : i32 to vector<16xi32>
        %select_n3A_110 = arith.select %and3A_105, %sub3A_107, %broadcast_in_dim3A_109 : vector<16xi1>, vector<16xi32>
        %swap3A_111 = arith.constant 64 : index
        %swap3A_112 = tpu.vector_load %arg8[%swap3A_111] {strides = array<i32>} : memref<128xi32, #tpu.memory_space<vmem>>, vector<16xi32>,
        %swap3A_113 = vector.shape_cast %swap3A_112 : vector<16xi32> to vector<16xi32>
        %swap3A_114 = vector.shape_cast %select_n3A_110 : vector<16xi32> to vector<16xi32>
        tpu.vector_store %arg8[%swap3A_111], %swap3A_114 {strides = array<i32>} : memref<128xi32, #tpu.memory_space<vmem>>, vector<16xi32>,
        %get3A_115 = arith.constant 80 : index
        %get3A_116 = tpu.vector_load %arg7[%get3A_115] {strides = array<i32>} : memref<128xi32, #tpu.memory_space<vmem>>, vector<16xi32>,
        %get3A_117 = vector.shape_cast %get3A_116 : vector<16xi32> to vector<16xi32>
        %ge3A_118 = vector.broadcast %mul3A_0 : i32 to vector<16xi32>
        %ge3A_119 = arith.cmpi sge, %get3A_117, %ge3A_118 : vector<16xi32>
        %lt3A_120 = vector.broadcast %min3A_2 : i32 to vector<16xi32>
        %lt3A_121 = arith.cmpi slt, %get3A_117, %lt3A_120 : vector<16xi32>
        %and3A_122 = arith.andi %ge3A_119, %lt3A_121 : vector<16xi1>
        %sub3A_123 = vector.broadcast %mul3A_0 : i32 to vector<16xi32>
        %sub3A_124 = arith.subi %get3A_117, %sub3A_123 : vector<16xi32>
        %jit3A_125 = arith.constant 25088 : i32
        %broadcast_in_dim3A_126 = vector.broadcast %jit3A_125 : i32 to vector<16xi32>
        %select_n3A_127 = arith.select %and3A_122, %sub3A_124, %broadcast_in_dim3A_126 : vector<16xi1>, vector<16xi32>
        %swap3A_128 = arith.constant 80 : index
        %swap3A_129 = tpu.vector_load %arg8[%swap3A_128] {strides = array<i32>} : memref<128xi32, #tpu.memory_space<vmem>>, vector<16xi32>,
        %swap3A_130 = vector.shape_cast %swap3A_129 : vector<16xi32> to vector<16xi32>
        %swap3A_131 = vector.shape_cast %select_n3A_127 : vector<16xi32> to vector<16xi32>
        tpu.vector_store %arg8[%swap3A_128], %swap3A_131 {strides = array<i32>} : memref<128xi32, #tpu.memory_space<vmem>>, vector<16xi32>,
        %get3A_132 = arith.constant 96 : index
        %get3A_133 = tpu.vector_load %arg7[%get3A_132] {strides = array<i32>} : memref<128xi32, #tpu.memory_space<vmem>>, vector<16xi32>,
        %get3A_134 = vector.shape_cast %get3A_133 : vector<16xi32> to vector<16xi32>
        %ge3A_135 = vector.broadcast %mul3A_0 : i32 to vector<16xi32>
        %ge3A_136 = arith.cmpi sge, %get3A_134, %ge3A_135 : vector<16xi32>
        %lt3A_137 = vector.broadcast %min3A_2 : i32 to vector<16xi32>
        %lt3A_138 = arith.cmpi slt, %get3A_134, %lt3A_137 : vector<16xi32>
        %and3A_139 = arith.andi %ge3A_136, %lt3A_138 : vector<16xi1>
        %sub3A_140 = vector.broadcast %mul3A_0 : i32 to vector<16xi32>
        %sub3A_141 = arith.subi %get3A_134, %sub3A_140 : vector<16xi32>
        %jit3A_142 = arith.constant 25088 : i32
        %broadcast_in_dim3A_143 = vector.broadcast %jit3A_142 : i32 to vector<16xi32>
        %select_n3A_144 = arith.select %and3A_139, %sub3A_141, %broadcast_in_dim3A_143 : vector<16xi1>, vector<16xi32>
        %swap3A_145 = arith.constant 96 : index
        %swap3A_146 = tpu.vector_load %arg8[%swap3A_145] {strides = array<i32>} : memref<128xi32, #tpu.memory_space<vmem>>, vector<16xi32>,
        %swap3A_147 = vector.shape_cast %swap3A_146 : vector<16xi32> to vector<16xi32>
        %swap3A_148 = vector.shape_cast %select_n3A_144 : vector<16xi32> to vector<16xi32>
        tpu.vector_store %arg8[%swap3A_145], %swap3A_148 {strides = array<i32>} : memref<128xi32, #tpu.memory_space<vmem>>, vector<16xi32>,
        %get3A_149 = arith.constant 112 : index
        %get3A_150 = tpu.vector_load %arg7[%get3A_149] {strides = array<i32>} : memref<128xi32, #tpu.memory_space<vmem>>, vector<16xi32>,
        %get3A_151 = vector.shape_cast %get3A_150 : vector<16xi32> to vector<16xi32>
        %ge3A_152 = vector.broadcast %mul3A_0 : i32 to vector<16xi32>
        %ge3A_153 = arith.cmpi sge, %get3A_151, %ge3A_152 : vector<16xi32>
        %lt3A_154 = vector.broadcast %min3A_2 : i32 to vector<16xi32>
        %lt3A_155 = arith.cmpi slt, %get3A_151, %lt3A_154 : vector<16xi32>
        %and3A_156 = arith.andi %ge3A_153, %lt3A_155 : vector<16xi1>
        %sub3A_157 = vector.broadcast %mul3A_0 : i32 to vector<16xi32>
        %sub3A_158 = arith.subi %get3A_151, %sub3A_157 : vector<16xi32>
        %jit3A_159 = arith.constant 25088 : i32
        %broadcast_in_dim3A_160 = vector.broadcast %jit3A_159 : i32 to vector<16xi32>
        %select_n3A_161 = arith.select %and3A_156, %sub3A_158, %broadcast_in_dim3A_160 : vector<16xi1>, vector<16xi32>
        %swap3A_162 = arith.constant 112 : index
        %swap3A_163 = tpu.vector_load %arg8[%swap3A_162] {strides = array<i32>} : memref<128xi32, #tpu.memory_space<vmem>>, vector<16xi32>,
        %swap3A_164 = vector.shape_cast %swap3A_163 : vector<16xi32> to vector<16xi32>
        %swap3A_165 = vector.shape_cast %select_n3A_161 : vector<16xi32> to vector<16xi32>
        tpu.vector_store %arg8[%swap3A_162], %swap3A_165 {strides = array<i32>} : memref<128xi32, #tpu.memory_space<vmem>>, vector<16xi32>,
        %dma_start3A = arith.constant 0 : i32
        %dma_start3A_166 = arith.constant 0 : i32
        %dma_start3A_167 = tpu.memref_slice %arg4[%dma_start3A, %dma_start3A_166] : memref<10240x64xf32, #tpu.memory_space<hbm>> -> memref<10240x64xf32, #tpu.memory_space<hbm>>
        tpu.enqueue_indirect_dma source(%dma_start3A_167 : memref<10240x64xf32, #tpu.memory_space<hbm>>) target(%arg9 : memref<128x64xf32, #tpu.memory_space<vmem>>) offsets(%arg6 : memref<128xi32, #tpu.memory_space<vmem>>) semaphore(%arg11 : memref<!tpu.dma_semaphore, #tpu.memory_space<semaphore_mem>>)
        %dma_wait3A = arith.constant 0 : i32
        %dma_wait3A_168 = arith.constant 0 : i32
        %dma_wait3A_169 = tpu.memref_slice %arg4[%dma_wait3A, %dma_wait3A_168] : memref<10240x64xf32, #tpu.memory_space<hbm>> -> memref<10240x64xf32, #tpu.memory_space<hbm>>
        tpu.wait_indirect_dma semaphore(%arg11 : memref<!tpu.dma_semaphore, #tpu.memory_space<semaphore_mem>>) src(%dma_wait3A_169 : memref<10240x64xf32, #tpu.memory_space<hbm>>) dst(%arg9 : memref<128x64xf32, #tpu.memory_space<vmem>>)
        "tpu.region"() ({
          %run_scoped3A = tpu.sem_alloc : memref<!tpu.dma_semaphore, #tpu.memory_space<semaphore_mem>>
          %dma_start3A_170 = arith.constant 0 : i32
          %dma_start3A_171 = arith.constant 0 : i32
          %dma_start3A_172 = tpu.memref_slice %arg10[%dma_start3A_170, %dma_start3A_171] : memref<25104x64xf32, #tpu.memory_space<vmem_shared>> -> memref<25104x64xf32, #tpu.memory_space<vmem_shared>>
          tpu.enqueue_indirect_dma source(%arg9 : memref<128x64xf32, #tpu.memory_space<vmem>>) target(%dma_start3A_172 : memref<25104x64xf32, #tpu.memory_space<vmem_shared>>) offsets(%arg8 : memref<128xi32, #tpu.memory_space<vmem>>) semaphore(%run_scoped3A : memref<!tpu.dma_semaphore, #tpu.memory_space<semaphore_mem>>) {add = true}
          %dma_wait3A_173 = arith.constant 0 : i32
          %dma_wait3A_174 = arith.constant 0 : i32
          %dma_wait3A_175 = tpu.memref_slice %arg10[%dma_wait3A_173, %dma_wait3A_174] : memref<25104x64xf32, #tpu.memory_space<vmem_shared>> -> memref<25104x64xf32, #tpu.memory_space<vmem_shared>>
          tpu.wait_indirect_dma semaphore(%run_scoped3A : memref<!tpu.dma_semaphore, #tpu.memory_space<semaphore_mem>>) src(%arg9 : memref<128x64xf32, #tpu.memory_space<vmem>>) dst(%dma_wait3A_175 : memref<25104x64xf32, #tpu.memory_space<vmem_shared>>)
          tpu.yield
        }) : () -> ()
      } else {
      }
    }
    %scan3A_20 = arith.constant 391 : i32
    %barrier3A_21 = arith.constant 0 : index
    tpu.barrier barrier_id(%barrier3A_21)
    %mul3A_22 = arith.constant 1568 : i32
    %mul3A_23 = arith.muli %arg1, %mul3A_22 : i32
    %mul3A_24 = arith.constant 25088 : i32
    %mul3A_25 = arith.muli %arg0, %mul3A_24 : i32
    %mul3A_26 = arith.constant 1568 : i32
    %mul3A_27 = arith.muli %arg1, %mul3A_26 : i32
    %add3A_28 = arith.addi %mul3A_25, %mul3A_27 : i32
    "tpu.region"() ({
      %run_scoped3A = tpu.sem_alloc : memref<!tpu.dma_semaphore, #tpu.memory_space<semaphore_mem>>
      %dma_start3A = arith.constant 0 : i32
      %dma_start3A_29 = tpu.memref_slice %arg5[%add3A_28, %dma_start3A] : memref<50176x64xf32, #tpu.memory_space<hbm>> -> memref<1568x64xf32, #tpu.memory_space<hbm>>
      %dma_start3A_30 = arith.constant 0 : i32
      %dma_start3A_31 = tpu.memref_slice %arg10[%mul3A_23, %dma_start3A_30] : memref<25104x64xf32, #tpu.memory_space<vmem_shared>> -> memref<1568x64xf32, #tpu.memory_space<vmem_shared>>
      tpu.enqueue_dma source(%dma_start3A_31 : memref<1568x64xf32, #tpu.memory_space<vmem_shared>>) target(%dma_start3A_29 : memref<1568x64xf32, #tpu.memory_space<hbm>>) target_semaphore(%run_scoped3A : memref<!tpu.dma_semaphore, #tpu.memory_space<semaphore_mem>>)
      %dma_wait3A = arith.constant 0 : i32
      %dma_wait3A_32 = tpu.memref_slice %arg5[%add3A_28, %dma_wait3A] : memref<50176x64xf32, #tpu.memory_space<hbm>> -> memref<1568x64xf32, #tpu.memory_space<hbm>>
      %dma_wait3A_33 = arith.constant 0 : i32
      %dma_wait3A_34 = tpu.memref_slice %arg10[%mul3A_23, %dma_wait3A_33] : memref<25104x64xf32, #tpu.memory_space<vmem_shared>> -> memref<1568x64xf32, #tpu.memory_space<vmem_shared>>
      tpu.wait_dma2 semaphore(%run_scoped3A : memref<!tpu.dma_semaphore, #tpu.memory_space<semaphore_mem>>) src(%dma_wait3A_34 : memref<1568x64xf32, #tpu.memory_space<vmem_shared>>) dst(%dma_wait3A_32 : memref<1568x64xf32, #tpu.memory_space<hbm>>)
      tpu.yield
    }) : () -> ()
    return
  }
}

#map = affine_map<(d0, d1) -> (0)>
#map1 = affine_map<(d0, d1) -> (0, 0)>
module attributes {stable_mosaic.version = 14 : i64} {
  func.func @seg(%arg0: i32, %arg1: i32, %arg2: memref<800000xi32, #tpu.memory_space<hbm>>, %arg3: memref<800000xi32, #tpu.memory_space<hbm>>, %arg4: memref<50176x64xf32, #tpu.memory_space<hbm>>, %arg5: memref<10240x64xf32, #tpu.memory_space<hbm>>, %arg6: memref<128xi32, #tpu.memory_space<vmem>>, %arg7: memref<128xi32, #tpu.memory_space<vmem>>, %arg8: memref<128xi32, #tpu.memory_space<vmem>>, %arg9: memref<128x64xf32, #tpu.memory_space<vmem>>, %arg10: memref<5136x64xf32, #tpu.memory_space<vmem_shared>>, %arg11: memref<!tpu.dma_semaphore, #tpu.memory_space<semaphore_mem>>) attributes {dimension_semantics = [#tpu.dimension_semantics<core_parallel>, #tpu.dimension_semantics<subcore_parallel>], iteration_bounds = array<i64: 2, 16>, scalar_prefetch = 0 : i64, scratch_operands = 6 : i64, tpu.core_type = #tpu.core_type<sc_vector_subcore>, window_params = [{transform_indices = #map}, {transform_indices = #map}, {transform_indices = #map1}, {transform_indices = #map1}]} {
    %mul3A = arith.constant 5120 : i32
    %mul3A_0 = arith.muli %arg0, %mul3A : i32
    %add3A = arith.constant 5120 : i32
    %add3A_1 = arith.addi %mul3A_0, %add3A : i32
    %min3A = arith.constant 10000 : i32
    %min3A_2 = arith.minsi %min3A, %add3A_1 : i32
    %broadcast_in_dim3A = arith.constant 0.000000e+00 : f32
    %broadcast_in_dim3A_3 = vector.broadcast %broadcast_in_dim3A : f32 to vector<16xf32>
    %scan3A = arith.constant 0 : i32
    %scan3A_4 = arith.constant 0 : i32
    %scan3A_5 = arith.constant 80 : i32
    %scan3A_6 = arith.addi %scan3A_4, %scan3A_5 : i32
    %scan3A_7 = arith.constant 1 : i32
    scf.for %scan3A_29 = %scan3A_4 to %scan3A_6 step %scan3A_7  : i32 {
      %swap3A = arith.index_cast %scan3A_29 : i32 to index
      %swap3A_30 = arith.constant 0 : index
      %swap3A_31 = tpu.vector_load %arg9[%swap3A, %swap3A_30] {strides = array<i32>} : memref<128x64xf32, #tpu.memory_space<vmem>>, vector<1x16xf32>,
      %swap3A_32 = vector.shape_cast %swap3A_31 : vector<1x16xf32> to vector<16xf32>
      %swap3A_33 = vector.shape_cast %broadcast_in_dim3A_3 : vector<16xf32> to vector<1x16xf32>
      tpu.vector_store %arg9[%swap3A, %swap3A_30], %swap3A_33 {strides = array<i32>} : memref<128x64xf32, #tpu.memory_space<vmem>>, vector<1x16xf32>,
      %swap3A_34 = arith.index_cast %scan3A_29 : i32 to index
      %swap3A_35 = arith.constant 16 : index
      %swap3A_36 = tpu.vector_load %arg9[%swap3A_34, %swap3A_35] {strides = array<i32>} : memref<128x64xf32, #tpu.memory_space<vmem>>, vector<1x16xf32>,
      %swap3A_37 = vector.shape_cast %swap3A_36 : vector<1x16xf32> to vector<16xf32>
      %swap3A_38 = vector.shape_cast %broadcast_in_dim3A_3 : vector<16xf32> to vector<1x16xf32>
      tpu.vector_store %arg9[%swap3A_34, %swap3A_35], %swap3A_38 {strides = array<i32>} : memref<128x64xf32, #tpu.memory_space<vmem>>, vector<1x16xf32>,
      %swap3A_39 = arith.index_cast %scan3A_29 : i32 to index
      %swap3A_40 = arith.constant 32 : index
      %swap3A_41 = tpu.vector_load %arg9[%swap3A_39, %swap3A_40] {strides = array<i32>} : memref<128x64xf32, #tpu.memory_space<vmem>>, vector<1x16xf32>,
      %swap3A_42 = vector.shape_cast %swap3A_41 : vector<1x16xf32> to vector<16xf32>
      %swap3A_43 = vector.shape_cast %broadcast_in_dim3A_3 : vector<16xf32> to vector<1x16xf32>
      tpu.vector_store %arg9[%swap3A_39, %swap3A_40], %swap3A_43 {strides = array<i32>} : memref<128x64xf32, #tpu.memory_space<vmem>>, vector<1x16xf32>,
      %swap3A_44 = arith.index_cast %scan3A_29 : i32 to index
      %swap3A_45 = arith.constant 48 : index
      %swap3A_46 = tpu.vector_load %arg9[%swap3A_44, %swap3A_45] {strides = array<i32>} : memref<128x64xf32, #tpu.memory_space<vmem>>, vector<1x16xf32>,
      %swap3A_47 = vector.shape_cast %swap3A_46 : vector<1x16xf32> to vector<16xf32>
      %swap3A_48 = vector.shape_cast %broadcast_in_dim3A_3 : vector<16xf32> to vector<1x16xf32>
      tpu.vector_store %arg9[%swap3A_44, %swap3A_45], %swap3A_48 {strides = array<i32>} : memref<128x64xf32, #tpu.memory_space<vmem>>, vector<1x16xf32>,
    }
    %scan3A_8 = arith.constant 80 : i32
    %scan3A_9 = arith.constant 0 : i32
    %scan3A_10 = arith.constant 0 : i32
    %scan3A_11 = arith.constant 4 : i32
    %scan3A_12 = arith.addi %scan3A_10, %scan3A_11 : i32
    %scan3A_13 = arith.constant 1 : i32
    scf.for %scan3A_29 = %scan3A_10 to %scan3A_12 step %scan3A_13  : i32 {
      %mul3A_30 = arith.constant 320 : i32
      %mul3A_31 = arith.muli %arg1, %mul3A_30 : i32
      %mul3A_32 = arith.constant 80 : i32
      %mul3A_33 = arith.muli %scan3A_29, %mul3A_32 : i32
      %add3A_34 = arith.addi %mul3A_31, %mul3A_33 : i32
      "tpu.region"() ({
        %run_scoped3A = tpu.sem_alloc : memref<!tpu.dma_semaphore, #tpu.memory_space<semaphore_mem>>
        %dma_start3A = arith.constant 0 : i32
        %dma_start3A_35 = arith.constant 0 : i32
        %dma_start3A_36 = tpu.memref_slice %arg9[%dma_start3A, %dma_start3A_35] : memref<128x64xf32, #tpu.memory_space<vmem>> -> memref<80x64xf32, #tpu.memory_space<vmem>>
        %dma_start3A_37 = arith.constant 0 : i32
        %dma_start3A_38 = tpu.memref_slice %arg10[%add3A_34, %dma_start3A_37] : memref<5136x64xf32, #tpu.memory_space<vmem_shared>> -> memref<80x64xf32, #tpu.memory_space<vmem_shared>>
        %dma_start3A_39 = arith.constant 0 : i32
        %dma_start3A_40 = tpu.memref_slice %arg10[%add3A_34, %dma_start3A_39] : memref<5136x64xf32, #tpu.memory_space<vmem_shared>> -> memref<80x64xf32, #tpu.memory_space<vmem_shared>>
        %dma_start3A_41 = arith.constant 0 : i32
        %dma_start3A_42 = arith.constant 0 : i32
        %dma_start3A_43 = tpu.memref_slice %arg9[%dma_start3A_41, %dma_start3A_42] : memref<128x64xf32, #tpu.memory_space<vmem>> -> memref<80x64xf32, #tpu.memory_space<vmem>>
        tpu.enqueue_dma source(%dma_start3A_43 : memref<80x64xf32, #tpu.memory_space<vmem>>) target(%dma_start3A_40 : memref<80x64xf32, #tpu.memory_space<vmem_shared>>) target_semaphore(%run_scoped3A : memref<!tpu.dma_semaphore, #tpu.memory_space<semaphore_mem>>)
        %dma_wait3A = arith.constant 0 : i32
        %dma_wait3A_44 = arith.constant 0 : i32
        %dma_wait3A_45 = tpu.memref_slice %arg9[%dma_wait3A, %dma_wait3A_44] : memref<128x64xf32, #tpu.memory_space<vmem>> -> memref<80x64xf32, #tpu.memory_space<vmem>>
        %dma_wait3A_46 = arith.constant 0 : i32
        %dma_wait3A_47 = tpu.memref_slice %arg10[%add3A_34, %dma_wait3A_46] : memref<5136x64xf32, #tpu.memory_space<vmem_shared>> -> memref<80x64xf32, #tpu.memory_space<vmem_shared>>
        %dma_wait3A_48 = arith.constant 0 : i32
        %dma_wait3A_49 = tpu.memref_slice %arg10[%add3A_34, %dma_wait3A_48] : memref<5136x64xf32, #tpu.memory_space<vmem_shared>> -> memref<80x64xf32, #tpu.memory_space<vmem_shared>>
        %dma_wait3A_50 = arith.constant 0 : i32
        %dma_wait3A_51 = arith.constant 0 : i32
        %dma_wait3A_52 = tpu.memref_slice %arg9[%dma_wait3A_50, %dma_wait3A_51] : memref<128x64xf32, #tpu.memory_space<vmem>> -> memref<80x64xf32, #tpu.memory_space<vmem>>
        tpu.wait_dma2 semaphore(%run_scoped3A : memref<!tpu.dma_semaphore, #tpu.memory_space<semaphore_mem>>) src(%dma_wait3A_52 : memref<80x64xf32, #tpu.memory_space<vmem>>) dst(%dma_wait3A_49 : memref<80x64xf32, #tpu.memory_space<vmem_shared>>)
        tpu.yield
      }) : () -> ()
    }
    %scan3A_14 = arith.constant 4 : i32
    %barrier3A = arith.constant 0 : index
    tpu.barrier barrier_id(%barrier3A)
    %scan3A_15 = arith.constant 0 : i32
    %scan3A_16 = arith.constant 0 : i32
    %scan3A_17 = arith.constant 391 : i32
    %scan3A_18 = arith.addi %scan3A_16, %scan3A_17 : i32
    %scan3A_19 = arith.constant 1 : i32
    scf.for %scan3A_29 = %scan3A_16 to %scan3A_18 step %scan3A_19  : i32 {
      %mul3A_30 = arith.constant 16 : i32
      %mul3A_31 = arith.muli %scan3A_29, %mul3A_30 : i32
      %add3A_32 = arith.addi %mul3A_31, %arg1 : i32
      %lt3A = arith.constant 6250 : i32
      %lt3A_33 = arith.cmpi slt, %add3A_32, %lt3A : i32
      %convert_element_type3A = arith.extui %lt3A_33 : i1 to i32
      %cond3A = arith.constant 0 : i32
      %cond3A_34 = arith.cmpi ne, %convert_element_type3A, %cond3A : i32
      scf.if %cond3A_34 {
        %mul3A_35 = arith.constant 128 : i32
        %mul3A_36 = arith.muli %add3A_32, %mul3A_35 : i32
        "tpu.region"() ({
          %run_scoped3A = tpu.sem_alloc : memref<!tpu.dma_semaphore, #tpu.memory_space<semaphore_mem>>
          %dma_start3A_170 = tpu.memref_slice %arg2[%mul3A_36] : memref<800000xi32, #tpu.memory_space<hbm>> -> memref<128xi32, #tpu.memory_space<hbm>>
          %dma_start3A_171 = tpu.memref_slice %arg2[%mul3A_36] : memref<800000xi32, #tpu.memory_space<hbm>> -> memref<128xi32, #tpu.memory_space<hbm>>
          tpu.enqueue_dma source(%dma_start3A_171 : memref<128xi32, #tpu.memory_space<hbm>>) target(%arg6 : memref<128xi32, #tpu.memory_space<vmem>>) target_semaphore(%run_scoped3A : memref<!tpu.dma_semaphore, #tpu.memory_space<semaphore_mem>>)
          %dma_wait3A_172 = tpu.memref_slice %arg2[%mul3A_36] : memref<800000xi32, #tpu.memory_space<hbm>> -> memref<128xi32, #tpu.memory_space<hbm>>
          %dma_wait3A_173 = tpu.memref_slice %arg2[%mul3A_36] : memref<800000xi32, #tpu.memory_space<hbm>> -> memref<128xi32, #tpu.memory_space<hbm>>
          tpu.wait_dma2 semaphore(%run_scoped3A : memref<!tpu.dma_semaphore, #tpu.memory_space<semaphore_mem>>) src(%dma_wait3A_173 : memref<128xi32, #tpu.memory_space<hbm>>) dst(%arg6 : memref<128xi32, #tpu.memory_space<vmem>>)
          tpu.yield
        }) : () -> ()
        "tpu.region"() ({
          %run_scoped3A = tpu.sem_alloc : memref<!tpu.dma_semaphore, #tpu.memory_space<semaphore_mem>>
          %dma_start3A_170 = tpu.memref_slice %arg3[%mul3A_36] : memref<800000xi32, #tpu.memory_space<hbm>> -> memref<128xi32, #tpu.memory_space<hbm>>
          %dma_start3A_171 = tpu.memref_slice %arg3[%mul3A_36] : memref<800000xi32, #tpu.memory_space<hbm>> -> memref<128xi32, #tpu.memory_space<hbm>>
          tpu.enqueue_dma source(%dma_start3A_171 : memref<128xi32, #tpu.memory_space<hbm>>) target(%arg7 : memref<128xi32, #tpu.memory_space<vmem>>) target_semaphore(%run_scoped3A : memref<!tpu.dma_semaphore, #tpu.memory_space<semaphore_mem>>)
          %dma_wait3A_172 = tpu.memref_slice %arg3[%mul3A_36] : memref<800000xi32, #tpu.memory_space<hbm>> -> memref<128xi32, #tpu.memory_space<hbm>>
          %dma_wait3A_173 = tpu.memref_slice %arg3[%mul3A_36] : memref<800000xi32, #tpu.memory_space<hbm>> -> memref<128xi32, #tpu.memory_space<hbm>>
          tpu.wait_dma2 semaphore(%run_scoped3A : memref<!tpu.dma_semaphore, #tpu.memory_space<semaphore_mem>>) src(%dma_wait3A_173 : memref<128xi32, #tpu.memory_space<hbm>>) dst(%arg7 : memref<128xi32, #tpu.memory_space<vmem>>)
          tpu.yield
        }) : () -> ()
        %get3A = arith.constant 0 : index
        %get3A_37 = tpu.vector_load %arg7[%get3A] {strides = array<i32>} : memref<128xi32, #tpu.memory_space<vmem>>, vector<16xi32>,
        %get3A_38 = vector.shape_cast %get3A_37 : vector<16xi32> to vector<16xi32>
        %ge3A = vector.broadcast %mul3A_0 : i32 to vector<16xi32>
        %ge3A_39 = arith.cmpi sge, %get3A_38, %ge3A : vector<16xi32>
        %lt3A_40 = vector.broadcast %min3A_2 : i32 to vector<16xi32>
        %lt3A_41 = arith.cmpi slt, %get3A_38, %lt3A_40 : vector<16xi32>
        %and3A = arith.andi %ge3A_39, %lt3A_41 : vector<16xi1>
        %sub3A = vector.broadcast %mul3A_0 : i32 to vector<16xi32>
        %sub3A_42 = arith.subi %get3A_38, %sub3A : vector<16xi32>
        %jit3A = arith.constant 5120 : i32
        %broadcast_in_dim3A_43 = vector.broadcast %jit3A : i32 to vector<16xi32>
        %select_n3A = arith.select %and3A, %sub3A_42, %broadcast_in_dim3A_43 : vector<16xi1>, vector<16xi32>
        %swap3A = arith.constant 0 : index
        %swap3A_44 = tpu.vector_load %arg8[%swap3A] {strides = array<i32>} : memref<128xi32, #tpu.memory_space<vmem>>, vector<16xi32>,
        %swap3A_45 = vector.shape_cast %swap3A_44 : vector<16xi32> to vector<16xi32>
        %swap3A_46 = vector.shape_cast %select_n3A : vector<16xi32> to vector<16xi32>
        tpu.vector_store %arg8[%swap3A], %swap3A_46 {strides = array<i32>} : memref<128xi32, #tpu.memory_space<vmem>>, vector<16xi32>,
        %get3A_47 = arith.constant 16 : index
        %get3A_48 = tpu.vector_load %arg7[%get3A_47] {strides = array<i32>} : memref<128xi32, #tpu.memory_space<vmem>>, vector<16xi32>,
        %get3A_49 = vector.shape_cast %get3A_48 : vector<16xi32> to vector<16xi32>
        %ge3A_50 = vector.broadcast %mul3A_0 : i32 to vector<16xi32>
        %ge3A_51 = arith.cmpi sge, %get3A_49, %ge3A_50 : vector<16xi32>
        %lt3A_52 = vector.broadcast %min3A_2 : i32 to vector<16xi32>
        %lt3A_53 = arith.cmpi slt, %get3A_49, %lt3A_52 : vector<16xi32>
        %and3A_54 = arith.andi %ge3A_51, %lt3A_53 : vector<16xi1>
        %sub3A_55 = vector.broadcast %mul3A_0 : i32 to vector<16xi32>
        %sub3A_56 = arith.subi %get3A_49, %sub3A_55 : vector<16xi32>
        %jit3A_57 = arith.constant 5120 : i32
        %broadcast_in_dim3A_58 = vector.broadcast %jit3A_57 : i32 to vector<16xi32>
        %select_n3A_59 = arith.select %and3A_54, %sub3A_56, %broadcast_in_dim3A_58 : vector<16xi1>, vector<16xi32>
        %swap3A_60 = arith.constant 16 : index
        %swap3A_61 = tpu.vector_load %arg8[%swap3A_60] {strides = array<i32>} : memref<128xi32, #tpu.memory_space<vmem>>, vector<16xi32>,
        %swap3A_62 = vector.shape_cast %swap3A_61 : vector<16xi32> to vector<16xi32>
        %swap3A_63 = vector.shape_cast %select_n3A_59 : vector<16xi32> to vector<16xi32>
        tpu.vector_store %arg8[%swap3A_60], %swap3A_63 {strides = array<i32>} : memref<128xi32, #tpu.memory_space<vmem>>, vector<16xi32>,
        %get3A_64 = arith.constant 32 : index
        %get3A_65 = tpu.vector_load %arg7[%get3A_64] {strides = array<i32>} : memref<128xi32, #tpu.memory_space<vmem>>, vector<16xi32>,
        %get3A_66 = vector.shape_cast %get3A_65 : vector<16xi32> to vector<16xi32>
        %ge3A_67 = vector.broadcast %mul3A_0 : i32 to vector<16xi32>
        %ge3A_68 = arith.cmpi sge, %get3A_66, %ge3A_67 : vector<16xi32>
        %lt3A_69 = vector.broadcast %min3A_2 : i32 to vector<16xi32>
        %lt3A_70 = arith.cmpi slt, %get3A_66, %lt3A_69 : vector<16xi32>
        %and3A_71 = arith.andi %ge3A_68, %lt3A_70 : vector<16xi1>
        %sub3A_72 = vector.broadcast %mul3A_0 : i32 to vector<16xi32>
        %sub3A_73 = arith.subi %get3A_66, %sub3A_72 : vector<16xi32>
        %jit3A_74 = arith.constant 5120 : i32
        %broadcast_in_dim3A_75 = vector.broadcast %jit3A_74 : i32 to vector<16xi32>
        %select_n3A_76 = arith.select %and3A_71, %sub3A_73, %broadcast_in_dim3A_75 : vector<16xi1>, vector<16xi32>
        %swap3A_77 = arith.constant 32 : index
        %swap3A_78 = tpu.vector_load %arg8[%swap3A_77] {strides = array<i32>} : memref<128xi32, #tpu.memory_space<vmem>>, vector<16xi32>,
        %swap3A_79 = vector.shape_cast %swap3A_78 : vector<16xi32> to vector<16xi32>
        %swap3A_80 = vector.shape_cast %select_n3A_76 : vector<16xi32> to vector<16xi32>
        tpu.vector_store %arg8[%swap3A_77], %swap3A_80 {strides = array<i32>} : memref<128xi32, #tpu.memory_space<vmem>>, vector<16xi32>,
        %get3A_81 = arith.constant 48 : index
        %get3A_82 = tpu.vector_load %arg7[%get3A_81] {strides = array<i32>} : memref<128xi32, #tpu.memory_space<vmem>>, vector<16xi32>,
        %get3A_83 = vector.shape_cast %get3A_82 : vector<16xi32> to vector<16xi32>
        %ge3A_84 = vector.broadcast %mul3A_0 : i32 to vector<16xi32>
        %ge3A_85 = arith.cmpi sge, %get3A_83, %ge3A_84 : vector<16xi32>
        %lt3A_86 = vector.broadcast %min3A_2 : i32 to vector<16xi32>
        %lt3A_87 = arith.cmpi slt, %get3A_83, %lt3A_86 : vector<16xi32>
        %and3A_88 = arith.andi %ge3A_85, %lt3A_87 : vector<16xi1>
        %sub3A_89 = vector.broadcast %mul3A_0 : i32 to vector<16xi32>
        %sub3A_90 = arith.subi %get3A_83, %sub3A_89 : vector<16xi32>
        %jit3A_91 = arith.constant 5120 : i32
        %broadcast_in_dim3A_92 = vector.broadcast %jit3A_91 : i32 to vector<16xi32>
        %select_n3A_93 = arith.select %and3A_88, %sub3A_90, %broadcast_in_dim3A_92 : vector<16xi1>, vector<16xi32>
        %swap3A_94 = arith.constant 48 : index
        %swap3A_95 = tpu.vector_load %arg8[%swap3A_94] {strides = array<i32>} : memref<128xi32, #tpu.memory_space<vmem>>, vector<16xi32>,
        %swap3A_96 = vector.shape_cast %swap3A_95 : vector<16xi32> to vector<16xi32>
        %swap3A_97 = vector.shape_cast %select_n3A_93 : vector<16xi32> to vector<16xi32>
        tpu.vector_store %arg8[%swap3A_94], %swap3A_97 {strides = array<i32>} : memref<128xi32, #tpu.memory_space<vmem>>, vector<16xi32>,
        %get3A_98 = arith.constant 64 : index
        %get3A_99 = tpu.vector_load %arg7[%get3A_98] {strides = array<i32>} : memref<128xi32, #tpu.memory_space<vmem>>, vector<16xi32>,
        %get3A_100 = vector.shape_cast %get3A_99 : vector<16xi32> to vector<16xi32>
        %ge3A_101 = vector.broadcast %mul3A_0 : i32 to vector<16xi32>
        %ge3A_102 = arith.cmpi sge, %get3A_100, %ge3A_101 : vector<16xi32>
        %lt3A_103 = vector.broadcast %min3A_2 : i32 to vector<16xi32>
        %lt3A_104 = arith.cmpi slt, %get3A_100, %lt3A_103 : vector<16xi32>
        %and3A_105 = arith.andi %ge3A_102, %lt3A_104 : vector<16xi1>
        %sub3A_106 = vector.broadcast %mul3A_0 : i32 to vector<16xi32>
        %sub3A_107 = arith.subi %get3A_100, %sub3A_106 : vector<16xi32>
        %jit3A_108 = arith.constant 5120 : i32
        %broadcast_in_dim3A_109 = vector.broadcast %jit3A_108 : i32 to vector<16xi32>
        %select_n3A_110 = arith.select %and3A_105, %sub3A_107, %broadcast_in_dim3A_109 : vector<16xi1>, vector<16xi32>
        %swap3A_111 = arith.constant 64 : index
        %swap3A_112 = tpu.vector_load %arg8[%swap3A_111] {strides = array<i32>} : memref<128xi32, #tpu.memory_space<vmem>>, vector<16xi32>,
        %swap3A_113 = vector.shape_cast %swap3A_112 : vector<16xi32> to vector<16xi32>
        %swap3A_114 = vector.shape_cast %select_n3A_110 : vector<16xi32> to vector<16xi32>
        tpu.vector_store %arg8[%swap3A_111], %swap3A_114 {strides = array<i32>} : memref<128xi32, #tpu.memory_space<vmem>>, vector<16xi32>,
        %get3A_115 = arith.constant 80 : index
        %get3A_116 = tpu.vector_load %arg7[%get3A_115] {strides = array<i32>} : memref<128xi32, #tpu.memory_space<vmem>>, vector<16xi32>,
        %get3A_117 = vector.shape_cast %get3A_116 : vector<16xi32> to vector<16xi32>
        %ge3A_118 = vector.broadcast %mul3A_0 : i32 to vector<16xi32>
        %ge3A_119 = arith.cmpi sge, %get3A_117, %ge3A_118 : vector<16xi32>
        %lt3A_120 = vector.broadcast %min3A_2 : i32 to vector<16xi32>
        %lt3A_121 = arith.cmpi slt, %get3A_117, %lt3A_120 : vector<16xi32>
        %and3A_122 = arith.andi %ge3A_119, %lt3A_121 : vector<16xi1>
        %sub3A_123 = vector.broadcast %mul3A_0 : i32 to vector<16xi32>
        %sub3A_124 = arith.subi %get3A_117, %sub3A_123 : vector<16xi32>
        %jit3A_125 = arith.constant 5120 : i32
        %broadcast_in_dim3A_126 = vector.broadcast %jit3A_125 : i32 to vector<16xi32>
        %select_n3A_127 = arith.select %and3A_122, %sub3A_124, %broadcast_in_dim3A_126 : vector<16xi1>, vector<16xi32>
        %swap3A_128 = arith.constant 80 : index
        %swap3A_129 = tpu.vector_load %arg8[%swap3A_128] {strides = array<i32>} : memref<128xi32, #tpu.memory_space<vmem>>, vector<16xi32>,
        %swap3A_130 = vector.shape_cast %swap3A_129 : vector<16xi32> to vector<16xi32>
        %swap3A_131 = vector.shape_cast %select_n3A_127 : vector<16xi32> to vector<16xi32>
        tpu.vector_store %arg8[%swap3A_128], %swap3A_131 {strides = array<i32>} : memref<128xi32, #tpu.memory_space<vmem>>, vector<16xi32>,
        %get3A_132 = arith.constant 96 : index
        %get3A_133 = tpu.vector_load %arg7[%get3A_132] {strides = array<i32>} : memref<128xi32, #tpu.memory_space<vmem>>, vector<16xi32>,
        %get3A_134 = vector.shape_cast %get3A_133 : vector<16xi32> to vector<16xi32>
        %ge3A_135 = vector.broadcast %mul3A_0 : i32 to vector<16xi32>
        %ge3A_136 = arith.cmpi sge, %get3A_134, %ge3A_135 : vector<16xi32>
        %lt3A_137 = vector.broadcast %min3A_2 : i32 to vector<16xi32>
        %lt3A_138 = arith.cmpi slt, %get3A_134, %lt3A_137 : vector<16xi32>
        %and3A_139 = arith.andi %ge3A_136, %lt3A_138 : vector<16xi1>
        %sub3A_140 = vector.broadcast %mul3A_0 : i32 to vector<16xi32>
        %sub3A_141 = arith.subi %get3A_134, %sub3A_140 : vector<16xi32>
        %jit3A_142 = arith.constant 5120 : i32
        %broadcast_in_dim3A_143 = vector.broadcast %jit3A_142 : i32 to vector<16xi32>
        %select_n3A_144 = arith.select %and3A_139, %sub3A_141, %broadcast_in_dim3A_143 : vector<16xi1>, vector<16xi32>
        %swap3A_145 = arith.constant 96 : index
        %swap3A_146 = tpu.vector_load %arg8[%swap3A_145] {strides = array<i32>} : memref<128xi32, #tpu.memory_space<vmem>>, vector<16xi32>,
        %swap3A_147 = vector.shape_cast %swap3A_146 : vector<16xi32> to vector<16xi32>
        %swap3A_148 = vector.shape_cast %select_n3A_144 : vector<16xi32> to vector<16xi32>
        tpu.vector_store %arg8[%swap3A_145], %swap3A_148 {strides = array<i32>} : memref<128xi32, #tpu.memory_space<vmem>>, vector<16xi32>,
        %get3A_149 = arith.constant 112 : index
        %get3A_150 = tpu.vector_load %arg7[%get3A_149] {strides = array<i32>} : memref<128xi32, #tpu.memory_space<vmem>>, vector<16xi32>,
        %get3A_151 = vector.shape_cast %get3A_150 : vector<16xi32> to vector<16xi32>
        %ge3A_152 = vector.broadcast %mul3A_0 : i32 to vector<16xi32>
        %ge3A_153 = arith.cmpi sge, %get3A_151, %ge3A_152 : vector<16xi32>
        %lt3A_154 = vector.broadcast %min3A_2 : i32 to vector<16xi32>
        %lt3A_155 = arith.cmpi slt, %get3A_151, %lt3A_154 : vector<16xi32>
        %and3A_156 = arith.andi %ge3A_153, %lt3A_155 : vector<16xi1>
        %sub3A_157 = vector.broadcast %mul3A_0 : i32 to vector<16xi32>
        %sub3A_158 = arith.subi %get3A_151, %sub3A_157 : vector<16xi32>
        %jit3A_159 = arith.constant 5120 : i32
        %broadcast_in_dim3A_160 = vector.broadcast %jit3A_159 : i32 to vector<16xi32>
        %select_n3A_161 = arith.select %and3A_156, %sub3A_158, %broadcast_in_dim3A_160 : vector<16xi1>, vector<16xi32>
        %swap3A_162 = arith.constant 112 : index
        %swap3A_163 = tpu.vector_load %arg8[%swap3A_162] {strides = array<i32>} : memref<128xi32, #tpu.memory_space<vmem>>, vector<16xi32>,
        %swap3A_164 = vector.shape_cast %swap3A_163 : vector<16xi32> to vector<16xi32>
        %swap3A_165 = vector.shape_cast %select_n3A_161 : vector<16xi32> to vector<16xi32>
        tpu.vector_store %arg8[%swap3A_162], %swap3A_165 {strides = array<i32>} : memref<128xi32, #tpu.memory_space<vmem>>, vector<16xi32>,
        %dma_start3A = arith.constant 0 : i32
        %dma_start3A_166 = arith.constant 0 : i32
        %dma_start3A_167 = tpu.memref_slice %arg4[%dma_start3A, %dma_start3A_166] : memref<50176x64xf32, #tpu.memory_space<hbm>> -> memref<50176x64xf32, #tpu.memory_space<hbm>>
        tpu.enqueue_indirect_dma source(%dma_start3A_167 : memref<50176x64xf32, #tpu.memory_space<hbm>>) target(%arg9 : memref<128x64xf32, #tpu.memory_space<vmem>>) offsets(%arg6 : memref<128xi32, #tpu.memory_space<vmem>>) semaphore(%arg11 : memref<!tpu.dma_semaphore, #tpu.memory_space<semaphore_mem>>)
        %dma_wait3A = arith.constant 0 : i32
        %dma_wait3A_168 = arith.constant 0 : i32
        %dma_wait3A_169 = tpu.memref_slice %arg4[%dma_wait3A, %dma_wait3A_168] : memref<50176x64xf32, #tpu.memory_space<hbm>> -> memref<50176x64xf32, #tpu.memory_space<hbm>>
        tpu.wait_indirect_dma semaphore(%arg11 : memref<!tpu.dma_semaphore, #tpu.memory_space<semaphore_mem>>) src(%dma_wait3A_169 : memref<50176x64xf32, #tpu.memory_space<hbm>>) dst(%arg9 : memref<128x64xf32, #tpu.memory_space<vmem>>)
        "tpu.region"() ({
          %run_scoped3A = tpu.sem_alloc : memref<!tpu.dma_semaphore, #tpu.memory_space<semaphore_mem>>
          %dma_start3A_170 = arith.constant 0 : i32
          %dma_start3A_171 = arith.constant 0 : i32
          %dma_start3A_172 = tpu.memref_slice %arg10[%dma_start3A_170, %dma_start3A_171] : memref<5136x64xf32, #tpu.memory_space<vmem_shared>> -> memref<5136x64xf32, #tpu.memory_space<vmem_shared>>
          tpu.enqueue_indirect_dma source(%arg9 : memref<128x64xf32, #tpu.memory_space<vmem>>) target(%dma_start3A_172 : memref<5136x64xf32, #tpu.memory_space<vmem_shared>>) offsets(%arg8 : memref<128xi32, #tpu.memory_space<vmem>>) semaphore(%run_scoped3A : memref<!tpu.dma_semaphore, #tpu.memory_space<semaphore_mem>>) {add = true}
          %dma_wait3A_173 = arith.constant 0 : i32
          %dma_wait3A_174 = arith.constant 0 : i32
          %dma_wait3A_175 = tpu.memref_slice %arg10[%dma_wait3A_173, %dma_wait3A_174] : memref<5136x64xf32, #tpu.memory_space<vmem_shared>> -> memref<5136x64xf32, #tpu.memory_space<vmem_shared>>
          tpu.wait_indirect_dma semaphore(%run_scoped3A : memref<!tpu.dma_semaphore, #tpu.memory_space<semaphore_mem>>) src(%arg9 : memref<128x64xf32, #tpu.memory_space<vmem>>) dst(%dma_wait3A_175 : memref<5136x64xf32, #tpu.memory_space<vmem_shared>>)
          tpu.yield
        }) : () -> ()
      } else {
      }
    }
    %scan3A_20 = arith.constant 391 : i32
    %barrier3A_21 = arith.constant 0 : index
    tpu.barrier barrier_id(%barrier3A_21)
    %mul3A_22 = arith.constant 320 : i32
    %mul3A_23 = arith.muli %arg1, %mul3A_22 : i32
    %mul3A_24 = arith.constant 5120 : i32
    %mul3A_25 = arith.muli %arg0, %mul3A_24 : i32
    %mul3A_26 = arith.constant 320 : i32
    %mul3A_27 = arith.muli %arg1, %mul3A_26 : i32
    %add3A_28 = arith.addi %mul3A_25, %mul3A_27 : i32
    "tpu.region"() ({
      %run_scoped3A = tpu.sem_alloc : memref<!tpu.dma_semaphore, #tpu.memory_space<semaphore_mem>>
      %dma_start3A = arith.constant 0 : i32
      %dma_start3A_29 = tpu.memref_slice %arg5[%add3A_28, %dma_start3A] : memref<10240x64xf32, #tpu.memory_space<hbm>> -> memref<320x64xf32, #tpu.memory_space<hbm>>
      %dma_start3A_30 = arith.constant 0 : i32
      %dma_start3A_31 = tpu.memref_slice %arg10[%mul3A_23, %dma_start3A_30] : memref<5136x64xf32, #tpu.memory_space<vmem_shared>> -> memref<320x64xf32, #tpu.memory_space<vmem_shared>>
      tpu.enqueue_dma source(%dma_start3A_31 : memref<320x64xf32, #tpu.memory_space<vmem_shared>>) target(%dma_start3A_29 : memref<320x64xf32, #tpu.memory_space<hbm>>) target_semaphore(%run_scoped3A : memref<!tpu.dma_semaphore, #tpu.memory_space<semaphore_mem>>)
      %dma_wait3A = arith.constant 0 : i32
      %dma_wait3A_32 = tpu.memref_slice %arg5[%add3A_28, %dma_wait3A] : memref<10240x64xf32, #tpu.memory_space<hbm>> -> memref<320x64xf32, #tpu.memory_space<hbm>>
      %dma_wait3A_33 = arith.constant 0 : i32
      %dma_wait3A_34 = tpu.memref_slice %arg10[%mul3A_23, %dma_wait3A_33] : memref<5136x64xf32, #tpu.memory_space<vmem_shared>> -> memref<320x64xf32, #tpu.memory_space<vmem_shared>>
      tpu.wait_dma2 semaphore(%run_scoped3A : memref<!tpu.dma_semaphore, #tpu.memory_space<semaphore_mem>>) src(%dma_wait3A_34 : memref<320x64xf32, #tpu.memory_space<vmem_shared>>) dst(%dma_wait3A_32 : memref<320x64xf32, #tpu.memory_space<hbm>>)
      tpu.yield
    }) : () -> ()
    return
  }
}

#map = affine_map<(d0, d1) -> (0)>
#map1 = affine_map<(d0, d1) -> (0, 0)>
module attributes {stable_mosaic.version = 14 : i64} {
  func.func @seg(%arg0: i32, %arg1: i32, %arg2: memref<800000xi32, #tpu.memory_space<hbm>>, %arg3: memref<800000xi32, #tpu.memory_space<hbm>>, %arg4: memref<10240x64xf32, #tpu.memory_space<hbm>>, %arg5: memref<50176x64xf32, #tpu.memory_space<hbm>>, %arg6: memref<128xi32, #tpu.memory_space<vmem>>, %arg7: memref<128xi32, #tpu.memory_space<vmem>>, %arg8: memref<128xi32, #tpu.memory_space<vmem>>, %arg9: memref<128x64xf32, #tpu.memory_space<vmem>>, %arg10: memref<25104x64xf32, #tpu.memory_space<vmem_shared>>, %arg11: memref<!tpu.dma_semaphore, #tpu.memory_space<semaphore_mem>>) attributes {dimension_semantics = [#tpu.dimension_semantics<core_parallel>, #tpu.dimension_semantics<subcore_parallel>], iteration_bounds = array<i64: 2, 16>, scalar_prefetch = 0 : i64, scratch_operands = 6 : i64, tpu.core_type = #tpu.core_type<sc_vector_subcore>, window_params = [{transform_indices = #map}, {transform_indices = #map}, {transform_indices = #map1}, {transform_indices = #map1}]} {
    %mul3A = arith.constant 25088 : i32
    %mul3A_0 = arith.muli %arg0, %mul3A : i32
    %add3A = arith.constant 25088 : i32
    %add3A_1 = arith.addi %mul3A_0, %add3A : i32
    %min3A = arith.constant 50000 : i32
    %min3A_2 = arith.minsi %min3A, %add3A_1 : i32
    %broadcast_in_dim3A = arith.constant 0.000000e+00 : f32
    %broadcast_in_dim3A_3 = vector.broadcast %broadcast_in_dim3A : f32 to vector<16xf32>
    %scan3A = arith.constant 0 : i32
    %scan3A_4 = arith.constant 0 : i32
    %scan3A_5 = arith.constant 112 : i32
    %scan3A_6 = arith.addi %scan3A_4, %scan3A_5 : i32
    %scan3A_7 = arith.constant 1 : i32
    scf.for %scan3A_29 = %scan3A_4 to %scan3A_6 step %scan3A_7  : i32 {
      %swap3A = arith.index_cast %scan3A_29 : i32 to index
      %swap3A_30 = arith.constant 0 : index
      %swap3A_31 = tpu.vector_load %arg9[%swap3A, %swap3A_30] {strides = array<i32>} : memref<128x64xf32, #tpu.memory_space<vmem>>, vector<1x16xf32>,
      %swap3A_32 = vector.shape_cast %swap3A_31 : vector<1x16xf32> to vector<16xf32>
      %swap3A_33 = vector.shape_cast %broadcast_in_dim3A_3 : vector<16xf32> to vector<1x16xf32>
      tpu.vector_store %arg9[%swap3A, %swap3A_30], %swap3A_33 {strides = array<i32>} : memref<128x64xf32, #tpu.memory_space<vmem>>, vector<1x16xf32>,
      %swap3A_34 = arith.index_cast %scan3A_29 : i32 to index
      %swap3A_35 = arith.constant 16 : index
      %swap3A_36 = tpu.vector_load %arg9[%swap3A_34, %swap3A_35] {strides = array<i32>} : memref<128x64xf32, #tpu.memory_space<vmem>>, vector<1x16xf32>,
      %swap3A_37 = vector.shape_cast %swap3A_36 : vector<1x16xf32> to vector<16xf32>
      %swap3A_38 = vector.shape_cast %broadcast_in_dim3A_3 : vector<16xf32> to vector<1x16xf32>
      tpu.vector_store %arg9[%swap3A_34, %swap3A_35], %swap3A_38 {strides = array<i32>} : memref<128x64xf32, #tpu.memory_space<vmem>>, vector<1x16xf32>,
      %swap3A_39 = arith.index_cast %scan3A_29 : i32 to index
      %swap3A_40 = arith.constant 32 : index
      %swap3A_41 = tpu.vector_load %arg9[%swap3A_39, %swap3A_40] {strides = array<i32>} : memref<128x64xf32, #tpu.memory_space<vmem>>, vector<1x16xf32>,
      %swap3A_42 = vector.shape_cast %swap3A_41 : vector<1x16xf32> to vector<16xf32>
      %swap3A_43 = vector.shape_cast %broadcast_in_dim3A_3 : vector<16xf32> to vector<1x16xf32>
      tpu.vector_store %arg9[%swap3A_39, %swap3A_40], %swap3A_43 {strides = array<i32>} : memref<128x64xf32, #tpu.memory_space<vmem>>, vector<1x16xf32>,
      %swap3A_44 = arith.index_cast %scan3A_29 : i32 to index
      %swap3A_45 = arith.constant 48 : index
      %swap3A_46 = tpu.vector_load %arg9[%swap3A_44, %swap3A_45] {strides = array<i32>} : memref<128x64xf32, #tpu.memory_space<vmem>>, vector<1x16xf32>,
      %swap3A_47 = vector.shape_cast %swap3A_46 : vector<1x16xf32> to vector<16xf32>
      %swap3A_48 = vector.shape_cast %broadcast_in_dim3A_3 : vector<16xf32> to vector<1x16xf32>
      tpu.vector_store %arg9[%swap3A_44, %swap3A_45], %swap3A_48 {strides = array<i32>} : memref<128x64xf32, #tpu.memory_space<vmem>>, vector<1x16xf32>,
    }
    %scan3A_8 = arith.constant 112 : i32
    %scan3A_9 = arith.constant 0 : i32
    %scan3A_10 = arith.constant 0 : i32
    %scan3A_11 = arith.constant 14 : i32
    %scan3A_12 = arith.addi %scan3A_10, %scan3A_11 : i32
    %scan3A_13 = arith.constant 1 : i32
    scf.for %scan3A_29 = %scan3A_10 to %scan3A_12 step %scan3A_13  : i32 {
      %mul3A_30 = arith.constant 1568 : i32
      %mul3A_31 = arith.muli %arg1, %mul3A_30 : i32
      %mul3A_32 = arith.constant 112 : i32
      %mul3A_33 = arith.muli %scan3A_29, %mul3A_32 : i32
      %add3A_34 = arith.addi %mul3A_31, %mul3A_33 : i32
      "tpu.region"() ({
        %run_scoped3A = tpu.sem_alloc : memref<!tpu.dma_semaphore, #tpu.memory_space<semaphore_mem>>
        %dma_start3A = arith.constant 0 : i32
        %dma_start3A_35 = arith.constant 0 : i32
        %dma_start3A_36 = tpu.memref_slice %arg9[%dma_start3A, %dma_start3A_35] : memref<128x64xf32, #tpu.memory_space<vmem>> -> memref<112x64xf32, #tpu.memory_space<vmem>>
        %dma_start3A_37 = arith.constant 0 : i32
        %dma_start3A_38 = tpu.memref_slice %arg10[%add3A_34, %dma_start3A_37] : memref<25104x64xf32, #tpu.memory_space<vmem_shared>> -> memref<112x64xf32, #tpu.memory_space<vmem_shared>>
        %dma_start3A_39 = arith.constant 0 : i32
        %dma_start3A_40 = tpu.memref_slice %arg10[%add3A_34, %dma_start3A_39] : memref<25104x64xf32, #tpu.memory_space<vmem_shared>> -> memref<112x64xf32, #tpu.memory_space<vmem_shared>>
        %dma_start3A_41 = arith.constant 0 : i32
        %dma_start3A_42 = arith.constant 0 : i32
        %dma_start3A_43 = tpu.memref_slice %arg9[%dma_start3A_41, %dma_start3A_42] : memref<128x64xf32, #tpu.memory_space<vmem>> -> memref<112x64xf32, #tpu.memory_space<vmem>>
        tpu.enqueue_dma source(%dma_start3A_43 : memref<112x64xf32, #tpu.memory_space<vmem>>) target(%dma_start3A_40 : memref<112x64xf32, #tpu.memory_space<vmem_shared>>) target_semaphore(%run_scoped3A : memref<!tpu.dma_semaphore, #tpu.memory_space<semaphore_mem>>)
        %dma_wait3A = arith.constant 0 : i32
        %dma_wait3A_44 = arith.constant 0 : i32
        %dma_wait3A_45 = tpu.memref_slice %arg9[%dma_wait3A, %dma_wait3A_44] : memref<128x64xf32, #tpu.memory_space<vmem>> -> memref<112x64xf32, #tpu.memory_space<vmem>>
        %dma_wait3A_46 = arith.constant 0 : i32
        %dma_wait3A_47 = tpu.memref_slice %arg10[%add3A_34, %dma_wait3A_46] : memref<25104x64xf32, #tpu.memory_space<vmem_shared>> -> memref<112x64xf32, #tpu.memory_space<vmem_shared>>
        %dma_wait3A_48 = arith.constant 0 : i32
        %dma_wait3A_49 = tpu.memref_slice %arg10[%add3A_34, %dma_wait3A_48] : memref<25104x64xf32, #tpu.memory_space<vmem_shared>> -> memref<112x64xf32, #tpu.memory_space<vmem_shared>>
        %dma_wait3A_50 = arith.constant 0 : i32
        %dma_wait3A_51 = arith.constant 0 : i32
        %dma_wait3A_52 = tpu.memref_slice %arg9[%dma_wait3A_50, %dma_wait3A_51] : memref<128x64xf32, #tpu.memory_space<vmem>> -> memref<112x64xf32, #tpu.memory_space<vmem>>
        tpu.wait_dma2 semaphore(%run_scoped3A : memref<!tpu.dma_semaphore, #tpu.memory_space<semaphore_mem>>) src(%dma_wait3A_52 : memref<112x64xf32, #tpu.memory_space<vmem>>) dst(%dma_wait3A_49 : memref<112x64xf32, #tpu.memory_space<vmem_shared>>)
        tpu.yield
      }) : () -> ()
    }
    %scan3A_14 = arith.constant 14 : i32
    %barrier3A = arith.constant 0 : index
    tpu.barrier barrier_id(%barrier3A)
    %scan3A_15 = arith.constant 0 : i32
    %scan3A_16 = arith.constant 0 : i32
    %scan3A_17 = arith.constant 391 : i32
    %scan3A_18 = arith.addi %scan3A_16, %scan3A_17 : i32
    %scan3A_19 = arith.constant 1 : i32
    scf.for %scan3A_29 = %scan3A_16 to %scan3A_18 step %scan3A_19  : i32 {
      %mul3A_30 = arith.constant 16 : i32
      %mul3A_31 = arith.muli %scan3A_29, %mul3A_30 : i32
      %add3A_32 = arith.addi %mul3A_31, %arg1 : i32
      %lt3A = arith.constant 6250 : i32
      %lt3A_33 = arith.cmpi slt, %add3A_32, %lt3A : i32
      %convert_element_type3A = arith.extui %lt3A_33 : i1 to i32
      %cond3A = arith.constant 0 : i32
      %cond3A_34 = arith.cmpi ne, %convert_element_type3A, %cond3A : i32
      scf.if %cond3A_34 {
        %mul3A_35 = arith.constant 128 : i32
        %mul3A_36 = arith.muli %add3A_32, %mul3A_35 : i32
        "tpu.region"() ({
          %run_scoped3A = tpu.sem_alloc : memref<!tpu.dma_semaphore, #tpu.memory_space<semaphore_mem>>
          %dma_start3A_170 = tpu.memref_slice %arg2[%mul3A_36] : memref<800000xi32, #tpu.memory_space<hbm>> -> memref<128xi32, #tpu.memory_space<hbm>>
          %dma_start3A_171 = tpu.memref_slice %arg2[%mul3A_36] : memref<800000xi32, #tpu.memory_space<hbm>> -> memref<128xi32, #tpu.memory_space<hbm>>
          tpu.enqueue_dma source(%dma_start3A_171 : memref<128xi32, #tpu.memory_space<hbm>>) target(%arg6 : memref<128xi32, #tpu.memory_space<vmem>>) target_semaphore(%run_scoped3A : memref<!tpu.dma_semaphore, #tpu.memory_space<semaphore_mem>>)
          %dma_wait3A_172 = tpu.memref_slice %arg2[%mul3A_36] : memref<800000xi32, #tpu.memory_space<hbm>> -> memref<128xi32, #tpu.memory_space<hbm>>
          %dma_wait3A_173 = tpu.memref_slice %arg2[%mul3A_36] : memref<800000xi32, #tpu.memory_space<hbm>> -> memref<128xi32, #tpu.memory_space<hbm>>
          tpu.wait_dma2 semaphore(%run_scoped3A : memref<!tpu.dma_semaphore, #tpu.memory_space<semaphore_mem>>) src(%dma_wait3A_173 : memref<128xi32, #tpu.memory_space<hbm>>) dst(%arg6 : memref<128xi32, #tpu.memory_space<vmem>>)
          tpu.yield
        }) : () -> ()
        "tpu.region"() ({
          %run_scoped3A = tpu.sem_alloc : memref<!tpu.dma_semaphore, #tpu.memory_space<semaphore_mem>>
          %dma_start3A_170 = tpu.memref_slice %arg3[%mul3A_36] : memref<800000xi32, #tpu.memory_space<hbm>> -> memref<128xi32, #tpu.memory_space<hbm>>
          %dma_start3A_171 = tpu.memref_slice %arg3[%mul3A_36] : memref<800000xi32, #tpu.memory_space<hbm>> -> memref<128xi32, #tpu.memory_space<hbm>>
          tpu.enqueue_dma source(%dma_start3A_171 : memref<128xi32, #tpu.memory_space<hbm>>) target(%arg7 : memref<128xi32, #tpu.memory_space<vmem>>) target_semaphore(%run_scoped3A : memref<!tpu.dma_semaphore, #tpu.memory_space<semaphore_mem>>)
          %dma_wait3A_172 = tpu.memref_slice %arg3[%mul3A_36] : memref<800000xi32, #tpu.memory_space<hbm>> -> memref<128xi32, #tpu.memory_space<hbm>>
          %dma_wait3A_173 = tpu.memref_slice %arg3[%mul3A_36] : memref<800000xi32, #tpu.memory_space<hbm>> -> memref<128xi32, #tpu.memory_space<hbm>>
          tpu.wait_dma2 semaphore(%run_scoped3A : memref<!tpu.dma_semaphore, #tpu.memory_space<semaphore_mem>>) src(%dma_wait3A_173 : memref<128xi32, #tpu.memory_space<hbm>>) dst(%arg7 : memref<128xi32, #tpu.memory_space<vmem>>)
          tpu.yield
        }) : () -> ()
        %get3A = arith.constant 0 : index
        %get3A_37 = tpu.vector_load %arg7[%get3A] {strides = array<i32>} : memref<128xi32, #tpu.memory_space<vmem>>, vector<16xi32>,
        %get3A_38 = vector.shape_cast %get3A_37 : vector<16xi32> to vector<16xi32>
        %ge3A = vector.broadcast %mul3A_0 : i32 to vector<16xi32>
        %ge3A_39 = arith.cmpi sge, %get3A_38, %ge3A : vector<16xi32>
        %lt3A_40 = vector.broadcast %min3A_2 : i32 to vector<16xi32>
        %lt3A_41 = arith.cmpi slt, %get3A_38, %lt3A_40 : vector<16xi32>
        %and3A = arith.andi %ge3A_39, %lt3A_41 : vector<16xi1>
        %sub3A = vector.broadcast %mul3A_0 : i32 to vector<16xi32>
        %sub3A_42 = arith.subi %get3A_38, %sub3A : vector<16xi32>
        %jit3A = arith.constant 25088 : i32
        %broadcast_in_dim3A_43 = vector.broadcast %jit3A : i32 to vector<16xi32>
        %select_n3A = arith.select %and3A, %sub3A_42, %broadcast_in_dim3A_43 : vector<16xi1>, vector<16xi32>
        %swap3A = arith.constant 0 : index
        %swap3A_44 = tpu.vector_load %arg8[%swap3A] {strides = array<i32>} : memref<128xi32, #tpu.memory_space<vmem>>, vector<16xi32>,
        %swap3A_45 = vector.shape_cast %swap3A_44 : vector<16xi32> to vector<16xi32>
        %swap3A_46 = vector.shape_cast %select_n3A : vector<16xi32> to vector<16xi32>
        tpu.vector_store %arg8[%swap3A], %swap3A_46 {strides = array<i32>} : memref<128xi32, #tpu.memory_space<vmem>>, vector<16xi32>,
        %get3A_47 = arith.constant 16 : index
        %get3A_48 = tpu.vector_load %arg7[%get3A_47] {strides = array<i32>} : memref<128xi32, #tpu.memory_space<vmem>>, vector<16xi32>,
        %get3A_49 = vector.shape_cast %get3A_48 : vector<16xi32> to vector<16xi32>
        %ge3A_50 = vector.broadcast %mul3A_0 : i32 to vector<16xi32>
        %ge3A_51 = arith.cmpi sge, %get3A_49, %ge3A_50 : vector<16xi32>
        %lt3A_52 = vector.broadcast %min3A_2 : i32 to vector<16xi32>
        %lt3A_53 = arith.cmpi slt, %get3A_49, %lt3A_52 : vector<16xi32>
        %and3A_54 = arith.andi %ge3A_51, %lt3A_53 : vector<16xi1>
        %sub3A_55 = vector.broadcast %mul3A_0 : i32 to vector<16xi32>
        %sub3A_56 = arith.subi %get3A_49, %sub3A_55 : vector<16xi32>
        %jit3A_57 = arith.constant 25088 : i32
        %broadcast_in_dim3A_58 = vector.broadcast %jit3A_57 : i32 to vector<16xi32>
        %select_n3A_59 = arith.select %and3A_54, %sub3A_56, %broadcast_in_dim3A_58 : vector<16xi1>, vector<16xi32>
        %swap3A_60 = arith.constant 16 : index
        %swap3A_61 = tpu.vector_load %arg8[%swap3A_60] {strides = array<i32>} : memref<128xi32, #tpu.memory_space<vmem>>, vector<16xi32>,
        %swap3A_62 = vector.shape_cast %swap3A_61 : vector<16xi32> to vector<16xi32>
        %swap3A_63 = vector.shape_cast %select_n3A_59 : vector<16xi32> to vector<16xi32>
        tpu.vector_store %arg8[%swap3A_60], %swap3A_63 {strides = array<i32>} : memref<128xi32, #tpu.memory_space<vmem>>, vector<16xi32>,
        %get3A_64 = arith.constant 32 : index
        %get3A_65 = tpu.vector_load %arg7[%get3A_64] {strides = array<i32>} : memref<128xi32, #tpu.memory_space<vmem>>, vector<16xi32>,
        %get3A_66 = vector.shape_cast %get3A_65 : vector<16xi32> to vector<16xi32>
        %ge3A_67 = vector.broadcast %mul3A_0 : i32 to vector<16xi32>
        %ge3A_68 = arith.cmpi sge, %get3A_66, %ge3A_67 : vector<16xi32>
        %lt3A_69 = vector.broadcast %min3A_2 : i32 to vector<16xi32>
        %lt3A_70 = arith.cmpi slt, %get3A_66, %lt3A_69 : vector<16xi32>
        %and3A_71 = arith.andi %ge3A_68, %lt3A_70 : vector<16xi1>
        %sub3A_72 = vector.broadcast %mul3A_0 : i32 to vector<16xi32>
        %sub3A_73 = arith.subi %get3A_66, %sub3A_72 : vector<16xi32>
        %jit3A_74 = arith.constant 25088 : i32
        %broadcast_in_dim3A_75 = vector.broadcast %jit3A_74 : i32 to vector<16xi32>
        %select_n3A_76 = arith.select %and3A_71, %sub3A_73, %broadcast_in_dim3A_75 : vector<16xi1>, vector<16xi32>
        %swap3A_77 = arith.constant 32 : index
        %swap3A_78 = tpu.vector_load %arg8[%swap3A_77] {strides = array<i32>} : memref<128xi32, #tpu.memory_space<vmem>>, vector<16xi32>,
        %swap3A_79 = vector.shape_cast %swap3A_78 : vector<16xi32> to vector<16xi32>
        %swap3A_80 = vector.shape_cast %select_n3A_76 : vector<16xi32> to vector<16xi32>
        tpu.vector_store %arg8[%swap3A_77], %swap3A_80 {strides = array<i32>} : memref<128xi32, #tpu.memory_space<vmem>>, vector<16xi32>,
        %get3A_81 = arith.constant 48 : index
        %get3A_82 = tpu.vector_load %arg7[%get3A_81] {strides = array<i32>} : memref<128xi32, #tpu.memory_space<vmem>>, vector<16xi32>,
        %get3A_83 = vector.shape_cast %get3A_82 : vector<16xi32> to vector<16xi32>
        %ge3A_84 = vector.broadcast %mul3A_0 : i32 to vector<16xi32>
        %ge3A_85 = arith.cmpi sge, %get3A_83, %ge3A_84 : vector<16xi32>
        %lt3A_86 = vector.broadcast %min3A_2 : i32 to vector<16xi32>
        %lt3A_87 = arith.cmpi slt, %get3A_83, %lt3A_86 : vector<16xi32>
        %and3A_88 = arith.andi %ge3A_85, %lt3A_87 : vector<16xi1>
        %sub3A_89 = vector.broadcast %mul3A_0 : i32 to vector<16xi32>
        %sub3A_90 = arith.subi %get3A_83, %sub3A_89 : vector<16xi32>
        %jit3A_91 = arith.constant 25088 : i32
        %broadcast_in_dim3A_92 = vector.broadcast %jit3A_91 : i32 to vector<16xi32>
        %select_n3A_93 = arith.select %and3A_88, %sub3A_90, %broadcast_in_dim3A_92 : vector<16xi1>, vector<16xi32>
        %swap3A_94 = arith.constant 48 : index
        %swap3A_95 = tpu.vector_load %arg8[%swap3A_94] {strides = array<i32>} : memref<128xi32, #tpu.memory_space<vmem>>, vector<16xi32>,
        %swap3A_96 = vector.shape_cast %swap3A_95 : vector<16xi32> to vector<16xi32>
        %swap3A_97 = vector.shape_cast %select_n3A_93 : vector<16xi32> to vector<16xi32>
        tpu.vector_store %arg8[%swap3A_94], %swap3A_97 {strides = array<i32>} : memref<128xi32, #tpu.memory_space<vmem>>, vector<16xi32>,
        %get3A_98 = arith.constant 64 : index
        %get3A_99 = tpu.vector_load %arg7[%get3A_98] {strides = array<i32>} : memref<128xi32, #tpu.memory_space<vmem>>, vector<16xi32>,
        %get3A_100 = vector.shape_cast %get3A_99 : vector<16xi32> to vector<16xi32>
        %ge3A_101 = vector.broadcast %mul3A_0 : i32 to vector<16xi32>
        %ge3A_102 = arith.cmpi sge, %get3A_100, %ge3A_101 : vector<16xi32>
        %lt3A_103 = vector.broadcast %min3A_2 : i32 to vector<16xi32>
        %lt3A_104 = arith.cmpi slt, %get3A_100, %lt3A_103 : vector<16xi32>
        %and3A_105 = arith.andi %ge3A_102, %lt3A_104 : vector<16xi1>
        %sub3A_106 = vector.broadcast %mul3A_0 : i32 to vector<16xi32>
        %sub3A_107 = arith.subi %get3A_100, %sub3A_106 : vector<16xi32>
        %jit3A_108 = arith.constant 25088 : i32
        %broadcast_in_dim3A_109 = vector.broadcast %jit3A_108 : i32 to vector<16xi32>
        %select_n3A_110 = arith.select %and3A_105, %sub3A_107, %broadcast_in_dim3A_109 : vector<16xi1>, vector<16xi32>
        %swap3A_111 = arith.constant 64 : index
        %swap3A_112 = tpu.vector_load %arg8[%swap3A_111] {strides = array<i32>} : memref<128xi32, #tpu.memory_space<vmem>>, vector<16xi32>,
        %swap3A_113 = vector.shape_cast %swap3A_112 : vector<16xi32> to vector<16xi32>
        %swap3A_114 = vector.shape_cast %select_n3A_110 : vector<16xi32> to vector<16xi32>
        tpu.vector_store %arg8[%swap3A_111], %swap3A_114 {strides = array<i32>} : memref<128xi32, #tpu.memory_space<vmem>>, vector<16xi32>,
        %get3A_115 = arith.constant 80 : index
        %get3A_116 = tpu.vector_load %arg7[%get3A_115] {strides = array<i32>} : memref<128xi32, #tpu.memory_space<vmem>>, vector<16xi32>,
        %get3A_117 = vector.shape_cast %get3A_116 : vector<16xi32> to vector<16xi32>
        %ge3A_118 = vector.broadcast %mul3A_0 : i32 to vector<16xi32>
        %ge3A_119 = arith.cmpi sge, %get3A_117, %ge3A_118 : vector<16xi32>
        %lt3A_120 = vector.broadcast %min3A_2 : i32 to vector<16xi32>
        %lt3A_121 = arith.cmpi slt, %get3A_117, %lt3A_120 : vector<16xi32>
        %and3A_122 = arith.andi %ge3A_119, %lt3A_121 : vector<16xi1>
        %sub3A_123 = vector.broadcast %mul3A_0 : i32 to vector<16xi32>
        %sub3A_124 = arith.subi %get3A_117, %sub3A_123 : vector<16xi32>
        %jit3A_125 = arith.constant 25088 : i32
        %broadcast_in_dim3A_126 = vector.broadcast %jit3A_125 : i32 to vector<16xi32>
        %select_n3A_127 = arith.select %and3A_122, %sub3A_124, %broadcast_in_dim3A_126 : vector<16xi1>, vector<16xi32>
        %swap3A_128 = arith.constant 80 : index
        %swap3A_129 = tpu.vector_load %arg8[%swap3A_128] {strides = array<i32>} : memref<128xi32, #tpu.memory_space<vmem>>, vector<16xi32>,
        %swap3A_130 = vector.shape_cast %swap3A_129 : vector<16xi32> to vector<16xi32>
        %swap3A_131 = vector.shape_cast %select_n3A_127 : vector<16xi32> to vector<16xi32>
        tpu.vector_store %arg8[%swap3A_128], %swap3A_131 {strides = array<i32>} : memref<128xi32, #tpu.memory_space<vmem>>, vector<16xi32>,
        %get3A_132 = arith.constant 96 : index
        %get3A_133 = tpu.vector_load %arg7[%get3A_132] {strides = array<i32>} : memref<128xi32, #tpu.memory_space<vmem>>, vector<16xi32>,
        %get3A_134 = vector.shape_cast %get3A_133 : vector<16xi32> to vector<16xi32>
        %ge3A_135 = vector.broadcast %mul3A_0 : i32 to vector<16xi32>
        %ge3A_136 = arith.cmpi sge, %get3A_134, %ge3A_135 : vector<16xi32>
        %lt3A_137 = vector.broadcast %min3A_2 : i32 to vector<16xi32>
        %lt3A_138 = arith.cmpi slt, %get3A_134, %lt3A_137 : vector<16xi32>
        %and3A_139 = arith.andi %ge3A_136, %lt3A_138 : vector<16xi1>
        %sub3A_140 = vector.broadcast %mul3A_0 : i32 to vector<16xi32>
        %sub3A_141 = arith.subi %get3A_134, %sub3A_140 : vector<16xi32>
        %jit3A_142 = arith.constant 25088 : i32
        %broadcast_in_dim3A_143 = vector.broadcast %jit3A_142 : i32 to vector<16xi32>
        %select_n3A_144 = arith.select %and3A_139, %sub3A_141, %broadcast_in_dim3A_143 : vector<16xi1>, vector<16xi32>
        %swap3A_145 = arith.constant 96 : index
        %swap3A_146 = tpu.vector_load %arg8[%swap3A_145] {strides = array<i32>} : memref<128xi32, #tpu.memory_space<vmem>>, vector<16xi32>,
        %swap3A_147 = vector.shape_cast %swap3A_146 : vector<16xi32> to vector<16xi32>
        %swap3A_148 = vector.shape_cast %select_n3A_144 : vector<16xi32> to vector<16xi32>
        tpu.vector_store %arg8[%swap3A_145], %swap3A_148 {strides = array<i32>} : memref<128xi32, #tpu.memory_space<vmem>>, vector<16xi32>,
        %get3A_149 = arith.constant 112 : index
        %get3A_150 = tpu.vector_load %arg7[%get3A_149] {strides = array<i32>} : memref<128xi32, #tpu.memory_space<vmem>>, vector<16xi32>,
        %get3A_151 = vector.shape_cast %get3A_150 : vector<16xi32> to vector<16xi32>
        %ge3A_152 = vector.broadcast %mul3A_0 : i32 to vector<16xi32>
        %ge3A_153 = arith.cmpi sge, %get3A_151, %ge3A_152 : vector<16xi32>
        %lt3A_154 = vector.broadcast %min3A_2 : i32 to vector<16xi32>
        %lt3A_155 = arith.cmpi slt, %get3A_151, %lt3A_154 : vector<16xi32>
        %and3A_156 = arith.andi %ge3A_153, %lt3A_155 : vector<16xi1>
        %sub3A_157 = vector.broadcast %mul3A_0 : i32 to vector<16xi32>
        %sub3A_158 = arith.subi %get3A_151, %sub3A_157 : vector<16xi32>
        %jit3A_159 = arith.constant 25088 : i32
        %broadcast_in_dim3A_160 = vector.broadcast %jit3A_159 : i32 to vector<16xi32>
        %select_n3A_161 = arith.select %and3A_156, %sub3A_158, %broadcast_in_dim3A_160 : vector<16xi1>, vector<16xi32>
        %swap3A_162 = arith.constant 112 : index
        %swap3A_163 = tpu.vector_load %arg8[%swap3A_162] {strides = array<i32>} : memref<128xi32, #tpu.memory_space<vmem>>, vector<16xi32>,
        %swap3A_164 = vector.shape_cast %swap3A_163 : vector<16xi32> to vector<16xi32>
        %swap3A_165 = vector.shape_cast %select_n3A_161 : vector<16xi32> to vector<16xi32>
        tpu.vector_store %arg8[%swap3A_162], %swap3A_165 {strides = array<i32>} : memref<128xi32, #tpu.memory_space<vmem>>, vector<16xi32>,
        %dma_start3A = arith.constant 0 : i32
        %dma_start3A_166 = arith.constant 0 : i32
        %dma_start3A_167 = tpu.memref_slice %arg4[%dma_start3A, %dma_start3A_166] : memref<10240x64xf32, #tpu.memory_space<hbm>> -> memref<10240x64xf32, #tpu.memory_space<hbm>>
        tpu.enqueue_indirect_dma source(%dma_start3A_167 : memref<10240x64xf32, #tpu.memory_space<hbm>>) target(%arg9 : memref<128x64xf32, #tpu.memory_space<vmem>>) offsets(%arg6 : memref<128xi32, #tpu.memory_space<vmem>>) semaphore(%arg11 : memref<!tpu.dma_semaphore, #tpu.memory_space<semaphore_mem>>)
        %dma_wait3A = arith.constant 0 : i32
        %dma_wait3A_168 = arith.constant 0 : i32
        %dma_wait3A_169 = tpu.memref_slice %arg4[%dma_wait3A, %dma_wait3A_168] : memref<10240x64xf32, #tpu.memory_space<hbm>> -> memref<10240x64xf32, #tpu.memory_space<hbm>>
        tpu.wait_indirect_dma semaphore(%arg11 : memref<!tpu.dma_semaphore, #tpu.memory_space<semaphore_mem>>) src(%dma_wait3A_169 : memref<10240x64xf32, #tpu.memory_space<hbm>>) dst(%arg9 : memref<128x64xf32, #tpu.memory_space<vmem>>)
        "tpu.region"() ({
          %run_scoped3A = tpu.sem_alloc : memref<!tpu.dma_semaphore, #tpu.memory_space<semaphore_mem>>
          %dma_start3A_170 = arith.constant 0 : i32
          %dma_start3A_171 = arith.constant 0 : i32
          %dma_start3A_172 = tpu.memref_slice %arg10[%dma_start3A_170, %dma_start3A_171] : memref<25104x64xf32, #tpu.memory_space<vmem_shared>> -> memref<25104x64xf32, #tpu.memory_space<vmem_shared>>
          tpu.enqueue_indirect_dma source(%arg9 : memref<128x64xf32, #tpu.memory_space<vmem>>) target(%dma_start3A_172 : memref<25104x64xf32, #tpu.memory_space<vmem_shared>>) offsets(%arg8 : memref<128xi32, #tpu.memory_space<vmem>>) semaphore(%run_scoped3A : memref<!tpu.dma_semaphore, #tpu.memory_space<semaphore_mem>>) {add = true}
          %dma_wait3A_173 = arith.constant 0 : i32
          %dma_wait3A_174 = arith.constant 0 : i32
          %dma_wait3A_175 = tpu.memref_slice %arg10[%dma_wait3A_173, %dma_wait3A_174] : memref<25104x64xf32, #tpu.memory_space<vmem_shared>> -> memref<25104x64xf32, #tpu.memory_space<vmem_shared>>
          tpu.wait_indirect_dma semaphore(%run_scoped3A : memref<!tpu.dma_semaphore, #tpu.memory_space<semaphore_mem>>) src(%arg9 : memref<128x64xf32, #tpu.memory_space<vmem>>) dst(%dma_wait3A_175 : memref<25104x64xf32, #tpu.memory_space<vmem_shared>>)
          tpu.yield
        }) : () -> ()
      } else {
      }
    }
    %scan3A_20 = arith.constant 391 : i32
    %barrier3A_21 = arith.constant 0 : index
    tpu.barrier barrier_id(%barrier3A_21)
    %mul3A_22 = arith.constant 1568 : i32
    %mul3A_23 = arith.muli %arg1, %mul3A_22 : i32
    %mul3A_24 = arith.constant 25088 : i32
    %mul3A_25 = arith.muli %arg0, %mul3A_24 : i32
    %mul3A_26 = arith.constant 1568 : i32
    %mul3A_27 = arith.muli %arg1, %mul3A_26 : i32
    %add3A_28 = arith.addi %mul3A_25, %mul3A_27 : i32
    "tpu.region"() ({
      %run_scoped3A = tpu.sem_alloc : memref<!tpu.dma_semaphore, #tpu.memory_space<semaphore_mem>>
      %dma_start3A = arith.constant 0 : i32
      %dma_start3A_29 = tpu.memref_slice %arg5[%add3A_28, %dma_start3A] : memref<50176x64xf32, #tpu.memory_space<hbm>> -> memref<1568x64xf32, #tpu.memory_space<hbm>>
      %dma_start3A_30 = arith.constant 0 : i32
      %dma_start3A_31 = tpu.memref_slice %arg10[%mul3A_23, %dma_start3A_30] : memref<25104x64xf32, #tpu.memory_space<vmem_shared>> -> memref<1568x64xf32, #tpu.memory_space<vmem_shared>>
      tpu.enqueue_dma source(%dma_start3A_31 : memref<1568x64xf32, #tpu.memory_space<vmem_shared>>) target(%dma_start3A_29 : memref<1568x64xf32, #tpu.memory_space<hbm>>) target_semaphore(%run_scoped3A : memref<!tpu.dma_semaphore, #tpu.memory_space<semaphore_mem>>)
      %dma_wait3A = arith.constant 0 : i32
      %dma_wait3A_32 = tpu.memref_slice %arg5[%add3A_28, %dma_wait3A] : memref<50176x64xf32, #tpu.memory_space<hbm>> -> memref<1568x64xf32, #tpu.memory_space<hbm>>
      %dma_wait3A_33 = arith.constant 0 : i32
      %dma_wait3A_34 = tpu.memref_slice %arg10[%mul3A_23, %dma_wait3A_33] : memref<25104x64xf32, #tpu.memory_space<vmem_shared>> -> memref<1568x64xf32, #tpu.memory_space<vmem_shared>>
      tpu.wait_dma2 semaphore(%run_scoped3A : memref<!tpu.dma_semaphore, #tpu.memory_space<semaphore_mem>>) src(%dma_wait3A_34 : memref<1568x64xf32, #tpu.memory_space<vmem_shared>>) dst(%dma_wait3A_32 : memref<1568x64xf32, #tpu.memory_space<hbm>>)
      tpu.yield
    }) : () -> ()
    return
  }
}

#map = affine_map<(d0, d1) -> (0)>
#map1 = affine_map<(d0, d1) -> (0, 0)>
module attributes {stable_mosaic.version = 14 : i64} {
  func.func @seg(%arg0: i32, %arg1: i32, %arg2: memref<800000xi32, #tpu.memory_space<hbm>>, %arg3: memref<800000xi32, #tpu.memory_space<hbm>>, %arg4: memref<50176x64xf32, #tpu.memory_space<hbm>>, %arg5: memref<10240x64xf32, #tpu.memory_space<hbm>>, %arg6: memref<128xi32, #tpu.memory_space<vmem>>, %arg7: memref<128xi32, #tpu.memory_space<vmem>>, %arg8: memref<128xi32, #tpu.memory_space<vmem>>, %arg9: memref<128x64xf32, #tpu.memory_space<vmem>>, %arg10: memref<5136x64xf32, #tpu.memory_space<vmem_shared>>, %arg11: memref<!tpu.dma_semaphore, #tpu.memory_space<semaphore_mem>>) attributes {dimension_semantics = [#tpu.dimension_semantics<core_parallel>, #tpu.dimension_semantics<subcore_parallel>], iteration_bounds = array<i64: 2, 16>, scalar_prefetch = 0 : i64, scratch_operands = 6 : i64, tpu.core_type = #tpu.core_type<sc_vector_subcore>, window_params = [{transform_indices = #map}, {transform_indices = #map}, {transform_indices = #map1}, {transform_indices = #map1}]} {
    %mul3A = arith.constant 5120 : i32
    %mul3A_0 = arith.muli %arg0, %mul3A : i32
    %add3A = arith.constant 5120 : i32
    %add3A_1 = arith.addi %mul3A_0, %add3A : i32
    %min3A = arith.constant 10000 : i32
    %min3A_2 = arith.minsi %min3A, %add3A_1 : i32
    %broadcast_in_dim3A = arith.constant 0.000000e+00 : f32
    %broadcast_in_dim3A_3 = vector.broadcast %broadcast_in_dim3A : f32 to vector<16xf32>
    %scan3A = arith.constant 0 : i32
    %scan3A_4 = arith.constant 0 : i32
    %scan3A_5 = arith.constant 80 : i32
    %scan3A_6 = arith.addi %scan3A_4, %scan3A_5 : i32
    %scan3A_7 = arith.constant 1 : i32
    scf.for %scan3A_29 = %scan3A_4 to %scan3A_6 step %scan3A_7  : i32 {
      %swap3A = arith.index_cast %scan3A_29 : i32 to index
      %swap3A_30 = arith.constant 0 : index
      %swap3A_31 = tpu.vector_load %arg9[%swap3A, %swap3A_30] {strides = array<i32>} : memref<128x64xf32, #tpu.memory_space<vmem>>, vector<1x16xf32>,
      %swap3A_32 = vector.shape_cast %swap3A_31 : vector<1x16xf32> to vector<16xf32>
      %swap3A_33 = vector.shape_cast %broadcast_in_dim3A_3 : vector<16xf32> to vector<1x16xf32>
      tpu.vector_store %arg9[%swap3A, %swap3A_30], %swap3A_33 {strides = array<i32>} : memref<128x64xf32, #tpu.memory_space<vmem>>, vector<1x16xf32>,
      %swap3A_34 = arith.index_cast %scan3A_29 : i32 to index
      %swap3A_35 = arith.constant 16 : index
      %swap3A_36 = tpu.vector_load %arg9[%swap3A_34, %swap3A_35] {strides = array<i32>} : memref<128x64xf32, #tpu.memory_space<vmem>>, vector<1x16xf32>,
      %swap3A_37 = vector.shape_cast %swap3A_36 : vector<1x16xf32> to vector<16xf32>
      %swap3A_38 = vector.shape_cast %broadcast_in_dim3A_3 : vector<16xf32> to vector<1x16xf32>
      tpu.vector_store %arg9[%swap3A_34, %swap3A_35], %swap3A_38 {strides = array<i32>} : memref<128x64xf32, #tpu.memory_space<vmem>>, vector<1x16xf32>,
      %swap3A_39 = arith.index_cast %scan3A_29 : i32 to index
      %swap3A_40 = arith.constant 32 : index
      %swap3A_41 = tpu.vector_load %arg9[%swap3A_39, %swap3A_40] {strides = array<i32>} : memref<128x64xf32, #tpu.memory_space<vmem>>, vector<1x16xf32>,
      %swap3A_42 = vector.shape_cast %swap3A_41 : vector<1x16xf32> to vector<16xf32>
      %swap3A_43 = vector.shape_cast %broadcast_in_dim3A_3 : vector<16xf32> to vector<1x16xf32>
      tpu.vector_store %arg9[%swap3A_39, %swap3A_40], %swap3A_43 {strides = array<i32>} : memref<128x64xf32, #tpu.memory_space<vmem>>, vector<1x16xf32>,
      %swap3A_44 = arith.index_cast %scan3A_29 : i32 to index
      %swap3A_45 = arith.constant 48 : index
      %swap3A_46 = tpu.vector_load %arg9[%swap3A_44, %swap3A_45] {strides = array<i32>} : memref<128x64xf32, #tpu.memory_space<vmem>>, vector<1x16xf32>,
      %swap3A_47 = vector.shape_cast %swap3A_46 : vector<1x16xf32> to vector<16xf32>
      %swap3A_48 = vector.shape_cast %broadcast_in_dim3A_3 : vector<16xf32> to vector<1x16xf32>
      tpu.vector_store %arg9[%swap3A_44, %swap3A_45], %swap3A_48 {strides = array<i32>} : memref<128x64xf32, #tpu.memory_space<vmem>>, vector<1x16xf32>,
    }
    %scan3A_8 = arith.constant 80 : i32
    %scan3A_9 = arith.constant 0 : i32
    %scan3A_10 = arith.constant 0 : i32
    %scan3A_11 = arith.constant 4 : i32
    %scan3A_12 = arith.addi %scan3A_10, %scan3A_11 : i32
    %scan3A_13 = arith.constant 1 : i32
    scf.for %scan3A_29 = %scan3A_10 to %scan3A_12 step %scan3A_13  : i32 {
      %mul3A_30 = arith.constant 320 : i32
      %mul3A_31 = arith.muli %arg1, %mul3A_30 : i32
      %mul3A_32 = arith.constant 80 : i32
      %mul3A_33 = arith.muli %scan3A_29, %mul3A_32 : i32
      %add3A_34 = arith.addi %mul3A_31, %mul3A_33 : i32
      "tpu.region"() ({
        %run_scoped3A = tpu.sem_alloc : memref<!tpu.dma_semaphore, #tpu.memory_space<semaphore_mem>>
        %dma_start3A = arith.constant 0 : i32
        %dma_start3A_35 = arith.constant 0 : i32
        %dma_start3A_36 = tpu.memref_slice %arg9[%dma_start3A, %dma_start3A_35] : memref<128x64xf32, #tpu.memory_space<vmem>> -> memref<80x64xf32, #tpu.memory_space<vmem>>
        %dma_start3A_37 = arith.constant 0 : i32
        %dma_start3A_38 = tpu.memref_slice %arg10[%add3A_34, %dma_start3A_37] : memref<5136x64xf32, #tpu.memory_space<vmem_shared>> -> memref<80x64xf32, #tpu.memory_space<vmem_shared>>
        %dma_start3A_39 = arith.constant 0 : i32
        %dma_start3A_40 = tpu.memref_slice %arg10[%add3A_34, %dma_start3A_39] : memref<5136x64xf32, #tpu.memory_space<vmem_shared>> -> memref<80x64xf32, #tpu.memory_space<vmem_shared>>
        %dma_start3A_41 = arith.constant 0 : i32
        %dma_start3A_42 = arith.constant 0 : i32
        %dma_start3A_43 = tpu.memref_slice %arg9[%dma_start3A_41, %dma_start3A_42] : memref<128x64xf32, #tpu.memory_space<vmem>> -> memref<80x64xf32, #tpu.memory_space<vmem>>
        tpu.enqueue_dma source(%dma_start3A_43 : memref<80x64xf32, #tpu.memory_space<vmem>>) target(%dma_start3A_40 : memref<80x64xf32, #tpu.memory_space<vmem_shared>>) target_semaphore(%run_scoped3A : memref<!tpu.dma_semaphore, #tpu.memory_space<semaphore_mem>>)
        %dma_wait3A = arith.constant 0 : i32
        %dma_wait3A_44 = arith.constant 0 : i32
        %dma_wait3A_45 = tpu.memref_slice %arg9[%dma_wait3A, %dma_wait3A_44] : memref<128x64xf32, #tpu.memory_space<vmem>> -> memref<80x64xf32, #tpu.memory_space<vmem>>
        %dma_wait3A_46 = arith.constant 0 : i32
        %dma_wait3A_47 = tpu.memref_slice %arg10[%add3A_34, %dma_wait3A_46] : memref<5136x64xf32, #tpu.memory_space<vmem_shared>> -> memref<80x64xf32, #tpu.memory_space<vmem_shared>>
        %dma_wait3A_48 = arith.constant 0 : i32
        %dma_wait3A_49 = tpu.memref_slice %arg10[%add3A_34, %dma_wait3A_48] : memref<5136x64xf32, #tpu.memory_space<vmem_shared>> -> memref<80x64xf32, #tpu.memory_space<vmem_shared>>
        %dma_wait3A_50 = arith.constant 0 : i32
        %dma_wait3A_51 = arith.constant 0 : i32
        %dma_wait3A_52 = tpu.memref_slice %arg9[%dma_wait3A_50, %dma_wait3A_51] : memref<128x64xf32, #tpu.memory_space<vmem>> -> memref<80x64xf32, #tpu.memory_space<vmem>>
        tpu.wait_dma2 semaphore(%run_scoped3A : memref<!tpu.dma_semaphore, #tpu.memory_space<semaphore_mem>>) src(%dma_wait3A_52 : memref<80x64xf32, #tpu.memory_space<vmem>>) dst(%dma_wait3A_49 : memref<80x64xf32, #tpu.memory_space<vmem_shared>>)
        tpu.yield
      }) : () -> ()
    }
    %scan3A_14 = arith.constant 4 : i32
    %barrier3A = arith.constant 0 : index
    tpu.barrier barrier_id(%barrier3A)
    %scan3A_15 = arith.constant 0 : i32
    %scan3A_16 = arith.constant 0 : i32
    %scan3A_17 = arith.constant 391 : i32
    %scan3A_18 = arith.addi %scan3A_16, %scan3A_17 : i32
    %scan3A_19 = arith.constant 1 : i32
    scf.for %scan3A_29 = %scan3A_16 to %scan3A_18 step %scan3A_19  : i32 {
      %mul3A_30 = arith.constant 16 : i32
      %mul3A_31 = arith.muli %scan3A_29, %mul3A_30 : i32
      %add3A_32 = arith.addi %mul3A_31, %arg1 : i32
      %lt3A = arith.constant 6250 : i32
      %lt3A_33 = arith.cmpi slt, %add3A_32, %lt3A : i32
      %convert_element_type3A = arith.extui %lt3A_33 : i1 to i32
      %cond3A = arith.constant 0 : i32
      %cond3A_34 = arith.cmpi ne, %convert_element_type3A, %cond3A : i32
      scf.if %cond3A_34 {
        %mul3A_35 = arith.constant 128 : i32
        %mul3A_36 = arith.muli %add3A_32, %mul3A_35 : i32
        "tpu.region"() ({
          %run_scoped3A = tpu.sem_alloc : memref<!tpu.dma_semaphore, #tpu.memory_space<semaphore_mem>>
          %dma_start3A_170 = tpu.memref_slice %arg2[%mul3A_36] : memref<800000xi32, #tpu.memory_space<hbm>> -> memref<128xi32, #tpu.memory_space<hbm>>
          %dma_start3A_171 = tpu.memref_slice %arg2[%mul3A_36] : memref<800000xi32, #tpu.memory_space<hbm>> -> memref<128xi32, #tpu.memory_space<hbm>>
          tpu.enqueue_dma source(%dma_start3A_171 : memref<128xi32, #tpu.memory_space<hbm>>) target(%arg6 : memref<128xi32, #tpu.memory_space<vmem>>) target_semaphore(%run_scoped3A : memref<!tpu.dma_semaphore, #tpu.memory_space<semaphore_mem>>)
          %dma_wait3A_172 = tpu.memref_slice %arg2[%mul3A_36] : memref<800000xi32, #tpu.memory_space<hbm>> -> memref<128xi32, #tpu.memory_space<hbm>>
          %dma_wait3A_173 = tpu.memref_slice %arg2[%mul3A_36] : memref<800000xi32, #tpu.memory_space<hbm>> -> memref<128xi32, #tpu.memory_space<hbm>>
          tpu.wait_dma2 semaphore(%run_scoped3A : memref<!tpu.dma_semaphore, #tpu.memory_space<semaphore_mem>>) src(%dma_wait3A_173 : memref<128xi32, #tpu.memory_space<hbm>>) dst(%arg6 : memref<128xi32, #tpu.memory_space<vmem>>)
          tpu.yield
        }) : () -> ()
        "tpu.region"() ({
          %run_scoped3A = tpu.sem_alloc : memref<!tpu.dma_semaphore, #tpu.memory_space<semaphore_mem>>
          %dma_start3A_170 = tpu.memref_slice %arg3[%mul3A_36] : memref<800000xi32, #tpu.memory_space<hbm>> -> memref<128xi32, #tpu.memory_space<hbm>>
          %dma_start3A_171 = tpu.memref_slice %arg3[%mul3A_36] : memref<800000xi32, #tpu.memory_space<hbm>> -> memref<128xi32, #tpu.memory_space<hbm>>
          tpu.enqueue_dma source(%dma_start3A_171 : memref<128xi32, #tpu.memory_space<hbm>>) target(%arg7 : memref<128xi32, #tpu.memory_space<vmem>>) target_semaphore(%run_scoped3A : memref<!tpu.dma_semaphore, #tpu.memory_space<semaphore_mem>>)
          %dma_wait3A_172 = tpu.memref_slice %arg3[%mul3A_36] : memref<800000xi32, #tpu.memory_space<hbm>> -> memref<128xi32, #tpu.memory_space<hbm>>
          %dma_wait3A_173 = tpu.memref_slice %arg3[%mul3A_36] : memref<800000xi32, #tpu.memory_space<hbm>> -> memref<128xi32, #tpu.memory_space<hbm>>
          tpu.wait_dma2 semaphore(%run_scoped3A : memref<!tpu.dma_semaphore, #tpu.memory_space<semaphore_mem>>) src(%dma_wait3A_173 : memref<128xi32, #tpu.memory_space<hbm>>) dst(%arg7 : memref<128xi32, #tpu.memory_space<vmem>>)
          tpu.yield
        }) : () -> ()
        %get3A = arith.constant 0 : index
        %get3A_37 = tpu.vector_load %arg7[%get3A] {strides = array<i32>} : memref<128xi32, #tpu.memory_space<vmem>>, vector<16xi32>,
        %get3A_38 = vector.shape_cast %get3A_37 : vector<16xi32> to vector<16xi32>
        %ge3A = vector.broadcast %mul3A_0 : i32 to vector<16xi32>
        %ge3A_39 = arith.cmpi sge, %get3A_38, %ge3A : vector<16xi32>
        %lt3A_40 = vector.broadcast %min3A_2 : i32 to vector<16xi32>
        %lt3A_41 = arith.cmpi slt, %get3A_38, %lt3A_40 : vector<16xi32>
        %and3A = arith.andi %ge3A_39, %lt3A_41 : vector<16xi1>
        %sub3A = vector.broadcast %mul3A_0 : i32 to vector<16xi32>
        %sub3A_42 = arith.subi %get3A_38, %sub3A : vector<16xi32>
        %jit3A = arith.constant 5120 : i32
        %broadcast_in_dim3A_43 = vector.broadcast %jit3A : i32 to vector<16xi32>
        %select_n3A = arith.select %and3A, %sub3A_42, %broadcast_in_dim3A_43 : vector<16xi1>, vector<16xi32>
        %swap3A = arith.constant 0 : index
        %swap3A_44 = tpu.vector_load %arg8[%swap3A] {strides = array<i32>} : memref<128xi32, #tpu.memory_space<vmem>>, vector<16xi32>,
        %swap3A_45 = vector.shape_cast %swap3A_44 : vector<16xi32> to vector<16xi32>
        %swap3A_46 = vector.shape_cast %select_n3A : vector<16xi32> to vector<16xi32>
        tpu.vector_store %arg8[%swap3A], %swap3A_46 {strides = array<i32>} : memref<128xi32, #tpu.memory_space<vmem>>, vector<16xi32>,
        %get3A_47 = arith.constant 16 : index
        %get3A_48 = tpu.vector_load %arg7[%get3A_47] {strides = array<i32>} : memref<128xi32, #tpu.memory_space<vmem>>, vector<16xi32>,
        %get3A_49 = vector.shape_cast %get3A_48 : vector<16xi32> to vector<16xi32>
        %ge3A_50 = vector.broadcast %mul3A_0 : i32 to vector<16xi32>
        %ge3A_51 = arith.cmpi sge, %get3A_49, %ge3A_50 : vector<16xi32>
        %lt3A_52 = vector.broadcast %min3A_2 : i32 to vector<16xi32>
        %lt3A_53 = arith.cmpi slt, %get3A_49, %lt3A_52 : vector<16xi32>
        %and3A_54 = arith.andi %ge3A_51, %lt3A_53 : vector<16xi1>
        %sub3A_55 = vector.broadcast %mul3A_0 : i32 to vector<16xi32>
        %sub3A_56 = arith.subi %get3A_49, %sub3A_55 : vector<16xi32>
        %jit3A_57 = arith.constant 5120 : i32
        %broadcast_in_dim3A_58 = vector.broadcast %jit3A_57 : i32 to vector<16xi32>
        %select_n3A_59 = arith.select %and3A_54, %sub3A_56, %broadcast_in_dim3A_58 : vector<16xi1>, vector<16xi32>
        %swap3A_60 = arith.constant 16 : index
        %swap3A_61 = tpu.vector_load %arg8[%swap3A_60] {strides = array<i32>} : memref<128xi32, #tpu.memory_space<vmem>>, vector<16xi32>,
        %swap3A_62 = vector.shape_cast %swap3A_61 : vector<16xi32> to vector<16xi32>
        %swap3A_63 = vector.shape_cast %select_n3A_59 : vector<16xi32> to vector<16xi32>
        tpu.vector_store %arg8[%swap3A_60], %swap3A_63 {strides = array<i32>} : memref<128xi32, #tpu.memory_space<vmem>>, vector<16xi32>,
        %get3A_64 = arith.constant 32 : index
        %get3A_65 = tpu.vector_load %arg7[%get3A_64] {strides = array<i32>} : memref<128xi32, #tpu.memory_space<vmem>>, vector<16xi32>,
        %get3A_66 = vector.shape_cast %get3A_65 : vector<16xi32> to vector<16xi32>
        %ge3A_67 = vector.broadcast %mul3A_0 : i32 to vector<16xi32>
        %ge3A_68 = arith.cmpi sge, %get3A_66, %ge3A_67 : vector<16xi32>
        %lt3A_69 = vector.broadcast %min3A_2 : i32 to vector<16xi32>
        %lt3A_70 = arith.cmpi slt, %get3A_66, %lt3A_69 : vector<16xi32>
        %and3A_71 = arith.andi %ge3A_68, %lt3A_70 : vector<16xi1>
        %sub3A_72 = vector.broadcast %mul3A_0 : i32 to vector<16xi32>
        %sub3A_73 = arith.subi %get3A_66, %sub3A_72 : vector<16xi32>
        %jit3A_74 = arith.constant 5120 : i32
        %broadcast_in_dim3A_75 = vector.broadcast %jit3A_74 : i32 to vector<16xi32>
        %select_n3A_76 = arith.select %and3A_71, %sub3A_73, %broadcast_in_dim3A_75 : vector<16xi1>, vector<16xi32>
        %swap3A_77 = arith.constant 32 : index
        %swap3A_78 = tpu.vector_load %arg8[%swap3A_77] {strides = array<i32>} : memref<128xi32, #tpu.memory_space<vmem>>, vector<16xi32>,
        %swap3A_79 = vector.shape_cast %swap3A_78 : vector<16xi32> to vector<16xi32>
        %swap3A_80 = vector.shape_cast %select_n3A_76 : vector<16xi32> to vector<16xi32>
        tpu.vector_store %arg8[%swap3A_77], %swap3A_80 {strides = array<i32>} : memref<128xi32, #tpu.memory_space<vmem>>, vector<16xi32>,
        %get3A_81 = arith.constant 48 : index
        %get3A_82 = tpu.vector_load %arg7[%get3A_81] {strides = array<i32>} : memref<128xi32, #tpu.memory_space<vmem>>, vector<16xi32>,
        %get3A_83 = vector.shape_cast %get3A_82 : vector<16xi32> to vector<16xi32>
        %ge3A_84 = vector.broadcast %mul3A_0 : i32 to vector<16xi32>
        %ge3A_85 = arith.cmpi sge, %get3A_83, %ge3A_84 : vector<16xi32>
        %lt3A_86 = vector.broadcast %min3A_2 : i32 to vector<16xi32>
        %lt3A_87 = arith.cmpi slt, %get3A_83, %lt3A_86 : vector<16xi32>
        %and3A_88 = arith.andi %ge3A_85, %lt3A_87 : vector<16xi1>
        %sub3A_89 = vector.broadcast %mul3A_0 : i32 to vector<16xi32>
        %sub3A_90 = arith.subi %get3A_83, %sub3A_89 : vector<16xi32>
        %jit3A_91 = arith.constant 5120 : i32
        %broadcast_in_dim3A_92 = vector.broadcast %jit3A_91 : i32 to vector<16xi32>
        %select_n3A_93 = arith.select %and3A_88, %sub3A_90, %broadcast_in_dim3A_92 : vector<16xi1>, vector<16xi32>
        %swap3A_94 = arith.constant 48 : index
        %swap3A_95 = tpu.vector_load %arg8[%swap3A_94] {strides = array<i32>} : memref<128xi32, #tpu.memory_space<vmem>>, vector<16xi32>,
        %swap3A_96 = vector.shape_cast %swap3A_95 : vector<16xi32> to vector<16xi32>
        %swap3A_97 = vector.shape_cast %select_n3A_93 : vector<16xi32> to vector<16xi32>
        tpu.vector_store %arg8[%swap3A_94], %swap3A_97 {strides = array<i32>} : memref<128xi32, #tpu.memory_space<vmem>>, vector<16xi32>,
        %get3A_98 = arith.constant 64 : index
        %get3A_99 = tpu.vector_load %arg7[%get3A_98] {strides = array<i32>} : memref<128xi32, #tpu.memory_space<vmem>>, vector<16xi32>,
        %get3A_100 = vector.shape_cast %get3A_99 : vector<16xi32> to vector<16xi32>
        %ge3A_101 = vector.broadcast %mul3A_0 : i32 to vector<16xi32>
        %ge3A_102 = arith.cmpi sge, %get3A_100, %ge3A_101 : vector<16xi32>
        %lt3A_103 = vector.broadcast %min3A_2 : i32 to vector<16xi32>
        %lt3A_104 = arith.cmpi slt, %get3A_100, %lt3A_103 : vector<16xi32>
        %and3A_105 = arith.andi %ge3A_102, %lt3A_104 : vector<16xi1>
        %sub3A_106 = vector.broadcast %mul3A_0 : i32 to vector<16xi32>
        %sub3A_107 = arith.subi %get3A_100, %sub3A_106 : vector<16xi32>
        %jit3A_108 = arith.constant 5120 : i32
        %broadcast_in_dim3A_109 = vector.broadcast %jit3A_108 : i32 to vector<16xi32>
        %select_n3A_110 = arith.select %and3A_105, %sub3A_107, %broadcast_in_dim3A_109 : vector<16xi1>, vector<16xi32>
        %swap3A_111 = arith.constant 64 : index
        %swap3A_112 = tpu.vector_load %arg8[%swap3A_111] {strides = array<i32>} : memref<128xi32, #tpu.memory_space<vmem>>, vector<16xi32>,
        %swap3A_113 = vector.shape_cast %swap3A_112 : vector<16xi32> to vector<16xi32>
        %swap3A_114 = vector.shape_cast %select_n3A_110 : vector<16xi32> to vector<16xi32>
        tpu.vector_store %arg8[%swap3A_111], %swap3A_114 {strides = array<i32>} : memref<128xi32, #tpu.memory_space<vmem>>, vector<16xi32>,
        %get3A_115 = arith.constant 80 : index
        %get3A_116 = tpu.vector_load %arg7[%get3A_115] {strides = array<i32>} : memref<128xi32, #tpu.memory_space<vmem>>, vector<16xi32>,
        %get3A_117 = vector.shape_cast %get3A_116 : vector<16xi32> to vector<16xi32>
        %ge3A_118 = vector.broadcast %mul3A_0 : i32 to vector<16xi32>
        %ge3A_119 = arith.cmpi sge, %get3A_117, %ge3A_118 : vector<16xi32>
        %lt3A_120 = vector.broadcast %min3A_2 : i32 to vector<16xi32>
        %lt3A_121 = arith.cmpi slt, %get3A_117, %lt3A_120 : vector<16xi32>
        %and3A_122 = arith.andi %ge3A_119, %lt3A_121 : vector<16xi1>
        %sub3A_123 = vector.broadcast %mul3A_0 : i32 to vector<16xi32>
        %sub3A_124 = arith.subi %get3A_117, %sub3A_123 : vector<16xi32>
        %jit3A_125 = arith.constant 5120 : i32
        %broadcast_in_dim3A_126 = vector.broadcast %jit3A_125 : i32 to vector<16xi32>
        %select_n3A_127 = arith.select %and3A_122, %sub3A_124, %broadcast_in_dim3A_126 : vector<16xi1>, vector<16xi32>
        %swap3A_128 = arith.constant 80 : index
        %swap3A_129 = tpu.vector_load %arg8[%swap3A_128] {strides = array<i32>} : memref<128xi32, #tpu.memory_space<vmem>>, vector<16xi32>,
        %swap3A_130 = vector.shape_cast %swap3A_129 : vector<16xi32> to vector<16xi32>
        %swap3A_131 = vector.shape_cast %select_n3A_127 : vector<16xi32> to vector<16xi32>
        tpu.vector_store %arg8[%swap3A_128], %swap3A_131 {strides = array<i32>} : memref<128xi32, #tpu.memory_space<vmem>>, vector<16xi32>,
        %get3A_132 = arith.constant 96 : index
        %get3A_133 = tpu.vector_load %arg7[%get3A_132] {strides = array<i32>} : memref<128xi32, #tpu.memory_space<vmem>>, vector<16xi32>,
        %get3A_134 = vector.shape_cast %get3A_133 : vector<16xi32> to vector<16xi32>
        %ge3A_135 = vector.broadcast %mul3A_0 : i32 to vector<16xi32>
        %ge3A_136 = arith.cmpi sge, %get3A_134, %ge3A_135 : vector<16xi32>
        %lt3A_137 = vector.broadcast %min3A_2 : i32 to vector<16xi32>
        %lt3A_138 = arith.cmpi slt, %get3A_134, %lt3A_137 : vector<16xi32>
        %and3A_139 = arith.andi %ge3A_136, %lt3A_138 : vector<16xi1>
        %sub3A_140 = vector.broadcast %mul3A_0 : i32 to vector<16xi32>
        %sub3A_141 = arith.subi %get3A_134, %sub3A_140 : vector<16xi32>
        %jit3A_142 = arith.constant 5120 : i32
        %broadcast_in_dim3A_143 = vector.broadcast %jit3A_142 : i32 to vector<16xi32>
        %select_n3A_144 = arith.select %and3A_139, %sub3A_141, %broadcast_in_dim3A_143 : vector<16xi1>, vector<16xi32>
        %swap3A_145 = arith.constant 96 : index
        %swap3A_146 = tpu.vector_load %arg8[%swap3A_145] {strides = array<i32>} : memref<128xi32, #tpu.memory_space<vmem>>, vector<16xi32>,
        %swap3A_147 = vector.shape_cast %swap3A_146 : vector<16xi32> to vector<16xi32>
        %swap3A_148 = vector.shape_cast %select_n3A_144 : vector<16xi32> to vector<16xi32>
        tpu.vector_store %arg8[%swap3A_145], %swap3A_148 {strides = array<i32>} : memref<128xi32, #tpu.memory_space<vmem>>, vector<16xi32>,
        %get3A_149 = arith.constant 112 : index
        %get3A_150 = tpu.vector_load %arg7[%get3A_149] {strides = array<i32>} : memref<128xi32, #tpu.memory_space<vmem>>, vector<16xi32>,
        %get3A_151 = vector.shape_cast %get3A_150 : vector<16xi32> to vector<16xi32>
        %ge3A_152 = vector.broadcast %mul3A_0 : i32 to vector<16xi32>
        %ge3A_153 = arith.cmpi sge, %get3A_151, %ge3A_152 : vector<16xi32>
        %lt3A_154 = vector.broadcast %min3A_2 : i32 to vector<16xi32>
        %lt3A_155 = arith.cmpi slt, %get3A_151, %lt3A_154 : vector<16xi32>
        %and3A_156 = arith.andi %ge3A_153, %lt3A_155 : vector<16xi1>
        %sub3A_157 = vector.broadcast %mul3A_0 : i32 to vector<16xi32>
        %sub3A_158 = arith.subi %get3A_151, %sub3A_157 : vector<16xi32>
        %jit3A_159 = arith.constant 5120 : i32
        %broadcast_in_dim3A_160 = vector.broadcast %jit3A_159 : i32 to vector<16xi32>
        %select_n3A_161 = arith.select %and3A_156, %sub3A_158, %broadcast_in_dim3A_160 : vector<16xi1>, vector<16xi32>
        %swap3A_162 = arith.constant 112 : index
        %swap3A_163 = tpu.vector_load %arg8[%swap3A_162] {strides = array<i32>} : memref<128xi32, #tpu.memory_space<vmem>>, vector<16xi32>,
        %swap3A_164 = vector.shape_cast %swap3A_163 : vector<16xi32> to vector<16xi32>
        %swap3A_165 = vector.shape_cast %select_n3A_161 : vector<16xi32> to vector<16xi32>
        tpu.vector_store %arg8[%swap3A_162], %swap3A_165 {strides = array<i32>} : memref<128xi32, #tpu.memory_space<vmem>>, vector<16xi32>,
        %dma_start3A = arith.constant 0 : i32
        %dma_start3A_166 = arith.constant 0 : i32
        %dma_start3A_167 = tpu.memref_slice %arg4[%dma_start3A, %dma_start3A_166] : memref<50176x64xf32, #tpu.memory_space<hbm>> -> memref<50176x64xf32, #tpu.memory_space<hbm>>
        tpu.enqueue_indirect_dma source(%dma_start3A_167 : memref<50176x64xf32, #tpu.memory_space<hbm>>) target(%arg9 : memref<128x64xf32, #tpu.memory_space<vmem>>) offsets(%arg6 : memref<128xi32, #tpu.memory_space<vmem>>) semaphore(%arg11 : memref<!tpu.dma_semaphore, #tpu.memory_space<semaphore_mem>>)
        %dma_wait3A = arith.constant 0 : i32
        %dma_wait3A_168 = arith.constant 0 : i32
        %dma_wait3A_169 = tpu.memref_slice %arg4[%dma_wait3A, %dma_wait3A_168] : memref<50176x64xf32, #tpu.memory_space<hbm>> -> memref<50176x64xf32, #tpu.memory_space<hbm>>
        tpu.wait_indirect_dma semaphore(%arg11 : memref<!tpu.dma_semaphore, #tpu.memory_space<semaphore_mem>>) src(%dma_wait3A_169 : memref<50176x64xf32, #tpu.memory_space<hbm>>) dst(%arg9 : memref<128x64xf32, #tpu.memory_space<vmem>>)
        "tpu.region"() ({
          %run_scoped3A = tpu.sem_alloc : memref<!tpu.dma_semaphore, #tpu.memory_space<semaphore_mem>>
          %dma_start3A_170 = arith.constant 0 : i32
          %dma_start3A_171 = arith.constant 0 : i32
          %dma_start3A_172 = tpu.memref_slice %arg10[%dma_start3A_170, %dma_start3A_171] : memref<5136x64xf32, #tpu.memory_space<vmem_shared>> -> memref<5136x64xf32, #tpu.memory_space<vmem_shared>>
          tpu.enqueue_indirect_dma source(%arg9 : memref<128x64xf32, #tpu.memory_space<vmem>>) target(%dma_start3A_172 : memref<5136x64xf32, #tpu.memory_space<vmem_shared>>) offsets(%arg8 : memref<128xi32, #tpu.memory_space<vmem>>) semaphore(%run_scoped3A : memref<!tpu.dma_semaphore, #tpu.memory_space<semaphore_mem>>) {add = true}
          %dma_wait3A_173 = arith.constant 0 : i32
          %dma_wait3A_174 = arith.constant 0 : i32
          %dma_wait3A_175 = tpu.memref_slice %arg10[%dma_wait3A_173, %dma_wait3A_174] : memref<5136x64xf32, #tpu.memory_space<vmem_shared>> -> memref<5136x64xf32, #tpu.memory_space<vmem_shared>>
          tpu.wait_indirect_dma semaphore(%run_scoped3A : memref<!tpu.dma_semaphore, #tpu.memory_space<semaphore_mem>>) src(%arg9 : memref<128x64xf32, #tpu.memory_space<vmem>>) dst(%dma_wait3A_175 : memref<5136x64xf32, #tpu.memory_space<vmem_shared>>)
          tpu.yield
        }) : () -> ()
      } else {
      }
    }
    %scan3A_20 = arith.constant 391 : i32
    %barrier3A_21 = arith.constant 0 : index
    tpu.barrier barrier_id(%barrier3A_21)
    %mul3A_22 = arith.constant 320 : i32
    %mul3A_23 = arith.muli %arg1, %mul3A_22 : i32
    %mul3A_24 = arith.constant 5120 : i32
    %mul3A_25 = arith.muli %arg0, %mul3A_24 : i32
    %mul3A_26 = arith.constant 320 : i32
    %mul3A_27 = arith.muli %arg1, %mul3A_26 : i32
    %add3A_28 = arith.addi %mul3A_25, %mul3A_27 : i32
    "tpu.region"() ({
      %run_scoped3A = tpu.sem_alloc : memref<!tpu.dma_semaphore, #tpu.memory_space<semaphore_mem>>
      %dma_start3A = arith.constant 0 : i32
      %dma_start3A_29 = tpu.memref_slice %arg5[%add3A_28, %dma_start3A] : memref<10240x64xf32, #tpu.memory_space<hbm>> -> memref<320x64xf32, #tpu.memory_space<hbm>>
      %dma_start3A_30 = arith.constant 0 : i32
      %dma_start3A_31 = tpu.memref_slice %arg10[%mul3A_23, %dma_start3A_30] : memref<5136x64xf32, #tpu.memory_space<vmem_shared>> -> memref<320x64xf32, #tpu.memory_space<vmem_shared>>
      tpu.enqueue_dma source(%dma_start3A_31 : memref<320x64xf32, #tpu.memory_space<vmem_shared>>) target(%dma_start3A_29 : memref<320x64xf32, #tpu.memory_space<hbm>>) target_semaphore(%run_scoped3A : memref<!tpu.dma_semaphore, #tpu.memory_space<semaphore_mem>>)
      %dma_wait3A = arith.constant 0 : i32
      %dma_wait3A_32 = tpu.memref_slice %arg5[%add3A_28, %dma_wait3A] : memref<10240x64xf32, #tpu.memory_space<hbm>> -> memref<320x64xf32, #tpu.memory_space<hbm>>
      %dma_wait3A_33 = arith.constant 0 : i32
      %dma_wait3A_34 = tpu.memref_slice %arg10[%mul3A_23, %dma_wait3A_33] : memref<5136x64xf32, #tpu.memory_space<vmem_shared>> -> memref<320x64xf32, #tpu.memory_space<vmem_shared>>
      tpu.wait_dma2 semaphore(%run_scoped3A : memref<!tpu.dma_semaphore, #tpu.memory_space<semaphore_mem>>) src(%dma_wait3A_34 : memref<320x64xf32, #tpu.memory_space<vmem_shared>>) dst(%dma_wait3A_32 : memref<320x64xf32, #tpu.memory_space<hbm>>)
      tpu.yield
    }) : () -> ()
    return
  }
}

#map = affine_map<(d0, d1) -> (0)>
#map1 = affine_map<(d0, d1) -> (0, 0)>
module attributes {stable_mosaic.version = 14 : i64} {
  func.func @seg(%arg0: i32, %arg1: i32, %arg2: memref<800000xi32, #tpu.memory_space<hbm>>, %arg3: memref<800000xi32, #tpu.memory_space<hbm>>, %arg4: memref<50176x64xf32, #tpu.memory_space<hbm>>, %arg5: memref<10240x64xf32, #tpu.memory_space<hbm>>, %arg6: memref<128xi32, #tpu.memory_space<vmem>>, %arg7: memref<128xi32, #tpu.memory_space<vmem>>, %arg8: memref<128xi32, #tpu.memory_space<vmem>>, %arg9: memref<128x64xf32, #tpu.memory_space<vmem>>, %arg10: memref<5136x64xf32, #tpu.memory_space<vmem_shared>>, %arg11: memref<!tpu.dma_semaphore, #tpu.memory_space<semaphore_mem>>) attributes {dimension_semantics = [#tpu.dimension_semantics<core_parallel>, #tpu.dimension_semantics<subcore_parallel>], iteration_bounds = array<i64: 2, 16>, scalar_prefetch = 0 : i64, scratch_operands = 6 : i64, tpu.core_type = #tpu.core_type<sc_vector_subcore>, window_params = [{transform_indices = #map}, {transform_indices = #map}, {transform_indices = #map1}, {transform_indices = #map1}]} {
    %mul3A = arith.constant 5120 : i32
    %mul3A_0 = arith.muli %arg0, %mul3A : i32
    %add3A = arith.constant 5120 : i32
    %add3A_1 = arith.addi %mul3A_0, %add3A : i32
    %min3A = arith.constant 10000 : i32
    %min3A_2 = arith.minsi %min3A, %add3A_1 : i32
    %broadcast_in_dim3A = arith.constant 0.000000e+00 : f32
    %broadcast_in_dim3A_3 = vector.broadcast %broadcast_in_dim3A : f32 to vector<16xf32>
    %scan3A = arith.constant 0 : i32
    %scan3A_4 = arith.constant 0 : i32
    %scan3A_5 = arith.constant 80 : i32
    %scan3A_6 = arith.addi %scan3A_4, %scan3A_5 : i32
    %scan3A_7 = arith.constant 1 : i32
    scf.for %scan3A_29 = %scan3A_4 to %scan3A_6 step %scan3A_7  : i32 {
      %swap3A = arith.index_cast %scan3A_29 : i32 to index
      %swap3A_30 = arith.constant 0 : index
      %swap3A_31 = tpu.vector_load %arg9[%swap3A, %swap3A_30] {strides = array<i32>} : memref<128x64xf32, #tpu.memory_space<vmem>>, vector<1x16xf32>,
      %swap3A_32 = vector.shape_cast %swap3A_31 : vector<1x16xf32> to vector<16xf32>
      %swap3A_33 = vector.shape_cast %broadcast_in_dim3A_3 : vector<16xf32> to vector<1x16xf32>
      tpu.vector_store %arg9[%swap3A, %swap3A_30], %swap3A_33 {strides = array<i32>} : memref<128x64xf32, #tpu.memory_space<vmem>>, vector<1x16xf32>,
      %swap3A_34 = arith.index_cast %scan3A_29 : i32 to index
      %swap3A_35 = arith.constant 16 : index
      %swap3A_36 = tpu.vector_load %arg9[%swap3A_34, %swap3A_35] {strides = array<i32>} : memref<128x64xf32, #tpu.memory_space<vmem>>, vector<1x16xf32>,
      %swap3A_37 = vector.shape_cast %swap3A_36 : vector<1x16xf32> to vector<16xf32>
      %swap3A_38 = vector.shape_cast %broadcast_in_dim3A_3 : vector<16xf32> to vector<1x16xf32>
      tpu.vector_store %arg9[%swap3A_34, %swap3A_35], %swap3A_38 {strides = array<i32>} : memref<128x64xf32, #tpu.memory_space<vmem>>, vector<1x16xf32>,
      %swap3A_39 = arith.index_cast %scan3A_29 : i32 to index
      %swap3A_40 = arith.constant 32 : index
      %swap3A_41 = tpu.vector_load %arg9[%swap3A_39, %swap3A_40] {strides = array<i32>} : memref<128x64xf32, #tpu.memory_space<vmem>>, vector<1x16xf32>,
      %swap3A_42 = vector.shape_cast %swap3A_41 : vector<1x16xf32> to vector<16xf32>
      %swap3A_43 = vector.shape_cast %broadcast_in_dim3A_3 : vector<16xf32> to vector<1x16xf32>
      tpu.vector_store %arg9[%swap3A_39, %swap3A_40], %swap3A_43 {strides = array<i32>} : memref<128x64xf32, #tpu.memory_space<vmem>>, vector<1x16xf32>,
      %swap3A_44 = arith.index_cast %scan3A_29 : i32 to index
      %swap3A_45 = arith.constant 48 : index
      %swap3A_46 = tpu.vector_load %arg9[%swap3A_44, %swap3A_45] {strides = array<i32>} : memref<128x64xf32, #tpu.memory_space<vmem>>, vector<1x16xf32>,
      %swap3A_47 = vector.shape_cast %swap3A_46 : vector<1x16xf32> to vector<16xf32>
      %swap3A_48 = vector.shape_cast %broadcast_in_dim3A_3 : vector<16xf32> to vector<1x16xf32>
      tpu.vector_store %arg9[%swap3A_44, %swap3A_45], %swap3A_48 {strides = array<i32>} : memref<128x64xf32, #tpu.memory_space<vmem>>, vector<1x16xf32>,
    }
    %scan3A_8 = arith.constant 80 : i32
    %scan3A_9 = arith.constant 0 : i32
    %scan3A_10 = arith.constant 0 : i32
    %scan3A_11 = arith.constant 4 : i32
    %scan3A_12 = arith.addi %scan3A_10, %scan3A_11 : i32
    %scan3A_13 = arith.constant 1 : i32
    scf.for %scan3A_29 = %scan3A_10 to %scan3A_12 step %scan3A_13  : i32 {
      %mul3A_30 = arith.constant 320 : i32
      %mul3A_31 = arith.muli %arg1, %mul3A_30 : i32
      %mul3A_32 = arith.constant 80 : i32
      %mul3A_33 = arith.muli %scan3A_29, %mul3A_32 : i32
      %add3A_34 = arith.addi %mul3A_31, %mul3A_33 : i32
      "tpu.region"() ({
        %run_scoped3A = tpu.sem_alloc : memref<!tpu.dma_semaphore, #tpu.memory_space<semaphore_mem>>
        %dma_start3A = arith.constant 0 : i32
        %dma_start3A_35 = arith.constant 0 : i32
        %dma_start3A_36 = tpu.memref_slice %arg9[%dma_start3A, %dma_start3A_35] : memref<128x64xf32, #tpu.memory_space<vmem>> -> memref<80x64xf32, #tpu.memory_space<vmem>>
        %dma_start3A_37 = arith.constant 0 : i32
        %dma_start3A_38 = tpu.memref_slice %arg10[%add3A_34, %dma_start3A_37] : memref<5136x64xf32, #tpu.memory_space<vmem_shared>> -> memref<80x64xf32, #tpu.memory_space<vmem_shared>>
        %dma_start3A_39 = arith.constant 0 : i32
        %dma_start3A_40 = tpu.memref_slice %arg10[%add3A_34, %dma_start3A_39] : memref<5136x64xf32, #tpu.memory_space<vmem_shared>> -> memref<80x64xf32, #tpu.memory_space<vmem_shared>>
        %dma_start3A_41 = arith.constant 0 : i32
        %dma_start3A_42 = arith.constant 0 : i32
        %dma_start3A_43 = tpu.memref_slice %arg9[%dma_start3A_41, %dma_start3A_42] : memref<128x64xf32, #tpu.memory_space<vmem>> -> memref<80x64xf32, #tpu.memory_space<vmem>>
        tpu.enqueue_dma source(%dma_start3A_43 : memref<80x64xf32, #tpu.memory_space<vmem>>) target(%dma_start3A_40 : memref<80x64xf32, #tpu.memory_space<vmem_shared>>) target_semaphore(%run_scoped3A : memref<!tpu.dma_semaphore, #tpu.memory_space<semaphore_mem>>)
        %dma_wait3A = arith.constant 0 : i32
        %dma_wait3A_44 = arith.constant 0 : i32
        %dma_wait3A_45 = tpu.memref_slice %arg9[%dma_wait3A, %dma_wait3A_44] : memref<128x64xf32, #tpu.memory_space<vmem>> -> memref<80x64xf32, #tpu.memory_space<vmem>>
        %dma_wait3A_46 = arith.constant 0 : i32
        %dma_wait3A_47 = tpu.memref_slice %arg10[%add3A_34, %dma_wait3A_46] : memref<5136x64xf32, #tpu.memory_space<vmem_shared>> -> memref<80x64xf32, #tpu.memory_space<vmem_shared>>
        %dma_wait3A_48 = arith.constant 0 : i32
        %dma_wait3A_49 = tpu.memref_slice %arg10[%add3A_34, %dma_wait3A_48] : memref<5136x64xf32, #tpu.memory_space<vmem_shared>> -> memref<80x64xf32, #tpu.memory_space<vmem_shared>>
        %dma_wait3A_50 = arith.constant 0 : i32
        %dma_wait3A_51 = arith.constant 0 : i32
        %dma_wait3A_52 = tpu.memref_slice %arg9[%dma_wait3A_50, %dma_wait3A_51] : memref<128x64xf32, #tpu.memory_space<vmem>> -> memref<80x64xf32, #tpu.memory_space<vmem>>
        tpu.wait_dma2 semaphore(%run_scoped3A : memref<!tpu.dma_semaphore, #tpu.memory_space<semaphore_mem>>) src(%dma_wait3A_52 : memref<80x64xf32, #tpu.memory_space<vmem>>) dst(%dma_wait3A_49 : memref<80x64xf32, #tpu.memory_space<vmem_shared>>)
        tpu.yield
      }) : () -> ()
    }
    %scan3A_14 = arith.constant 4 : i32
    %barrier3A = arith.constant 0 : index
    tpu.barrier barrier_id(%barrier3A)
    %scan3A_15 = arith.constant 0 : i32
    %scan3A_16 = arith.constant 0 : i32
    %scan3A_17 = arith.constant 391 : i32
    %scan3A_18 = arith.addi %scan3A_16, %scan3A_17 : i32
    %scan3A_19 = arith.constant 1 : i32
    scf.for %scan3A_29 = %scan3A_16 to %scan3A_18 step %scan3A_19  : i32 {
      %mul3A_30 = arith.constant 16 : i32
      %mul3A_31 = arith.muli %scan3A_29, %mul3A_30 : i32
      %add3A_32 = arith.addi %mul3A_31, %arg1 : i32
      %lt3A = arith.constant 6250 : i32
      %lt3A_33 = arith.cmpi slt, %add3A_32, %lt3A : i32
      %convert_element_type3A = arith.extui %lt3A_33 : i1 to i32
      %cond3A = arith.constant 0 : i32
      %cond3A_34 = arith.cmpi ne, %convert_element_type3A, %cond3A : i32
      scf.if %cond3A_34 {
        %mul3A_35 = arith.constant 128 : i32
        %mul3A_36 = arith.muli %add3A_32, %mul3A_35 : i32
        "tpu.region"() ({
          %run_scoped3A = tpu.sem_alloc : memref<!tpu.dma_semaphore, #tpu.memory_space<semaphore_mem>>
          %dma_start3A_170 = tpu.memref_slice %arg2[%mul3A_36] : memref<800000xi32, #tpu.memory_space<hbm>> -> memref<128xi32, #tpu.memory_space<hbm>>
          %dma_start3A_171 = tpu.memref_slice %arg2[%mul3A_36] : memref<800000xi32, #tpu.memory_space<hbm>> -> memref<128xi32, #tpu.memory_space<hbm>>
          tpu.enqueue_dma source(%dma_start3A_171 : memref<128xi32, #tpu.memory_space<hbm>>) target(%arg6 : memref<128xi32, #tpu.memory_space<vmem>>) target_semaphore(%run_scoped3A : memref<!tpu.dma_semaphore, #tpu.memory_space<semaphore_mem>>)
          %dma_wait3A_172 = tpu.memref_slice %arg2[%mul3A_36] : memref<800000xi32, #tpu.memory_space<hbm>> -> memref<128xi32, #tpu.memory_space<hbm>>
          %dma_wait3A_173 = tpu.memref_slice %arg2[%mul3A_36] : memref<800000xi32, #tpu.memory_space<hbm>> -> memref<128xi32, #tpu.memory_space<hbm>>
          tpu.wait_dma2 semaphore(%run_scoped3A : memref<!tpu.dma_semaphore, #tpu.memory_space<semaphore_mem>>) src(%dma_wait3A_173 : memref<128xi32, #tpu.memory_space<hbm>>) dst(%arg6 : memref<128xi32, #tpu.memory_space<vmem>>)
          tpu.yield
        }) : () -> ()
        "tpu.region"() ({
          %run_scoped3A = tpu.sem_alloc : memref<!tpu.dma_semaphore, #tpu.memory_space<semaphore_mem>>
          %dma_start3A_170 = tpu.memref_slice %arg3[%mul3A_36] : memref<800000xi32, #tpu.memory_space<hbm>> -> memref<128xi32, #tpu.memory_space<hbm>>
          %dma_start3A_171 = tpu.memref_slice %arg3[%mul3A_36] : memref<800000xi32, #tpu.memory_space<hbm>> -> memref<128xi32, #tpu.memory_space<hbm>>
          tpu.enqueue_dma source(%dma_start3A_171 : memref<128xi32, #tpu.memory_space<hbm>>) target(%arg7 : memref<128xi32, #tpu.memory_space<vmem>>) target_semaphore(%run_scoped3A : memref<!tpu.dma_semaphore, #tpu.memory_space<semaphore_mem>>)
          %dma_wait3A_172 = tpu.memref_slice %arg3[%mul3A_36] : memref<800000xi32, #tpu.memory_space<hbm>> -> memref<128xi32, #tpu.memory_space<hbm>>
          %dma_wait3A_173 = tpu.memref_slice %arg3[%mul3A_36] : memref<800000xi32, #tpu.memory_space<hbm>> -> memref<128xi32, #tpu.memory_space<hbm>>
          tpu.wait_dma2 semaphore(%run_scoped3A : memref<!tpu.dma_semaphore, #tpu.memory_space<semaphore_mem>>) src(%dma_wait3A_173 : memref<128xi32, #tpu.memory_space<hbm>>) dst(%arg7 : memref<128xi32, #tpu.memory_space<vmem>>)
          tpu.yield
        }) : () -> ()
        %get3A = arith.constant 0 : index
        %get3A_37 = tpu.vector_load %arg7[%get3A] {strides = array<i32>} : memref<128xi32, #tpu.memory_space<vmem>>, vector<16xi32>,
        %get3A_38 = vector.shape_cast %get3A_37 : vector<16xi32> to vector<16xi32>
        %ge3A = vector.broadcast %mul3A_0 : i32 to vector<16xi32>
        %ge3A_39 = arith.cmpi sge, %get3A_38, %ge3A : vector<16xi32>
        %lt3A_40 = vector.broadcast %min3A_2 : i32 to vector<16xi32>
        %lt3A_41 = arith.cmpi slt, %get3A_38, %lt3A_40 : vector<16xi32>
        %and3A = arith.andi %ge3A_39, %lt3A_41 : vector<16xi1>
        %sub3A = vector.broadcast %mul3A_0 : i32 to vector<16xi32>
        %sub3A_42 = arith.subi %get3A_38, %sub3A : vector<16xi32>
        %jit3A = arith.constant 5120 : i32
        %broadcast_in_dim3A_43 = vector.broadcast %jit3A : i32 to vector<16xi32>
        %select_n3A = arith.select %and3A, %sub3A_42, %broadcast_in_dim3A_43 : vector<16xi1>, vector<16xi32>
        %swap3A = arith.constant 0 : index
        %swap3A_44 = tpu.vector_load %arg8[%swap3A] {strides = array<i32>} : memref<128xi32, #tpu.memory_space<vmem>>, vector<16xi32>,
        %swap3A_45 = vector.shape_cast %swap3A_44 : vector<16xi32> to vector<16xi32>
        %swap3A_46 = vector.shape_cast %select_n3A : vector<16xi32> to vector<16xi32>
        tpu.vector_store %arg8[%swap3A], %swap3A_46 {strides = array<i32>} : memref<128xi32, #tpu.memory_space<vmem>>, vector<16xi32>,
        %get3A_47 = arith.constant 16 : index
        %get3A_48 = tpu.vector_load %arg7[%get3A_47] {strides = array<i32>} : memref<128xi32, #tpu.memory_space<vmem>>, vector<16xi32>,
        %get3A_49 = vector.shape_cast %get3A_48 : vector<16xi32> to vector<16xi32>
        %ge3A_50 = vector.broadcast %mul3A_0 : i32 to vector<16xi32>
        %ge3A_51 = arith.cmpi sge, %get3A_49, %ge3A_50 : vector<16xi32>
        %lt3A_52 = vector.broadcast %min3A_2 : i32 to vector<16xi32>
        %lt3A_53 = arith.cmpi slt, %get3A_49, %lt3A_52 : vector<16xi32>
        %and3A_54 = arith.andi %ge3A_51, %lt3A_53 : vector<16xi1>
        %sub3A_55 = vector.broadcast %mul3A_0 : i32 to vector<16xi32>
        %sub3A_56 = arith.subi %get3A_49, %sub3A_55 : vector<16xi32>
        %jit3A_57 = arith.constant 5120 : i32
        %broadcast_in_dim3A_58 = vector.broadcast %jit3A_57 : i32 to vector<16xi32>
        %select_n3A_59 = arith.select %and3A_54, %sub3A_56, %broadcast_in_dim3A_58 : vector<16xi1>, vector<16xi32>
        %swap3A_60 = arith.constant 16 : index
        %swap3A_61 = tpu.vector_load %arg8[%swap3A_60] {strides = array<i32>} : memref<128xi32, #tpu.memory_space<vmem>>, vector<16xi32>,
        %swap3A_62 = vector.shape_cast %swap3A_61 : vector<16xi32> to vector<16xi32>
        %swap3A_63 = vector.shape_cast %select_n3A_59 : vector<16xi32> to vector<16xi32>
        tpu.vector_store %arg8[%swap3A_60], %swap3A_63 {strides = array<i32>} : memref<128xi32, #tpu.memory_space<vmem>>, vector<16xi32>,
        %get3A_64 = arith.constant 32 : index
        %get3A_65 = tpu.vector_load %arg7[%get3A_64] {strides = array<i32>} : memref<128xi32, #tpu.memory_space<vmem>>, vector<16xi32>,
        %get3A_66 = vector.shape_cast %get3A_65 : vector<16xi32> to vector<16xi32>
        %ge3A_67 = vector.broadcast %mul3A_0 : i32 to vector<16xi32>
        %ge3A_68 = arith.cmpi sge, %get3A_66, %ge3A_67 : vector<16xi32>
        %lt3A_69 = vector.broadcast %min3A_2 : i32 to vector<16xi32>
        %lt3A_70 = arith.cmpi slt, %get3A_66, %lt3A_69 : vector<16xi32>
        %and3A_71 = arith.andi %ge3A_68, %lt3A_70 : vector<16xi1>
        %sub3A_72 = vector.broadcast %mul3A_0 : i32 to vector<16xi32>
        %sub3A_73 = arith.subi %get3A_66, %sub3A_72 : vector<16xi32>
        %jit3A_74 = arith.constant 5120 : i32
        %broadcast_in_dim3A_75 = vector.broadcast %jit3A_74 : i32 to vector<16xi32>
        %select_n3A_76 = arith.select %and3A_71, %sub3A_73, %broadcast_in_dim3A_75 : vector<16xi1>, vector<16xi32>
        %swap3A_77 = arith.constant 32 : index
        %swap3A_78 = tpu.vector_load %arg8[%swap3A_77] {strides = array<i32>} : memref<128xi32, #tpu.memory_space<vmem>>, vector<16xi32>,
        %swap3A_79 = vector.shape_cast %swap3A_78 : vector<16xi32> to vector<16xi32>
        %swap3A_80 = vector.shape_cast %select_n3A_76 : vector<16xi32> to vector<16xi32>
        tpu.vector_store %arg8[%swap3A_77], %swap3A_80 {strides = array<i32>} : memref<128xi32, #tpu.memory_space<vmem>>, vector<16xi32>,
        %get3A_81 = arith.constant 48 : index
        %get3A_82 = tpu.vector_load %arg7[%get3A_81] {strides = array<i32>} : memref<128xi32, #tpu.memory_space<vmem>>, vector<16xi32>,
        %get3A_83 = vector.shape_cast %get3A_82 : vector<16xi32> to vector<16xi32>
        %ge3A_84 = vector.broadcast %mul3A_0 : i32 to vector<16xi32>
        %ge3A_85 = arith.cmpi sge, %get3A_83, %ge3A_84 : vector<16xi32>
        %lt3A_86 = vector.broadcast %min3A_2 : i32 to vector<16xi32>
        %lt3A_87 = arith.cmpi slt, %get3A_83, %lt3A_86 : vector<16xi32>
        %and3A_88 = arith.andi %ge3A_85, %lt3A_87 : vector<16xi1>
        %sub3A_89 = vector.broadcast %mul3A_0 : i32 to vector<16xi32>
        %sub3A_90 = arith.subi %get3A_83, %sub3A_89 : vector<16xi32>
        %jit3A_91 = arith.constant 5120 : i32
        %broadcast_in_dim3A_92 = vector.broadcast %jit3A_91 : i32 to vector<16xi32>
        %select_n3A_93 = arith.select %and3A_88, %sub3A_90, %broadcast_in_dim3A_92 : vector<16xi1>, vector<16xi32>
        %swap3A_94 = arith.constant 48 : index
        %swap3A_95 = tpu.vector_load %arg8[%swap3A_94] {strides = array<i32>} : memref<128xi32, #tpu.memory_space<vmem>>, vector<16xi32>,
        %swap3A_96 = vector.shape_cast %swap3A_95 : vector<16xi32> to vector<16xi32>
        %swap3A_97 = vector.shape_cast %select_n3A_93 : vector<16xi32> to vector<16xi32>
        tpu.vector_store %arg8[%swap3A_94], %swap3A_97 {strides = array<i32>} : memref<128xi32, #tpu.memory_space<vmem>>, vector<16xi32>,
        %get3A_98 = arith.constant 64 : index
        %get3A_99 = tpu.vector_load %arg7[%get3A_98] {strides = array<i32>} : memref<128xi32, #tpu.memory_space<vmem>>, vector<16xi32>,
        %get3A_100 = vector.shape_cast %get3A_99 : vector<16xi32> to vector<16xi32>
        %ge3A_101 = vector.broadcast %mul3A_0 : i32 to vector<16xi32>
        %ge3A_102 = arith.cmpi sge, %get3A_100, %ge3A_101 : vector<16xi32>
        %lt3A_103 = vector.broadcast %min3A_2 : i32 to vector<16xi32>
        %lt3A_104 = arith.cmpi slt, %get3A_100, %lt3A_103 : vector<16xi32>
        %and3A_105 = arith.andi %ge3A_102, %lt3A_104 : vector<16xi1>
        %sub3A_106 = vector.broadcast %mul3A_0 : i32 to vector<16xi32>
        %sub3A_107 = arith.subi %get3A_100, %sub3A_106 : vector<16xi32>
        %jit3A_108 = arith.constant 5120 : i32
        %broadcast_in_dim3A_109 = vector.broadcast %jit3A_108 : i32 to vector<16xi32>
        %select_n3A_110 = arith.select %and3A_105, %sub3A_107, %broadcast_in_dim3A_109 : vector<16xi1>, vector<16xi32>
        %swap3A_111 = arith.constant 64 : index
        %swap3A_112 = tpu.vector_load %arg8[%swap3A_111] {strides = array<i32>} : memref<128xi32, #tpu.memory_space<vmem>>, vector<16xi32>,
        %swap3A_113 = vector.shape_cast %swap3A_112 : vector<16xi32> to vector<16xi32>
        %swap3A_114 = vector.shape_cast %select_n3A_110 : vector<16xi32> to vector<16xi32>
        tpu.vector_store %arg8[%swap3A_111], %swap3A_114 {strides = array<i32>} : memref<128xi32, #tpu.memory_space<vmem>>, vector<16xi32>,
        %get3A_115 = arith.constant 80 : index
        %get3A_116 = tpu.vector_load %arg7[%get3A_115] {strides = array<i32>} : memref<128xi32, #tpu.memory_space<vmem>>, vector<16xi32>,
        %get3A_117 = vector.shape_cast %get3A_116 : vector<16xi32> to vector<16xi32>
        %ge3A_118 = vector.broadcast %mul3A_0 : i32 to vector<16xi32>
        %ge3A_119 = arith.cmpi sge, %get3A_117, %ge3A_118 : vector<16xi32>
        %lt3A_120 = vector.broadcast %min3A_2 : i32 to vector<16xi32>
        %lt3A_121 = arith.cmpi slt, %get3A_117, %lt3A_120 : vector<16xi32>
        %and3A_122 = arith.andi %ge3A_119, %lt3A_121 : vector<16xi1>
        %sub3A_123 = vector.broadcast %mul3A_0 : i32 to vector<16xi32>
        %sub3A_124 = arith.subi %get3A_117, %sub3A_123 : vector<16xi32>
        %jit3A_125 = arith.constant 5120 : i32
        %broadcast_in_dim3A_126 = vector.broadcast %jit3A_125 : i32 to vector<16xi32>
        %select_n3A_127 = arith.select %and3A_122, %sub3A_124, %broadcast_in_dim3A_126 : vector<16xi1>, vector<16xi32>
        %swap3A_128 = arith.constant 80 : index
        %swap3A_129 = tpu.vector_load %arg8[%swap3A_128] {strides = array<i32>} : memref<128xi32, #tpu.memory_space<vmem>>, vector<16xi32>,
        %swap3A_130 = vector.shape_cast %swap3A_129 : vector<16xi32> to vector<16xi32>
        %swap3A_131 = vector.shape_cast %select_n3A_127 : vector<16xi32> to vector<16xi32>
        tpu.vector_store %arg8[%swap3A_128], %swap3A_131 {strides = array<i32>} : memref<128xi32, #tpu.memory_space<vmem>>, vector<16xi32>,
        %get3A_132 = arith.constant 96 : index
        %get3A_133 = tpu.vector_load %arg7[%get3A_132] {strides = array<i32>} : memref<128xi32, #tpu.memory_space<vmem>>, vector<16xi32>,
        %get3A_134 = vector.shape_cast %get3A_133 : vector<16xi32> to vector<16xi32>
        %ge3A_135 = vector.broadcast %mul3A_0 : i32 to vector<16xi32>
        %ge3A_136 = arith.cmpi sge, %get3A_134, %ge3A_135 : vector<16xi32>
        %lt3A_137 = vector.broadcast %min3A_2 : i32 to vector<16xi32>
        %lt3A_138 = arith.cmpi slt, %get3A_134, %lt3A_137 : vector<16xi32>
        %and3A_139 = arith.andi %ge3A_136, %lt3A_138 : vector<16xi1>
        %sub3A_140 = vector.broadcast %mul3A_0 : i32 to vector<16xi32>
        %sub3A_141 = arith.subi %get3A_134, %sub3A_140 : vector<16xi32>
        %jit3A_142 = arith.constant 5120 : i32
        %broadcast_in_dim3A_143 = vector.broadcast %jit3A_142 : i32 to vector<16xi32>
        %select_n3A_144 = arith.select %and3A_139, %sub3A_141, %broadcast_in_dim3A_143 : vector<16xi1>, vector<16xi32>
        %swap3A_145 = arith.constant 96 : index
        %swap3A_146 = tpu.vector_load %arg8[%swap3A_145] {strides = array<i32>} : memref<128xi32, #tpu.memory_space<vmem>>, vector<16xi32>,
        %swap3A_147 = vector.shape_cast %swap3A_146 : vector<16xi32> to vector<16xi32>
        %swap3A_148 = vector.shape_cast %select_n3A_144 : vector<16xi32> to vector<16xi32>
        tpu.vector_store %arg8[%swap3A_145], %swap3A_148 {strides = array<i32>} : memref<128xi32, #tpu.memory_space<vmem>>, vector<16xi32>,
        %get3A_149 = arith.constant 112 : index
        %get3A_150 = tpu.vector_load %arg7[%get3A_149] {strides = array<i32>} : memref<128xi32, #tpu.memory_space<vmem>>, vector<16xi32>,
        %get3A_151 = vector.shape_cast %get3A_150 : vector<16xi32> to vector<16xi32>
        %ge3A_152 = vector.broadcast %mul3A_0 : i32 to vector<16xi32>
        %ge3A_153 = arith.cmpi sge, %get3A_151, %ge3A_152 : vector<16xi32>
        %lt3A_154 = vector.broadcast %min3A_2 : i32 to vector<16xi32>
        %lt3A_155 = arith.cmpi slt, %get3A_151, %lt3A_154 : vector<16xi32>
        %and3A_156 = arith.andi %ge3A_153, %lt3A_155 : vector<16xi1>
        %sub3A_157 = vector.broadcast %mul3A_0 : i32 to vector<16xi32>
        %sub3A_158 = arith.subi %get3A_151, %sub3A_157 : vector<16xi32>
        %jit3A_159 = arith.constant 5120 : i32
        %broadcast_in_dim3A_160 = vector.broadcast %jit3A_159 : i32 to vector<16xi32>
        %select_n3A_161 = arith.select %and3A_156, %sub3A_158, %broadcast_in_dim3A_160 : vector<16xi1>, vector<16xi32>
        %swap3A_162 = arith.constant 112 : index
        %swap3A_163 = tpu.vector_load %arg8[%swap3A_162] {strides = array<i32>} : memref<128xi32, #tpu.memory_space<vmem>>, vector<16xi32>,
        %swap3A_164 = vector.shape_cast %swap3A_163 : vector<16xi32> to vector<16xi32>
        %swap3A_165 = vector.shape_cast %select_n3A_161 : vector<16xi32> to vector<16xi32>
        tpu.vector_store %arg8[%swap3A_162], %swap3A_165 {strides = array<i32>} : memref<128xi32, #tpu.memory_space<vmem>>, vector<16xi32>,
        %dma_start3A = arith.constant 0 : i32
        %dma_start3A_166 = arith.constant 0 : i32
        %dma_start3A_167 = tpu.memref_slice %arg4[%dma_start3A, %dma_start3A_166] : memref<50176x64xf32, #tpu.memory_space<hbm>> -> memref<50176x64xf32, #tpu.memory_space<hbm>>
        tpu.enqueue_indirect_dma source(%dma_start3A_167 : memref<50176x64xf32, #tpu.memory_space<hbm>>) target(%arg9 : memref<128x64xf32, #tpu.memory_space<vmem>>) offsets(%arg6 : memref<128xi32, #tpu.memory_space<vmem>>) semaphore(%arg11 : memref<!tpu.dma_semaphore, #tpu.memory_space<semaphore_mem>>)
        %dma_wait3A = arith.constant 0 : i32
        %dma_wait3A_168 = arith.constant 0 : i32
        %dma_wait3A_169 = tpu.memref_slice %arg4[%dma_wait3A, %dma_wait3A_168] : memref<50176x64xf32, #tpu.memory_space<hbm>> -> memref<50176x64xf32, #tpu.memory_space<hbm>>
        tpu.wait_indirect_dma semaphore(%arg11 : memref<!tpu.dma_semaphore, #tpu.memory_space<semaphore_mem>>) src(%dma_wait3A_169 : memref<50176x64xf32, #tpu.memory_space<hbm>>) dst(%arg9 : memref<128x64xf32, #tpu.memory_space<vmem>>)
        "tpu.region"() ({
          %run_scoped3A = tpu.sem_alloc : memref<!tpu.dma_semaphore, #tpu.memory_space<semaphore_mem>>
          %dma_start3A_170 = arith.constant 0 : i32
          %dma_start3A_171 = arith.constant 0 : i32
          %dma_start3A_172 = tpu.memref_slice %arg10[%dma_start3A_170, %dma_start3A_171] : memref<5136x64xf32, #tpu.memory_space<vmem_shared>> -> memref<5136x64xf32, #tpu.memory_space<vmem_shared>>
          tpu.enqueue_indirect_dma source(%arg9 : memref<128x64xf32, #tpu.memory_space<vmem>>) target(%dma_start3A_172 : memref<5136x64xf32, #tpu.memory_space<vmem_shared>>) offsets(%arg8 : memref<128xi32, #tpu.memory_space<vmem>>) semaphore(%run_scoped3A : memref<!tpu.dma_semaphore, #tpu.memory_space<semaphore_mem>>) {add = true}
          %dma_wait3A_173 = arith.constant 0 : i32
          %dma_wait3A_174 = arith.constant 0 : i32
          %dma_wait3A_175 = tpu.memref_slice %arg10[%dma_wait3A_173, %dma_wait3A_174] : memref<5136x64xf32, #tpu.memory_space<vmem_shared>> -> memref<5136x64xf32, #tpu.memory_space<vmem_shared>>
          tpu.wait_indirect_dma semaphore(%run_scoped3A : memref<!tpu.dma_semaphore, #tpu.memory_space<semaphore_mem>>) src(%arg9 : memref<128x64xf32, #tpu.memory_space<vmem>>) dst(%dma_wait3A_175 : memref<5136x64xf32, #tpu.memory_space<vmem_shared>>)
          tpu.yield
        }) : () -> ()
      } else {
      }
    }
    %scan3A_20 = arith.constant 391 : i32
    %barrier3A_21 = arith.constant 0 : index
    tpu.barrier barrier_id(%barrier3A_21)
    %mul3A_22 = arith.constant 320 : i32
    %mul3A_23 = arith.muli %arg1, %mul3A_22 : i32
    %mul3A_24 = arith.constant 5120 : i32
    %mul3A_25 = arith.muli %arg0, %mul3A_24 : i32
    %mul3A_26 = arith.constant 320 : i32
    %mul3A_27 = arith.muli %arg1, %mul3A_26 : i32
    %add3A_28 = arith.addi %mul3A_25, %mul3A_27 : i32
    "tpu.region"() ({
      %run_scoped3A = tpu.sem_alloc : memref<!tpu.dma_semaphore, #tpu.memory_space<semaphore_mem>>
      %dma_start3A = arith.constant 0 : i32
      %dma_start3A_29 = tpu.memref_slice %arg5[%add3A_28, %dma_start3A] : memref<10240x64xf32, #tpu.memory_space<hbm>> -> memref<320x64xf32, #tpu.memory_space<hbm>>
      %dma_start3A_30 = arith.constant 0 : i32
      %dma_start3A_31 = tpu.memref_slice %arg10[%mul3A_23, %dma_start3A_30] : memref<5136x64xf32, #tpu.memory_space<vmem_shared>> -> memref<320x64xf32, #tpu.memory_space<vmem_shared>>
      tpu.enqueue_dma source(%dma_start3A_31 : memref<320x64xf32, #tpu.memory_space<vmem_shared>>) target(%dma_start3A_29 : memref<320x64xf32, #tpu.memory_space<hbm>>) target_semaphore(%run_scoped3A : memref<!tpu.dma_semaphore, #tpu.memory_space<semaphore_mem>>)
      %dma_wait3A = arith.constant 0 : i32
      %dma_wait3A_32 = tpu.memref_slice %arg5[%add3A_28, %dma_wait3A] : memref<10240x64xf32, #tpu.memory_space<hbm>> -> memref<320x64xf32, #tpu.memory_space<hbm>>
      %dma_wait3A_33 = arith.constant 0 : i32
      %dma_wait3A_34 = tpu.memref_slice %arg10[%mul3A_23, %dma_wait3A_33] : memref<5136x64xf32, #tpu.memory_space<vmem_shared>> -> memref<320x64xf32, #tpu.memory_space<vmem_shared>>
      tpu.wait_dma2 semaphore(%run_scoped3A : memref<!tpu.dma_semaphore, #tpu.memory_space<semaphore_mem>>) src(%dma_wait3A_34 : memref<320x64xf32, #tpu.memory_space<vmem_shared>>) dst(%dma_wait3A_32 : memref<320x64xf32, #tpu.memory_space<hbm>>)
      tpu.yield
    }) : () -> ()
    return
  }
}

#map = affine_map<(d0, d1) -> (0)>
#map1 = affine_map<(d0, d1) -> (0, 0)>
module attributes {stable_mosaic.version = 14 : i64} {
  func.func @seg(%arg0: i32, %arg1: i32, %arg2: memref<800000xi32, #tpu.memory_space<hbm>>, %arg3: memref<800000xi32, #tpu.memory_space<hbm>>, %arg4: memref<10240x64xf32, #tpu.memory_space<hbm>>, %arg5: memref<50176x64xf32, #tpu.memory_space<hbm>>, %arg6: memref<128xi32, #tpu.memory_space<vmem>>, %arg7: memref<128xi32, #tpu.memory_space<vmem>>, %arg8: memref<128xi32, #tpu.memory_space<vmem>>, %arg9: memref<128x64xf32, #tpu.memory_space<vmem>>, %arg10: memref<25104x64xf32, #tpu.memory_space<vmem_shared>>, %arg11: memref<!tpu.dma_semaphore, #tpu.memory_space<semaphore_mem>>) attributes {dimension_semantics = [#tpu.dimension_semantics<core_parallel>, #tpu.dimension_semantics<subcore_parallel>], iteration_bounds = array<i64: 2, 16>, scalar_prefetch = 0 : i64, scratch_operands = 6 : i64, tpu.core_type = #tpu.core_type<sc_vector_subcore>, window_params = [{transform_indices = #map}, {transform_indices = #map}, {transform_indices = #map1}, {transform_indices = #map1}]} {
    %mul3A = arith.constant 25088 : i32
    %mul3A_0 = arith.muli %arg0, %mul3A : i32
    %add3A = arith.constant 25088 : i32
    %add3A_1 = arith.addi %mul3A_0, %add3A : i32
    %min3A = arith.constant 50000 : i32
    %min3A_2 = arith.minsi %min3A, %add3A_1 : i32
    %broadcast_in_dim3A = arith.constant 0.000000e+00 : f32
    %broadcast_in_dim3A_3 = vector.broadcast %broadcast_in_dim3A : f32 to vector<16xf32>
    %scan3A = arith.constant 0 : i32
    %scan3A_4 = arith.constant 0 : i32
    %scan3A_5 = arith.constant 112 : i32
    %scan3A_6 = arith.addi %scan3A_4, %scan3A_5 : i32
    %scan3A_7 = arith.constant 1 : i32
    scf.for %scan3A_29 = %scan3A_4 to %scan3A_6 step %scan3A_7  : i32 {
      %swap3A = arith.index_cast %scan3A_29 : i32 to index
      %swap3A_30 = arith.constant 0 : index
      %swap3A_31 = tpu.vector_load %arg9[%swap3A, %swap3A_30] {strides = array<i32>} : memref<128x64xf32, #tpu.memory_space<vmem>>, vector<1x16xf32>,
      %swap3A_32 = vector.shape_cast %swap3A_31 : vector<1x16xf32> to vector<16xf32>
      %swap3A_33 = vector.shape_cast %broadcast_in_dim3A_3 : vector<16xf32> to vector<1x16xf32>
      tpu.vector_store %arg9[%swap3A, %swap3A_30], %swap3A_33 {strides = array<i32>} : memref<128x64xf32, #tpu.memory_space<vmem>>, vector<1x16xf32>,
      %swap3A_34 = arith.index_cast %scan3A_29 : i32 to index
      %swap3A_35 = arith.constant 16 : index
      %swap3A_36 = tpu.vector_load %arg9[%swap3A_34, %swap3A_35] {strides = array<i32>} : memref<128x64xf32, #tpu.memory_space<vmem>>, vector<1x16xf32>,
      %swap3A_37 = vector.shape_cast %swap3A_36 : vector<1x16xf32> to vector<16xf32>
      %swap3A_38 = vector.shape_cast %broadcast_in_dim3A_3 : vector<16xf32> to vector<1x16xf32>
      tpu.vector_store %arg9[%swap3A_34, %swap3A_35], %swap3A_38 {strides = array<i32>} : memref<128x64xf32, #tpu.memory_space<vmem>>, vector<1x16xf32>,
      %swap3A_39 = arith.index_cast %scan3A_29 : i32 to index
      %swap3A_40 = arith.constant 32 : index
      %swap3A_41 = tpu.vector_load %arg9[%swap3A_39, %swap3A_40] {strides = array<i32>} : memref<128x64xf32, #tpu.memory_space<vmem>>, vector<1x16xf32>,
      %swap3A_42 = vector.shape_cast %swap3A_41 : vector<1x16xf32> to vector<16xf32>
      %swap3A_43 = vector.shape_cast %broadcast_in_dim3A_3 : vector<16xf32> to vector<1x16xf32>
      tpu.vector_store %arg9[%swap3A_39, %swap3A_40], %swap3A_43 {strides = array<i32>} : memref<128x64xf32, #tpu.memory_space<vmem>>, vector<1x16xf32>,
      %swap3A_44 = arith.index_cast %scan3A_29 : i32 to index
      %swap3A_45 = arith.constant 48 : index
      %swap3A_46 = tpu.vector_load %arg9[%swap3A_44, %swap3A_45] {strides = array<i32>} : memref<128x64xf32, #tpu.memory_space<vmem>>, vector<1x16xf32>,
      %swap3A_47 = vector.shape_cast %swap3A_46 : vector<1x16xf32> to vector<16xf32>
      %swap3A_48 = vector.shape_cast %broadcast_in_dim3A_3 : vector<16xf32> to vector<1x16xf32>
      tpu.vector_store %arg9[%swap3A_44, %swap3A_45], %swap3A_48 {strides = array<i32>} : memref<128x64xf32, #tpu.memory_space<vmem>>, vector<1x16xf32>,
    }
    %scan3A_8 = arith.constant 112 : i32
    %scan3A_9 = arith.constant 0 : i32
    %scan3A_10 = arith.constant 0 : i32
    %scan3A_11 = arith.constant 14 : i32
    %scan3A_12 = arith.addi %scan3A_10, %scan3A_11 : i32
    %scan3A_13 = arith.constant 1 : i32
    scf.for %scan3A_29 = %scan3A_10 to %scan3A_12 step %scan3A_13  : i32 {
      %mul3A_30 = arith.constant 1568 : i32
      %mul3A_31 = arith.muli %arg1, %mul3A_30 : i32
      %mul3A_32 = arith.constant 112 : i32
      %mul3A_33 = arith.muli %scan3A_29, %mul3A_32 : i32
      %add3A_34 = arith.addi %mul3A_31, %mul3A_33 : i32
      "tpu.region"() ({
        %run_scoped3A = tpu.sem_alloc : memref<!tpu.dma_semaphore, #tpu.memory_space<semaphore_mem>>
        %dma_start3A = arith.constant 0 : i32
        %dma_start3A_35 = arith.constant 0 : i32
        %dma_start3A_36 = tpu.memref_slice %arg9[%dma_start3A, %dma_start3A_35] : memref<128x64xf32, #tpu.memory_space<vmem>> -> memref<112x64xf32, #tpu.memory_space<vmem>>
        %dma_start3A_37 = arith.constant 0 : i32
        %dma_start3A_38 = tpu.memref_slice %arg10[%add3A_34, %dma_start3A_37] : memref<25104x64xf32, #tpu.memory_space<vmem_shared>> -> memref<112x64xf32, #tpu.memory_space<vmem_shared>>
        %dma_start3A_39 = arith.constant 0 : i32
        %dma_start3A_40 = tpu.memref_slice %arg10[%add3A_34, %dma_start3A_39] : memref<25104x64xf32, #tpu.memory_space<vmem_shared>> -> memref<112x64xf32, #tpu.memory_space<vmem_shared>>
        %dma_start3A_41 = arith.constant 0 : i32
        %dma_start3A_42 = arith.constant 0 : i32
        %dma_start3A_43 = tpu.memref_slice %arg9[%dma_start3A_41, %dma_start3A_42] : memref<128x64xf32, #tpu.memory_space<vmem>> -> memref<112x64xf32, #tpu.memory_space<vmem>>
        tpu.enqueue_dma source(%dma_start3A_43 : memref<112x64xf32, #tpu.memory_space<vmem>>) target(%dma_start3A_40 : memref<112x64xf32, #tpu.memory_space<vmem_shared>>) target_semaphore(%run_scoped3A : memref<!tpu.dma_semaphore, #tpu.memory_space<semaphore_mem>>)
        %dma_wait3A = arith.constant 0 : i32
        %dma_wait3A_44 = arith.constant 0 : i32
        %dma_wait3A_45 = tpu.memref_slice %arg9[%dma_wait3A, %dma_wait3A_44] : memref<128x64xf32, #tpu.memory_space<vmem>> -> memref<112x64xf32, #tpu.memory_space<vmem>>
        %dma_wait3A_46 = arith.constant 0 : i32
        %dma_wait3A_47 = tpu.memref_slice %arg10[%add3A_34, %dma_wait3A_46] : memref<25104x64xf32, #tpu.memory_space<vmem_shared>> -> memref<112x64xf32, #tpu.memory_space<vmem_shared>>
        %dma_wait3A_48 = arith.constant 0 : i32
        %dma_wait3A_49 = tpu.memref_slice %arg10[%add3A_34, %dma_wait3A_48] : memref<25104x64xf32, #tpu.memory_space<vmem_shared>> -> memref<112x64xf32, #tpu.memory_space<vmem_shared>>
        %dma_wait3A_50 = arith.constant 0 : i32
        %dma_wait3A_51 = arith.constant 0 : i32
        %dma_wait3A_52 = tpu.memref_slice %arg9[%dma_wait3A_50, %dma_wait3A_51] : memref<128x64xf32, #tpu.memory_space<vmem>> -> memref<112x64xf32, #tpu.memory_space<vmem>>
        tpu.wait_dma2 semaphore(%run_scoped3A : memref<!tpu.dma_semaphore, #tpu.memory_space<semaphore_mem>>) src(%dma_wait3A_52 : memref<112x64xf32, #tpu.memory_space<vmem>>) dst(%dma_wait3A_49 : memref<112x64xf32, #tpu.memory_space<vmem_shared>>)
        tpu.yield
      }) : () -> ()
    }
    %scan3A_14 = arith.constant 14 : i32
    %barrier3A = arith.constant 0 : index
    tpu.barrier barrier_id(%barrier3A)
    %scan3A_15 = arith.constant 0 : i32
    %scan3A_16 = arith.constant 0 : i32
    %scan3A_17 = arith.constant 391 : i32
    %scan3A_18 = arith.addi %scan3A_16, %scan3A_17 : i32
    %scan3A_19 = arith.constant 1 : i32
    scf.for %scan3A_29 = %scan3A_16 to %scan3A_18 step %scan3A_19  : i32 {
      %mul3A_30 = arith.constant 16 : i32
      %mul3A_31 = arith.muli %scan3A_29, %mul3A_30 : i32
      %add3A_32 = arith.addi %mul3A_31, %arg1 : i32
      %lt3A = arith.constant 6250 : i32
      %lt3A_33 = arith.cmpi slt, %add3A_32, %lt3A : i32
      %convert_element_type3A = arith.extui %lt3A_33 : i1 to i32
      %cond3A = arith.constant 0 : i32
      %cond3A_34 = arith.cmpi ne, %convert_element_type3A, %cond3A : i32
      scf.if %cond3A_34 {
        %mul3A_35 = arith.constant 128 : i32
        %mul3A_36 = arith.muli %add3A_32, %mul3A_35 : i32
        "tpu.region"() ({
          %run_scoped3A = tpu.sem_alloc : memref<!tpu.dma_semaphore, #tpu.memory_space<semaphore_mem>>
          %dma_start3A_170 = tpu.memref_slice %arg2[%mul3A_36] : memref<800000xi32, #tpu.memory_space<hbm>> -> memref<128xi32, #tpu.memory_space<hbm>>
          %dma_start3A_171 = tpu.memref_slice %arg2[%mul3A_36] : memref<800000xi32, #tpu.memory_space<hbm>> -> memref<128xi32, #tpu.memory_space<hbm>>
          tpu.enqueue_dma source(%dma_start3A_171 : memref<128xi32, #tpu.memory_space<hbm>>) target(%arg6 : memref<128xi32, #tpu.memory_space<vmem>>) target_semaphore(%run_scoped3A : memref<!tpu.dma_semaphore, #tpu.memory_space<semaphore_mem>>)
          %dma_wait3A_172 = tpu.memref_slice %arg2[%mul3A_36] : memref<800000xi32, #tpu.memory_space<hbm>> -> memref<128xi32, #tpu.memory_space<hbm>>
          %dma_wait3A_173 = tpu.memref_slice %arg2[%mul3A_36] : memref<800000xi32, #tpu.memory_space<hbm>> -> memref<128xi32, #tpu.memory_space<hbm>>
          tpu.wait_dma2 semaphore(%run_scoped3A : memref<!tpu.dma_semaphore, #tpu.memory_space<semaphore_mem>>) src(%dma_wait3A_173 : memref<128xi32, #tpu.memory_space<hbm>>) dst(%arg6 : memref<128xi32, #tpu.memory_space<vmem>>)
          tpu.yield
        }) : () -> ()
        "tpu.region"() ({
          %run_scoped3A = tpu.sem_alloc : memref<!tpu.dma_semaphore, #tpu.memory_space<semaphore_mem>>
          %dma_start3A_170 = tpu.memref_slice %arg3[%mul3A_36] : memref<800000xi32, #tpu.memory_space<hbm>> -> memref<128xi32, #tpu.memory_space<hbm>>
          %dma_start3A_171 = tpu.memref_slice %arg3[%mul3A_36] : memref<800000xi32, #tpu.memory_space<hbm>> -> memref<128xi32, #tpu.memory_space<hbm>>
          tpu.enqueue_dma source(%dma_start3A_171 : memref<128xi32, #tpu.memory_space<hbm>>) target(%arg7 : memref<128xi32, #tpu.memory_space<vmem>>) target_semaphore(%run_scoped3A : memref<!tpu.dma_semaphore, #tpu.memory_space<semaphore_mem>>)
          %dma_wait3A_172 = tpu.memref_slice %arg3[%mul3A_36] : memref<800000xi32, #tpu.memory_space<hbm>> -> memref<128xi32, #tpu.memory_space<hbm>>
          %dma_wait3A_173 = tpu.memref_slice %arg3[%mul3A_36] : memref<800000xi32, #tpu.memory_space<hbm>> -> memref<128xi32, #tpu.memory_space<hbm>>
          tpu.wait_dma2 semaphore(%run_scoped3A : memref<!tpu.dma_semaphore, #tpu.memory_space<semaphore_mem>>) src(%dma_wait3A_173 : memref<128xi32, #tpu.memory_space<hbm>>) dst(%arg7 : memref<128xi32, #tpu.memory_space<vmem>>)
          tpu.yield
        }) : () -> ()
        %get3A = arith.constant 0 : index
        %get3A_37 = tpu.vector_load %arg7[%get3A] {strides = array<i32>} : memref<128xi32, #tpu.memory_space<vmem>>, vector<16xi32>,
        %get3A_38 = vector.shape_cast %get3A_37 : vector<16xi32> to vector<16xi32>
        %ge3A = vector.broadcast %mul3A_0 : i32 to vector<16xi32>
        %ge3A_39 = arith.cmpi sge, %get3A_38, %ge3A : vector<16xi32>
        %lt3A_40 = vector.broadcast %min3A_2 : i32 to vector<16xi32>
        %lt3A_41 = arith.cmpi slt, %get3A_38, %lt3A_40 : vector<16xi32>
        %and3A = arith.andi %ge3A_39, %lt3A_41 : vector<16xi1>
        %sub3A = vector.broadcast %mul3A_0 : i32 to vector<16xi32>
        %sub3A_42 = arith.subi %get3A_38, %sub3A : vector<16xi32>
        %jit3A = arith.constant 25088 : i32
        %broadcast_in_dim3A_43 = vector.broadcast %jit3A : i32 to vector<16xi32>
        %select_n3A = arith.select %and3A, %sub3A_42, %broadcast_in_dim3A_43 : vector<16xi1>, vector<16xi32>
        %swap3A = arith.constant 0 : index
        %swap3A_44 = tpu.vector_load %arg8[%swap3A] {strides = array<i32>} : memref<128xi32, #tpu.memory_space<vmem>>, vector<16xi32>,
        %swap3A_45 = vector.shape_cast %swap3A_44 : vector<16xi32> to vector<16xi32>
        %swap3A_46 = vector.shape_cast %select_n3A : vector<16xi32> to vector<16xi32>
        tpu.vector_store %arg8[%swap3A], %swap3A_46 {strides = array<i32>} : memref<128xi32, #tpu.memory_space<vmem>>, vector<16xi32>,
        %get3A_47 = arith.constant 16 : index
        %get3A_48 = tpu.vector_load %arg7[%get3A_47] {strides = array<i32>} : memref<128xi32, #tpu.memory_space<vmem>>, vector<16xi32>,
        %get3A_49 = vector.shape_cast %get3A_48 : vector<16xi32> to vector<16xi32>
        %ge3A_50 = vector.broadcast %mul3A_0 : i32 to vector<16xi32>
        %ge3A_51 = arith.cmpi sge, %get3A_49, %ge3A_50 : vector<16xi32>
        %lt3A_52 = vector.broadcast %min3A_2 : i32 to vector<16xi32>
        %lt3A_53 = arith.cmpi slt, %get3A_49, %lt3A_52 : vector<16xi32>
        %and3A_54 = arith.andi %ge3A_51, %lt3A_53 : vector<16xi1>
        %sub3A_55 = vector.broadcast %mul3A_0 : i32 to vector<16xi32>
        %sub3A_56 = arith.subi %get3A_49, %sub3A_55 : vector<16xi32>
        %jit3A_57 = arith.constant 25088 : i32
        %broadcast_in_dim3A_58 = vector.broadcast %jit3A_57 : i32 to vector<16xi32>
        %select_n3A_59 = arith.select %and3A_54, %sub3A_56, %broadcast_in_dim3A_58 : vector<16xi1>, vector<16xi32>
        %swap3A_60 = arith.constant 16 : index
        %swap3A_61 = tpu.vector_load %arg8[%swap3A_60] {strides = array<i32>} : memref<128xi32, #tpu.memory_space<vmem>>, vector<16xi32>,
        %swap3A_62 = vector.shape_cast %swap3A_61 : vector<16xi32> to vector<16xi32>
        %swap3A_63 = vector.shape_cast %select_n3A_59 : vector<16xi32> to vector<16xi32>
        tpu.vector_store %arg8[%swap3A_60], %swap3A_63 {strides = array<i32>} : memref<128xi32, #tpu.memory_space<vmem>>, vector<16xi32>,
        %get3A_64 = arith.constant 32 : index
        %get3A_65 = tpu.vector_load %arg7[%get3A_64] {strides = array<i32>} : memref<128xi32, #tpu.memory_space<vmem>>, vector<16xi32>,
        %get3A_66 = vector.shape_cast %get3A_65 : vector<16xi32> to vector<16xi32>
        %ge3A_67 = vector.broadcast %mul3A_0 : i32 to vector<16xi32>
        %ge3A_68 = arith.cmpi sge, %get3A_66, %ge3A_67 : vector<16xi32>
        %lt3A_69 = vector.broadcast %min3A_2 : i32 to vector<16xi32>
        %lt3A_70 = arith.cmpi slt, %get3A_66, %lt3A_69 : vector<16xi32>
        %and3A_71 = arith.andi %ge3A_68, %lt3A_70 : vector<16xi1>
        %sub3A_72 = vector.broadcast %mul3A_0 : i32 to vector<16xi32>
        %sub3A_73 = arith.subi %get3A_66, %sub3A_72 : vector<16xi32>
        %jit3A_74 = arith.constant 25088 : i32
        %broadcast_in_dim3A_75 = vector.broadcast %jit3A_74 : i32 to vector<16xi32>
        %select_n3A_76 = arith.select %and3A_71, %sub3A_73, %broadcast_in_dim3A_75 : vector<16xi1>, vector<16xi32>
        %swap3A_77 = arith.constant 32 : index
        %swap3A_78 = tpu.vector_load %arg8[%swap3A_77] {strides = array<i32>} : memref<128xi32, #tpu.memory_space<vmem>>, vector<16xi32>,
        %swap3A_79 = vector.shape_cast %swap3A_78 : vector<16xi32> to vector<16xi32>
        %swap3A_80 = vector.shape_cast %select_n3A_76 : vector<16xi32> to vector<16xi32>
        tpu.vector_store %arg8[%swap3A_77], %swap3A_80 {strides = array<i32>} : memref<128xi32, #tpu.memory_space<vmem>>, vector<16xi32>,
        %get3A_81 = arith.constant 48 : index
        %get3A_82 = tpu.vector_load %arg7[%get3A_81] {strides = array<i32>} : memref<128xi32, #tpu.memory_space<vmem>>, vector<16xi32>,
        %get3A_83 = vector.shape_cast %get3A_82 : vector<16xi32> to vector<16xi32>
        %ge3A_84 = vector.broadcast %mul3A_0 : i32 to vector<16xi32>
        %ge3A_85 = arith.cmpi sge, %get3A_83, %ge3A_84 : vector<16xi32>
        %lt3A_86 = vector.broadcast %min3A_2 : i32 to vector<16xi32>
        %lt3A_87 = arith.cmpi slt, %get3A_83, %lt3A_86 : vector<16xi32>
        %and3A_88 = arith.andi %ge3A_85, %lt3A_87 : vector<16xi1>
        %sub3A_89 = vector.broadcast %mul3A_0 : i32 to vector<16xi32>
        %sub3A_90 = arith.subi %get3A_83, %sub3A_89 : vector<16xi32>
        %jit3A_91 = arith.constant 25088 : i32
        %broadcast_in_dim3A_92 = vector.broadcast %jit3A_91 : i32 to vector<16xi32>
        %select_n3A_93 = arith.select %and3A_88, %sub3A_90, %broadcast_in_dim3A_92 : vector<16xi1>, vector<16xi32>
        %swap3A_94 = arith.constant 48 : index
        %swap3A_95 = tpu.vector_load %arg8[%swap3A_94] {strides = array<i32>} : memref<128xi32, #tpu.memory_space<vmem>>, vector<16xi32>,
        %swap3A_96 = vector.shape_cast %swap3A_95 : vector<16xi32> to vector<16xi32>
        %swap3A_97 = vector.shape_cast %select_n3A_93 : vector<16xi32> to vector<16xi32>
        tpu.vector_store %arg8[%swap3A_94], %swap3A_97 {strides = array<i32>} : memref<128xi32, #tpu.memory_space<vmem>>, vector<16xi32>,
        %get3A_98 = arith.constant 64 : index
        %get3A_99 = tpu.vector_load %arg7[%get3A_98] {strides = array<i32>} : memref<128xi32, #tpu.memory_space<vmem>>, vector<16xi32>,
        %get3A_100 = vector.shape_cast %get3A_99 : vector<16xi32> to vector<16xi32>
        %ge3A_101 = vector.broadcast %mul3A_0 : i32 to vector<16xi32>
        %ge3A_102 = arith.cmpi sge, %get3A_100, %ge3A_101 : vector<16xi32>
        %lt3A_103 = vector.broadcast %min3A_2 : i32 to vector<16xi32>
        %lt3A_104 = arith.cmpi slt, %get3A_100, %lt3A_103 : vector<16xi32>
        %and3A_105 = arith.andi %ge3A_102, %lt3A_104 : vector<16xi1>
        %sub3A_106 = vector.broadcast %mul3A_0 : i32 to vector<16xi32>
        %sub3A_107 = arith.subi %get3A_100, %sub3A_106 : vector<16xi32>
        %jit3A_108 = arith.constant 25088 : i32
        %broadcast_in_dim3A_109 = vector.broadcast %jit3A_108 : i32 to vector<16xi32>
        %select_n3A_110 = arith.select %and3A_105, %sub3A_107, %broadcast_in_dim3A_109 : vector<16xi1>, vector<16xi32>
        %swap3A_111 = arith.constant 64 : index
        %swap3A_112 = tpu.vector_load %arg8[%swap3A_111] {strides = array<i32>} : memref<128xi32, #tpu.memory_space<vmem>>, vector<16xi32>,
        %swap3A_113 = vector.shape_cast %swap3A_112 : vector<16xi32> to vector<16xi32>
        %swap3A_114 = vector.shape_cast %select_n3A_110 : vector<16xi32> to vector<16xi32>
        tpu.vector_store %arg8[%swap3A_111], %swap3A_114 {strides = array<i32>} : memref<128xi32, #tpu.memory_space<vmem>>, vector<16xi32>,
        %get3A_115 = arith.constant 80 : index
        %get3A_116 = tpu.vector_load %arg7[%get3A_115] {strides = array<i32>} : memref<128xi32, #tpu.memory_space<vmem>>, vector<16xi32>,
        %get3A_117 = vector.shape_cast %get3A_116 : vector<16xi32> to vector<16xi32>
        %ge3A_118 = vector.broadcast %mul3A_0 : i32 to vector<16xi32>
        %ge3A_119 = arith.cmpi sge, %get3A_117, %ge3A_118 : vector<16xi32>
        %lt3A_120 = vector.broadcast %min3A_2 : i32 to vector<16xi32>
        %lt3A_121 = arith.cmpi slt, %get3A_117, %lt3A_120 : vector<16xi32>
        %and3A_122 = arith.andi %ge3A_119, %lt3A_121 : vector<16xi1>
        %sub3A_123 = vector.broadcast %mul3A_0 : i32 to vector<16xi32>
        %sub3A_124 = arith.subi %get3A_117, %sub3A_123 : vector<16xi32>
        %jit3A_125 = arith.constant 25088 : i32
        %broadcast_in_dim3A_126 = vector.broadcast %jit3A_125 : i32 to vector<16xi32>
        %select_n3A_127 = arith.select %and3A_122, %sub3A_124, %broadcast_in_dim3A_126 : vector<16xi1>, vector<16xi32>
        %swap3A_128 = arith.constant 80 : index
        %swap3A_129 = tpu.vector_load %arg8[%swap3A_128] {strides = array<i32>} : memref<128xi32, #tpu.memory_space<vmem>>, vector<16xi32>,
        %swap3A_130 = vector.shape_cast %swap3A_129 : vector<16xi32> to vector<16xi32>
        %swap3A_131 = vector.shape_cast %select_n3A_127 : vector<16xi32> to vector<16xi32>
        tpu.vector_store %arg8[%swap3A_128], %swap3A_131 {strides = array<i32>} : memref<128xi32, #tpu.memory_space<vmem>>, vector<16xi32>,
        %get3A_132 = arith.constant 96 : index
        %get3A_133 = tpu.vector_load %arg7[%get3A_132] {strides = array<i32>} : memref<128xi32, #tpu.memory_space<vmem>>, vector<16xi32>,
        %get3A_134 = vector.shape_cast %get3A_133 : vector<16xi32> to vector<16xi32>
        %ge3A_135 = vector.broadcast %mul3A_0 : i32 to vector<16xi32>
        %ge3A_136 = arith.cmpi sge, %get3A_134, %ge3A_135 : vector<16xi32>
        %lt3A_137 = vector.broadcast %min3A_2 : i32 to vector<16xi32>
        %lt3A_138 = arith.cmpi slt, %get3A_134, %lt3A_137 : vector<16xi32>
        %and3A_139 = arith.andi %ge3A_136, %lt3A_138 : vector<16xi1>
        %sub3A_140 = vector.broadcast %mul3A_0 : i32 to vector<16xi32>
        %sub3A_141 = arith.subi %get3A_134, %sub3A_140 : vector<16xi32>
        %jit3A_142 = arith.constant 25088 : i32
        %broadcast_in_dim3A_143 = vector.broadcast %jit3A_142 : i32 to vector<16xi32>
        %select_n3A_144 = arith.select %and3A_139, %sub3A_141, %broadcast_in_dim3A_143 : vector<16xi1>, vector<16xi32>
        %swap3A_145 = arith.constant 96 : index
        %swap3A_146 = tpu.vector_load %arg8[%swap3A_145] {strides = array<i32>} : memref<128xi32, #tpu.memory_space<vmem>>, vector<16xi32>,
        %swap3A_147 = vector.shape_cast %swap3A_146 : vector<16xi32> to vector<16xi32>
        %swap3A_148 = vector.shape_cast %select_n3A_144 : vector<16xi32> to vector<16xi32>
        tpu.vector_store %arg8[%swap3A_145], %swap3A_148 {strides = array<i32>} : memref<128xi32, #tpu.memory_space<vmem>>, vector<16xi32>,
        %get3A_149 = arith.constant 112 : index
        %get3A_150 = tpu.vector_load %arg7[%get3A_149] {strides = array<i32>} : memref<128xi32, #tpu.memory_space<vmem>>, vector<16xi32>,
        %get3A_151 = vector.shape_cast %get3A_150 : vector<16xi32> to vector<16xi32>
        %ge3A_152 = vector.broadcast %mul3A_0 : i32 to vector<16xi32>
        %ge3A_153 = arith.cmpi sge, %get3A_151, %ge3A_152 : vector<16xi32>
        %lt3A_154 = vector.broadcast %min3A_2 : i32 to vector<16xi32>
        %lt3A_155 = arith.cmpi slt, %get3A_151, %lt3A_154 : vector<16xi32>
        %and3A_156 = arith.andi %ge3A_153, %lt3A_155 : vector<16xi1>
        %sub3A_157 = vector.broadcast %mul3A_0 : i32 to vector<16xi32>
        %sub3A_158 = arith.subi %get3A_151, %sub3A_157 : vector<16xi32>
        %jit3A_159 = arith.constant 25088 : i32
        %broadcast_in_dim3A_160 = vector.broadcast %jit3A_159 : i32 to vector<16xi32>
        %select_n3A_161 = arith.select %and3A_156, %sub3A_158, %broadcast_in_dim3A_160 : vector<16xi1>, vector<16xi32>
        %swap3A_162 = arith.constant 112 : index
        %swap3A_163 = tpu.vector_load %arg8[%swap3A_162] {strides = array<i32>} : memref<128xi32, #tpu.memory_space<vmem>>, vector<16xi32>,
        %swap3A_164 = vector.shape_cast %swap3A_163 : vector<16xi32> to vector<16xi32>
        %swap3A_165 = vector.shape_cast %select_n3A_161 : vector<16xi32> to vector<16xi32>
        tpu.vector_store %arg8[%swap3A_162], %swap3A_165 {strides = array<i32>} : memref<128xi32, #tpu.memory_space<vmem>>, vector<16xi32>,
        %dma_start3A = arith.constant 0 : i32
        %dma_start3A_166 = arith.constant 0 : i32
        %dma_start3A_167 = tpu.memref_slice %arg4[%dma_start3A, %dma_start3A_166] : memref<10240x64xf32, #tpu.memory_space<hbm>> -> memref<10240x64xf32, #tpu.memory_space<hbm>>
        tpu.enqueue_indirect_dma source(%dma_start3A_167 : memref<10240x64xf32, #tpu.memory_space<hbm>>) target(%arg9 : memref<128x64xf32, #tpu.memory_space<vmem>>) offsets(%arg6 : memref<128xi32, #tpu.memory_space<vmem>>) semaphore(%arg11 : memref<!tpu.dma_semaphore, #tpu.memory_space<semaphore_mem>>)
        %dma_wait3A = arith.constant 0 : i32
        %dma_wait3A_168 = arith.constant 0 : i32
        %dma_wait3A_169 = tpu.memref_slice %arg4[%dma_wait3A, %dma_wait3A_168] : memref<10240x64xf32, #tpu.memory_space<hbm>> -> memref<10240x64xf32, #tpu.memory_space<hbm>>
        tpu.wait_indirect_dma semaphore(%arg11 : memref<!tpu.dma_semaphore, #tpu.memory_space<semaphore_mem>>) src(%dma_wait3A_169 : memref<10240x64xf32, #tpu.memory_space<hbm>>) dst(%arg9 : memref<128x64xf32, #tpu.memory_space<vmem>>)
        "tpu.region"() ({
          %run_scoped3A = tpu.sem_alloc : memref<!tpu.dma_semaphore, #tpu.memory_space<semaphore_mem>>
          %dma_start3A_170 = arith.constant 0 : i32
          %dma_start3A_171 = arith.constant 0 : i32
          %dma_start3A_172 = tpu.memref_slice %arg10[%dma_start3A_170, %dma_start3A_171] : memref<25104x64xf32, #tpu.memory_space<vmem_shared>> -> memref<25104x64xf32, #tpu.memory_space<vmem_shared>>
          tpu.enqueue_indirect_dma source(%arg9 : memref<128x64xf32, #tpu.memory_space<vmem>>) target(%dma_start3A_172 : memref<25104x64xf32, #tpu.memory_space<vmem_shared>>) offsets(%arg8 : memref<128xi32, #tpu.memory_space<vmem>>) semaphore(%run_scoped3A : memref<!tpu.dma_semaphore, #tpu.memory_space<semaphore_mem>>) {add = true}
          %dma_wait3A_173 = arith.constant 0 : i32
          %dma_wait3A_174 = arith.constant 0 : i32
          %dma_wait3A_175 = tpu.memref_slice %arg10[%dma_wait3A_173, %dma_wait3A_174] : memref<25104x64xf32, #tpu.memory_space<vmem_shared>> -> memref<25104x64xf32, #tpu.memory_space<vmem_shared>>
          tpu.wait_indirect_dma semaphore(%run_scoped3A : memref<!tpu.dma_semaphore, #tpu.memory_space<semaphore_mem>>) src(%arg9 : memref<128x64xf32, #tpu.memory_space<vmem>>) dst(%dma_wait3A_175 : memref<25104x64xf32, #tpu.memory_space<vmem_shared>>)
          tpu.yield
        }) : () -> ()
      } else {
      }
    }
    %scan3A_20 = arith.constant 391 : i32
    %barrier3A_21 = arith.constant 0 : index
    tpu.barrier barrier_id(%barrier3A_21)
    %mul3A_22 = arith.constant 1568 : i32
    %mul3A_23 = arith.muli %arg1, %mul3A_22 : i32
    %mul3A_24 = arith.constant 25088 : i32
    %mul3A_25 = arith.muli %arg0, %mul3A_24 : i32
    %mul3A_26 = arith.constant 1568 : i32
    %mul3A_27 = arith.muli %arg1, %mul3A_26 : i32
    %add3A_28 = arith.addi %mul3A_25, %mul3A_27 : i32
    "tpu.region"() ({
      %run_scoped3A = tpu.sem_alloc : memref<!tpu.dma_semaphore, #tpu.memory_space<semaphore_mem>>
      %dma_start3A = arith.constant 0 : i32
      %dma_start3A_29 = tpu.memref_slice %arg5[%add3A_28, %dma_start3A] : memref<50176x64xf32, #tpu.memory_space<hbm>> -> memref<1568x64xf32, #tpu.memory_space<hbm>>
      %dma_start3A_30 = arith.constant 0 : i32
      %dma_start3A_31 = tpu.memref_slice %arg10[%mul3A_23, %dma_start3A_30] : memref<25104x64xf32, #tpu.memory_space<vmem_shared>> -> memref<1568x64xf32, #tpu.memory_space<vmem_shared>>
      tpu.enqueue_dma source(%dma_start3A_31 : memref<1568x64xf32, #tpu.memory_space<vmem_shared>>) target(%dma_start3A_29 : memref<1568x64xf32, #tpu.memory_space<hbm>>) target_semaphore(%run_scoped3A : memref<!tpu.dma_semaphore, #tpu.memory_space<semaphore_mem>>)
      %dma_wait3A = arith.constant 0 : i32
      %dma_wait3A_32 = tpu.memref_slice %arg5[%add3A_28, %dma_wait3A] : memref<50176x64xf32, #tpu.memory_space<hbm>> -> memref<1568x64xf32, #tpu.memory_space<hbm>>
      %dma_wait3A_33 = arith.constant 0 : i32
      %dma_wait3A_34 = tpu.memref_slice %arg10[%mul3A_23, %dma_wait3A_33] : memref<25104x64xf32, #tpu.memory_space<vmem_shared>> -> memref<1568x64xf32, #tpu.memory_space<vmem_shared>>
      tpu.wait_dma2 semaphore(%run_scoped3A : memref<!tpu.dma_semaphore, #tpu.memory_space<semaphore_mem>>) src(%dma_wait3A_34 : memref<1568x64xf32, #tpu.memory_space<vmem_shared>>) dst(%dma_wait3A_32 : memref<1568x64xf32, #tpu.memory_space<hbm>>)
      tpu.yield
    }) : () -> ()
    return
  }
}

#map = affine_map<(d0, d1) -> (0, 0)>
#map1 = affine_map<(d0, d1) -> (0)>
module attributes {stable_mosaic.version = 14 : i64} {
  func.func @dec(%arg0: i32, %arg1: i32, %arg2: memref<50176x64xf32, #tpu.memory_space<hbm>>, %arg3: memref<10240x64xf32, #tpu.memory_space<hbm>>, %arg4: memref<100096xi32, #tpu.memory_space<hbm>>, %arg5: memref<100096xi32, #tpu.memory_space<hbm>>, %arg6: memref<100096xf32, #tpu.memory_space<hbm>>, %arg7: memref<128xi32, #tpu.memory_space<vmem>>, %arg8: memref<128xi32, #tpu.memory_space<vmem>>, %arg9: memref<128x64xf32, #tpu.memory_space<vmem>>, %arg10: memref<128x64xf32, #tpu.memory_space<vmem>>, %arg11: memref<16x16xf32, #tpu.memory_space<vmem>>, %arg12: memref<128xf32, #tpu.memory_space<vmem>>, %arg13: memref<!tpu.dma_semaphore, #tpu.memory_space<semaphore_mem>>, %arg14: memref<!tpu.dma_semaphore, #tpu.memory_space<semaphore_mem>>) attributes {dimension_semantics = [#tpu.dimension_semantics<core_parallel>, #tpu.dimension_semantics<subcore_parallel>], iteration_bounds = array<i64: 2, 16>, scalar_prefetch = 0 : i64, scratch_operands = 8 : i64, tpu.core_type = #tpu.core_type<sc_vector_subcore>, window_params = [{transform_indices = #map}, {transform_indices = #map}, {transform_indices = #map1}, {transform_indices = #map1}, {transform_indices = #map1}]} {
    %mul3A = arith.constant 16 : i32
    %mul3A_0 = arith.muli %arg0, %mul3A : i32
    %add3A = arith.addi %mul3A_0, %arg1 : i32
    %iota3A = tpu.iota {dimensions = array<i32: 0>} : vector<16xi32>
    %scan3A = arith.constant 0 : i32
    %scan3A_1 = arith.constant 0 : i32
    %scan3A_2 = arith.constant 25 : i32
    %scan3A_3 = arith.addi %scan3A_1, %scan3A_2 : i32
    %scan3A_4 = arith.constant 1 : i32
    scf.for %scan3A_6 = %scan3A_1 to %scan3A_3 step %scan3A_4  : i32 {
      %mul3A_7 = arith.constant 32 : i32
      %mul3A_8 = arith.muli %scan3A_6, %mul3A_7 : i32
      %add3A_9 = arith.addi %mul3A_8, %add3A : i32
      %lt3A = arith.constant 782 : i32
      %lt3A_10 = arith.cmpi slt, %add3A_9, %lt3A : i32
      %convert_element_type3A = arith.extui %lt3A_10 : i1 to i32
      %cond3A = arith.constant 0 : i32
      %cond3A_11 = arith.cmpi ne, %convert_element_type3A, %cond3A : i32
      scf.if %cond3A_11 {
        %mul3A_12 = arith.constant 128 : i32
        %mul3A_13 = arith.muli %add3A_9, %mul3A_12 : i32
        "tpu.region"() ({
          %run_scoped3A = tpu.sem_alloc : memref<!tpu.dma_semaphore, #tpu.memory_space<semaphore_mem>>
          %dma_start3A_150 = tpu.memref_slice %arg4[%mul3A_13] : memref<100096xi32, #tpu.memory_space<hbm>> -> memref<128xi32, #tpu.memory_space<hbm>>
          %dma_start3A_151 = tpu.memref_slice %arg4[%mul3A_13] : memref<100096xi32, #tpu.memory_space<hbm>> -> memref<128xi32, #tpu.memory_space<hbm>>
          tpu.enqueue_dma source(%dma_start3A_151 : memref<128xi32, #tpu.memory_space<hbm>>) target(%arg7 : memref<128xi32, #tpu.memory_space<vmem>>) target_semaphore(%run_scoped3A : memref<!tpu.dma_semaphore, #tpu.memory_space<semaphore_mem>>)
          %dma_wait3A_152 = tpu.memref_slice %arg4[%mul3A_13] : memref<100096xi32, #tpu.memory_space<hbm>> -> memref<128xi32, #tpu.memory_space<hbm>>
          %dma_wait3A_153 = tpu.memref_slice %arg4[%mul3A_13] : memref<100096xi32, #tpu.memory_space<hbm>> -> memref<128xi32, #tpu.memory_space<hbm>>
          tpu.wait_dma2 semaphore(%run_scoped3A : memref<!tpu.dma_semaphore, #tpu.memory_space<semaphore_mem>>) src(%dma_wait3A_153 : memref<128xi32, #tpu.memory_space<hbm>>) dst(%arg7 : memref<128xi32, #tpu.memory_space<vmem>>)
          tpu.yield
        }) : () -> ()
        "tpu.region"() ({
          %run_scoped3A = tpu.sem_alloc : memref<!tpu.dma_semaphore, #tpu.memory_space<semaphore_mem>>
          %dma_start3A_150 = tpu.memref_slice %arg5[%mul3A_13] : memref<100096xi32, #tpu.memory_space<hbm>> -> memref<128xi32, #tpu.memory_space<hbm>>
          %dma_start3A_151 = tpu.memref_slice %arg5[%mul3A_13] : memref<100096xi32, #tpu.memory_space<hbm>> -> memref<128xi32, #tpu.memory_space<hbm>>
          tpu.enqueue_dma source(%dma_start3A_151 : memref<128xi32, #tpu.memory_space<hbm>>) target(%arg8 : memref<128xi32, #tpu.memory_space<vmem>>) target_semaphore(%run_scoped3A : memref<!tpu.dma_semaphore, #tpu.memory_space<semaphore_mem>>)
          %dma_wait3A_152 = tpu.memref_slice %arg5[%mul3A_13] : memref<100096xi32, #tpu.memory_space<hbm>> -> memref<128xi32, #tpu.memory_space<hbm>>
          %dma_wait3A_153 = tpu.memref_slice %arg5[%mul3A_13] : memref<100096xi32, #tpu.memory_space<hbm>> -> memref<128xi32, #tpu.memory_space<hbm>>
          tpu.wait_dma2 semaphore(%run_scoped3A : memref<!tpu.dma_semaphore, #tpu.memory_space<semaphore_mem>>) src(%dma_wait3A_153 : memref<128xi32, #tpu.memory_space<hbm>>) dst(%arg8 : memref<128xi32, #tpu.memory_space<vmem>>)
          tpu.yield
        }) : () -> ()
        %dma_start3A = arith.constant 0 : i32
        %dma_start3A_14 = arith.constant 0 : i32
        %dma_start3A_15 = tpu.memref_slice %arg2[%dma_start3A, %dma_start3A_14] : memref<50176x64xf32, #tpu.memory_space<hbm>> -> memref<50176x64xf32, #tpu.memory_space<hbm>>
        tpu.enqueue_indirect_dma source(%dma_start3A_15 : memref<50176x64xf32, #tpu.memory_space<hbm>>) target(%arg9 : memref<128x64xf32, #tpu.memory_space<vmem>>) offsets(%arg7 : memref<128xi32, #tpu.memory_space<vmem>>) semaphore(%arg13 : memref<!tpu.dma_semaphore, #tpu.memory_space<semaphore_mem>>)
        %dma_start3A_16 = arith.constant 0 : i32
        %dma_start3A_17 = arith.constant 0 : i32
        %dma_start3A_18 = tpu.memref_slice %arg3[%dma_start3A_16, %dma_start3A_17] : memref<10240x64xf32, #tpu.memory_space<hbm>> -> memref<10240x64xf32, #tpu.memory_space<hbm>>
        tpu.enqueue_indirect_dma source(%dma_start3A_18 : memref<10240x64xf32, #tpu.memory_space<hbm>>) target(%arg10 : memref<128x64xf32, #tpu.memory_space<vmem>>) offsets(%arg8 : memref<128xi32, #tpu.memory_space<vmem>>) semaphore(%arg14 : memref<!tpu.dma_semaphore, #tpu.memory_space<semaphore_mem>>)
        %dma_wait3A = arith.constant 0 : i32
        %dma_wait3A_19 = arith.constant 0 : i32
        %dma_wait3A_20 = tpu.memref_slice %arg2[%dma_wait3A, %dma_wait3A_19] : memref<50176x64xf32, #tpu.memory_space<hbm>> -> memref<50176x64xf32, #tpu.memory_space<hbm>>
        tpu.wait_indirect_dma semaphore(%arg13 : memref<!tpu.dma_semaphore, #tpu.memory_space<semaphore_mem>>) src(%dma_wait3A_20 : memref<50176x64xf32, #tpu.memory_space<hbm>>) dst(%arg9 : memref<128x64xf32, #tpu.memory_space<vmem>>)
        %dma_wait3A_21 = arith.constant 0 : i32
        %dma_wait3A_22 = arith.constant 0 : i32
        %dma_wait3A_23 = tpu.memref_slice %arg3[%dma_wait3A_21, %dma_wait3A_22] : memref<10240x64xf32, #tpu.memory_space<hbm>> -> memref<10240x64xf32, #tpu.memory_space<hbm>>
        tpu.wait_indirect_dma semaphore(%arg14 : memref<!tpu.dma_semaphore, #tpu.memory_space<semaphore_mem>>) src(%dma_wait3A_23 : memref<10240x64xf32, #tpu.memory_space<hbm>>) dst(%arg10 : memref<128x64xf32, #tpu.memory_space<vmem>>)
        %scan3A_24 = arith.constant 0 : i32
        %scan3A_25 = arith.constant 0 : i32
        %scan3A_26 = arith.constant 16 : i32
        %scan3A_27 = arith.addi %scan3A_25, %scan3A_26 : i32
        %scan3A_28 = arith.constant 1 : i32
        scf.for %scan3A_150 = %scan3A_25 to %scan3A_27 step %scan3A_28  : i32 {
          %add3A_151 = arith.constant 0 : i32
          %add3A_152 = arith.addi %add3A_151, %scan3A_150 : i32
          %get3A = arith.index_cast %add3A_152 : i32 to index
          %get3A_153 = arith.constant 0 : index
          %get3A_154 = tpu.vector_load %arg9[%get3A, %get3A_153] {strides = array<i32>} : memref<128x64xf32, #tpu.memory_space<vmem>>, vector<16xf32>,
          %get3A_155 = arith.index_cast %add3A_152 : i32 to index
          %get3A_156 = arith.constant 0 : index
          %get3A_157 = tpu.vector_load %arg10[%get3A_155, %get3A_156] {strides = array<i32>} : memref<128x64xf32, #tpu.memory_space<vmem>>, vector<16xf32>,
          %mul3A_158 = arith.mulf %get3A_154, %get3A_157 : vector<16xf32>
          %get3A_159 = arith.index_cast %add3A_152 : i32 to index
          %get3A_160 = arith.constant 16 : index
          %get3A_161 = tpu.vector_load %arg9[%get3A_159, %get3A_160] {strides = array<i32>} : memref<128x64xf32, #tpu.memory_space<vmem>>, vector<16xf32>,
          %get3A_162 = arith.index_cast %add3A_152 : i32 to index
          %get3A_163 = arith.constant 16 : index
          %get3A_164 = tpu.vector_load %arg10[%get3A_162, %get3A_163] {strides = array<i32>} : memref<128x64xf32, #tpu.memory_space<vmem>>, vector<16xf32>,
          %mul3A_165 = arith.mulf %get3A_161, %get3A_164 : vector<16xf32>
          %add3A_166 = arith.addf %mul3A_158, %mul3A_165 : vector<16xf32>
          %get3A_167 = arith.index_cast %add3A_152 : i32 to index
          %get3A_168 = arith.constant 32 : index
          %get3A_169 = tpu.vector_load %arg9[%get3A_167, %get3A_168] {strides = array<i32>} : memref<128x64xf32, #tpu.memory_space<vmem>>, vector<16xf32>,
          %get3A_170 = arith.index_cast %add3A_152 : i32 to index
          %get3A_171 = arith.constant 32 : index
          %get3A_172 = tpu.vector_load %arg10[%get3A_170, %get3A_171] {strides = array<i32>} : memref<128x64xf32, #tpu.memory_space<vmem>>, vector<16xf32>,
          %mul3A_173 = arith.mulf %get3A_169, %get3A_172 : vector<16xf32>
          %add3A_174 = arith.addf %add3A_166, %mul3A_173 : vector<16xf32>
          %get3A_175 = arith.index_cast %add3A_152 : i32 to index
          %get3A_176 = arith.constant 48 : index
          %get3A_177 = tpu.vector_load %arg9[%get3A_175, %get3A_176] {strides = array<i32>} : memref<128x64xf32, #tpu.memory_space<vmem>>, vector<16xf32>,
          %get3A_178 = arith.index_cast %add3A_152 : i32 to index
          %get3A_179 = arith.constant 48 : index
          %get3A_180 = tpu.vector_load %arg10[%get3A_178, %get3A_179] {strides = array<i32>} : memref<128x64xf32, #tpu.memory_space<vmem>>, vector<16xf32>,
          %mul3A_181 = arith.mulf %get3A_177, %get3A_180 : vector<16xf32>
          %add3A_182 = arith.addf %add3A_174, %mul3A_181 : vector<16xf32>
          %swap3A_183 = arith.index_cast %scan3A_150 : i32 to index
          %swap3A_184 = arith.constant 0 : index
          %swap3A_185 = tpu.vector_load %arg11[%swap3A_183, %swap3A_184] {strides = array<i32>} : memref<16x16xf32, #tpu.memory_space<vmem>>, vector<16xf32>,
          tpu.vector_store %arg11[%swap3A_183, %swap3A_184], %add3A_182 {strides = array<i32>} : memref<16x16xf32, #tpu.memory_space<vmem>>, vector<16xf32>,
        }
        %scan3A_29 = arith.constant 16 : i32
        %broadcast_in_dim3A = arith.constant 0.000000e+00 : f32
        %broadcast_in_dim3A_30 = vector.broadcast %broadcast_in_dim3A : f32 to vector<16xf32>
        %scan3A_31 = arith.constant 0 : i32
        %scan3A_32 = arith.constant 16 : i32
        %scan3A_33 = arith.addi %scan3A_31, %scan3A_32 : i32
        %scan3A_34 = arith.constant 1 : i32
        %scan3A_35 = scf.for %scan3A_150 = %scan3A_31 to %scan3A_33 step %scan3A_34 iter_args(%scan3A_151 = %broadcast_in_dim3A_30) -> (vector<16xf32>)  : i32 {
          %broadcast_in_dim3A_152 = vector.broadcast %scan3A_150 : i32 to vector<16xi32>
          %gather3A = tpu.vector_load_idx %arg11[%iota3A, %broadcast_in_dim3A_152] : memref<16x16xf32, #tpu.memory_space<vmem>>[vector<16xi32>, vector<16xi32>], vector<16xf32>,
          %add3A_153 = arith.addf %scan3A_151, %gather3A : vector<16xf32>
          scf.yield %add3A_153 : vector<16xf32>
        }
        %scan3A_36 = arith.constant 16 : i32
        %swap3A = arith.constant 0 : index
        %swap3A_37 = tpu.vector_load %arg12[%swap3A] {strides = array<i32>} : memref<128xf32, #tpu.memory_space<vmem>>, vector<16xf32>,
        tpu.vector_store %arg12[%swap3A], %scan3A_35 {strides = array<i32>} : memref<128xf32, #tpu.memory_space<vmem>>, vector<16xf32>,
        %scan3A_38 = arith.constant 0 : i32
        %scan3A_39 = arith.constant 0 : i32
        %scan3A_40 = arith.constant 16 : i32
        %scan3A_41 = arith.addi %scan3A_39, %scan3A_40 : i32
        %scan3A_42 = arith.constant 1 : i32
        scf.for %scan3A_150 = %scan3A_39 to %scan3A_41 step %scan3A_42  : i32 {
          %add3A_151 = arith.constant 16 : i32
          %add3A_152 = arith.addi %add3A_151, %scan3A_150 : i32
          %get3A = arith.index_cast %add3A_152 : i32 to index
          %get3A_153 = arith.constant 0 : index
          %get3A_154 = tpu.vector_load %arg9[%get3A, %get3A_153] {strides = array<i32>} : memref<128x64xf32, #tpu.memory_space<vmem>>, vector<16xf32>,
          %get3A_155 = arith.index_cast %add3A_152 : i32 to index
          %get3A_156 = arith.constant 0 : index
          %get3A_157 = tpu.vector_load %arg10[%get3A_155, %get3A_156] {strides = array<i32>} : memref<128x64xf32, #tpu.memory_space<vmem>>, vector<16xf32>,
          %mul3A_158 = arith.mulf %get3A_154, %get3A_157 : vector<16xf32>
          %get3A_159 = arith.index_cast %add3A_152 : i32 to index
          %get3A_160 = arith.constant 16 : index
          %get3A_161 = tpu.vector_load %arg9[%get3A_159, %get3A_160] {strides = array<i32>} : memref<128x64xf32, #tpu.memory_space<vmem>>, vector<16xf32>,
          %get3A_162 = arith.index_cast %add3A_152 : i32 to index
          %get3A_163 = arith.constant 16 : index
          %get3A_164 = tpu.vector_load %arg10[%get3A_162, %get3A_163] {strides = array<i32>} : memref<128x64xf32, #tpu.memory_space<vmem>>, vector<16xf32>,
          %mul3A_165 = arith.mulf %get3A_161, %get3A_164 : vector<16xf32>
          %add3A_166 = arith.addf %mul3A_158, %mul3A_165 : vector<16xf32>
          %get3A_167 = arith.index_cast %add3A_152 : i32 to index
          %get3A_168 = arith.constant 32 : index
          %get3A_169 = tpu.vector_load %arg9[%get3A_167, %get3A_168] {strides = array<i32>} : memref<128x64xf32, #tpu.memory_space<vmem>>, vector<16xf32>,
          %get3A_170 = arith.index_cast %add3A_152 : i32 to index
          %get3A_171 = arith.constant 32 : index
          %get3A_172 = tpu.vector_load %arg10[%get3A_170, %get3A_171] {strides = array<i32>} : memref<128x64xf32, #tpu.memory_space<vmem>>, vector<16xf32>,
          %mul3A_173 = arith.mulf %get3A_169, %get3A_172 : vector<16xf32>
          %add3A_174 = arith.addf %add3A_166, %mul3A_173 : vector<16xf32>
          %get3A_175 = arith.index_cast %add3A_152 : i32 to index
          %get3A_176 = arith.constant 48 : index
          %get3A_177 = tpu.vector_load %arg9[%get3A_175, %get3A_176] {strides = array<i32>} : memref<128x64xf32, #tpu.memory_space<vmem>>, vector<16xf32>,
          %get3A_178 = arith.index_cast %add3A_152 : i32 to index
          %get3A_179 = arith.constant 48 : index
          %get3A_180 = tpu.vector_load %arg10[%get3A_178, %get3A_179] {strides = array<i32>} : memref<128x64xf32, #tpu.memory_space<vmem>>, vector<16xf32>,
          %mul3A_181 = arith.mulf %get3A_177, %get3A_180 : vector<16xf32>
          %add3A_182 = arith.addf %add3A_174, %mul3A_181 : vector<16xf32>
          %swap3A_183 = arith.index_cast %scan3A_150 : i32 to index
          %swap3A_184 = arith.constant 0 : index
          %swap3A_185 = tpu.vector_load %arg11[%swap3A_183, %swap3A_184] {strides = array<i32>} : memref<16x16xf32, #tpu.memory_space<vmem>>, vector<16xf32>,
          tpu.vector_store %arg11[%swap3A_183, %swap3A_184], %add3A_182 {strides = array<i32>} : memref<16x16xf32, #tpu.memory_space<vmem>>, vector<16xf32>,
        }
        %scan3A_43 = arith.constant 16 : i32
        %broadcast_in_dim3A_44 = arith.constant 0.000000e+00 : f32
        %broadcast_in_dim3A_45 = vector.broadcast %broadcast_in_dim3A_44 : f32 to vector<16xf32>
        %scan3A_46 = arith.constant 0 : i32
        %scan3A_47 = arith.constant 16 : i32
        %scan3A_48 = arith.addi %scan3A_46, %scan3A_47 : i32
        %scan3A_49 = arith.constant 1 : i32
        %scan3A_50 = scf.for %scan3A_150 = %scan3A_46 to %scan3A_48 step %scan3A_49 iter_args(%scan3A_151 = %broadcast_in_dim3A_45) -> (vector<16xf32>)  : i32 {
          %broadcast_in_dim3A_152 = vector.broadcast %scan3A_150 : i32 to vector<16xi32>
          %gather3A = tpu.vector_load_idx %arg11[%iota3A, %broadcast_in_dim3A_152] : memref<16x16xf32, #tpu.memory_space<vmem>>[vector<16xi32>, vector<16xi32>], vector<16xf32>,
          %add3A_153 = arith.addf %scan3A_151, %gather3A : vector<16xf32>
          scf.yield %add3A_153 : vector<16xf32>
        }
        %scan3A_51 = arith.constant 16 : i32
        %swap3A_52 = arith.constant 16 : index
        %swap3A_53 = tpu.vector_load %arg12[%swap3A_52] {strides = array<i32>} : memref<128xf32, #tpu.memory_space<vmem>>, vector<16xf32>,
        tpu.vector_store %arg12[%swap3A_52], %scan3A_50 {strides = array<i32>} : memref<128xf32, #tpu.memory_space<vmem>>, vector<16xf32>,
        %scan3A_54 = arith.constant 0 : i32
        %scan3A_55 = arith.constant 0 : i32
        %scan3A_56 = arith.constant 16 : i32
        %scan3A_57 = arith.addi %scan3A_55, %scan3A_56 : i32
        %scan3A_58 = arith.constant 1 : i32
        scf.for %scan3A_150 = %scan3A_55 to %scan3A_57 step %scan3A_58  : i32 {
          %add3A_151 = arith.constant 32 : i32
          %add3A_152 = arith.addi %add3A_151, %scan3A_150 : i32
          %get3A = arith.index_cast %add3A_152 : i32 to index
          %get3A_153 = arith.constant 0 : index
          %get3A_154 = tpu.vector_load %arg9[%get3A, %get3A_153] {strides = array<i32>} : memref<128x64xf32, #tpu.memory_space<vmem>>, vector<16xf32>,
          %get3A_155 = arith.index_cast %add3A_152 : i32 to index
          %get3A_156 = arith.constant 0 : index
          %get3A_157 = tpu.vector_load %arg10[%get3A_155, %get3A_156] {strides = array<i32>} : memref<128x64xf32, #tpu.memory_space<vmem>>, vector<16xf32>,
          %mul3A_158 = arith.mulf %get3A_154, %get3A_157 : vector<16xf32>
          %get3A_159 = arith.index_cast %add3A_152 : i32 to index
          %get3A_160 = arith.constant 16 : index
          %get3A_161 = tpu.vector_load %arg9[%get3A_159, %get3A_160] {strides = array<i32>} : memref<128x64xf32, #tpu.memory_space<vmem>>, vector<16xf32>,
          %get3A_162 = arith.index_cast %add3A_152 : i32 to index
          %get3A_163 = arith.constant 16 : index
          %get3A_164 = tpu.vector_load %arg10[%get3A_162, %get3A_163] {strides = array<i32>} : memref<128x64xf32, #tpu.memory_space<vmem>>, vector<16xf32>,
          %mul3A_165 = arith.mulf %get3A_161, %get3A_164 : vector<16xf32>
          %add3A_166 = arith.addf %mul3A_158, %mul3A_165 : vector<16xf32>
          %get3A_167 = arith.index_cast %add3A_152 : i32 to index
          %get3A_168 = arith.constant 32 : index
          %get3A_169 = tpu.vector_load %arg9[%get3A_167, %get3A_168] {strides = array<i32>} : memref<128x64xf32, #tpu.memory_space<vmem>>, vector<16xf32>,
          %get3A_170 = arith.index_cast %add3A_152 : i32 to index
          %get3A_171 = arith.constant 32 : index
          %get3A_172 = tpu.vector_load %arg10[%get3A_170, %get3A_171] {strides = array<i32>} : memref<128x64xf32, #tpu.memory_space<vmem>>, vector<16xf32>,
          %mul3A_173 = arith.mulf %get3A_169, %get3A_172 : vector<16xf32>
          %add3A_174 = arith.addf %add3A_166, %mul3A_173 : vector<16xf32>
          %get3A_175 = arith.index_cast %add3A_152 : i32 to index
          %get3A_176 = arith.constant 48 : index
          %get3A_177 = tpu.vector_load %arg9[%get3A_175, %get3A_176] {strides = array<i32>} : memref<128x64xf32, #tpu.memory_space<vmem>>, vector<16xf32>,
          %get3A_178 = arith.index_cast %add3A_152 : i32 to index
          %get3A_179 = arith.constant 48 : index
          %get3A_180 = tpu.vector_load %arg10[%get3A_178, %get3A_179] {strides = array<i32>} : memref<128x64xf32, #tpu.memory_space<vmem>>, vector<16xf32>,
          %mul3A_181 = arith.mulf %get3A_177, %get3A_180 : vector<16xf32>
          %add3A_182 = arith.addf %add3A_174, %mul3A_181 : vector<16xf32>
          %swap3A_183 = arith.index_cast %scan3A_150 : i32 to index
          %swap3A_184 = arith.constant 0 : index
          %swap3A_185 = tpu.vector_load %arg11[%swap3A_183, %swap3A_184] {strides = array<i32>} : memref<16x16xf32, #tpu.memory_space<vmem>>, vector<16xf32>,
          tpu.vector_store %arg11[%swap3A_183, %swap3A_184], %add3A_182 {strides = array<i32>} : memref<16x16xf32, #tpu.memory_space<vmem>>, vector<16xf32>,
        }
        %scan3A_59 = arith.constant 16 : i32
        %broadcast_in_dim3A_60 = arith.constant 0.000000e+00 : f32
        %broadcast_in_dim3A_61 = vector.broadcast %broadcast_in_dim3A_60 : f32 to vector<16xf32>
        %scan3A_62 = arith.constant 0 : i32
        %scan3A_63 = arith.constant 16 : i32
        %scan3A_64 = arith.addi %scan3A_62, %scan3A_63 : i32
        %scan3A_65 = arith.constant 1 : i32
        %scan3A_66 = scf.for %scan3A_150 = %scan3A_62 to %scan3A_64 step %scan3A_65 iter_args(%scan3A_151 = %broadcast_in_dim3A_61) -> (vector<16xf32>)  : i32 {
          %broadcast_in_dim3A_152 = vector.broadcast %scan3A_150 : i32 to vector<16xi32>
          %gather3A = tpu.vector_load_idx %arg11[%iota3A, %broadcast_in_dim3A_152] : memref<16x16xf32, #tpu.memory_space<vmem>>[vector<16xi32>, vector<16xi32>], vector<16xf32>,
          %add3A_153 = arith.addf %scan3A_151, %gather3A : vector<16xf32>
          scf.yield %add3A_153 : vector<16xf32>
        }
        %scan3A_67 = arith.constant 16 : i32
        %swap3A_68 = arith.constant 32 : index
        %swap3A_69 = tpu.vector_load %arg12[%swap3A_68] {strides = array<i32>} : memref<128xf32, #tpu.memory_space<vmem>>, vector<16xf32>,
        tpu.vector_store %arg12[%swap3A_68], %scan3A_66 {strides = array<i32>} : memref<128xf32, #tpu.memory_space<vmem>>, vector<16xf32>,
        %scan3A_70 = arith.constant 0 : i32
        %scan3A_71 = arith.constant 0 : i32
        %scan3A_72 = arith.constant 16 : i32
        %scan3A_73 = arith.addi %scan3A_71, %scan3A_72 : i32
        %scan3A_74 = arith.constant 1 : i32
        scf.for %scan3A_150 = %scan3A_71 to %scan3A_73 step %scan3A_74  : i32 {
          %add3A_151 = arith.constant 48 : i32
          %add3A_152 = arith.addi %add3A_151, %scan3A_150 : i32
          %get3A = arith.index_cast %add3A_152 : i32 to index
          %get3A_153 = arith.constant 0 : index
          %get3A_154 = tpu.vector_load %arg9[%get3A, %get3A_153] {strides = array<i32>} : memref<128x64xf32, #tpu.memory_space<vmem>>, vector<16xf32>,
          %get3A_155 = arith.index_cast %add3A_152 : i32 to index
          %get3A_156 = arith.constant 0 : index
          %get3A_157 = tpu.vector_load %arg10[%get3A_155, %get3A_156] {strides = array<i32>} : memref<128x64xf32, #tpu.memory_space<vmem>>, vector<16xf32>,
          %mul3A_158 = arith.mulf %get3A_154, %get3A_157 : vector<16xf32>
          %get3A_159 = arith.index_cast %add3A_152 : i32 to index
          %get3A_160 = arith.constant 16 : index
          %get3A_161 = tpu.vector_load %arg9[%get3A_159, %get3A_160] {strides = array<i32>} : memref<128x64xf32, #tpu.memory_space<vmem>>, vector<16xf32>,
          %get3A_162 = arith.index_cast %add3A_152 : i32 to index
          %get3A_163 = arith.constant 16 : index
          %get3A_164 = tpu.vector_load %arg10[%get3A_162, %get3A_163] {strides = array<i32>} : memref<128x64xf32, #tpu.memory_space<vmem>>, vector<16xf32>,
          %mul3A_165 = arith.mulf %get3A_161, %get3A_164 : vector<16xf32>
          %add3A_166 = arith.addf %mul3A_158, %mul3A_165 : vector<16xf32>
          %get3A_167 = arith.index_cast %add3A_152 : i32 to index
          %get3A_168 = arith.constant 32 : index
          %get3A_169 = tpu.vector_load %arg9[%get3A_167, %get3A_168] {strides = array<i32>} : memref<128x64xf32, #tpu.memory_space<vmem>>, vector<16xf32>,
          %get3A_170 = arith.index_cast %add3A_152 : i32 to index
          %get3A_171 = arith.constant 32 : index
          %get3A_172 = tpu.vector_load %arg10[%get3A_170, %get3A_171] {strides = array<i32>} : memref<128x64xf32, #tpu.memory_space<vmem>>, vector<16xf32>,
          %mul3A_173 = arith.mulf %get3A_169, %get3A_172 : vector<16xf32>
          %add3A_174 = arith.addf %add3A_166, %mul3A_173 : vector<16xf32>
          %get3A_175 = arith.index_cast %add3A_152 : i32 to index
          %get3A_176 = arith.constant 48 : index
          %get3A_177 = tpu.vector_load %arg9[%get3A_175, %get3A_176] {strides = array<i32>} : memref<128x64xf32, #tpu.memory_space<vmem>>, vector<16xf32>,
          %get3A_178 = arith.index_cast %add3A_152 : i32 to index
          %get3A_179 = arith.constant 48 : index
          %get3A_180 = tpu.vector_load %arg10[%get3A_178, %get3A_179] {strides = array<i32>} : memref<128x64xf32, #tpu.memory_space<vmem>>, vector<16xf32>,
          %mul3A_181 = arith.mulf %get3A_177, %get3A_180 : vector<16xf32>
          %add3A_182 = arith.addf %add3A_174, %mul3A_181 : vector<16xf32>
          %swap3A_183 = arith.index_cast %scan3A_150 : i32 to index
          %swap3A_184 = arith.constant 0 : index
          %swap3A_185 = tpu.vector_load %arg11[%swap3A_183, %swap3A_184] {strides = array<i32>} : memref<16x16xf32, #tpu.memory_space<vmem>>, vector<16xf32>,
          tpu.vector_store %arg11[%swap3A_183, %swap3A_184], %add3A_182 {strides = array<i32>} : memref<16x16xf32, #tpu.memory_space<vmem>>, vector<16xf32>,
        }
        %scan3A_75 = arith.constant 16 : i32
        %broadcast_in_dim3A_76 = arith.constant 0.000000e+00 : f32
        %broadcast_in_dim3A_77 = vector.broadcast %broadcast_in_dim3A_76 : f32 to vector<16xf32>
        %scan3A_78 = arith.constant 0 : i32
        %scan3A_79 = arith.constant 16 : i32
        %scan3A_80 = arith.addi %scan3A_78, %scan3A_79 : i32
        %scan3A_81 = arith.constant 1 : i32
        %scan3A_82 = scf.for %scan3A_150 = %scan3A_78 to %scan3A_80 step %scan3A_81 iter_args(%scan3A_151 = %broadcast_in_dim3A_77) -> (vector<16xf32>)  : i32 {
          %broadcast_in_dim3A_152 = vector.broadcast %scan3A_150 : i32 to vector<16xi32>
          %gather3A = tpu.vector_load_idx %arg11[%iota3A, %broadcast_in_dim3A_152] : memref<16x16xf32, #tpu.memory_space<vmem>>[vector<16xi32>, vector<16xi32>], vector<16xf32>,
          %add3A_153 = arith.addf %scan3A_151, %gather3A : vector<16xf32>
          scf.yield %add3A_153 : vector<16xf32>
        }
        %scan3A_83 = arith.constant 16 : i32
        %swap3A_84 = arith.constant 48 : index
        %swap3A_85 = tpu.vector_load %arg12[%swap3A_84] {strides = array<i32>} : memref<128xf32, #tpu.memory_space<vmem>>, vector<16xf32>,
        tpu.vector_store %arg12[%swap3A_84], %scan3A_82 {strides = array<i32>} : memref<128xf32, #tpu.memory_space<vmem>>, vector<16xf32>,
        %scan3A_86 = arith.constant 0 : i32
        %scan3A_87 = arith.constant 0 : i32
        %scan3A_88 = arith.constant 16 : i32
        %scan3A_89 = arith.addi %scan3A_87, %scan3A_88 : i32
        %scan3A_90 = arith.constant 1 : i32
        scf.for %scan3A_150 = %scan3A_87 to %scan3A_89 step %scan3A_90  : i32 {
          %add3A_151 = arith.constant 64 : i32
          %add3A_152 = arith.addi %add3A_151, %scan3A_150 : i32
          %get3A = arith.index_cast %add3A_152 : i32 to index
          %get3A_153 = arith.constant 0 : index
          %get3A_154 = tpu.vector_load %arg9[%get3A, %get3A_153] {strides = array<i32>} : memref<128x64xf32, #tpu.memory_space<vmem>>, vector<16xf32>,
          %get3A_155 = arith.index_cast %add3A_152 : i32 to index
          %get3A_156 = arith.constant 0 : index
          %get3A_157 = tpu.vector_load %arg10[%get3A_155, %get3A_156] {strides = array<i32>} : memref<128x64xf32, #tpu.memory_space<vmem>>, vector<16xf32>,
          %mul3A_158 = arith.mulf %get3A_154, %get3A_157 : vector<16xf32>
          %get3A_159 = arith.index_cast %add3A_152 : i32 to index
          %get3A_160 = arith.constant 16 : index
          %get3A_161 = tpu.vector_load %arg9[%get3A_159, %get3A_160] {strides = array<i32>} : memref<128x64xf32, #tpu.memory_space<vmem>>, vector<16xf32>,
          %get3A_162 = arith.index_cast %add3A_152 : i32 to index
          %get3A_163 = arith.constant 16 : index
          %get3A_164 = tpu.vector_load %arg10[%get3A_162, %get3A_163] {strides = array<i32>} : memref<128x64xf32, #tpu.memory_space<vmem>>, vector<16xf32>,
          %mul3A_165 = arith.mulf %get3A_161, %get3A_164 : vector<16xf32>
          %add3A_166 = arith.addf %mul3A_158, %mul3A_165 : vector<16xf32>
          %get3A_167 = arith.index_cast %add3A_152 : i32 to index
          %get3A_168 = arith.constant 32 : index
          %get3A_169 = tpu.vector_load %arg9[%get3A_167, %get3A_168] {strides = array<i32>} : memref<128x64xf32, #tpu.memory_space<vmem>>, vector<16xf32>,
          %get3A_170 = arith.index_cast %add3A_152 : i32 to index
          %get3A_171 = arith.constant 32 : index
          %get3A_172 = tpu.vector_load %arg10[%get3A_170, %get3A_171] {strides = array<i32>} : memref<128x64xf32, #tpu.memory_space<vmem>>, vector<16xf32>,
          %mul3A_173 = arith.mulf %get3A_169, %get3A_172 : vector<16xf32>
          %add3A_174 = arith.addf %add3A_166, %mul3A_173 : vector<16xf32>
          %get3A_175 = arith.index_cast %add3A_152 : i32 to index
          %get3A_176 = arith.constant 48 : index
          %get3A_177 = tpu.vector_load %arg9[%get3A_175, %get3A_176] {strides = array<i32>} : memref<128x64xf32, #tpu.memory_space<vmem>>, vector<16xf32>,
          %get3A_178 = arith.index_cast %add3A_152 : i32 to index
          %get3A_179 = arith.constant 48 : index
          %get3A_180 = tpu.vector_load %arg10[%get3A_178, %get3A_179] {strides = array<i32>} : memref<128x64xf32, #tpu.memory_space<vmem>>, vector<16xf32>,
          %mul3A_181 = arith.mulf %get3A_177, %get3A_180 : vector<16xf32>
          %add3A_182 = arith.addf %add3A_174, %mul3A_181 : vector<16xf32>
          %swap3A_183 = arith.index_cast %scan3A_150 : i32 to index
          %swap3A_184 = arith.constant 0 : index
          %swap3A_185 = tpu.vector_load %arg11[%swap3A_183, %swap3A_184] {strides = array<i32>} : memref<16x16xf32, #tpu.memory_space<vmem>>, vector<16xf32>,
          tpu.vector_store %arg11[%swap3A_183, %swap3A_184], %add3A_182 {strides = array<i32>} : memref<16x16xf32, #tpu.memory_space<vmem>>, vector<16xf32>,
        }
        %scan3A_91 = arith.constant 16 : i32
        %broadcast_in_dim3A_92 = arith.constant 0.000000e+00 : f32
        %broadcast_in_dim3A_93 = vector.broadcast %broadcast_in_dim3A_92 : f32 to vector<16xf32>
        %scan3A_94 = arith.constant 0 : i32
        %scan3A_95 = arith.constant 16 : i32
        %scan3A_96 = arith.addi %scan3A_94, %scan3A_95 : i32
        %scan3A_97 = arith.constant 1 : i32
        %scan3A_98 = scf.for %scan3A_150 = %scan3A_94 to %scan3A_96 step %scan3A_97 iter_args(%scan3A_151 = %broadcast_in_dim3A_93) -> (vector<16xf32>)  : i32 {
          %broadcast_in_dim3A_152 = vector.broadcast %scan3A_150 : i32 to vector<16xi32>
          %gather3A = tpu.vector_load_idx %arg11[%iota3A, %broadcast_in_dim3A_152] : memref<16x16xf32, #tpu.memory_space<vmem>>[vector<16xi32>, vector<16xi32>], vector<16xf32>,
          %add3A_153 = arith.addf %scan3A_151, %gather3A : vector<16xf32>
          scf.yield %add3A_153 : vector<16xf32>
        }
        %scan3A_99 = arith.constant 16 : i32
        %swap3A_100 = arith.constant 64 : index
        %swap3A_101 = tpu.vector_load %arg12[%swap3A_100] {strides = array<i32>} : memref<128xf32, #tpu.memory_space<vmem>>, vector<16xf32>,
        tpu.vector_store %arg12[%swap3A_100], %scan3A_98 {strides = array<i32>} : memref<128xf32, #tpu.memory_space<vmem>>, vector<16xf32>,
        %scan3A_102 = arith.constant 0 : i32
        %scan3A_103 = arith.constant 0 : i32
        %scan3A_104 = arith.constant 16 : i32
        %scan3A_105 = arith.addi %scan3A_103, %scan3A_104 : i32
        %scan3A_106 = arith.constant 1 : i32
        scf.for %scan3A_150 = %scan3A_103 to %scan3A_105 step %scan3A_106  : i32 {
          %add3A_151 = arith.constant 80 : i32
          %add3A_152 = arith.addi %add3A_151, %scan3A_150 : i32
          %get3A = arith.index_cast %add3A_152 : i32 to index
          %get3A_153 = arith.constant 0 : index
          %get3A_154 = tpu.vector_load %arg9[%get3A, %get3A_153] {strides = array<i32>} : memref<128x64xf32, #tpu.memory_space<vmem>>, vector<16xf32>,
          %get3A_155 = arith.index_cast %add3A_152 : i32 to index
          %get3A_156 = arith.constant 0 : index
          %get3A_157 = tpu.vector_load %arg10[%get3A_155, %get3A_156] {strides = array<i32>} : memref<128x64xf32, #tpu.memory_space<vmem>>, vector<16xf32>,
          %mul3A_158 = arith.mulf %get3A_154, %get3A_157 : vector<16xf32>
          %get3A_159 = arith.index_cast %add3A_152 : i32 to index
          %get3A_160 = arith.constant 16 : index
          %get3A_161 = tpu.vector_load %arg9[%get3A_159, %get3A_160] {strides = array<i32>} : memref<128x64xf32, #tpu.memory_space<vmem>>, vector<16xf32>,
          %get3A_162 = arith.index_cast %add3A_152 : i32 to index
          %get3A_163 = arith.constant 16 : index
          %get3A_164 = tpu.vector_load %arg10[%get3A_162, %get3A_163] {strides = array<i32>} : memref<128x64xf32, #tpu.memory_space<vmem>>, vector<16xf32>,
          %mul3A_165 = arith.mulf %get3A_161, %get3A_164 : vector<16xf32>
          %add3A_166 = arith.addf %mul3A_158, %mul3A_165 : vector<16xf32>
          %get3A_167 = arith.index_cast %add3A_152 : i32 to index
          %get3A_168 = arith.constant 32 : index
          %get3A_169 = tpu.vector_load %arg9[%get3A_167, %get3A_168] {strides = array<i32>} : memref<128x64xf32, #tpu.memory_space<vmem>>, vector<16xf32>,
          %get3A_170 = arith.index_cast %add3A_152 : i32 to index
          %get3A_171 = arith.constant 32 : index
          %get3A_172 = tpu.vector_load %arg10[%get3A_170, %get3A_171] {strides = array<i32>} : memref<128x64xf32, #tpu.memory_space<vmem>>, vector<16xf32>,
          %mul3A_173 = arith.mulf %get3A_169, %get3A_172 : vector<16xf32>
          %add3A_174 = arith.addf %add3A_166, %mul3A_173 : vector<16xf32>
          %get3A_175 = arith.index_cast %add3A_152 : i32 to index
          %get3A_176 = arith.constant 48 : index
          %get3A_177 = tpu.vector_load %arg9[%get3A_175, %get3A_176] {strides = array<i32>} : memref<128x64xf32, #tpu.memory_space<vmem>>, vector<16xf32>,
          %get3A_178 = arith.index_cast %add3A_152 : i32 to index
          %get3A_179 = arith.constant 48 : index
          %get3A_180 = tpu.vector_load %arg10[%get3A_178, %get3A_179] {strides = array<i32>} : memref<128x64xf32, #tpu.memory_space<vmem>>, vector<16xf32>,
          %mul3A_181 = arith.mulf %get3A_177, %get3A_180 : vector<16xf32>
          %add3A_182 = arith.addf %add3A_174, %mul3A_181 : vector<16xf32>
          %swap3A_183 = arith.index_cast %scan3A_150 : i32 to index
          %swap3A_184 = arith.constant 0 : index
          %swap3A_185 = tpu.vector_load %arg11[%swap3A_183, %swap3A_184] {strides = array<i32>} : memref<16x16xf32, #tpu.memory_space<vmem>>, vector<16xf32>,
          tpu.vector_store %arg11[%swap3A_183, %swap3A_184], %add3A_182 {strides = array<i32>} : memref<16x16xf32, #tpu.memory_space<vmem>>, vector<16xf32>,
        }
        %scan3A_107 = arith.constant 16 : i32
        %broadcast_in_dim3A_108 = arith.constant 0.000000e+00 : f32
        %broadcast_in_dim3A_109 = vector.broadcast %broadcast_in_dim3A_108 : f32 to vector<16xf32>
        %scan3A_110 = arith.constant 0 : i32
        %scan3A_111 = arith.constant 16 : i32
        %scan3A_112 = arith.addi %scan3A_110, %scan3A_111 : i32
        %scan3A_113 = arith.constant 1 : i32
        %scan3A_114 = scf.for %scan3A_150 = %scan3A_110 to %scan3A_112 step %scan3A_113 iter_args(%scan3A_151 = %broadcast_in_dim3A_109) -> (vector<16xf32>)  : i32 {
          %broadcast_in_dim3A_152 = vector.broadcast %scan3A_150 : i32 to vector<16xi32>
          %gather3A = tpu.vector_load_idx %arg11[%iota3A, %broadcast_in_dim3A_152] : memref<16x16xf32, #tpu.memory_space<vmem>>[vector<16xi32>, vector<16xi32>], vector<16xf32>,
          %add3A_153 = arith.addf %scan3A_151, %gather3A : vector<16xf32>
          scf.yield %add3A_153 : vector<16xf32>
        }
        %scan3A_115 = arith.constant 16 : i32
        %swap3A_116 = arith.constant 80 : index
        %swap3A_117 = tpu.vector_load %arg12[%swap3A_116] {strides = array<i32>} : memref<128xf32, #tpu.memory_space<vmem>>, vector<16xf32>,
        tpu.vector_store %arg12[%swap3A_116], %scan3A_114 {strides = array<i32>} : memref<128xf32, #tpu.memory_space<vmem>>, vector<16xf32>,
        %scan3A_118 = arith.constant 0 : i32
        %scan3A_119 = arith.constant 0 : i32
        %scan3A_120 = arith.constant 16 : i32
        %scan3A_121 = arith.addi %scan3A_119, %scan3A_120 : i32
        %scan3A_122 = arith.constant 1 : i32
        scf.for %scan3A_150 = %scan3A_119 to %scan3A_121 step %scan3A_122  : i32 {
          %add3A_151 = arith.constant 96 : i32
          %add3A_152 = arith.addi %add3A_151, %scan3A_150 : i32
          %get3A = arith.index_cast %add3A_152 : i32 to index
          %get3A_153 = arith.constant 0 : index
          %get3A_154 = tpu.vector_load %arg9[%get3A, %get3A_153] {strides = array<i32>} : memref<128x64xf32, #tpu.memory_space<vmem>>, vector<16xf32>,
          %get3A_155 = arith.index_cast %add3A_152 : i32 to index
          %get3A_156 = arith.constant 0 : index
          %get3A_157 = tpu.vector_load %arg10[%get3A_155, %get3A_156] {strides = array<i32>} : memref<128x64xf32, #tpu.memory_space<vmem>>, vector<16xf32>,
          %mul3A_158 = arith.mulf %get3A_154, %get3A_157 : vector<16xf32>
          %get3A_159 = arith.index_cast %add3A_152 : i32 to index
          %get3A_160 = arith.constant 16 : index
          %get3A_161 = tpu.vector_load %arg9[%get3A_159, %get3A_160] {strides = array<i32>} : memref<128x64xf32, #tpu.memory_space<vmem>>, vector<16xf32>,
          %get3A_162 = arith.index_cast %add3A_152 : i32 to index
          %get3A_163 = arith.constant 16 : index
          %get3A_164 = tpu.vector_load %arg10[%get3A_162, %get3A_163] {strides = array<i32>} : memref<128x64xf32, #tpu.memory_space<vmem>>, vector<16xf32>,
          %mul3A_165 = arith.mulf %get3A_161, %get3A_164 : vector<16xf32>
          %add3A_166 = arith.addf %mul3A_158, %mul3A_165 : vector<16xf32>
          %get3A_167 = arith.index_cast %add3A_152 : i32 to index
          %get3A_168 = arith.constant 32 : index
          %get3A_169 = tpu.vector_load %arg9[%get3A_167, %get3A_168] {strides = array<i32>} : memref<128x64xf32, #tpu.memory_space<vmem>>, vector<16xf32>,
          %get3A_170 = arith.index_cast %add3A_152 : i32 to index
          %get3A_171 = arith.constant 32 : index
          %get3A_172 = tpu.vector_load %arg10[%get3A_170, %get3A_171] {strides = array<i32>} : memref<128x64xf32, #tpu.memory_space<vmem>>, vector<16xf32>,
          %mul3A_173 = arith.mulf %get3A_169, %get3A_172 : vector<16xf32>
          %add3A_174 = arith.addf %add3A_166, %mul3A_173 : vector<16xf32>
          %get3A_175 = arith.index_cast %add3A_152 : i32 to index
          %get3A_176 = arith.constant 48 : index
          %get3A_177 = tpu.vector_load %arg9[%get3A_175, %get3A_176] {strides = array<i32>} : memref<128x64xf32, #tpu.memory_space<vmem>>, vector<16xf32>,
          %get3A_178 = arith.index_cast %add3A_152 : i32 to index
          %get3A_179 = arith.constant 48 : index
          %get3A_180 = tpu.vector_load %arg10[%get3A_178, %get3A_179] {strides = array<i32>} : memref<128x64xf32, #tpu.memory_space<vmem>>, vector<16xf32>,
          %mul3A_181 = arith.mulf %get3A_177, %get3A_180 : vector<16xf32>
          %add3A_182 = arith.addf %add3A_174, %mul3A_181 : vector<16xf32>
          %swap3A_183 = arith.index_cast %scan3A_150 : i32 to index
          %swap3A_184 = arith.constant 0 : index
          %swap3A_185 = tpu.vector_load %arg11[%swap3A_183, %swap3A_184] {strides = array<i32>} : memref<16x16xf32, #tpu.memory_space<vmem>>, vector<16xf32>,
          tpu.vector_store %arg11[%swap3A_183, %swap3A_184], %add3A_182 {strides = array<i32>} : memref<16x16xf32, #tpu.memory_space<vmem>>, vector<16xf32>,
        }
        %scan3A_123 = arith.constant 16 : i32
        %broadcast_in_dim3A_124 = arith.constant 0.000000e+00 : f32
        %broadcast_in_dim3A_125 = vector.broadcast %broadcast_in_dim3A_124 : f32 to vector<16xf32>
        %scan3A_126 = arith.constant 0 : i32
        %scan3A_127 = arith.constant 16 : i32
        %scan3A_128 = arith.addi %scan3A_126, %scan3A_127 : i32
        %scan3A_129 = arith.constant 1 : i32
        %scan3A_130 = scf.for %scan3A_150 = %scan3A_126 to %scan3A_128 step %scan3A_129 iter_args(%scan3A_151 = %broadcast_in_dim3A_125) -> (vector<16xf32>)  : i32 {
          %broadcast_in_dim3A_152 = vector.broadcast %scan3A_150 : i32 to vector<16xi32>
          %gather3A = tpu.vector_load_idx %arg11[%iota3A, %broadcast_in_dim3A_152] : memref<16x16xf32, #tpu.memory_space<vmem>>[vector<16xi32>, vector<16xi32>], vector<16xf32>,
          %add3A_153 = arith.addf %scan3A_151, %gather3A : vector<16xf32>
          scf.yield %add3A_153 : vector<16xf32>
        }
        %scan3A_131 = arith.constant 16 : i32
        %swap3A_132 = arith.constant 96 : index
        %swap3A_133 = tpu.vector_load %arg12[%swap3A_132] {strides = array<i32>} : memref<128xf32, #tpu.memory_space<vmem>>, vector<16xf32>,
        tpu.vector_store %arg12[%swap3A_132], %scan3A_130 {strides = array<i32>} : memref<128xf32, #tpu.memory_space<vmem>>, vector<16xf32>,
        %scan3A_134 = arith.constant 0 : i32
        %scan3A_135 = arith.constant 0 : i32
        %scan3A_136 = arith.constant 16 : i32
        %scan3A_137 = arith.addi %scan3A_135, %scan3A_136 : i32
        %scan3A_138 = arith.constant 1 : i32
        scf.for %scan3A_150 = %scan3A_135 to %scan3A_137 step %scan3A_138  : i32 {
          %add3A_151 = arith.constant 112 : i32
          %add3A_152 = arith.addi %add3A_151, %scan3A_150 : i32
          %get3A = arith.index_cast %add3A_152 : i32 to index
          %get3A_153 = arith.constant 0 : index
          %get3A_154 = tpu.vector_load %arg9[%get3A, %get3A_153] {strides = array<i32>} : memref<128x64xf32, #tpu.memory_space<vmem>>, vector<16xf32>,
          %get3A_155 = arith.index_cast %add3A_152 : i32 to index
          %get3A_156 = arith.constant 0 : index
          %get3A_157 = tpu.vector_load %arg10[%get3A_155, %get3A_156] {strides = array<i32>} : memref<128x64xf32, #tpu.memory_space<vmem>>, vector<16xf32>,
          %mul3A_158 = arith.mulf %get3A_154, %get3A_157 : vector<16xf32>
          %get3A_159 = arith.index_cast %add3A_152 : i32 to index
          %get3A_160 = arith.constant 16 : index
          %get3A_161 = tpu.vector_load %arg9[%get3A_159, %get3A_160] {strides = array<i32>} : memref<128x64xf32, #tpu.memory_space<vmem>>, vector<16xf32>,
          %get3A_162 = arith.index_cast %add3A_152 : i32 to index
          %get3A_163 = arith.constant 16 : index
          %get3A_164 = tpu.vector_load %arg10[%get3A_162, %get3A_163] {strides = array<i32>} : memref<128x64xf32, #tpu.memory_space<vmem>>, vector<16xf32>,
          %mul3A_165 = arith.mulf %get3A_161, %get3A_164 : vector<16xf32>
          %add3A_166 = arith.addf %mul3A_158, %mul3A_165 : vector<16xf32>
          %get3A_167 = arith.index_cast %add3A_152 : i32 to index
          %get3A_168 = arith.constant 32 : index
          %get3A_169 = tpu.vector_load %arg9[%get3A_167, %get3A_168] {strides = array<i32>} : memref<128x64xf32, #tpu.memory_space<vmem>>, vector<16xf32>,
          %get3A_170 = arith.index_cast %add3A_152 : i32 to index
          %get3A_171 = arith.constant 32 : index
          %get3A_172 = tpu.vector_load %arg10[%get3A_170, %get3A_171] {strides = array<i32>} : memref<128x64xf32, #tpu.memory_space<vmem>>, vector<16xf32>,
          %mul3A_173 = arith.mulf %get3A_169, %get3A_172 : vector<16xf32>
          %add3A_174 = arith.addf %add3A_166, %mul3A_173 : vector<16xf32>
          %get3A_175 = arith.index_cast %add3A_152 : i32 to index
          %get3A_176 = arith.constant 48 : index
          %get3A_177 = tpu.vector_load %arg9[%get3A_175, %get3A_176] {strides = array<i32>} : memref<128x64xf32, #tpu.memory_space<vmem>>, vector<16xf32>,
          %get3A_178 = arith.index_cast %add3A_152 : i32 to index
          %get3A_179 = arith.constant 48 : index
          %get3A_180 = tpu.vector_load %arg10[%get3A_178, %get3A_179] {strides = array<i32>} : memref<128x64xf32, #tpu.memory_space<vmem>>, vector<16xf32>,
          %mul3A_181 = arith.mulf %get3A_177, %get3A_180 : vector<16xf32>
          %add3A_182 = arith.addf %add3A_174, %mul3A_181 : vector<16xf32>
          %swap3A_183 = arith.index_cast %scan3A_150 : i32 to index
          %swap3A_184 = arith.constant 0 : index
          %swap3A_185 = tpu.vector_load %arg11[%swap3A_183, %swap3A_184] {strides = array<i32>} : memref<16x16xf32, #tpu.memory_space<vmem>>, vector<16xf32>,
          tpu.vector_store %arg11[%swap3A_183, %swap3A_184], %add3A_182 {strides = array<i32>} : memref<16x16xf32, #tpu.memory_space<vmem>>, vector<16xf32>,
        }
        %scan3A_139 = arith.constant 16 : i32
        %broadcast_in_dim3A_140 = arith.constant 0.000000e+00 : f32
        %broadcast_in_dim3A_141 = vector.broadcast %broadcast_in_dim3A_140 : f32 to vector<16xf32>
        %scan3A_142 = arith.constant 0 : i32
        %scan3A_143 = arith.constant 16 : i32
        %scan3A_144 = arith.addi %scan3A_142, %scan3A_143 : i32
        %scan3A_145 = arith.constant 1 : i32
        %scan3A_146 = scf.for %scan3A_150 = %scan3A_142 to %scan3A_144 step %scan3A_145 iter_args(%scan3A_151 = %broadcast_in_dim3A_141) -> (vector<16xf32>)  : i32 {
          %broadcast_in_dim3A_152 = vector.broadcast %scan3A_150 : i32 to vector<16xi32>
          %gather3A = tpu.vector_load_idx %arg11[%iota3A, %broadcast_in_dim3A_152] : memref<16x16xf32, #tpu.memory_space<vmem>>[vector<16xi32>, vector<16xi32>], vector<16xf32>,
          %add3A_153 = arith.addf %scan3A_151, %gather3A : vector<16xf32>
          scf.yield %add3A_153 : vector<16xf32>
        }
        %scan3A_147 = arith.constant 16 : i32
        %swap3A_148 = arith.constant 112 : index
        %swap3A_149 = tpu.vector_load %arg12[%swap3A_148] {strides = array<i32>} : memref<128xf32, #tpu.memory_space<vmem>>, vector<16xf32>,
        tpu.vector_store %arg12[%swap3A_148], %scan3A_146 {strides = array<i32>} : memref<128xf32, #tpu.memory_space<vmem>>, vector<16xf32>,
        "tpu.region"() ({
          %run_scoped3A = tpu.sem_alloc : memref<!tpu.dma_semaphore, #tpu.memory_space<semaphore_mem>>
          %dma_start3A_150 = tpu.memref_slice %arg6[%mul3A_13] : memref<100096xf32, #tpu.memory_space<hbm>> -> memref<128xf32, #tpu.memory_space<hbm>>
          %dma_start3A_151 = tpu.memref_slice %arg6[%mul3A_13] : memref<100096xf32, #tpu.memory_space<hbm>> -> memref<128xf32, #tpu.memory_space<hbm>>
          tpu.enqueue_dma source(%arg12 : memref<128xf32, #tpu.memory_space<vmem>>) target(%dma_start3A_151 : memref<128xf32, #tpu.memory_space<hbm>>) target_semaphore(%run_scoped3A : memref<!tpu.dma_semaphore, #tpu.memory_space<semaphore_mem>>)
          %dma_wait3A_152 = tpu.memref_slice %arg6[%mul3A_13] : memref<100096xf32, #tpu.memory_space<hbm>> -> memref<128xf32, #tpu.memory_space<hbm>>
          %dma_wait3A_153 = tpu.memref_slice %arg6[%mul3A_13] : memref<100096xf32, #tpu.memory_space<hbm>> -> memref<128xf32, #tpu.memory_space<hbm>>
          tpu.wait_dma2 semaphore(%run_scoped3A : memref<!tpu.dma_semaphore, #tpu.memory_space<semaphore_mem>>) src(%arg12 : memref<128xf32, #tpu.memory_space<vmem>>) dst(%dma_wait3A_153 : memref<128xf32, #tpu.memory_space<hbm>>)
          tpu.yield
        }) : () -> ()
      } else {
      }
    }
    %scan3A_5 = arith.constant 25 : i32
    return
  }
}

module attributes {stable_mosaic.version = 14 : i64} {
  func.func @body(%arg0: i32, %arg1: memref<256x64xf32, #tpu.memory_space<vmem>>, %arg2: memref<256x16xf32, #tpu.memory_space<vmem>>, %arg3: memref<256x64xf32, #tpu.memory_space<vmem>>, %arg4: memref<64x64xf32, #tpu.memory_space<vmem>>, %arg5: memref<1x64xf32, #tpu.memory_space<vmem>>, %arg6: memref<64x64xf32, #tpu.memory_space<vmem>>, %arg7: memref<256x64xf32, #tpu.memory_space<vmem>>) attributes {dimension_semantics = [#tpu.dimension_semantics<arbitrary>], iteration_bounds = array<i64: 40>, scalar_prefetch = 0 : i64, scratch_operands = 0 : i64, tpu.core_type = #tpu.core_type<tc>, window_params = [{transform_indices = @transform_0, window_bounds = array<i64: 256, 64>}, {transform_indices = @transform_1, window_bounds = array<i64: 256, 16>}, {transform_indices = @transform_2, window_bounds = array<i64: 256, 64>}, {pipeline_mode = #tpu.pipeline_mode<synchronous>, transform_indices = @transform_3, window_bounds = array<i64: 64, 64>}, {pipeline_mode = #tpu.pipeline_mode<synchronous>, transform_indices = @transform_4, window_bounds = array<i64: 1, 64>}, {pipeline_mode = #tpu.pipeline_mode<synchronous>, transform_indices = @transform_5, window_bounds = array<i64: 64, 64>}, {transform_indices = @transform_6, window_bounds = array<i64: 256, 64>}]} {
    %get3A = arith.constant 0 : index
    %get3A_0 = arith.constant 0 : index
    %get3A_1 = vector.load %arg2[%get3A, %get3A_0] : memref<256x16xf32, #tpu.memory_space<vmem>>, vector<256x16xf32>
    %reduce_sum3A = arith.constant dense<0.000000e+00> : vector<256xf32>
    %reduce_sum3A_2 = vector.multi_reduction <add>, %get3A_1, %reduce_sum3A [1] : vector<256x16xf32> to vector<256xf32>
    %broadcast_in_dim3A = vector.shape_cast %reduce_sum3A_2 : vector<256xf32> to vector<256x1xf32>
    %mul3A = arith.constant 6.250000e-02 : f32
    %mul3A_3 = vector.broadcast %mul3A : f32 to vector<256x1xf32>
    %mul3A_4 = arith.mulf %broadcast_in_dim3A, %mul3A_3 : vector<256x1xf32>
    %max3A = arith.constant 1.000000e+00 : f32
    %max3A_5 = vector.broadcast %max3A : f32 to vector<256x1xf32>
    %max3A_6 = arith.maximumf %mul3A_4, %max3A_5 : vector<256x1xf32>
    %div3A = arith.constant 1.000000e+00 : f32
    %div3A_7 = vector.broadcast %div3A : f32 to vector<256x1xf32>
    %div3A_8 = arith.divf %div3A_7, %max3A_6 : vector<256x1xf32>
    %get3A_9 = arith.constant 0 : index
    %get3A_10 = arith.constant 0 : index
    %get3A_11 = vector.load %arg1[%get3A_9, %get3A_10] : memref<256x64xf32, #tpu.memory_space<vmem>>, vector<256x64xf32>
    %mul3A_12 = vector.broadcast %div3A_8 : vector<256x1xf32> to vector<256x64xf32>
    %mul3A_13 = arith.mulf %get3A_11, %mul3A_12 : vector<256x64xf32>
    %get3A_14 = arith.constant 0 : index
    %get3A_15 = arith.constant 0 : index
    %get3A_16 = vector.load %arg4[%get3A_14, %get3A_15] : memref<64x64xf32, #tpu.memory_space<vmem>>, vector<64x64xf32>
    %dot_general3A = arith.constant dense<0.000000e+00> : vector<256x64xf32>
    %dot_general3A_17 = tpu.matmul %mul3A_13, %get3A_16, %dot_general3A {dimension_numbers = #tpu.dot_dimension_numbers<[1], [0], [0], [1], [0, 0, 1, 1], [], []>, transpose_lhs_hint = false} : vector<256x64xf32>, vector<64x64xf32>, vector<256x64xf32> -> vector<256x64xf32>
    %get3A_18 = arith.constant 0 : index
    %get3A_19 = arith.constant 0 : index
    %get3A_20 = vector.load %arg5[%get3A_18, %get3A_19] : memref<1x64xf32, #tpu.memory_space<vmem>>, vector<1x64xf32>
    %add3A = vector.broadcast %get3A_20 : vector<1x64xf32> to vector<256x64xf32>
    %add3A_21 = arith.addf %dot_general3A_17, %add3A : vector<256x64xf32>
    %get3A_22 = arith.constant 0 : index
    %get3A_23 = arith.constant 0 : index
    %get3A_24 = vector.load %arg3[%get3A_22, %get3A_23] : memref<256x64xf32, #tpu.memory_space<vmem>>, vector<256x64xf32>
    %get3A_25 = arith.constant 0 : index
    %get3A_26 = arith.constant 0 : index
    %get3A_27 = vector.load %arg6[%get3A_25, %get3A_26] : memref<64x64xf32, #tpu.memory_space<vmem>>, vector<64x64xf32>
    %dot_general3A_28 = arith.constant dense<0.000000e+00> : vector<256x64xf32>
    %dot_general3A_29 = tpu.matmul %get3A_24, %get3A_27, %dot_general3A_28 {dimension_numbers = #tpu.dot_dimension_numbers<[1], [0], [0], [1], [0, 0, 1, 1], [], []>, transpose_lhs_hint = false} : vector<256x64xf32>, vector<64x64xf32>, vector<256x64xf32> -> vector<256x64xf32>
    %add3A_30 = arith.addf %add3A_21, %dot_general3A_29 : vector<256x64xf32>
    %max3A_31 = arith.constant 0.000000e+00 : f32
    %max3A_32 = vector.broadcast %max3A_31 : f32 to vector<256x64xf32>
    %max3A_33 = arith.maximumf %add3A_30, %max3A_32 : vector<256x64xf32>
    %swap3A = arith.constant 0 : index
    %swap3A_34 = arith.constant 0 : index
    %swap3A_35 = vector.load %arg7[%swap3A, %swap3A_34] : memref<256x64xf32, #tpu.memory_space<vmem>>, vector<256x64xf32>
    tpu.vector_store %arg7[%swap3A, %swap3A_34], %max3A_33 {strides = array<i32>} : memref<256x64xf32, #tpu.memory_space<vmem>>, vector<256x64xf32>,
    return
  }
  func.func @transform_0(%arg0: i32) -> (i32, i32) {
    %c0_i32 = arith.constant 0 : i32
    %c0_i32_0 = arith.constant 0 : i32
    return %arg0, %c0_i32 : i32, i32
  }
  func.func @transform_1(%arg0: i32) -> (i32, i32) {
    %c0_i32 = arith.constant 0 : i32
    %c0_i32_0 = arith.constant 0 : i32
    return %arg0, %c0_i32 : i32, i32
  }
  func.func @transform_2(%arg0: i32) -> (i32, i32) {
    %c0_i32 = arith.constant 0 : i32
    %c0_i32_0 = arith.constant 0 : i32
    return %arg0, %c0_i32 : i32, i32
  }
  func.func @transform_3(%arg0: i32) -> (i32, i32) {
    %c0_i32 = arith.constant 0 : i32
    %c0_i32_0 = arith.constant 0 : i32
    %c0_i32_1 = arith.constant 0 : i32
    return %c0_i32, %c0_i32_0 : i32, i32
  }
  func.func @transform_4(%arg0: i32) -> (i32, i32) {
    %c0_i32 = arith.constant 0 : i32
    %c0_i32_0 = arith.constant 0 : i32
    %c0_i32_1 = arith.constant 0 : i32
    return %c0_i32, %c0_i32_0 : i32, i32
  }
  func.func @transform_5(%arg0: i32) -> (i32, i32) {
    %c0_i32 = arith.constant 0 : i32
    %c0_i32_0 = arith.constant 0 : i32
    %c0_i32_1 = arith.constant 0 : i32
    return %c0_i32, %c0_i32_0 : i32, i32
  }
  func.func @transform_6(%arg0: i32) -> (i32, i32) {
    %c0_i32 = arith.constant 0 : i32
    %c0_i32_0 = arith.constant 0 : i32
    return %arg0, %c0_i32 : i32, i32
  }
}

module attributes {stable_mosaic.version = 14 : i64} {
  func.func @body(%arg0: i32, %arg1: memref<256x64xf32, #tpu.memory_space<vmem>>, %arg2: memref<256x16xf32, #tpu.memory_space<vmem>>, %arg3: memref<256x64xf32, #tpu.memory_space<vmem>>, %arg4: memref<64x64xf32, #tpu.memory_space<vmem>>, %arg5: memref<1x64xf32, #tpu.memory_space<vmem>>, %arg6: memref<64x64xf32, #tpu.memory_space<vmem>>, %arg7: memref<256x64xf32, #tpu.memory_space<vmem>>) attributes {dimension_semantics = [#tpu.dimension_semantics<arbitrary>], iteration_bounds = array<i64: 196>, scalar_prefetch = 0 : i64, scratch_operands = 0 : i64, tpu.core_type = #tpu.core_type<tc>, window_params = [{transform_indices = @transform_0, window_bounds = array<i64: 256, 64>}, {transform_indices = @transform_1, window_bounds = array<i64: 256, 16>}, {transform_indices = @transform_2, window_bounds = array<i64: 256, 64>}, {pipeline_mode = #tpu.pipeline_mode<synchronous>, transform_indices = @transform_3, window_bounds = array<i64: 64, 64>}, {pipeline_mode = #tpu.pipeline_mode<synchronous>, transform_indices = @transform_4, window_bounds = array<i64: 1, 64>}, {pipeline_mode = #tpu.pipeline_mode<synchronous>, transform_indices = @transform_5, window_bounds = array<i64: 64, 64>}, {transform_indices = @transform_6, window_bounds = array<i64: 256, 64>}]} {
    %get3A = arith.constant 0 : index
    %get3A_0 = arith.constant 0 : index
    %get3A_1 = vector.load %arg2[%get3A, %get3A_0] : memref<256x16xf32, #tpu.memory_space<vmem>>, vector<256x16xf32>
    %reduce_sum3A = arith.constant dense<0.000000e+00> : vector<256xf32>
    %reduce_sum3A_2 = vector.multi_reduction <add>, %get3A_1, %reduce_sum3A [1] : vector<256x16xf32> to vector<256xf32>
    %broadcast_in_dim3A = vector.shape_cast %reduce_sum3A_2 : vector<256xf32> to vector<256x1xf32>
    %mul3A = arith.constant 6.250000e-02 : f32
    %mul3A_3 = vector.broadcast %mul3A : f32 to vector<256x1xf32>
    %mul3A_4 = arith.mulf %broadcast_in_dim3A, %mul3A_3 : vector<256x1xf32>
    %max3A = arith.constant 1.000000e+00 : f32
    %max3A_5 = vector.broadcast %max3A : f32 to vector<256x1xf32>
    %max3A_6 = arith.maximumf %mul3A_4, %max3A_5 : vector<256x1xf32>
    %div3A = arith.constant 1.000000e+00 : f32
    %div3A_7 = vector.broadcast %div3A : f32 to vector<256x1xf32>
    %div3A_8 = arith.divf %div3A_7, %max3A_6 : vector<256x1xf32>
    %get3A_9 = arith.constant 0 : index
    %get3A_10 = arith.constant 0 : index
    %get3A_11 = vector.load %arg1[%get3A_9, %get3A_10] : memref<256x64xf32, #tpu.memory_space<vmem>>, vector<256x64xf32>
    %mul3A_12 = vector.broadcast %div3A_8 : vector<256x1xf32> to vector<256x64xf32>
    %mul3A_13 = arith.mulf %get3A_11, %mul3A_12 : vector<256x64xf32>
    %get3A_14 = arith.constant 0 : index
    %get3A_15 = arith.constant 0 : index
    %get3A_16 = vector.load %arg4[%get3A_14, %get3A_15] : memref<64x64xf32, #tpu.memory_space<vmem>>, vector<64x64xf32>
    %dot_general3A = arith.constant dense<0.000000e+00> : vector<256x64xf32>
    %dot_general3A_17 = tpu.matmul %mul3A_13, %get3A_16, %dot_general3A {dimension_numbers = #tpu.dot_dimension_numbers<[1], [0], [0], [1], [0, 0, 1, 1], [], []>, transpose_lhs_hint = false} : vector<256x64xf32>, vector<64x64xf32>, vector<256x64xf32> -> vector<256x64xf32>
    %get3A_18 = arith.constant 0 : index
    %get3A_19 = arith.constant 0 : index
    %get3A_20 = vector.load %arg5[%get3A_18, %get3A_19] : memref<1x64xf32, #tpu.memory_space<vmem>>, vector<1x64xf32>
    %add3A = vector.broadcast %get3A_20 : vector<1x64xf32> to vector<256x64xf32>
    %add3A_21 = arith.addf %dot_general3A_17, %add3A : vector<256x64xf32>
    %get3A_22 = arith.constant 0 : index
    %get3A_23 = arith.constant 0 : index
    %get3A_24 = vector.load %arg3[%get3A_22, %get3A_23] : memref<256x64xf32, #tpu.memory_space<vmem>>, vector<256x64xf32>
    %get3A_25 = arith.constant 0 : index
    %get3A_26 = arith.constant 0 : index
    %get3A_27 = vector.load %arg6[%get3A_25, %get3A_26] : memref<64x64xf32, #tpu.memory_space<vmem>>, vector<64x64xf32>
    %dot_general3A_28 = arith.constant dense<0.000000e+00> : vector<256x64xf32>
    %dot_general3A_29 = tpu.matmul %get3A_24, %get3A_27, %dot_general3A_28 {dimension_numbers = #tpu.dot_dimension_numbers<[1], [0], [0], [1], [0, 0, 1, 1], [], []>, transpose_lhs_hint = false} : vector<256x64xf32>, vector<64x64xf32>, vector<256x64xf32> -> vector<256x64xf32>
    %add3A_30 = arith.addf %add3A_21, %dot_general3A_29 : vector<256x64xf32>
    %max3A_31 = arith.constant 0.000000e+00 : f32
    %max3A_32 = vector.broadcast %max3A_31 : f32 to vector<256x64xf32>
    %max3A_33 = arith.maximumf %add3A_30, %max3A_32 : vector<256x64xf32>
    %swap3A = arith.constant 0 : index
    %swap3A_34 = arith.constant 0 : index
    %swap3A_35 = vector.load %arg7[%swap3A, %swap3A_34] : memref<256x64xf32, #tpu.memory_space<vmem>>, vector<256x64xf32>
    tpu.vector_store %arg7[%swap3A, %swap3A_34], %max3A_33 {strides = array<i32>} : memref<256x64xf32, #tpu.memory_space<vmem>>, vector<256x64xf32>,
    return
  }
  func.func @transform_0(%arg0: i32) -> (i32, i32) {
    %c0_i32 = arith.constant 0 : i32
    %c0_i32_0 = arith.constant 0 : i32
    return %arg0, %c0_i32 : i32, i32
  }
  func.func @transform_1(%arg0: i32) -> (i32, i32) {
    %c0_i32 = arith.constant 0 : i32
    %c0_i32_0 = arith.constant 0 : i32
    return %arg0, %c0_i32 : i32, i32
  }
  func.func @transform_2(%arg0: i32) -> (i32, i32) {
    %c0_i32 = arith.constant 0 : i32
    %c0_i32_0 = arith.constant 0 : i32
    return %arg0, %c0_i32 : i32, i32
  }
  func.func @transform_3(%arg0: i32) -> (i32, i32) {
    %c0_i32 = arith.constant 0 : i32
    %c0_i32_0 = arith.constant 0 : i32
    %c0_i32_1 = arith.constant 0 : i32
    return %c0_i32, %c0_i32_0 : i32, i32
  }
  func.func @transform_4(%arg0: i32) -> (i32, i32) {
    %c0_i32 = arith.constant 0 : i32
    %c0_i32_0 = arith.constant 0 : i32
    %c0_i32_1 = arith.constant 0 : i32
    return %c0_i32, %c0_i32_0 : i32, i32
  }
  func.func @transform_5(%arg0: i32) -> (i32, i32) {
    %c0_i32 = arith.constant 0 : i32
    %c0_i32_0 = arith.constant 0 : i32
    %c0_i32_1 = arith.constant 0 : i32
    return %c0_i32, %c0_i32_0 : i32, i32
  }
  func.func @transform_6(%arg0: i32) -> (i32, i32) {
    %c0_i32 = arith.constant 0 : i32
    %c0_i32_0 = arith.constant 0 : i32
    return %arg0, %c0_i32 : i32, i32
  }
}

module attributes {stable_mosaic.version = 14 : i64} {
  func.func @body(%arg0: i32, %arg1: memref<256x64xf32, #tpu.memory_space<vmem>>, %arg2: memref<256x16xf32, #tpu.memory_space<vmem>>, %arg3: memref<256x64xf32, #tpu.memory_space<vmem>>, %arg4: memref<64x64xf32, #tpu.memory_space<vmem>>, %arg5: memref<1x64xf32, #tpu.memory_space<vmem>>, %arg6: memref<64x64xf32, #tpu.memory_space<vmem>>, %arg7: memref<256x64xf32, #tpu.memory_space<vmem>>) attributes {dimension_semantics = [#tpu.dimension_semantics<arbitrary>], iteration_bounds = array<i64: 40>, scalar_prefetch = 0 : i64, scratch_operands = 0 : i64, tpu.core_type = #tpu.core_type<tc>, window_params = [{transform_indices = @transform_0, window_bounds = array<i64: 256, 64>}, {transform_indices = @transform_1, window_bounds = array<i64: 256, 16>}, {transform_indices = @transform_2, window_bounds = array<i64: 256, 64>}, {pipeline_mode = #tpu.pipeline_mode<synchronous>, transform_indices = @transform_3, window_bounds = array<i64: 64, 64>}, {pipeline_mode = #tpu.pipeline_mode<synchronous>, transform_indices = @transform_4, window_bounds = array<i64: 1, 64>}, {pipeline_mode = #tpu.pipeline_mode<synchronous>, transform_indices = @transform_5, window_bounds = array<i64: 64, 64>}, {transform_indices = @transform_6, window_bounds = array<i64: 256, 64>}]} {
    %get3A = arith.constant 0 : index
    %get3A_0 = arith.constant 0 : index
    %get3A_1 = vector.load %arg2[%get3A, %get3A_0] : memref<256x16xf32, #tpu.memory_space<vmem>>, vector<256x16xf32>
    %reduce_sum3A = arith.constant dense<0.000000e+00> : vector<256xf32>
    %reduce_sum3A_2 = vector.multi_reduction <add>, %get3A_1, %reduce_sum3A [1] : vector<256x16xf32> to vector<256xf32>
    %broadcast_in_dim3A = vector.shape_cast %reduce_sum3A_2 : vector<256xf32> to vector<256x1xf32>
    %mul3A = arith.constant 6.250000e-02 : f32
    %mul3A_3 = vector.broadcast %mul3A : f32 to vector<256x1xf32>
    %mul3A_4 = arith.mulf %broadcast_in_dim3A, %mul3A_3 : vector<256x1xf32>
    %max3A = arith.constant 1.000000e+00 : f32
    %max3A_5 = vector.broadcast %max3A : f32 to vector<256x1xf32>
    %max3A_6 = arith.maximumf %mul3A_4, %max3A_5 : vector<256x1xf32>
    %div3A = arith.constant 1.000000e+00 : f32
    %div3A_7 = vector.broadcast %div3A : f32 to vector<256x1xf32>
    %div3A_8 = arith.divf %div3A_7, %max3A_6 : vector<256x1xf32>
    %get3A_9 = arith.constant 0 : index
    %get3A_10 = arith.constant 0 : index
    %get3A_11 = vector.load %arg1[%get3A_9, %get3A_10] : memref<256x64xf32, #tpu.memory_space<vmem>>, vector<256x64xf32>
    %mul3A_12 = vector.broadcast %div3A_8 : vector<256x1xf32> to vector<256x64xf32>
    %mul3A_13 = arith.mulf %get3A_11, %mul3A_12 : vector<256x64xf32>
    %get3A_14 = arith.constant 0 : index
    %get3A_15 = arith.constant 0 : index
    %get3A_16 = vector.load %arg4[%get3A_14, %get3A_15] : memref<64x64xf32, #tpu.memory_space<vmem>>, vector<64x64xf32>
    %dot_general3A = arith.constant dense<0.000000e+00> : vector<256x64xf32>
    %dot_general3A_17 = tpu.matmul %mul3A_13, %get3A_16, %dot_general3A {dimension_numbers = #tpu.dot_dimension_numbers<[1], [0], [0], [1], [0, 0, 1, 1], [], []>, transpose_lhs_hint = false} : vector<256x64xf32>, vector<64x64xf32>, vector<256x64xf32> -> vector<256x64xf32>
    %get3A_18 = arith.constant 0 : index
    %get3A_19 = arith.constant 0 : index
    %get3A_20 = vector.load %arg5[%get3A_18, %get3A_19] : memref<1x64xf32, #tpu.memory_space<vmem>>, vector<1x64xf32>
    %add3A = vector.broadcast %get3A_20 : vector<1x64xf32> to vector<256x64xf32>
    %add3A_21 = arith.addf %dot_general3A_17, %add3A : vector<256x64xf32>
    %get3A_22 = arith.constant 0 : index
    %get3A_23 = arith.constant 0 : index
    %get3A_24 = vector.load %arg3[%get3A_22, %get3A_23] : memref<256x64xf32, #tpu.memory_space<vmem>>, vector<256x64xf32>
    %get3A_25 = arith.constant 0 : index
    %get3A_26 = arith.constant 0 : index
    %get3A_27 = vector.load %arg6[%get3A_25, %get3A_26] : memref<64x64xf32, #tpu.memory_space<vmem>>, vector<64x64xf32>
    %dot_general3A_28 = arith.constant dense<0.000000e+00> : vector<256x64xf32>
    %dot_general3A_29 = tpu.matmul %get3A_24, %get3A_27, %dot_general3A_28 {dimension_numbers = #tpu.dot_dimension_numbers<[1], [0], [0], [1], [0, 0, 1, 1], [], []>, transpose_lhs_hint = false} : vector<256x64xf32>, vector<64x64xf32>, vector<256x64xf32> -> vector<256x64xf32>
    %add3A_30 = arith.addf %add3A_21, %dot_general3A_29 : vector<256x64xf32>
    %swap3A = arith.constant 0 : index
    %swap3A_31 = arith.constant 0 : index
    %swap3A_32 = vector.load %arg7[%swap3A, %swap3A_31] : memref<256x64xf32, #tpu.memory_space<vmem>>, vector<256x64xf32>
    tpu.vector_store %arg7[%swap3A, %swap3A_31], %add3A_30 {strides = array<i32>} : memref<256x64xf32, #tpu.memory_space<vmem>>, vector<256x64xf32>,
    return
  }
  func.func @transform_0(%arg0: i32) -> (i32, i32) {
    %c0_i32 = arith.constant 0 : i32
    %c0_i32_0 = arith.constant 0 : i32
    return %arg0, %c0_i32 : i32, i32
  }
  func.func @transform_1(%arg0: i32) -> (i32, i32) {
    %c0_i32 = arith.constant 0 : i32
    %c0_i32_0 = arith.constant 0 : i32
    return %arg0, %c0_i32 : i32, i32
  }
  func.func @transform_2(%arg0: i32) -> (i32, i32) {
    %c0_i32 = arith.constant 0 : i32
    %c0_i32_0 = arith.constant 0 : i32
    return %arg0, %c0_i32 : i32, i32
  }
  func.func @transform_3(%arg0: i32) -> (i32, i32) {
    %c0_i32 = arith.constant 0 : i32
    %c0_i32_0 = arith.constant 0 : i32
    %c0_i32_1 = arith.constant 0 : i32
    return %c0_i32, %c0_i32_0 : i32, i32
  }
  func.func @transform_4(%arg0: i32) -> (i32, i32) {
    %c0_i32 = arith.constant 0 : i32
    %c0_i32_0 = arith.constant 0 : i32
    %c0_i32_1 = arith.constant 0 : i32
    return %c0_i32, %c0_i32_0 : i32, i32
  }
  func.func @transform_5(%arg0: i32) -> (i32, i32) {
    %c0_i32 = arith.constant 0 : i32
    %c0_i32_0 = arith.constant 0 : i32
    %c0_i32_1 = arith.constant 0 : i32
    return %c0_i32, %c0_i32_0 : i32, i32
  }
  func.func @transform_6(%arg0: i32) -> (i32, i32) {
    %c0_i32 = arith.constant 0 : i32
    %c0_i32_0 = arith.constant 0 : i32
    return %arg0, %c0_i32 : i32, i32
  }
}

module attributes {stable_mosaic.version = 14 : i64} {
  func.func @body(%arg0: i32, %arg1: memref<256x64xf32, #tpu.memory_space<vmem>>, %arg2: memref<256x16xf32, #tpu.memory_space<vmem>>, %arg3: memref<256x64xf32, #tpu.memory_space<vmem>>, %arg4: memref<64x64xf32, #tpu.memory_space<vmem>>, %arg5: memref<1x64xf32, #tpu.memory_space<vmem>>, %arg6: memref<64x64xf32, #tpu.memory_space<vmem>>, %arg7: memref<256x64xf32, #tpu.memory_space<vmem>>) attributes {dimension_semantics = [#tpu.dimension_semantics<arbitrary>], iteration_bounds = array<i64: 196>, scalar_prefetch = 0 : i64, scratch_operands = 0 : i64, tpu.core_type = #tpu.core_type<tc>, window_params = [{transform_indices = @transform_0, window_bounds = array<i64: 256, 64>}, {transform_indices = @transform_1, window_bounds = array<i64: 256, 16>}, {transform_indices = @transform_2, window_bounds = array<i64: 256, 64>}, {pipeline_mode = #tpu.pipeline_mode<synchronous>, transform_indices = @transform_3, window_bounds = array<i64: 64, 64>}, {pipeline_mode = #tpu.pipeline_mode<synchronous>, transform_indices = @transform_4, window_bounds = array<i64: 1, 64>}, {pipeline_mode = #tpu.pipeline_mode<synchronous>, transform_indices = @transform_5, window_bounds = array<i64: 64, 64>}, {transform_indices = @transform_6, window_bounds = array<i64: 256, 64>}]} {
    %get3A = arith.constant 0 : index
    %get3A_0 = arith.constant 0 : index
    %get3A_1 = vector.load %arg2[%get3A, %get3A_0] : memref<256x16xf32, #tpu.memory_space<vmem>>, vector<256x16xf32>
    %reduce_sum3A = arith.constant dense<0.000000e+00> : vector<256xf32>
    %reduce_sum3A_2 = vector.multi_reduction <add>, %get3A_1, %reduce_sum3A [1] : vector<256x16xf32> to vector<256xf32>
    %broadcast_in_dim3A = vector.shape_cast %reduce_sum3A_2 : vector<256xf32> to vector<256x1xf32>
    %mul3A = arith.constant 6.250000e-02 : f32
    %mul3A_3 = vector.broadcast %mul3A : f32 to vector<256x1xf32>
    %mul3A_4 = arith.mulf %broadcast_in_dim3A, %mul3A_3 : vector<256x1xf32>
    %max3A = arith.constant 1.000000e+00 : f32
    %max3A_5 = vector.broadcast %max3A : f32 to vector<256x1xf32>
    %max3A_6 = arith.maximumf %mul3A_4, %max3A_5 : vector<256x1xf32>
    %div3A = arith.constant 1.000000e+00 : f32
    %div3A_7 = vector.broadcast %div3A : f32 to vector<256x1xf32>
    %div3A_8 = arith.divf %div3A_7, %max3A_6 : vector<256x1xf32>
    %get3A_9 = arith.constant 0 : index
    %get3A_10 = arith.constant 0 : index
    %get3A_11 = vector.load %arg1[%get3A_9, %get3A_10] : memref<256x64xf32, #tpu.memory_space<vmem>>, vector<256x64xf32>
    %mul3A_12 = vector.broadcast %div3A_8 : vector<256x1xf32> to vector<256x64xf32>
    %mul3A_13 = arith.mulf %get3A_11, %mul3A_12 : vector<256x64xf32>
    %get3A_14 = arith.constant 0 : index
    %get3A_15 = arith.constant 0 : index
    %get3A_16 = vector.load %arg4[%get3A_14, %get3A_15] : memref<64x64xf32, #tpu.memory_space<vmem>>, vector<64x64xf32>
    %dot_general3A = arith.constant dense<0.000000e+00> : vector<256x64xf32>
    %dot_general3A_17 = tpu.matmul %mul3A_13, %get3A_16, %dot_general3A {dimension_numbers = #tpu.dot_dimension_numbers<[1], [0], [0], [1], [0, 0, 1, 1], [], []>, transpose_lhs_hint = false} : vector<256x64xf32>, vector<64x64xf32>, vector<256x64xf32> -> vector<256x64xf32>
    %get3A_18 = arith.constant 0 : index
    %get3A_19 = arith.constant 0 : index
    %get3A_20 = vector.load %arg5[%get3A_18, %get3A_19] : memref<1x64xf32, #tpu.memory_space<vmem>>, vector<1x64xf32>
    %add3A = vector.broadcast %get3A_20 : vector<1x64xf32> to vector<256x64xf32>
    %add3A_21 = arith.addf %dot_general3A_17, %add3A : vector<256x64xf32>
    %get3A_22 = arith.constant 0 : index
    %get3A_23 = arith.constant 0 : index
    %get3A_24 = vector.load %arg3[%get3A_22, %get3A_23] : memref<256x64xf32, #tpu.memory_space<vmem>>, vector<256x64xf32>
    %get3A_25 = arith.constant 0 : index
    %get3A_26 = arith.constant 0 : index
    %get3A_27 = vector.load %arg6[%get3A_25, %get3A_26] : memref<64x64xf32, #tpu.memory_space<vmem>>, vector<64x64xf32>
    %dot_general3A_28 = arith.constant dense<0.000000e+00> : vector<256x64xf32>
    %dot_general3A_29 = tpu.matmul %get3A_24, %get3A_27, %dot_general3A_28 {dimension_numbers = #tpu.dot_dimension_numbers<[1], [0], [0], [1], [0, 0, 1, 1], [], []>, transpose_lhs_hint = false} : vector<256x64xf32>, vector<64x64xf32>, vector<256x64xf32> -> vector<256x64xf32>
    %add3A_30 = arith.addf %add3A_21, %dot_general3A_29 : vector<256x64xf32>
    %swap3A = arith.constant 0 : index
    %swap3A_31 = arith.constant 0 : index
    %swap3A_32 = vector.load %arg7[%swap3A, %swap3A_31] : memref<256x64xf32, #tpu.memory_space<vmem>>, vector<256x64xf32>
    tpu.vector_store %arg7[%swap3A, %swap3A_31], %add3A_30 {strides = array<i32>} : memref<256x64xf32, #tpu.memory_space<vmem>>, vector<256x64xf32>,
    return
  }
  func.func @transform_0(%arg0: i32) -> (i32, i32) {
    %c0_i32 = arith.constant 0 : i32
    %c0_i32_0 = arith.constant 0 : i32
    return %arg0, %c0_i32 : i32, i32
  }
  func.func @transform_1(%arg0: i32) -> (i32, i32) {
    %c0_i32 = arith.constant 0 : i32
    %c0_i32_0 = arith.constant 0 : i32
    return %arg0, %c0_i32 : i32, i32
  }
  func.func @transform_2(%arg0: i32) -> (i32, i32) {
    %c0_i32 = arith.constant 0 : i32
    %c0_i32_0 = arith.constant 0 : i32
    return %arg0, %c0_i32 : i32, i32
  }
  func.func @transform_3(%arg0: i32) -> (i32, i32) {
    %c0_i32 = arith.constant 0 : i32
    %c0_i32_0 = arith.constant 0 : i32
    %c0_i32_1 = arith.constant 0 : i32
    return %c0_i32, %c0_i32_0 : i32, i32
  }
  func.func @transform_4(%arg0: i32) -> (i32, i32) {
    %c0_i32 = arith.constant 0 : i32
    %c0_i32_0 = arith.constant 0 : i32
    %c0_i32_1 = arith.constant 0 : i32
    return %c0_i32, %c0_i32_0 : i32, i32
  }
  func.func @transform_5(%arg0: i32) -> (i32, i32) {
    %c0_i32 = arith.constant 0 : i32
    %c0_i32_0 = arith.constant 0 : i32
    %c0_i32_1 = arith.constant 0 : i32
    return %c0_i32, %c0_i32_0 : i32, i32
  }
  func.func @transform_6(%arg0: i32) -> (i32, i32) {
    %c0_i32 = arith.constant 0 : i32
    %c0_i32_0 = arith.constant 0 : i32
    return %arg0, %c0_i32 : i32, i32
  }
}

</mosaic_0001>

<sc_bundles>
// kernel: kernel.16.cloned.1.call-start
scs
__scs_entry_jumppad:
0x0: {  	(pc) =	sbr.rel $0x88, $3  }
0x1: {  	(tag) =	ssettag $0x0;
	lr =	simm.s32 $0x1  }
0x2: {  	[smem:$0x3F89] =	sst lr;
	_ =	strace $0xD0000000  }
0x3: {  	_ = 	snop  }
0x4: {  	_ = 	snop  }
0x5: {  	_ = 	snop  }
0x6: {  	_ = 	snop  }
0x7: {  	_ = 	snop  }
__scs_overlays_trampoline_lowered:
0x8: {  	[smem:$0x3F98] =	sst s0  }
0x9: {  	[smem:$0x3F99] =	sst s1  }
0xa: {  	[smem:$0x3F9A] =	sst s2  }
0xb: {  	[smem:$0x3F9B] =	sst s3  }
0xc: {  	[smem:$0x3F9C] =	sst s4  }
0xd: {  	[smem:$0x3F9D] =	sst s5  }
0xe: {  	[smem:$0x3F9E] =	sst s6  }
0xf: {  	[smem:$0x3F9F] =	sst s7  }
0x10: {  	[smem:$0x3FA0] =	sst s8  }
0x11: {  	[smem:$0x3FA1] =	sst s9;
	s0 =	simm.s32 @!p0 $0x0  }
0x12: {  	s1 =	sld [smem:$0x3F87];
	s0 =	simm.s32 @p0 $0x1  }
0x13: {  	[smem:$0x3FA2] =	sst s0;
	s0 =	simm.s32 @!p1 $0x0  }
0x14: {  	s2 =	sld [smem:$0x3F86];
	s0 =	simm.s32 @p1 $0x1  }
0x15: {  	[smem:$0x3FA3] =	sst s0;
	s0 =	simm.s32 @!p2 $0x0  }
0x16: {  	s3 =	sld [smem:$0x3FDB];
	s0 =	simm.s32 @p2 $0x1  }
0x17: {  	s4 =	simm.s32 $0x1BF5;
	[smem:$0x3FA5] =	sst s0  }
0x18: {  	s0 =	sld [smem:$0x3F88];
	_ =	swait.ge [sflag:s4], $0x0  }
0x19: {  	s7 =	sld [smem:$0x3F89]  }
0x1a: {  	s8 =	sadd.s32 $0xFFFFE003, lr  }
0x1b: {  	s9 =	sadd.s32 $0xFFFFFEF7, lr;
	s5 =	simm.s32 $0xFFFFFFFF;
	p2 =	slt.u32 s8, $0xFFFFF086  }
0x1c: {  	p1 =	slt.u32 s9, $0xF7A;
	s5 =	simm.s32 @!p2 $0x0  }
0x1d: {  	s5 =	simm.s32 @p1 $0x1;
	p0 =	seq.s32 s7, s2  }
0x1e: {  	s7 =	smul.u32 @!p0 $0xF7A, s2;
	p2 =	seq.s32 @!p0 s5, $0x0  }
0x1f: {  	s9 =	smul.u32 $0xF7A, s1;
	s8 =	simm.s32 @!p0 $0x1BF5;
	p2 =	por !p2, p0  }
0x20: {  	[sflag:s8] =	ssyncset.s32 @!p0 $0xFFFFF086;
	s6 =	sadd.s32 @!p0 s3, s7;
	s7 =	simm.s32 @!p0 $0x108  }
0x21: {  	s3 =	sadd.s32 s3, s9;
	s6 =	sadd.s32 @!p0 $0x88, s6;
	s7 =	simm.s32 @p2 $0x1082  }
0x22: {  	[simem:s7], [sflag:s8] =	dma.local @!p0 [hbm:s6], $0xF7A  }
0x23: {  	s9 =	sor.u32 $0xD0000000, s2;
	s6 =	simm.s32 $0x108;
	_ =	swait.ge @!p0 [sflag:s8], $0x0  }
0x24: {  	s3 =	sadd.s32 $0x88, s3;
	s6 =	simm.s32 @!p1 $0x1082;
	[sflag:s4] =	ssyncset.s32 $0xFFFFF086  }
0x25: {  	[simem:s6], [sflag:s4] =	dma.local [hbm:s3], $0xF7A  }
0x26: {  	[smem:$0x3F89] =	sst s1;
	(tag) =	ssettag s2;
	_ =	strace s9  }
0x27: {  	s1 =	sld [smem:$0x3F99]  }
0x28: {  	s2 =	sld [smem:$0x3F9A]  }
0x29: {  	s4 =	sld [smem:$0x3F9C]  }
0x2a: {  	p0 =	seq.s32 s5, $0x0;
	s5 =	sld [smem:$0x3F9D]  }
0x2b: {  	s6 =	sld [smem:$0x3F9E]  }
0x2c: {  	s7 =	sld [smem:$0x3F9F]  }
0x2d: {  	s3 =	simm.s32 $0x108;
	s8 =	sld [smem:$0x3FA0]  }
0x2e: {  	s3 =	simm.s32 @!p0 $0x1082;
	s9 =	sld [smem:$0x3FA1]  }
0x2f: {  	lr =	sadd.s32 s0, s3;
	s0 =	sld [smem:$0x3F98]  }
0x30: {  	s3 =	sld [smem:$0x3F9B]  }
0x31: {  	[smem:$0x3FA4] =	sst s10  }
0x32: {  	s10 =	sld [smem:$0x3FA2];
	_ =	sdelay $0x3  }
0x33: {  	p0 =	seq.s32 s10, $0x1;
	s10 =	sld [smem:$0x3FA4];
	_ =	sdelay $0x3  }
0x34: {  	[smem:$0x3FA4] =	sst s10  }
0x35: {  	s10 =	sld [smem:$0x3FA3];
	_ =	sdelay $0x3  }
0x36: {  	p1 =	seq.s32 s10, $0x1;
	s10 =	sld [smem:$0x3FA4];
	_ =	sdelay $0x3  }
0x37: {  	[smem:$0x3FA4] =	sst s10  }
0x38: {  	s10 =	sld [smem:$0x3FA5]  }
0x39: {  	_ = 	snop;
	(pc) =	sbr.ind lr, $3  }
0x3a: {  	_ = 	snop  }
0x3b: {  	_ = 	snop  }
0x3c: {  	p2 =	seq.s32 s10, $0x1;
	s10 =	sld [smem:$0x3FA4]  }
0x3d: {  	_ =	shalt  }
0x3e: {  	_ =	shalt  }
0x3f: {  	_ =	shalt  }
0x40: {  	_ =	shalt  }
0x41: {  	_ =	shalt  }
0x42: {  	_ =	shalt  }
0x43: {  	_ =	shalt  }
0x44: {  	_ =	shalt  }
0x45: {  	_ =	shalt  }
0x46: {  	_ =	shalt  }
0x47: {  	_ =	shalt  }
0x48: {  	_ =	shalt  }
0x49: {  	_ =	shalt  }
0x4a: {  	_ =	shalt  }
0x4b: {  	_ =	shalt  }
0x4c: {  	_ =	shalt  }
0x4d: {  	_ =	shalt  }
0x4e: {  	_ =	shalt  }
0x4f: {  	_ =	shalt  }
0x50: {  	_ =	shalt  }
0x51: {  	_ =	shalt  }
0x52: {  	_ =	shalt  }
0x53: {  	_ =	shalt  }
0x54: {  	_ =	shalt  }
0x55: {  	_ =	shalt  }
0x56: {  	_ =	shalt  }
0x57: {  	_ =	shalt  }
0x58: {  	_ =	shalt  }
0x59: {  	_ =	shalt  }
0x5a: {  	_ =	shalt  }
0x5b: {  	_ =	shalt  }
0x5c: {  	_ =	shalt  }
0x5d: {  	_ =	shalt  }
0x5e: {  	_ =	shalt  }
0x5f: {  	_ =	shalt  }
0x60: {  	_ =	shalt  }
0x61: {  	_ =	shalt  }
0x62: {  	_ =	shalt  }
0x63: {  	_ =	shalt  }
0x64: {  	_ =	shalt  }
0x65: {  	_ =	shalt  }
0x66: {  	_ =	shalt  }
0x67: {  	_ =	shalt  }
0x68: {  	_ =	shalt  }
0x69: {  	_ =	shalt  }
0x6a: {  	_ =	shalt  }
0x6b: {  	_ =	shalt  }
0x6c: {  	_ =	shalt  }
0x6d: {  	_ =	shalt  }
0x6e: {  	_ =	shalt  }
0x6f: {  	_ =	shalt  }
0x70: {  	_ =	shalt  }
0x71: {  	_ =	shalt  }
0x72: {  	_ =	shalt  }
0x73: {  	_ =	shalt  }
0x74: {  	_ =	shalt  }
0x75: {  	_ =	shalt  }
0x76: {  	_ =	shalt  }
0x77: {  	_ =	shalt  }
0x78: {  	_ =	shalt  }
0x79: {  	_ =	shalt  }
0x7a: {  	_ =	shalt  }
0x7b: {  	_ =	shalt  }
0x7c: {  	_ =	shalt  }
0x7d: {  	_ =	shalt  }
0x7e: {  	_ =	shalt  }
0x7f: {  	_ =	shalt  }
0x80: {  	_ =	shalt  }
0x81: {  	_ =	shalt  }
0x82: {  	_ =	shalt  }
0x83: {  	_ =	shalt  }
0x84: {  	_ =	shalt  }
0x85: {  	_ =	shalt  }
0x86: {  	_ =	shalt  }
0x87: {  	_ =	shalt  }
.Lfunc_end0:
.L_simem_size_0:
called_computation_lowered:
.L_overlay_start_0:
0x88: {  	s2 =	sld [smem:$0x3FD9]  }
0x89: {  	s3 =	sld [smem:$0x3FFE];
	_ =	sdelay $0x1  }
0x8a: {  	s1 =	srdreg.scid  }
0x8b: {  	s0 =	sand.u32 $0x1, s1  }
0x8c: {  	s17 =	sshll.u32 s0, $0xA;
	s2 =	sadd.s32 s3, s2  }
0x8d: {  	s2 =	sadd.s32 s2, s17  }
0x8e: {  	[smem:$0x3FB0] =	sst s2  }
0x8f: {  	_ = 	snop  }
0x90: {  	s2 =	sld [smem:$0x3FB5]  }
0x91: {  	s18 =	sld [smem:$0x3FB4];
	(tm) =	ssettm $0x1  }
0x92: {  	s4 =	sld [smem:$0x3FFB];
	_ =	sdelay $0x3  }
0x93: {  	_ =	strace s4  }
0x94: {  	s4 =	sld [smem:$0x3FFC];
	_ =	sdelay $0x3  }
0x95: {  	_ =	strace s4  }
0x96: {  	s4 =	sld [smem:$0x3FFD];
	_ =	sdelay $0x3  }
0x97: {  	_ =	strace s4  }
0x98: {  	_ =	strace $0x8FFFFFFF  }
0x99: {  	s19 =	sld [smem:$0x3FDB];
	_ =	sdelay $0x1  }
0x9a: {  	s5 =	simm.s32 $_scs_section_size  }
0x9b: {  	s6 =	simm.s32 $_size__tile_overlayer_lowered;
	s7 =	simm.s32 $_tile_overlayer_lowered  }
0x9c: {  	s22 =	simm.s32 $0x1BFF;
	s21 =	sshll.u32 s7, $0x1;
	s4 =	sadd.s32 s5, s19  }
0x9d: {  	s8 =	simm.s32 $0x0;
	s20 =	sshll.u32 s6, $0x1;
	s6 =	sadd.s32 s21, s4  }
0x9e: {  	[timem:s8], [sflag:s22] =	dma.local [hbm:s6], s20  }
0x9f: {  	_ =	swait.ge [sflag:s22], s20  }
0xa0: {  	s5 =	ssub.s32 $0x0, s20;
	[sflag:s22] =	ssyncset.done $0x0  }
0xa1: {  	[sflag:s22] =	ssyncadd.s32 s5;
	_ =	sdelay $0x1  }
0xa2: {  	s23 =	simm.s32 $0x1B8B  }
0xa3: {  	_ =	swait.ge [sflag:s23], $0x1  }
0xa4: {  	[sflag:s23] =	ssyncset.done $0x0  }
0xa5: {  	s25 =	simm.s32 $0x1B8E;
	s24 =	sld [smem:$0x3FFE];
	[sflag:s23] =	ssyncadd.s32 $0xFFFFFFFF  }
0xa6: {  	s26 =	simm.s32 $execute0_lowered;
	[smem:$0x3FD2] =	sst s25  }
0xa7: {  	s6 =	sshll.u32 s26, $0x1;
	_ =	strace $0x80000046;
	[dreg:$0x1] =	wrdreg $0xFFFFFFFF  }
0xa8: {  	s28 =	simm.s32 $_size_execute0_lowered;
	s4 =	sadd.s32 s4, s6;
	[dreg:$0x0] =	wrdreg $0x0  }
0xa9: {  	s6 =	sshll.u32 s28, $0x1;
	[dreg:$0x2] =	wrdreg s4  }
0xaa: {  	[dreg:$0x3] =	wrdreg s6  }
0xab: {  	[dreg:$0x4] =	wrdreg $0xC0  }
0xac: {  	_ =	task [dreg:s8], $0x5FFFF  }
0xad: {  	[dreg:$0x1] =	wrdreg $0xFFFFFFFF  }
0xae: {  	[dreg:$0x0] =	wrdreg $0x60  }
0xaf: {  	[dreg:$0x2] =	wrdreg s2  }
0xb0: {  	[dreg:$0x3] =	wrdreg s18  }
0xb1: {  	[dreg:$0x4] =	wrdreg s24  }
0xb2: {  	[dreg:$0x5] =	wrdreg $0xA000  }
0xb3: {  	[dreg:$0x6] =	wrdreg $0x6C100  }
0xb4: {  	[dreg:$0x7] =	wrdreg $0xA  }
0xb5: {  	_ =	task.clear_ibuf [dreg:s8], $0x8FFFF;
	_ =	strace $0x90000046  }
0xb6: {  	s29 =	simm.s32 $0xA;
	_ =	strace $0x80000048  }
0xb7: {  	_ =	swait.ge [sflag:s29], $0x1  }
0xb8: {  	[sflag:s29] =	ssyncadd.s32 $0xFFFFFFFF  }
0xb9: {  	_ =	strace $0x90000048  }
0xba: {  	_ =	sfence  }
0xbb: {  	s30 =	sld [smem:$0x0];
	_ =	sdelay $0x2  }
0xbc: {  	s31 =	sshll.u32 s1, $0xD;
	s1 =	sshrl.u32 s1, $0x2  }
0xbd: {  	s3 =	sand.u32 $0x4000, s31;
	s1 =	sadd.s32 s1, s30  }
0xbe: {  	s0 =	sor.u32 s3, s0;
	s1 =	sshll.u32 s1, $0x11  }
0xbf: {  	s0 =	sor.u32 s1, s0  }
0xc0: {  	s0 =	sadd.s32 $0x8F2B, s0  }
0xc1: {  	[sflag:s0] =	ssyncadd.remote.s32 $0x1  }
0xc2: {  	_ =	sfence.sel $0xFFFF  }
0xc3: {  	[dreg:$0x0] =	wrdreg $0xFFFFFFFF;
	(pc) =	sbr.abs _section_cstart, $3  }
0xc4: {  	[dreg:$0x1] =	wrdreg $0xFFFFFFFF  }
0xc5: {  	_ =	task.clear_ibuf [dreg:s8], $0x2FFFF;
	_ =	strace $0x9FFFFFFF  }
0xc6: {  	(tm) =	ssettm $0x7FFFFFFF  }
0xc7: {  	_ =	shalt  }
tec
execute0_lowered:
.L_overlay_start_1:
0x0: {  	(tag) =	ssettag $0x1  }
0x1: {  	s20 =	rddreg [dreg:$0x0]  }
0x2: {  	s1 =	rddreg [dreg:$0x1]  }
0x3: {  	s2 =	srdreg.scid;
	s17 =	stileid.u32  }
0x4: {  	s5 =	rddreg [dreg:$0x2];
	s8 =	smul.u32 $0x620, s17  }
0x5: {  	s3 =	rddreg [dreg:$0x4];
	s4 =	simm.s32 $0x0;
	s10 =	smul.u32 $0x140, s17  }
0x6: {  	s29 =	simm.s32 $0x200;
	s31 =	simm.s32 $0x2;
	s11 =	smul.u32 $0x18800, s17  }
0x7: {  	s6 =	sand.u32 $0x1, s2;
	s2 =	rddreg [dreg:$0x3];
	s14 =	smul.u32 $0x5000, s17  }
0x8: {  	[smem:$0x7FF] =	sst s4;
	s26 =	sshll.u32 s17, $0x4;
	s7 =	smul.u32 $0x6200, s6  }
0x9: {  	s9 =	smul.u32 $0x1400, s6;
	_ =	strace $0x80000047;
	s6 =	ssub.s32 $0x2, s6  }
0xa: {  	s20 =	sadd.s32 s26, s20;
	s18 =	sshrl.u32 s6, $0x1;
	s21 =	sshrl.u32 s11, $0x2  }
0xb: {  	s22 =	sshrl.u32 s14, $0x2;
	s8 =	sadd.s32 s8, s7;
	s10 =	sadd.s32 s10, s9  }
0xc: {  	s12 =	smin.u32 s7, $0x6150;
	s13 =	smin.u32 s9, $0x1310;
	v0 =	vmov s7;
	s7 =	simm.s32 $0x0  }
0xd: {  	s8 =	sshll.u32 s8, $0x1;
	s10 =	sshll.u32 s10, $0x1;
	s30 =	sadd.s32 $0x6200, s12  }
0xe: {  	s0 =	sadd.s32 $0x1400, s13;
	s8 =	sadd.s32 s8, s5;
	s5 =	sadd.s32 s10, s5  }
0xf: {  	s10 =	ssub.s32 s6, s18;
	s6 =	sadd.s32 s21, s2;
	v1 =	vmov s30;
	s30 =	simm.s32 $0x1  }
0x10: {  	v3 =	vmov s0;
	s0 =	simm.s32 $0x100;
	s19 =	sadd.s32 $0xB800, s8;
	s5 =	sadd.s32 $0x6800, s5  }
0x11: {  	s8 =	sadd.s32 s22, s3;
	s23 =	smax.u32 s10, $0x1;
	s24 =	sadd.s32 $0x700, s6  }
0x12: {  	s25 =	sadd.s32 $0xE00, s6;
	s12 =	sadd.s32 $0x1500, s6;
	s13 =	sadd.s32 $0x1C00, s6  }
0x13: {  	s14 =	sadd.s32 $0x2300, s6;
	s15 =	sadd.s32 $0x2A00, s6;
	[dreg:$0x6] =	wrdreg s19  }
0x14: {  	s16 =	sadd.s32 $0x3100, s6;
	s17 =	sadd.s32 $0x3800, s6;
	[dreg:$0x7] =	wrdreg s5  }
.Ltmp0:
0x15: {  	s18 =	sadd.s32 $0x3F00, s6;
	[dreg:$0x8] =	wrdreg s23;
	(pc) =	sbr.rel .LBB2_1-.Ltmp0, $4  }
0x16: {  	s21 =	sadd.s32 $0x4600, s6;
	s22 =	sadd.s32 $0x4D00, s6;
	[dreg:$0x9] =	wrdreg s24  }
0x17: {  	[dreg:$0xa] =	wrdreg s25;
	s19 =	sadd.s32 s26, s1;
	s23 =	sadd.s32 $0x5400, s6  }
0x18: {  	s24 =	sadd.s32 $0x5B00, s6;
	s25 =	sadd.s32 $0x500, s8;
	s26 =	sadd.s32 $0xA00, s8  }
0x19: {  	v4 =	vimm.f32 $0.0e+00;
	v5 =	vimm.f32 $1.000000000e+00;
	v2 =	vmov s9;
	s28 =	sadd.s32 $0xF00, s8;
	s1 =	simm.s32 $0x80;
	s5 =	simm.s32 $0x180  }
.LBB2_9:
0x1a: {  	s9 =	stileid.u32  }
0x1b: {  	[bflag:$0x0] =	sbarrier.arrive $0xFFFF;
	s9 =	sshll.u32 s9, $0x6  }
0x1c: {  	s10 =	sshrl.u32 s6, $0x3;
	s11 =	rddreg [dreg:$0x6];
	s9 =	sor.u32 $0x1C01, s9  }
0x1d: {  	[hbm:s11], [sflag:s9] =	dma.local [spmem:s10], $0xC40  }
0x1e: {  	_ =	swait.ge [sflag:s30], $0xC40  }
0x1f: {  	[sflag:s30] =	ssyncset.done $0x0  }
0x20: {  	s10 =	sshrl.u32 s8, $0x3;
	s11 =	rddreg [dreg:$0x7];
	[sflag:s30] =	ssyncadd.s32 $0xFFFFF3C0  }
0x21: {  	[hbm:s11], [sflag:s9] =	dma.local [spmem:s10], $0x280  }
0x22: {  	_ =	swait.ge [sflag:s30], $0x280  }
0x23: {  	s7 =	sadd.s32 $0x1, s7;
	s11 =	rddreg [dreg:$0x8]  }
0x24: {  	p0 =	sne.s32 s7, s11  }
.Ltmp1:
0x25: {  	_ = 	snop;
	(pc) =	sbr.rel @!p0 .LBB2_10-.Ltmp1, $3  }
0x26: {  	_ =	sdelay $0x1  }
0x27: {  	[sflag:s30] =	ssyncset.done $0x0  }
0x28: {  	[sflag:s30] =	ssyncadd.s32 $0xFFFFFD80  }
.LBB2_1:
0x29: {  	s9 =	simm.s32 $0x40;
	s10 =	simm.s32 $0x0  }
.LBB2_2:
0x2a: {  	p0 =	sne.s32 s9, $0x1BC0;
	[tilespmem:s10+$0x200] =	vst v4;
	s10 =	smov.u32 s9;
	s9 =	sadd.s32 $0x40, s9  }
.Ltmp2:
0x2b: {  	(pc) =	sbr.rel @p0 .LBB2_2-.Ltmp2, $2  }
0x2c: {  	_ =	sdelay $0x2  }
0x2d: {  	s10 =	sshra.s32 s10, $0x2  }
0x2e: {  	[tilespmem:s10+$0x200] =	vst v4  }
0x2f: {  	[spmem:s6] =	stream.linear.scatter [tilespmem:s29], [sflag:$0x1], $0x700, $0x38;
	[tilespmem:$0x8020] =	vst v63  }
0x30: {  	_ =	swait.ge [sflag:s30], $0x700  }
0x31: {  	[sflag:s30] =	ssyncset.done $0x0  }
0x32: {  	s9 =	rddreg [dreg:$0x9];
	[sflag:s30] =	ssyncadd.s32 $0xFFFFF900  }
0x33: {  	[spmem:s9] =	stream.linear.scatter [tilespmem:s29], [sflag:$0x1], $0x700, $0x38;
	[tilespmem:$0x8020] =	vst v63  }
0x34: {  	_ =	swait.ge [sflag:s30], $0x700  }
0x35: {  	[sflag:s30] =	ssyncset.done $0x0  }
0x36: {  	s11 =	rddreg [dreg:$0xa];
	[sflag:s30] =	ssyncadd.s32 $0xFFFFF900  }
0x37: {  	[spmem:s11] =	stream.linear.scatter [tilespmem:s29], [sflag:$0x1], $0x700, $0x38;
	[tilespmem:$0x8020] =	vst v63  }
0x38: {  	_ =	swait.ge [sflag:s30], $0x700  }
0x39: {  	[sflag:s30] =	ssyncset.done $0x0  }
0x3a: {  	[sflag:s30] =	ssyncadd.s32 $0xFFFFF900  }
0x3b: {  	[spmem:s12] =	stream.linear.scatter [tilespmem:s29], [sflag:$0x1], $0x700, $0x38;
	[tilespmem:$0x8020] =	vst v63  }
0x3c: {  	_ =	swait.ge [sflag:s30], $0x700  }
0x3d: {  	[sflag:s30] =	ssyncset.done $0x0  }
0x3e: {  	[sflag:s30] =	ssyncadd.s32 $0xFFFFF900  }
0x3f: {  	[spmem:s13] =	stream.linear.scatter [tilespmem:s29], [sflag:$0x1], $0x700, $0x38;
	[tilespmem:$0x8020] =	vst v63  }
0x40: {  	_ =	swait.ge [sflag:s30], $0x700  }
0x41: {  	[sflag:s30] =	ssyncset.done $0x0  }
0x42: {  	[sflag:s30] =	ssyncadd.s32 $0xFFFFF900  }
0x43: {  	[spmem:s14] =	stream.linear.scatter [tilespmem:s29], [sflag:$0x1], $0x700, $0x38;
	[tilespmem:$0x8020] =	vst v63  }
0x44: {  	_ =	swait.ge [sflag:s30], $0x700  }
0x45: {  	[sflag:s30] =	ssyncset.done $0x0  }
0x46: {  	[sflag:s30] =	ssyncadd.s32 $0xFFFFF900  }
0x47: {  	[spmem:s15] =	stream.linear.scatter [tilespmem:s29], [sflag:$0x1], $0x700, $0x38;
	[tilespmem:$0x8020] =	vst v63  }
0x48: {  	_ =	swait.ge [sflag:s30], $0x700  }
0x49: {  	[sflag:s30] =	ssyncset.done $0x0  }
0x4a: {  	[sflag:s30] =	ssyncadd.s32 $0xFFFFF900  }
0x4b: {  	[spmem:s16] =	stream.linear.scatter [tilespmem:s29], [sflag:$0x1], $0x700, $0x38;
	[tilespmem:$0x8020] =	vst v63  }
0x4c: {  	_ =	swait.ge [sflag:s30], $0x700  }
0x4d: {  	[sflag:s30] =	ssyncset.done $0x0  }
0x4e: {  	[sflag:s30] =	ssyncadd.s32 $0xFFFFF900  }
0x4f: {  	[spmem:s17] =	stream.linear.scatter [tilespmem:s29], [sflag:$0x1], $0x700, $0x38;
	[tilespmem:$0x8020] =	vst v63  }
0x50: {  	_ =	swait.ge [sflag:s30], $0x700  }
0x51: {  	[sflag:s30] =	ssyncset.done $0x0  }
0x52: {  	[sflag:s30] =	ssyncadd.s32 $0xFFFFF900  }
0x53: {  	[spmem:s18] =	stream.linear.scatter [tilespmem:s29], [sflag:$0x1], $0x700, $0x38;
	[tilespmem:$0x8020] =	vst v63  }
0x54: {  	_ =	swait.ge [sflag:s30], $0x700  }
0x55: {  	[sflag:s30] =	ssyncset.done $0x0  }
0x56: {  	[sflag:s30] =	ssyncadd.s32 $0xFFFFF900  }
0x57: {  	[spmem:s21] =	stream.linear.scatter [tilespmem:s29], [sflag:$0x1], $0x700, $0x38;
	[tilespmem:$0x8020] =	vst v63  }
0x58: {  	_ =	swait.ge [sflag:s30], $0x700  }
0x59: {  	[sflag:s30] =	ssyncset.done $0x0  }
0x5a: {  	[sflag:s30] =	ssyncadd.s32 $0xFFFFF900  }
0x5b: {  	[spmem:s22] =	stream.linear.scatter [tilespmem:s29], [sflag:$0x1], $0x700, $0x38;
	[tilespmem:$0x8020] =	vst v63  }
0x5c: {  	_ =	swait.ge [sflag:s30], $0x700  }
0x5d: {  	[sflag:s30] =	ssyncset.done $0x0  }
0x5e: {  	[sflag:s30] =	ssyncadd.s32 $0xFFFFF900  }
0x5f: {  	[spmem:s23] =	stream.linear.scatter [tilespmem:s29], [sflag:$0x1], $0x700, $0x38;
	[tilespmem:$0x8020] =	vst v63  }
0x60: {  	_ =	swait.ge [sflag:s30], $0x700  }
0x61: {  	[sflag:s30] =	ssyncset.done $0x0  }
0x62: {  	[sflag:s30] =	ssyncadd.s32 $0xFFFFF900  }
0x63: {  	[spmem:s24] =	stream.linear.scatter [tilespmem:s29], [sflag:$0x1], $0x700, $0x38;
	[tilespmem:$0x8020] =	vst v63  }
0x64: {  	_ =	swait.ge [sflag:s30], $0x700  }
0x65: {  	[sflag:s30] =	ssyncset.done $0x0  }
0x66: {  	[sflag:s30] =	ssyncadd.s32 $0xFFFFF900  }
0x67: {  	[spmem:s8] =	stream.linear.scatter [tilespmem:s29], [sflag:$0x1], $0x500, $0x38;
	[tilespmem:$0x8020] =	vst v63  }
0x68: {  	_ =	swait.ge [sflag:s30], $0x500  }
0x69: {  	[sflag:s30] =	ssyncset.done $0x0  }
0x6a: {  	[sflag:s30] =	ssyncadd.s32 $0xFFFFFB00  }
0x6b: {  	[spmem:s25] =	stream.linear.scatter [tilespmem:s29], [sflag:$0x1], $0x500, $0x38;
	[tilespmem:$0x8020] =	vst v63  }
0x6c: {  	_ =	swait.ge [sflag:s30], $0x500  }
0x6d: {  	[sflag:s30] =	ssyncset.done $0x0  }
0x6e: {  	[sflag:s30] =	ssyncadd.s32 $0xFFFFFB00  }
0x6f: {  	[spmem:s26] =	stream.linear.scatter [tilespmem:s29], [sflag:$0x1], $0x500, $0x38;
	[tilespmem:$0x8020] =	vst v63  }
0x70: {  	_ =	swait.ge [sflag:s30], $0x500  }
0x71: {  	[sflag:s30] =	ssyncset.done $0x0  }
0x72: {  	[sflag:s30] =	ssyncadd.s32 $0xFFFFFB00  }
0x73: {  	[spmem:s28] =	stream.linear.scatter [tilespmem:s29], [sflag:$0x1], $0x500, $0x38;
	[tilespmem:$0x8020] =	vst v63  }
0x74: {  	_ =	swait.ge [sflag:s30], $0x500  }
0x75: {  	[sflag:s30] =	ssyncset.done $0x0  }
0x76: {  	s10 =	simm.s32 $0x0;
	s9 =	simm.s32 $0x40;
	[sflag:s30] =	ssyncadd.s32 $0xFFFFFB00  }
.LBB2_4:
0x77: {  	p0 =	sne.s32 s9, $0x1FC0;
	[tilespmem:s10+$0x200] =	vst v5;
	s10 =	smov.u32 s9;
	s9 =	sadd.s32 $0x40, s9  }
.Ltmp3:
0x78: {  	(pc) =	sbr.rel @p0 .LBB2_4-.Ltmp3, $2  }
0x79: {  	_ =	sdelay $0x2  }
0x7a: {  	s10 =	sshra.s32 s10, $0x2  }
.Ltmp4:
0x7b: {  	(pc) =	sbr.rel .LBB2_6-.Ltmp4, $4  }
0x7c: {  	_ = 	snop  }
0x7d: {  	[tilespmem:s10+$0x200] =	vst v5  }
0x7e: {  	[bflag:$0x0] =	sbarrier.arrive $0xFFFF  }
0x7f: {  	s9 =	simm.s32 $0x0;
	s10 =	stileid.u32  }
.LBB2_8:
0x80: {  	s9 =	sadd.s32 $0x100, s9  }
0x81: {  	p0 =	sne.s32 s9, $0x18700  }
.Ltmp5:
0x82: {  	_ = 	snop;
	(pc) =	sbr.rel @!p0 .LBB2_9-.Ltmp5, $2  }
0x83: {  	_ =	sdelay $0x2  }
0x84: {  	s10 =	sadd.s32 $0x10, s10  }
.LBB2_6:
0x85: {  	p0 =	sgt.u32 s10, $0x1869  }
.Ltmp6:
0x86: {  	_ = 	snop;
	(pc) =	sbr.rel @p0 .LBB2_8-.Ltmp6, $1  }
0x87: {  	_ =	sdelay $0x3  }
0x88: {  	s11 =	sadd.s32 s9, s20  }
0x89: {  	[tilespmem:s4], [sflag:$0x2] =	stream.linear.gather [hbm4b:s11+s4], $0x80, $0x38;
	[tilespmem:$0x8020] =	vst v63  }
0x8a: {  	_ =	swait.ge [sflag:s31], $0x80  }
0x8b: {  	[sflag:s31] =	ssyncset.done $0x0  }
0x8c: {  	s11 =	sadd.s32 s9, s19;
	[sflag:s31] =	ssyncadd.s32 $0xFFFFFF80  }
0x8d: {  	[tilespmem:s1], [sflag:$0x2] =	stream.linear.gather [hbm4b:s11+s4], $0x80, $0x38;
	[tilespmem:$0x8020] =	vst v63  }
0x8e: {  	_ =	swait.ge [sflag:s31], $0x80  }
0x8f: {  	[sflag:s31] =	ssyncset.done $0x0  }
0x90: {  	[sflag:s31] =	ssyncadd.s32 $0xFFFFFF80  }
0x91: {  	v6 =	vld [tilespmem:$0x0]  }
0x92: {  	v7 =	vld [tilespmem:$0x80]  }
0x93: {  	v8 =	vld [tilespmem:$0x10]  }
0x94: {  	v9 =	vld [tilespmem:$0x90]  }
0x95: {  	v10 =	vld [tilespmem:$0x20]  }
0x96: {  	v11 =	vld [tilespmem:$0xA0]  }
0x97: {  	v14 =	vld [tilespmem:$0x40];
	vm0 =	vge.s32 v6, v0  }
0x98: {  	v15 =	vld [tilespmem:$0xC0];
	vm1 =	vlt.s32 v6, v1;
	vm2 =	vge.s32 v7, v2;
	vm3 =	vlt.s32 v7, v3  }
0x99: {  	v55 =	vld [tilespmem:$0xD0];
	v6 =	vsub.s32 v6, v0;
	v7 =	vsub.s32 v7, v2;
	vm15 =	vge.s32 v8, v0  }
0x9a: {  	v57 =	vld [tilespmem:$0x60];
	vm6 =	vlt.s32 v8, v1;
	vm8 =	vge.s32 v9, v2;
	vm9 =	vlt.s32 v9, v3  }
0x9b: {  	v12 =	vld [tilespmem:$0x30];
	v8 =	vsub.s32 v8, v0;
	v9 =	vsub.s32 v9, v2;
	vm10 =	vge.s32 v10, v0  }
0x9c: {  	v13 =	vld [tilespmem:$0xB0];
	vm11 =	vlt.s32 v10, v1;
	vm12 =	vge.s32 v11, v2;
	vm13 =	vlt.s32 v11, v3  }
0x9d: {  	v10 =	vsub.s32 v10, v0;
	v11 =	vsub.s32 v11, v2;
	v56 =	vsub.s32 v14, v0  }
0x9e: {  	v58 =	vsub.s32 v15, v2;
	vm4 =	vge.s32 v55, v2;
	vm5 =	vlt.s32 v55, v3  }
0x9f: {  	v61 =	vsub.s32 v55, v2;
	v63 =	vsub.s32 v57, v0;
	vm0 =	vmand vm0, vm1  }
0xa0: {  	vm14 =	vmand vm2, vm3;
	vm7 =	vmand vm15, vm6;
	vm1 =	vmand vm8, vm9  }
0xa1: {  	vm15 =	vlt.s32 v12, v1;
	vm6 =	vge.s32 v13, v2;
	vm9 =	vge.s32 v14, v0  }
0xa2: {  	v6 =	vnsel vm0, $0x6200, v6;
	v7 =	vnsel vm14, $0x1400, v7;
	v8 =	vnsel vm7, $0x6200, v8  }
0xa3: {  	v16 =	vld [tilespmem:$0x50];
	v9 =	vnsel vm1, $0x1400, v9;
	vm0 =	vmand vm10, vm11;
	vm1 =	vmand vm12, vm13  }
0xa4: {  	v59 =	vld [tilespmem:$0xE0];
	vm14 =	vge.s32 v12, v0;
	vm7 =	vlt.s32 v13, v3;
	v12 =	vsub.s32 v12, v0;
	[tilespmem:$0x100] =	vst v6  }
0xa5: {  	v60 =	vld [tilespmem:$0x70];
	vm10 =	vlt.s32 v14, v1;
	vm12 =	vge.s32 v15, v2;
	vm13 =	vlt.s32 v15, v3;
	[tilespmem:$0x180] =	vst v7  }
0xa6: {  	v10 =	vnsel vm0, $0x6200, v10;
	v11 =	vnsel vm1, $0x1400, v11;
	vm0 =	vmand vm14, vm15;
	[tilespmem:$0x110] =	vst v8  }
0xa7: {  	vm8 =	vmand vm6, vm7;
	v6 =	vsub.s32 v13, v2;
	vm11 =	vmand vm9, vm10;
	[tilespmem:$0x190] =	vst v9  }
0xa8: {  	v62 =	vld [tilespmem:$0xF0];
	vm1 =	vmand vm12, vm13;
	vm14 =	vge.s32 v16, v0;
	vm15 =	vlt.s32 v16, v1;
	[tilespmem:$0x120] =	vst v10  }
0xa9: {  	vm6 =	vge.s32 v57, v0;
	vm7 =	vlt.s32 v57, v1;
	v7 =	vnsel vm0, $0x6200, v12;
	[tilespmem:$0x1A0] =	vst v11  }
0xaa: {  	vm9 =	vlt.s32 v59, v3;
	vm12 =	vlt.s32 v60, v1;
	v6 =	vnsel vm8, $0x1400, v6;
	[tilespmem:$0x130] =	vst v7  }
0xab: {  	v8 =	vnsel vm11, $0x6200, v56;
	v9 =	vnsel vm1, $0x1400, v58;
	vm0 =	vmand vm14, vm15;
	[tilespmem:$0x1B0] =	vst v6  }
0xac: {  	vm1 =	vmand vm4, vm5;
	vm8 =	vge.s32 v59, v2;
	v7 =	vsub.s32 v16, v0;
	[tilespmem:$0x140] =	vst v8  }
0xad: {  	vm11 =	vge.s32 v60, v0;
	vm14 =	vge.s32 v62, v2;
	[tilespmem:$0x1C0] =	vst v9;
	v6 =	vnsel vm0, $0x6200, v7  }
0xae: {  	vm15 =	vlt.s32 v62, v3;
	v7 =	vnsel vm1, $0x1400, v61;
	vm0 =	vmand vm6, vm7;
	[tilespmem:$0x150] =	vst v6  }
0xaf: {  	vm10 =	vmand vm8, vm9;
	v6 =	vsub.s32 v59, v2;
	v8 =	vnsel vm0, $0x6200, v63;
	[tilespmem:$0x1D0] =	vst v7  }
0xb0: {  	vm13 =	vmand vm11, vm12;
	v7 =	vsub.s32 v60, v0;
	v6 =	vnsel vm10, $0x1400, v6;
	[tilespmem:$0x160] =	vst v8  }
0xb1: {  	vm1 =	vmand vm14, vm15;
	[tilespmem:$0x1E0] =	vst v6;
	v6 =	vnsel vm13, $0x6200, v7;
	v7 =	vsub.s32 v62, v2  }
0xb2: {  	[tilespmem:$0x170] =	vst v6;
	v6 =	vnsel vm1, $0x1400, v7  }
0xb3: {  	[tilespmem:$0x1F0] =	vst v6  }
0xb4: {  	[spmem:s2] =	stream.indirect.scatter.add.f32 [tilespmem:s29], [sflag:$0x2], $0x10, s0, s1, $0xb8;
	[tilespmem:$0x8020] =	vst v63  }
0xb5: {  	_ =	swait.ge [sflag:s31], $0x800  }
0xb6: {  	[sflag:s31] =	ssyncset.done $0x0  }
.Ltmp7:
0xb7: {  	[sflag:s31] =	ssyncadd.s32 $0xFFFFF800;
	(pc) =	sbr.rel .LBB2_8-.Ltmp7, $4  }
0xb8: {  	[spmem:s3] =	stream.indirect.scatter.add.f32 [tilespmem:s29], [sflag:$0x1], $0x10, s5, s1, $0xb8;
	[tilespmem:$0x8020] =	vst v63  }
0xb9: {  	_ =	swait.ge [sflag:s30], $0x800  }
0xba: {  	[sflag:s30] =	ssyncset.done $0x0  }
0xbb: {  	[sflag:s30] =	ssyncadd.s32 $0xFFFFF800  }
.LBB2_10:
0xbc: {  	_ =	sfence.sel $0x180000  }
0xbd: {  	[bflag:$0x0] =	sbarrier.arrive $0xFFFF  }
0xbe: {  	_ =	strace $0x90000047  }
0xbf: {  	s0 =	stileid.u32;
	[bflag:$0x2] =	sbarrier.arrive $0xFFFF  }
0xc0: {  	p0 =	sne.s32 s0, $0x0;
	s0 =	rddreg [dreg:$0x5]  }
0xc1: {  	s0 =	sadd.s32 @!p0 $0x100000, s0  }
0xc2: {  	[sflag:s0] =	ssyncadd.tile.s32 @!p0 $0x1;
	_ =	shalt  }
.Lfunc_end2:
_tile_overlayer_lowered:
.L_overlay_start_2:
0xc3: {  	(tag) =	ssettag $0x2  }
0xc4: {  	s0 =	rddreg [dreg:$0x0];
	s2 =	stileid.u32  }
0xc5: {  	s1 =	rddreg [dreg:$0x1];
	p0 =	sne.s32 s2, $0x0  }
0xc6: {  	s3 =	rddreg [dreg:$0x2];
	[bflag:$0x3] =	sbarrier.arrive $0xFFFF;
	s2 =	simm.s32 @!p0 $0x1C01  }
0xc7: {  	[timem:s3], [sflag:s2] =	dma.local @!p0 [hbm:s0], s1  }
0xc8: {  	s0 =	simm.s32 @!p0 $0x1  }
0xc9: {  	_ =	swait.ge @!p0 [sflag:s0], s1  }
0xca: {  	s1 =	ssub.s32 @!p0 $0x0, s1;
	[sflag:s0] =	ssyncset.done @!p0 $0x0  }
0xcb: {  	[sflag:s0] =	ssyncadd.s32 @!p0 s1  }
0xcc: {  	[bflag:$0x3] =	sbarrier.arrive $0xFFFF  }
0xcd: {  	_ =	shalt  }

// kernel: kernel.19.cloned.1.call-start
scs
__scs_entry_jumppad:
0x0: {  	(pc) =	sbr.rel $0x88, $3  }
0x1: {  	(tag) =	ssettag $0x0;
	lr =	simm.s32 $0x1  }
0x2: {  	[smem:$0x3F89] =	sst lr;
	_ =	strace $0xD0000000  }
0x3: {  	_ = 	snop  }
0x4: {  	_ = 	snop  }
0x5: {  	_ = 	snop  }
0x6: {  	_ = 	snop  }
0x7: {  	_ = 	snop  }
__scs_overlays_trampoline_lowered:
0x8: {  	[smem:$0x3F98] =	sst s0  }
0x9: {  	[smem:$0x3F99] =	sst s1  }
0xa: {  	[smem:$0x3F9A] =	sst s2  }
0xb: {  	[smem:$0x3F9B] =	sst s3  }
0xc: {  	[smem:$0x3F9C] =	sst s4  }
0xd: {  	[smem:$0x3F9D] =	sst s5  }
0xe: {  	[smem:$0x3F9E] =	sst s6  }
0xf: {  	[smem:$0x3F9F] =	sst s7  }
0x10: {  	[smem:$0x3FA0] =	sst s8  }
0x11: {  	[smem:$0x3FA1] =	sst s9;
	s0 =	simm.s32 @!p0 $0x0  }
0x12: {  	s1 =	sld [smem:$0x3F87];
	s0 =	simm.s32 @p0 $0x1  }
0x13: {  	[smem:$0x3FA2] =	sst s0;
	s0 =	simm.s32 @!p1 $0x0  }
0x14: {  	s2 =	sld [smem:$0x3F86];
	s0 =	simm.s32 @p1 $0x1  }
0x15: {  	[smem:$0x3FA3] =	sst s0;
	s0 =	simm.s32 @!p2 $0x0  }
0x16: {  	s3 =	sld [smem:$0x3FDB];
	s0 =	simm.s32 @p2 $0x1  }
0x17: {  	s4 =	simm.s32 $0x1BF5;
	[smem:$0x3FA5] =	sst s0  }
0x18: {  	s0 =	sld [smem:$0x3F88];
	_ =	swait.ge [sflag:s4], $0x0  }
0x19: {  	s7 =	sld [smem:$0x3F89]  }
0x1a: {  	s8 =	sadd.s32 $0xFFFFE003, lr  }
0x1b: {  	s9 =	sadd.s32 $0xFFFFFEF7, lr;
	s5 =	simm.s32 $0xFFFFFFFF;
	p2 =	slt.u32 s8, $0xFFFFF086  }
0x1c: {  	p1 =	slt.u32 s9, $0xF7A;
	s5 =	simm.s32 @!p2 $0x0  }
0x1d: {  	s5 =	simm.s32 @p1 $0x1;
	p0 =	seq.s32 s7, s2  }
0x1e: {  	s7 =	smul.u32 @!p0 $0xF7A, s2;
	p2 =	seq.s32 @!p0 s5, $0x0  }
0x1f: {  	s9 =	smul.u32 $0xF7A, s1;
	s8 =	simm.s32 @!p0 $0x1BF5;
	p2 =	por !p2, p0  }
0x20: {  	[sflag:s8] =	ssyncset.s32 @!p0 $0xFFFFF086;
	s6 =	sadd.s32 @!p0 s3, s7;
	s7 =	simm.s32 @!p0 $0x108  }
0x21: {  	s3 =	sadd.s32 s3, s9;
	s6 =	sadd.s32 @!p0 $0x88, s6;
	s7 =	simm.s32 @p2 $0x1082  }
0x22: {  	[simem:s7], [sflag:s8] =	dma.local @!p0 [hbm:s6], $0xF7A  }
0x23: {  	s9 =	sor.u32 $0xD0000000, s2;
	s6 =	simm.s32 $0x108;
	_ =	swait.ge @!p0 [sflag:s8], $0x0  }
0x24: {  	s3 =	sadd.s32 $0x88, s3;
	s6 =	simm.s32 @!p1 $0x1082;
	[sflag:s4] =	ssyncset.s32 $0xFFFFF086  }
0x25: {  	[simem:s6], [sflag:s4] =	dma.local [hbm:s3], $0xF7A  }
0x26: {  	[smem:$0x3F89] =	sst s1;
	(tag) =	ssettag s2;
	_ =	strace s9  }
0x27: {  	s1 =	sld [smem:$0x3F99]  }
0x28: {  	s2 =	sld [smem:$0x3F9A]  }
0x29: {  	s4 =	sld [smem:$0x3F9C]  }
0x2a: {  	p0 =	seq.s32 s5, $0x0;
	s5 =	sld [smem:$0x3F9D]  }
0x2b: {  	s6 =	sld [smem:$0x3F9E]  }
0x2c: {  	s7 =	sld [smem:$0x3F9F]  }
0x2d: {  	s3 =	simm.s32 $0x108;
	s8 =	sld [smem:$0x3FA0]  }
0x2e: {  	s3 =	simm.s32 @!p0 $0x1082;
	s9 =	sld [smem:$0x3FA1]  }
0x2f: {  	lr =	sadd.s32 s0, s3;
	s0 =	sld [smem:$0x3F98]  }
0x30: {  	s3 =	sld [smem:$0x3F9B]  }
0x31: {  	[smem:$0x3FA4] =	sst s10  }
0x32: {  	s10 =	sld [smem:$0x3FA2];
	_ =	sdelay $0x3  }
0x33: {  	p0 =	seq.s32 s10, $0x1;
	s10 =	sld [smem:$0x3FA4];
	_ =	sdelay $0x3  }
0x34: {  	[smem:$0x3FA4] =	sst s10  }
0x35: {  	s10 =	sld [smem:$0x3FA3];
	_ =	sdelay $0x3  }
0x36: {  	p1 =	seq.s32 s10, $0x1;
	s10 =	sld [smem:$0x3FA4];
	_ =	sdelay $0x3  }
0x37: {  	[smem:$0x3FA4] =	sst s10  }
0x38: {  	s10 =	sld [smem:$0x3FA5]  }
0x39: {  	_ = 	snop;
	(pc) =	sbr.ind lr, $3  }
0x3a: {  	_ = 	snop  }
0x3b: {  	_ = 	snop  }
0x3c: {  	p2 =	seq.s32 s10, $0x1;
	s10 =	sld [smem:$0x3FA4]  }
0x3d: {  	_ =	shalt  }
0x3e: {  	_ =	shalt  }
0x3f: {  	_ =	shalt  }
0x40: {  	_ =	shalt  }
0x41: {  	_ =	shalt  }
0x42: {  	_ =	shalt  }
0x43: {  	_ =	shalt  }
0x44: {  	_ =	shalt  }
0x45: {  	_ =	shalt  }
0x46: {  	_ =	shalt  }
0x47: {  	_ =	shalt  }
0x48: {  	_ =	shalt  }
0x49: {  	_ =	shalt  }
0x4a: {  	_ =	shalt  }
0x4b: {  	_ =	shalt  }
0x4c: {  	_ =	shalt  }
0x4d: {  	_ =	shalt  }
0x4e: {  	_ =	shalt  }
0x4f: {  	_ =	shalt  }
0x50: {  	_ =	shalt  }
0x51: {  	_ =	shalt  }
0x52: {  	_ =	shalt  }
0x53: {  	_ =	shalt  }
0x54: {  	_ =	shalt  }
0x55: {  	_ =	shalt  }
0x56: {  	_ =	shalt  }
0x57: {  	_ =	shalt  }
0x58: {  	_ =	shalt  }
0x59: {  	_ =	shalt  }
0x5a: {  	_ =	shalt  }
0x5b: {  	_ =	shalt  }
0x5c: {  	_ =	shalt  }
0x5d: {  	_ =	shalt  }
0x5e: {  	_ =	shalt  }
0x5f: {  	_ =	shalt  }
0x60: {  	_ =	shalt  }
0x61: {  	_ =	shalt  }
0x62: {  	_ =	shalt  }
0x63: {  	_ =	shalt  }
0x64: {  	_ =	shalt  }
0x65: {  	_ =	shalt  }
0x66: {  	_ =	shalt  }
0x67: {  	_ =	shalt  }
0x68: {  	_ =	shalt  }
0x69: {  	_ =	shalt  }
0x6a: {  	_ =	shalt  }
0x6b: {  	_ =	shalt  }
0x6c: {  	_ =	shalt  }
0x6d: {  	_ =	shalt  }
0x6e: {  	_ =	shalt  }
0x6f: {  	_ =	shalt  }
0x70: {  	_ =	shalt  }
0x71: {  	_ =	shalt  }
0x72: {  	_ =	shalt  }
0x73: {  	_ =	shalt  }
0x74: {  	_ =	shalt  }
0x75: {  	_ =	shalt  }
0x76: {  	_ =	shalt  }
0x77: {  	_ =	shalt  }
0x78: {  	_ =	shalt  }
0x79: {  	_ =	shalt  }
0x7a: {  	_ =	shalt  }
0x7b: {  	_ =	shalt  }
0x7c: {  	_ =	shalt  }
0x7d: {  	_ =	shalt  }
0x7e: {  	_ =	shalt  }
0x7f: {  	_ =	shalt  }
0x80: {  	_ =	shalt  }
0x81: {  	_ =	shalt  }
0x82: {  	_ =	shalt  }
0x83: {  	_ =	shalt  }
0x84: {  	_ =	shalt  }
0x85: {  	_ =	shalt  }
0x86: {  	_ =	shalt  }
0x87: {  	_ =	shalt  }
.Lfunc_end0:
.L_simem_size_0:
called_computation.1_lowered:
.L_overlay_start_0:
0x88: {  	s2 =	sld [smem:$0x3FD9]  }
0x89: {  	s3 =	sld [smem:$0x3FFE];
	_ =	sdelay $0x1  }
0x8a: {  	s1 =	srdreg.scid  }
0x8b: {  	s0 =	sand.u32 $0x1, s1  }
0x8c: {  	s17 =	sshll.u32 s0, $0xA;
	s2 =	sadd.s32 s3, s2  }
0x8d: {  	s2 =	sadd.s32 s2, s17  }
0x8e: {  	[smem:$0x3FB0] =	sst s2  }
0x8f: {  	_ = 	snop  }
0x90: {  	s18 =	sld [smem:$0x3FB5]  }
0x91: {  	s4 =	sld [smem:$0x3FB4];
	(tm) =	ssettm $0x1  }
0x92: {  	s19 =	sld [smem:$0x3FFB];
	_ =	sdelay $0x3  }
0x93: {  	_ =	strace s19  }
0x94: {  	s2 =	sld [smem:$0x3FFC];
	_ =	sdelay $0x3  }
0x95: {  	_ =	strace s2  }
0x96: {  	s2 =	sld [smem:$0x3FFD];
	_ =	sdelay $0x3  }
0x97: {  	_ =	strace s2  }
0x98: {  	_ =	strace $0x8FFFFFFF  }
0x99: {  	s20 =	sld [smem:$0x3FDB];
	_ =	sdelay $0x1  }
0x9a: {  	s5 =	simm.s32 $_scs_section_size  }
0x9b: {  	s6 =	simm.s32 $_size__tile_overlayer_lowered;
	s7 =	simm.s32 $_tile_overlayer_lowered  }
0x9c: {  	s8 =	simm.s32 $0x1BFF;
	s21 =	sshll.u32 s7, $0x1;
	s5 =	sadd.s32 s5, s20  }
0x9d: {  	s22 =	simm.s32 $0x0;
	s6 =	sshll.u32 s6, $0x1;
	s7 =	sadd.s32 s21, s5  }
0x9e: {  	[timem:s22], [sflag:s8] =	dma.local [hbm:s7], s6  }
0x9f: {  	_ =	swait.ge [sflag:s8], s6  }
0xa0: {  	s6 =	ssub.s32 $0x0, s6;
	[sflag:s8] =	ssyncset.done $0x0  }
0xa1: {  	[sflag:s8] =	ssyncadd.s32 s6;
	_ =	sdelay $0x1  }
0xa2: {  	s23 =	simm.s32 $0x1B8B  }
0xa3: {  	_ =	swait.ge [sflag:s23], $0x1  }
0xa4: {  	[sflag:s23] =	ssyncset.done $0x0  }
0xa5: {  	[sflag:s23] =	ssyncadd.s32 $0xFFFFFFFF  }
0xa6: {  	s6 =	sld [smem:$0x0]  }
0xa7: {  	s7 =	sand.u32 $0xFFFFFFFE, s1  }
0xa8: {  	p0 =	sne.s32 s1, s7  }
0xa9: {  	s7 =	sshll.u32 @p0 s7, $0xE  }
0xaa: {  	s7 =	sadd.s32 @p0 $0x11B8D, s7;
	s8 =	sshll.u32 @p0 s6, $0x11  }
0xab: {  	s7 =	sor.u32 @p0 s8, s7  }
0xac: {  	[sflag:s7] =	ssyncadd.remote.s32 @p0 $0x1;
	_ =	sdelay $0x1  }
0xad: {  	s7 =	simm.s32 @p0 $0x1B8D  }
0xae: {  	_ =	swait.eq @p0 [sflag:s7], $0x1  }
0xaf: {  	[sflag:s7] =	ssyncadd.s32 @p0 $0xFFFFFFFF  }
0xb0: {  	s8 =	sshll.u32 @!p0 s1, $0xE  }
0xb1: {  	s8 =	sor.u32 @!p0 $0x4000, s8;
	s7 =	simm.s32 @!p0 $0x1B8D  }
0xb2: {  	s6 =	sshll.u32 @!p0 s6, $0x11;
	s8 =	sadd.s32 @!p0 $0x11B8D, s8;
	_ =	swait.eq @!p0 [sflag:s7], $0x1  }
0xb3: {  	s6 =	sor.u32 @!p0 s6, s8;
	[sflag:s7] =	ssyncadd.s32 @!p0 $0xFFFFFFFF  }
0xb4: {  	s25 =	simm.s32 $0x1B8E;
	s24 =	sld [smem:$0x3FFE];
	[sflag:s6] =	ssyncadd.remote.s32 @!p0 $0x1  }
0xb5: {  	s26 =	simm.s32 $execute0_lowered;
	[smem:$0x3FD2] =	sst s25  }
0xb6: {  	s7 =	sshll.u32 s26, $0x1;
	_ =	strace $0x80000049;
	[dreg:$0x1] =	wrdreg $0xFFFFFFFF  }
0xb7: {  	s28 =	simm.s32 $_size_execute0_lowered;
	s5 =	sadd.s32 s5, s7;
	[dreg:$0x0] =	wrdreg $0x0  }
0xb8: {  	s7 =	sshll.u32 s28, $0x1;
	[dreg:$0x2] =	wrdreg s5  }
0xb9: {  	[dreg:$0x3] =	wrdreg s7  }
0xba: {  	[dreg:$0x4] =	wrdreg $0xC0  }
0xbb: {  	_ =	task [dreg:s22], $0x5FFFF  }
0xbc: {  	[dreg:$0x1] =	wrdreg $0xFFFFFFFF  }
0xbd: {  	[dreg:$0x0] =	wrdreg $0x60  }
0xbe: {  	[dreg:$0x2] =	wrdreg s18  }
0xbf: {  	[dreg:$0x3] =	wrdreg s4  }
0xc0: {  	[dreg:$0x4] =	wrdreg s24  }
0xc1: {  	[dreg:$0x5] =	wrdreg $0x21800  }
0xc2: {  	[dreg:$0x6] =	wrdreg $0xB  }
0xc3: {  	_ =	task.clear_ibuf [dreg:s22], $0x7FFFF;
	_ =	strace $0x90000049  }
0xc4: {  	s29 =	simm.s32 $0xB;
	_ =	strace $0x8000004B  }
0xc5: {  	_ =	swait.ge [sflag:s29], $0x1  }
0xc6: {  	[sflag:s29] =	ssyncadd.s32 $0xFFFFFFFF  }
0xc7: {  	_ =	strace $0x9000004B  }
0xc8: {  	_ =	sfence  }
0xc9: {  	s30 =	sld [smem:$0x0];
	_ =	sdelay $0x2  }
0xca: {  	s31 =	sshll.u32 s1, $0xD;
	s1 =	sshrl.u32 s1, $0x2  }
0xcb: {  	s4 =	sand.u32 $0x4000, s31;
	s1 =	sadd.s32 s1, s30  }
0xcc: {  	s0 =	sor.u32 s4, s0;
	s1 =	sshll.u32 s1, $0x11  }
0xcd: {  	s0 =	sor.u32 s1, s0  }
0xce: {  	s0 =	sadd.s32 $0x8F2B, s0  }
0xcf: {  	[sflag:s0] =	ssyncadd.remote.s32 $0x1  }
0xd0: {  	_ =	sfence.sel $0xFFFF  }
0xd1: {  	[dreg:$0x0] =	wrdreg $0xFFFFFFFF;
	(pc) =	sbr.abs _section_cstart, $3  }
0xd2: {  	[dreg:$0x1] =	wrdreg $0xFFFFFFFF  }
0xd3: {  	_ =	task.clear_ibuf [dreg:s22], $0x2FFFF;
	_ =	strace $0x9FFFFFFF  }
0xd4: {  	(tm) =	ssettm $0x7FFFFFFF  }
0xd5: {  	_ =	shalt  }
tec
execute0_lowered:
.L_overlay_start_1:
0x0: {  	(tag) =	ssettag $0x1  }
0x1: {  	s12 =	rddreg [dreg:$0x0]  }
0x2: {  	s11 =	rddreg [dreg:$0x1]  }
0x3: {  	s5 =	rddreg [dreg:$0x2]  }
0x4: {  	s0 =	srdreg.scid;
	s2 =	rddreg [dreg:$0x3]  }
0x5: {  	s1 =	rddreg [dreg:$0x4];
	s3 =	simm.s32 $0x0;
	s14 =	simm.s32 $0x2  }
0x6: {  	s15 =	simm.s32 $0x3;
	s16 =	simm.s32 $0x80;
	s6 =	sand.u32 $0x1, s0  }
0x7: {  	s17 =	simm.s32 $0x1;
	s0 =	stileid.u32;
	s19 =	smul.u32 $0x1400, s6  }
0x8: {  	s18 =	simm.s32 $0x100;
	[smem:$0x7FF] =	sst s3;
	s4 =	smul.u32 $0x140, s0  }
0x9: {  	_ =	strace $0x8000004A;
	s8 =	smul.u32 $0x14000, s0;
	s31 =	ssub.s32 $0x2, s6  }
0xa: {  	s13 =	sshll.u32 s0, $0x4;
	s21 =	sshll.u32 s0, $0x6;
	s6 =	sshrl.u32 s31, $0x1  }
0xb: {  	s11 =	sadd.s32 s13, s11;
	s12 =	sadd.s32 s13, s12;
	s13 =	simm.s32 $0x180  }
0xc: {  	s4 =	sadd.s32 s4, s19;
	s9 =	smin.u32 s19, $0x1310;
	s8 =	sshrl.u32 s8, $0x2  }
.Ltmp0:
0xd: {  	s10 =	ssub.s32 s31, s6;
	v0 =	vmov s19;
	s19 =	sor.u32 $0x1C02, s21;
	(pc) =	sbr.rel .LBB2_1-.Ltmp0, $4  }
0xe: {  	s21 =	simm.s32 $0x0;
	s7 =	sshll.u32 s4, $0x3;
	s4 =	sadd.s32 $0xE8000, s5  }
0xf: {  	s20 =	sadd.s32 $0x1400, s9;
	s7 =	sadd.s32 s7, s5;
	s5 =	sadd.s32 s8, s2  }
0x10: {  	s6 =	sadd.s32 $0x14A000, s7;
	s7 =	smax.u32 s10, $0x1;
	s8 =	sadd.s32 $0x1400, s5  }
0x11: {  	v2 =	vimm.f32 $0.0e+00;
	v1 =	vmov s20;
	s9 =	sadd.s32 $0x2800, s5;
	s10 =	sadd.s32 $0x3C00, s5;
	s20 =	sshrl.u32 s5, $0x3  }
.LBB2_7:
0x12: {  	s21 =	sadd.s32 $0x1, s21  }
0x13: {  	p0 =	sne.s32 s21, s7  }
.Ltmp1:
0x14: {  	[bflag:$0x0] =	sbarrier.arrive $0xFFFF;
	(pc) =	sbr.rel @!p0 .LBB2_8-.Ltmp1, $4  }
0x15: {  	[hbm:s6], [sflag:s19] =	dma.local [spmem:s20], $0xA00  }
0x16: {  	_ =	swait.ge [sflag:s14], $0xA00  }
0x17: {  	[sflag:s14] =	ssyncset.done $0x0  }
0x18: {  	[sflag:s14] =	ssyncadd.s32 $0xFFFFF600  }
.LBB2_1:
0x19: {  	s23 =	simm.s32 $0x100;
	s22 =	simm.s32 $0x0  }
.LBB2_2:
0x1a: {  	p0 =	sne.s32 s23, $0x4F00;
	[tilespmem:s22+$0x1B0] =	vst v2;
	s24 =	smov.u32 s23;
	s23 =	sadd.s32 $0x100, s23  }
.Ltmp2:
0x1b: {  	[tilespmem:s22+$0x1A0] =	vst v2;
	(pc) =	sbr.rel @p0 .LBB2_2-.Ltmp2, $3  }
0x1c: {  	[tilespmem:s22+$0x180] =	vst v2  }
0x1d: {  	[tilespmem:s22+$0x190] =	vst v2;
	_ =	sdelay $0x1  }
0x1e: {  	s22 =	sshra.s32 s24, $0x2  }
0x1f: {  	[tilespmem:s22+$0x1B0] =	vst v2  }
0x20: {  	[tilespmem:s22+$0x1A0] =	vst v2  }
0x21: {  	[tilespmem:s22+$0x180] =	vst v2  }
0x22: {  	[tilespmem:s22+$0x190] =	vst v2  }
0x23: {  	[spmem:s5] =	stream.linear.scatter [tilespmem:s13], [sflag:$0x2], $0x1400, $0x38;
	[tilespmem:$0x71C0] =	vst v63  }
0x24: {  	_ =	swait.ge [sflag:s14], $0x1400  }
0x25: {  	[sflag:s14] =	ssyncset.done $0x0  }
0x26: {  	[sflag:s14] =	ssyncadd.s32 $0xFFFFEC00  }
0x27: {  	[spmem:s8] =	stream.linear.scatter [tilespmem:s13], [sflag:$0x2], $0x1400, $0x38;
	[tilespmem:$0x71C0] =	vst v63  }
0x28: {  	_ =	swait.ge [sflag:s14], $0x1400  }
0x29: {  	[sflag:s14] =	ssyncset.done $0x0  }
0x2a: {  	[sflag:s14] =	ssyncadd.s32 $0xFFFFEC00  }
0x2b: {  	[spmem:s9] =	stream.linear.scatter [tilespmem:s13], [sflag:$0x2], $0x1400, $0x38;
	[tilespmem:$0x71C0] =	vst v63  }
0x2c: {  	_ =	swait.ge [sflag:s14], $0x1400  }
0x2d: {  	[sflag:s14] =	ssyncset.done $0x0  }
0x2e: {  	[sflag:s14] =	ssyncadd.s32 $0xFFFFEC00  }
0x2f: {  	[spmem:s10] =	stream.linear.scatter [tilespmem:s13], [sflag:$0x2], $0x1400, $0x38;
	[tilespmem:$0x71C0] =	vst v63  }
.Ltmp3:
0x30: {  	_ =	swait.ge [sflag:s14], $0x1400;
	(pc) =	sbr.rel .LBB2_4-.Ltmp3, $4  }
0x31: {  	[sflag:s14] =	ssyncset.done $0x0  }
0x32: {  	[sflag:s14] =	ssyncadd.s32 $0xFFFFEC00  }
0x33: {  	[bflag:$0x0] =	sbarrier.arrive $0xFFFF  }
0x34: {  	s22 =	simm.s32 $0x0;
	s23 =	stileid.u32  }
.LBB2_6:
0x35: {  	s22 =	sadd.s32 $0x100, s22  }
0x36: {  	p0 =	sne.s32 s22, $0x18700  }
.Ltmp4:
0x37: {  	_ = 	snop;
	(pc) =	sbr.rel @!p0 .LBB2_7-.Ltmp4, $2  }
0x38: {  	_ =	sdelay $0x2  }
0x39: {  	s23 =	sadd.s32 $0x10, s23  }
.LBB2_4:
0x3a: {  	p0 =	sgt.u32 s23, $0x1869  }
.Ltmp5:
0x3b: {  	_ = 	snop;
	(pc) =	sbr.rel @p0 .LBB2_6-.Ltmp5, $1  }
0x3c: {  	_ =	sdelay $0x3  }
0x3d: {  	s24 =	sadd.s32 s22, s12  }
0x3e: {  	[tilespmem:s3], [sflag:$0x3] =	stream.linear.gather [hbm4b:s24+s3], $0x80, $0x38;
	[tilespmem:$0x71C0] =	vst v63  }
0x3f: {  	_ =	swait.ge [sflag:s15], $0x80  }
0x40: {  	[sflag:s15] =	ssyncset.done $0x0  }
0x41: {  	s31 =	sadd.s32 s22, s11;
	[sflag:s15] =	ssyncadd.s32 $0xFFFFFF80  }
0x42: {  	[tilespmem:s16], [sflag:$0x3] =	stream.linear.gather [hbm4b:s31+s3], $0x80, $0x38;
	[tilespmem:$0x71C0] =	vst v63  }
0x43: {  	_ =	swait.ge [sflag:s15], $0x80  }
0x44: {  	[sflag:s15] =	ssyncset.done $0x0  }
0x45: {  	[sflag:s15] =	ssyncadd.s32 $0xFFFFFF80  }
0x46: {  	v3 =	vld [tilespmem:$0x80]  }
0x47: {  	v4 =	vld [tilespmem:$0x90]  }
0x48: {  	v5 =	vld [tilespmem:$0xA0]  }
0x49: {  	v6 =	vld [tilespmem:$0xB0]  }
0x4a: {  	v7 =	vld [tilespmem:$0xC0]  }
0x4b: {  	v8 =	vld [tilespmem:$0xD0]  }
0x4c: {  	vm0 =	vge.s32 v3, v0;
	vm1 =	vlt.s32 v3, v1;
	v3 =	vsub.s32 v3, v0  }
0x4d: {  	v9 =	vld [tilespmem:$0xE0];
	vm12 =	vge.s32 v4, v0;
	vm2 =	vlt.s32 v4, v1;
	v4 =	vsub.s32 v4, v0  }
0x4e: {  	vm14 =	vge.s32 v5, v0;
	vm15 =	vlt.s32 v5, v1;
	vm4 =	vge.s32 v6, v0  }
0x4f: {  	vm5 =	vlt.s32 v6, v1;
	v5 =	vsub.s32 v5, v0;
	v6 =	vsub.s32 v6, v0  }
0x50: {  	vm6 =	vge.s32 v7, v0;
	vm7 =	vlt.s32 v7, v1;
	vm8 =	vge.s32 v8, v0  }
0x51: {  	v10 =	vld [tilespmem:$0xF0];
	vm3 =	vlt.s32 v8, v1;
	v62 =	vsub.s32 v8, v0;
	vm0 =	vmand vm0, vm1  }
0x52: {  	vm10 =	vge.s32 v9, v0;
	vm13 =	vmand vm12, vm2;
	v3 =	vnsel vm0, $0x1400, v3  }
0x53: {  	vm11 =	vlt.s32 v9, v1;
	vm1 =	vmand vm4, vm5;
	v4 =	vnsel vm13, $0x1400, v4;
	[tilespmem:$0x100] =	vst v3  }
0x54: {  	vm9 =	vmand vm8, vm3;
	vm0 =	vmand vm14, vm15;
	v6 =	vnsel vm1, $0x1400, v6;
	[tilespmem:$0x110] =	vst v4  }
0x55: {  	v5 =	vnsel vm0, $0x1400, v5;
	vm0 =	vmand vm6, vm7;
	v3 =	vsub.s32 v7, v0;
	[tilespmem:$0x130] =	vst v6  }
0x56: {  	vm12 =	vmand vm10, vm11;
	vm13 =	vge.s32 v10, v0;
	[tilespmem:$0x120] =	vst v5;
	v3 =	vnsel vm0, $0x1400, v3  }
0x57: {  	vm14 =	vlt.s32 v10, v1;
	v4 =	vnsel vm9, $0x1400, v62;
	[tilespmem:$0x140] =	vst v3;
	v3 =	vsub.s32 v9, v0  }
0x58: {  	v63 =	vsub.s32 v10, v0;
	vm15 =	vmand vm13, vm14;
	[tilespmem:$0x150] =	vst v4;
	v3 =	vnsel vm12, $0x1400, v3  }
0x59: {  	[tilespmem:$0x160] =	vst v3;
	v3 =	vnsel vm15, $0x1400, v63  }
0x5a: {  	[tilespmem:$0x170] =	vst v3  }
0x5b: {  	[tilespmem:s13], [sflag:$0x1] =	stream.indirect.gather [hbm4b:s4+s16], $0x40, s3, s16, $0xb8;
	[tilespmem:$0x71C0] =	vst v63  }
0x5c: {  	_ =	swait.ge [sflag:s17], $0x2000  }
0x5d: {  	[sflag:s17] =	ssyncset.done $0x0  }
.Ltmp6:
0x5e: {  	[sflag:s17] =	ssyncadd.s32 $0xFFFFE000;
	(pc) =	sbr.rel .LBB2_6-.Ltmp6, $4  }
0x5f: {  	[spmem:s2] =	stream.indirect.scatter.add.f32 [tilespmem:s13], [sflag:$0x2], $0x40, s18, s16, $0xb8;
	[tilespmem:$0x71C0] =	vst v63  }
0x60: {  	_ =	swait.ge [sflag:s14], $0x2000  }
0x61: {  	[sflag:s14] =	ssyncset.done $0x0  }
0x62: {  	[sflag:s14] =	ssyncadd.s32 $0xFFFFE000  }
.LBB2_8:
0x63: {  	_ =	sfence.sel $0x180000  }
0x64: {  	[bflag:$0x0] =	sbarrier.arrive $0xFFFF  }
0x65: {  	p0 =	sne.s32 s0, $0x0;
	_ =	strace $0x9000004A  }
0x66: {  	s0 =	sadd.s32 @!p0 $0x100000, s1;
	[bflag:$0x2] =	sbarrier.arrive $0xFFFF  }
0x67: {  	[sflag:s0] =	ssyncadd.tile.s32 @!p0 $0x1;
	_ =	shalt  }
.Lfunc_end2:
_tile_overlayer_lowered:
.L_overlay_start_2:
0x68: {  	(tag) =	ssettag $0x2  }
0x69: {  	s0 =	rddreg [dreg:$0x0];
	s2 =	stileid.u32  }
0x6a: {  	s1 =	rddreg [dreg:$0x1];
	p0 =	sne.s32 s2, $0x0  }
0x6b: {  	s3 =	rddreg [dreg:$0x2];
	[bflag:$0x3] =	sbarrier.arrive $0xFFFF;
	s2 =	simm.s32 @!p0 $0x1C02  }
0x6c: {  	[timem:s3], [sflag:s2] =	dma.local @!p0 [hbm:s0], s1  }
0x6d: {  	s0 =	simm.s32 @!p0 $0x2  }
0x6e: {  	_ =	swait.ge @!p0 [sflag:s0], s1  }
0x6f: {  	s1 =	ssub.s32 @!p0 $0x0, s1;
	[sflag:s0] =	ssyncset.done @!p0 $0x0  }
0x70: {  	[sflag:s0] =	ssyncadd.s32 @!p0 s1  }
0x71: {  	[bflag:$0x3] =	sbarrier.arrive $0xFFFF  }
0x72: {  	_ =	shalt  }

// kernel: kernel.22.cloned.1.call-start
scs
__scs_entry_jumppad:
0x0: {  	(pc) =	sbr.rel $0x88, $3  }
0x1: {  	(tag) =	ssettag $0x0;
	lr =	simm.s32 $0x1  }
0x2: {  	[smem:$0x3F89] =	sst lr;
	_ =	strace $0xD0000000  }
0x3: {  	_ = 	snop  }
0x4: {  	_ = 	snop  }
0x5: {  	_ = 	snop  }
0x6: {  	_ = 	snop  }
0x7: {  	_ = 	snop  }
__scs_overlays_trampoline_lowered:
0x8: {  	[smem:$0x3F98] =	sst s0  }
0x9: {  	[smem:$0x3F99] =	sst s1  }
0xa: {  	[smem:$0x3F9A] =	sst s2  }
0xb: {  	[smem:$0x3F9B] =	sst s3  }
0xc: {  	[smem:$0x3F9C] =	sst s4  }
0xd: {  	[smem:$0x3F9D] =	sst s5  }
0xe: {  	[smem:$0x3F9E] =	sst s6  }
0xf: {  	[smem:$0x3F9F] =	sst s7  }
0x10: {  	[smem:$0x3FA0] =	sst s8  }
0x11: {  	[smem:$0x3FA1] =	sst s9;
	s0 =	simm.s32 @!p0 $0x0  }
0x12: {  	s1 =	sld [smem:$0x3F87];
	s0 =	simm.s32 @p0 $0x1  }
0x13: {  	[smem:$0x3FA2] =	sst s0;
	s0 =	simm.s32 @!p1 $0x0  }
0x14: {  	s2 =	sld [smem:$0x3F86];
	s0 =	simm.s32 @p1 $0x1  }
0x15: {  	[smem:$0x3FA3] =	sst s0;
	s0 =	simm.s32 @!p2 $0x0  }
0x16: {  	s3 =	sld [smem:$0x3FDB];
	s0 =	simm.s32 @p2 $0x1  }
0x17: {  	s4 =	simm.s32 $0x1BF5;
	[smem:$0x3FA5] =	sst s0  }
0x18: {  	s0 =	sld [smem:$0x3F88];
	_ =	swait.ge [sflag:s4], $0x0  }
0x19: {  	s7 =	sld [smem:$0x3F89]  }
0x1a: {  	s8 =	sadd.s32 $0xFFFFE003, lr  }
0x1b: {  	s9 =	sadd.s32 $0xFFFFFEF7, lr;
	s5 =	simm.s32 $0xFFFFFFFF;
	p2 =	slt.u32 s8, $0xFFFFF086  }
0x1c: {  	p1 =	slt.u32 s9, $0xF7A;
	s5 =	simm.s32 @!p2 $0x0  }
0x1d: {  	s5 =	simm.s32 @p1 $0x1;
	p0 =	seq.s32 s7, s2  }
0x1e: {  	s7 =	smul.u32 @!p0 $0xF7A, s2;
	p2 =	seq.s32 @!p0 s5, $0x0  }
0x1f: {  	s9 =	smul.u32 $0xF7A, s1;
	s8 =	simm.s32 @!p0 $0x1BF5;
	p2 =	por !p2, p0  }
0x20: {  	[sflag:s8] =	ssyncset.s32 @!p0 $0xFFFFF086;
	s6 =	sadd.s32 @!p0 s3, s7;
	s7 =	simm.s32 @!p0 $0x108  }
0x21: {  	s3 =	sadd.s32 s3, s9;
	s6 =	sadd.s32 @!p0 $0x88, s6;
	s7 =	simm.s32 @p2 $0x1082  }
0x22: {  	[simem:s7], [sflag:s8] =	dma.local @!p0 [hbm:s6], $0xF7A  }
0x23: {  	s9 =	sor.u32 $0xD0000000, s2;
	s6 =	simm.s32 $0x108;
	_ =	swait.ge @!p0 [sflag:s8], $0x0  }
0x24: {  	s3 =	sadd.s32 $0x88, s3;
	s6 =	simm.s32 @!p1 $0x1082;
	[sflag:s4] =	ssyncset.s32 $0xFFFFF086  }
0x25: {  	[simem:s6], [sflag:s4] =	dma.local [hbm:s3], $0xF7A  }
0x26: {  	[smem:$0x3F89] =	sst s1;
	(tag) =	ssettag s2;
	_ =	strace s9  }
0x27: {  	s1 =	sld [smem:$0x3F99]  }
0x28: {  	s2 =	sld [smem:$0x3F9A]  }
0x29: {  	s4 =	sld [smem:$0x3F9C]  }
0x2a: {  	p0 =	seq.s32 s5, $0x0;
	s5 =	sld [smem:$0x3F9D]  }
0x2b: {  	s6 =	sld [smem:$0x3F9E]  }
0x2c: {  	s7 =	sld [smem:$0x3F9F]  }
0x2d: {  	s3 =	simm.s32 $0x108;
	s8 =	sld [smem:$0x3FA0]  }
0x2e: {  	s3 =	simm.s32 @!p0 $0x1082;
	s9 =	sld [smem:$0x3FA1]  }
0x2f: {  	lr =	sadd.s32 s0, s3;
	s0 =	sld [smem:$0x3F98]  }
0x30: {  	s3 =	sld [smem:$0x3F9B]  }
0x31: {  	[smem:$0x3FA4] =	sst s10  }
0x32: {  	s10 =	sld [smem:$0x3FA2];
	_ =	sdelay $0x3  }
0x33: {  	p0 =	seq.s32 s10, $0x1;
	s10 =	sld [smem:$0x3FA4];
	_ =	sdelay $0x3  }
0x34: {  	[smem:$0x3FA4] =	sst s10  }
0x35: {  	s10 =	sld [smem:$0x3FA3];
	_ =	sdelay $0x3  }
0x36: {  	p1 =	seq.s32 s10, $0x1;
	s10 =	sld [smem:$0x3FA4];
	_ =	sdelay $0x3  }
0x37: {  	[smem:$0x3FA4] =	sst s10  }
0x38: {  	s10 =	sld [smem:$0x3FA5]  }
0x39: {  	_ = 	snop;
	(pc) =	sbr.ind lr, $3  }
0x3a: {  	_ = 	snop  }
0x3b: {  	_ = 	snop  }
0x3c: {  	p2 =	seq.s32 s10, $0x1;
	s10 =	sld [smem:$0x3FA4]  }
0x3d: {  	_ =	shalt  }
0x3e: {  	_ =	shalt  }
0x3f: {  	_ =	shalt  }
0x40: {  	_ =	shalt  }
0x41: {  	_ =	shalt  }
0x42: {  	_ =	shalt  }
0x43: {  	_ =	shalt  }
0x44: {  	_ =	shalt  }
0x45: {  	_ =	shalt  }
0x46: {  	_ =	shalt  }
0x47: {  	_ =	shalt  }
0x48: {  	_ =	shalt  }
0x49: {  	_ =	shalt  }
0x4a: {  	_ =	shalt  }
0x4b: {  	_ =	shalt  }
0x4c: {  	_ =	shalt  }
0x4d: {  	_ =	shalt  }
0x4e: {  	_ =	shalt  }
0x4f: {  	_ =	shalt  }
0x50: {  	_ =	shalt  }
0x51: {  	_ =	shalt  }
0x52: {  	_ =	shalt  }
0x53: {  	_ =	shalt  }
0x54: {  	_ =	shalt  }
0x55: {  	_ =	shalt  }
0x56: {  	_ =	shalt  }
0x57: {  	_ =	shalt  }
0x58: {  	_ =	shalt  }
0x59: {  	_ =	shalt  }
0x5a: {  	_ =	shalt  }
0x5b: {  	_ =	shalt  }
0x5c: {  	_ =	shalt  }
0x5d: {  	_ =	shalt  }
0x5e: {  	_ =	shalt  }
0x5f: {  	_ =	shalt  }
0x60: {  	_ =	shalt  }
0x61: {  	_ =	shalt  }
0x62: {  	_ =	shalt  }
0x63: {  	_ =	shalt  }
0x64: {  	_ =	shalt  }
0x65: {  	_ =	shalt  }
0x66: {  	_ =	shalt  }
0x67: {  	_ =	shalt  }
0x68: {  	_ =	shalt  }
0x69: {  	_ =	shalt  }
0x6a: {  	_ =	shalt  }
0x6b: {  	_ =	shalt  }
0x6c: {  	_ =	shalt  }
0x6d: {  	_ =	shalt  }
0x6e: {  	_ =	shalt  }
0x6f: {  	_ =	shalt  }
0x70: {  	_ =	shalt  }
0x71: {  	_ =	shalt  }
0x72: {  	_ =	shalt  }
0x73: {  	_ =	shalt  }
0x74: {  	_ =	shalt  }
0x75: {  	_ =	shalt  }
0x76: {  	_ =	shalt  }
0x77: {  	_ =	shalt  }
0x78: {  	_ =	shalt  }
0x79: {  	_ =	shalt  }
0x7a: {  	_ =	shalt  }
0x7b: {  	_ =	shalt  }
0x7c: {  	_ =	shalt  }
0x7d: {  	_ =	shalt  }
0x7e: {  	_ =	shalt  }
0x7f: {  	_ =	shalt  }
0x80: {  	_ =	shalt  }
0x81: {  	_ =	shalt  }
0x82: {  	_ =	shalt  }
0x83: {  	_ =	shalt  }
0x84: {  	_ =	shalt  }
0x85: {  	_ =	shalt  }
0x86: {  	_ =	shalt  }
0x87: {  	_ =	shalt  }
.Lfunc_end0:
.L_simem_size_0:
called_computation.2_lowered:
.L_overlay_start_0:
0x88: {  	s2 =	sld [smem:$0x3FD9]  }
0x89: {  	s3 =	sld [smem:$0x3FFE];
	_ =	sdelay $0x1  }
0x8a: {  	s1 =	srdreg.scid  }
0x8b: {  	s0 =	sand.u32 $0x1, s1  }
0x8c: {  	s17 =	sshll.u32 s0, $0xA;
	s2 =	sadd.s32 s3, s2  }
0x8d: {  	s2 =	sadd.s32 s2, s17  }
0x8e: {  	[smem:$0x3FB0] =	sst s2  }
0x8f: {  	_ = 	snop  }
0x90: {  	s18 =	sld [smem:$0x3FB5]  }
0x91: {  	s4 =	sld [smem:$0x3FB4];
	(tm) =	ssettm $0x1  }
0x92: {  	s19 =	sld [smem:$0x3FFB];
	_ =	sdelay $0x3  }
0x93: {  	_ =	strace s19  }
0x94: {  	s2 =	sld [smem:$0x3FFC];
	_ =	sdelay $0x3  }
0x95: {  	_ =	strace s2  }
0x96: {  	s2 =	sld [smem:$0x3FFD];
	_ =	sdelay $0x3  }
0x97: {  	_ =	strace s2  }
0x98: {  	_ =	strace $0x8FFFFFFF  }
0x99: {  	s20 =	sld [smem:$0x3FDB];
	_ =	sdelay $0x1  }
0x9a: {  	s5 =	simm.s32 $_scs_section_size  }
0x9b: {  	s6 =	simm.s32 $_size__tile_overlayer_lowered;
	s7 =	simm.s32 $_tile_overlayer_lowered  }
0x9c: {  	s8 =	simm.s32 $0x1BFF;
	s21 =	sshll.u32 s7, $0x1;
	s5 =	sadd.s32 s5, s20  }
0x9d: {  	s22 =	simm.s32 $0x0;
	s6 =	sshll.u32 s6, $0x1;
	s7 =	sadd.s32 s21, s5  }
0x9e: {  	[timem:s22], [sflag:s8] =	dma.local [hbm:s7], s6  }
0x9f: {  	_ =	swait.ge [sflag:s8], s6  }
0xa0: {  	s6 =	ssub.s32 $0x0, s6;
	[sflag:s8] =	ssyncset.done $0x0  }
0xa1: {  	[sflag:s8] =	ssyncadd.s32 s6;
	_ =	sdelay $0x1  }
0xa2: {  	s23 =	simm.s32 $0x1B8B  }
0xa3: {  	_ =	swait.ge [sflag:s23], $0x1  }
0xa4: {  	[sflag:s23] =	ssyncset.done $0x0  }
0xa5: {  	[sflag:s23] =	ssyncadd.s32 $0xFFFFFFFF  }
0xa6: {  	s6 =	sld [smem:$0x0]  }
0xa7: {  	s7 =	sand.u32 $0xFFFFFFFE, s1  }
0xa8: {  	p0 =	sne.s32 s1, s7  }
0xa9: {  	s7 =	sshll.u32 @p0 s7, $0xE  }
0xaa: {  	s7 =	sadd.s32 @p0 $0x11B8D, s7;
	s8 =	sshll.u32 @p0 s6, $0x11  }
0xab: {  	s7 =	sor.u32 @p0 s8, s7  }
0xac: {  	[sflag:s7] =	ssyncadd.remote.s32 @p0 $0x1;
	_ =	sdelay $0x1  }
0xad: {  	s7 =	simm.s32 @p0 $0x1B8D  }
0xae: {  	_ =	swait.eq @p0 [sflag:s7], $0x1  }
0xaf: {  	[sflag:s7] =	ssyncadd.s32 @p0 $0xFFFFFFFF  }
0xb0: {  	s8 =	sshll.u32 @!p0 s1, $0xE  }
0xb1: {  	s8 =	sor.u32 @!p0 $0x4000, s8;
	s7 =	simm.s32 @!p0 $0x1B8D  }
0xb2: {  	s6 =	sshll.u32 @!p0 s6, $0x11;
	s8 =	sadd.s32 @!p0 $0x11B8D, s8;
	_ =	swait.eq @!p0 [sflag:s7], $0x1  }
0xb3: {  	s6 =	sor.u32 @!p0 s6, s8;
	[sflag:s7] =	ssyncadd.s32 @!p0 $0xFFFFFFFF  }
0xb4: {  	s25 =	simm.s32 $0x1B8E;
	s24 =	sld [smem:$0x3FFE];
	[sflag:s6] =	ssyncadd.remote.s32 @!p0 $0x1  }
0xb5: {  	s26 =	simm.s32 $execute0_lowered;
	[smem:$0x3FD2] =	sst s25  }
0xb6: {  	s7 =	sshll.u32 s26, $0x1;
	_ =	strace $0x8000004C;
	[dreg:$0x1] =	wrdreg $0xFFFFFFFF  }
0xb7: {  	s28 =	simm.s32 $_size_execute0_lowered;
	s5 =	sadd.s32 s5, s7;
	[dreg:$0x0] =	wrdreg $0x0  }
0xb8: {  	s7 =	sshll.u32 s28, $0x1;
	[dreg:$0x2] =	wrdreg s5  }
0xb9: {  	[dreg:$0x3] =	wrdreg s7  }
0xba: {  	[dreg:$0x4] =	wrdreg $0xC0  }
0xbb: {  	_ =	task [dreg:s22], $0x5FFFF  }
0xbc: {  	[dreg:$0x1] =	wrdreg $0xFFFFFFFF  }
0xbd: {  	[dreg:$0x0] =	wrdreg $0x60  }
0xbe: {  	[dreg:$0x2] =	wrdreg s4  }
0xbf: {  	[dreg:$0x3] =	wrdreg s18  }
0xc0: {  	[dreg:$0x4] =	wrdreg s24  }
0xc1: {  	[dreg:$0x5] =	wrdreg $0x21800  }
0xc2: {  	[dreg:$0x6] =	wrdreg $0x9  }
0xc3: {  	_ =	task.clear_ibuf [dreg:s22], $0x7FFFF;
	_ =	strace $0x9000004C  }
0xc4: {  	s29 =	simm.s32 $0x9;
	_ =	strace $0x8000004E  }
0xc5: {  	_ =	swait.ge [sflag:s29], $0x1  }
0xc6: {  	[sflag:s29] =	ssyncadd.s32 $0xFFFFFFFF  }
0xc7: {  	_ =	strace $0x9000004E  }
0xc8: {  	_ =	sfence  }
0xc9: {  	s30 =	sld [smem:$0x0];
	_ =	sdelay $0x2  }
0xca: {  	s31 =	sshll.u32 s1, $0xD;
	s1 =	sshrl.u32 s1, $0x2  }
0xcb: {  	s4 =	sand.u32 $0x4000, s31;
	s1 =	sadd.s32 s1, s30  }
0xcc: {  	s0 =	sor.u32 s4, s0;
	s1 =	sshll.u32 s1, $0x11  }
0xcd: {  	s0 =	sor.u32 s1, s0  }
0xce: {  	s0 =	sadd.s32 $0x8F2B, s0  }
0xcf: {  	[sflag:s0] =	ssyncadd.remote.s32 $0x1  }
0xd0: {  	_ =	sfence.sel $0xFFFF  }
0xd1: {  	[dreg:$0x0] =	wrdreg $0xFFFFFFFF;
	(pc) =	sbr.abs _section_cstart, $3  }
0xd2: {  	[dreg:$0x1] =	wrdreg $0xFFFFFFFF  }
0xd3: {  	_ =	task.clear_ibuf [dreg:s22], $0x2FFFF;
	_ =	strace $0x9FFFFFFF  }
0xd4: {  	(tm) =	ssettm $0x7FFFFFFF  }
0xd5: {  	_ =	shalt  }
tec
execute0_lowered:
.L_overlay_start_1:
0x0: {  	(tag) =	ssettag $0x1  }
0x1: {  	s0 =	rddreg [dreg:$0x0]  }
0x2: {  	s21 =	rddreg [dreg:$0x1]  }
0x3: {  	s5 =	rddreg [dreg:$0x2]  }
0x4: {  	s1 =	srdreg.scid;
	s2 =	rddreg [dreg:$0x3]  }
0x5: {  	s25 =	stileid.u32;
	s3 =	simm.s32 $0x0;
	s23 =	simm.s32 $0x180  }
0x6: {  	s24 =	simm.s32 $0x2;
	s30 =	simm.s32 $0x0;
	s6 =	smul.u32 $0x620, s25  }
0x7: {  	s4 =	sand.u32 $0x1, s1;
	[smem:$0x7FF] =	sst s3;
	s8 =	smul.u32 $0x62000, s25  }
0x8: {  	s22 =	sshll.u32 s25, $0x4;
	s25 =	simm.s32 $0x3;
	s28 =	smul.u32 $0x6200, s4  }
0x9: {  	_ =	strace $0x8000004D;
	s7 =	ssub.s32 $0x2, s4;
	s4 =	sadd.s32 $0x15E000, s5  }
0xa: {  	s21 =	sadd.s32 s22, s21;
	s22 =	sadd.s32 s22, s0;
	s26 =	sshrl.u32 s7, $0x1  }
0xb: {  	s8 =	sshrl.u32 s8, $0x2;
	s6 =	sadd.s32 s6, s28;
	s7 =	ssub.s32 s7, s26  }
0xc: {  	s31 =	smin.u32 s28, $0x6150;
	s26 =	simm.s32 $0x80;
	v0 =	vmov s28;
	s28 =	simm.s32 $0x1  }
0xd: {  	s6 =	sshll.u32 s6, $0x3;
	s29 =	sadd.s32 $0x6200, s31;
	s7 =	smax.u32 s7, $0x1  }
0xe: {  	s5 =	sadd.s32 s6, s5;
	s6 =	sadd.s32 s8, s2;
	v1 =	vmov s29;
	s29 =	simm.s32 $0x100  }
.Ltmp0:
0xf: {  	s5 =	sadd.s32 $0x172000, s5;
	s8 =	sadd.s32 $0x1C00, s6;
	(pc) =	sbr.rel .LBB2_1-.Ltmp0, $4  }
0x10: {  	s9 =	sadd.s32 $0x3800, s6;
	s10 =	sadd.s32 $0x5400, s6;
	s11 =	sadd.s32 $0x7000, s6  }
0x11: {  	s12 =	sadd.s32 $0x8C00, s6;
	s13 =	sadd.s32 $0xA800, s6;
	s14 =	sadd.s32 $0xC400, s6  }
0x12: {  	s15 =	sadd.s32 $0xE000, s6;
	s16 =	sadd.s32 $0xFC00, s6;
	s17 =	sadd.s32 $0x11800, s6  }
0x13: {  	v2 =	vimm.f32 $0.0e+00;
	s18 =	sadd.s32 $0x13400, s6;
	s19 =	sadd.s32 $0x15000, s6;
	s20 =	sadd.s32 $0x16C00, s6  }
.LBB2_7:
0x14: {  	s0 =	stileid.u32;
	s30 =	sadd.s32 $0x1, s30  }
0x15: {  	[bflag:$0x0] =	sbarrier.arrive $0xFFFF;
	s0 =	sshll.u32 s0, $0x6;
	p0 =	sne.s32 s30, s7  }
.Ltmp1:
0x16: {  	s1 =	sshrl.u32 s6, $0x3;
	s0 =	sor.u32 $0x1C02, s0;
	(pc) =	sbr.rel @!p0 .LBB2_8-.Ltmp1, $4  }
0x17: {  	[hbm:s5], [sflag:s0] =	dma.local [spmem:s1], $0x3100  }
0x18: {  	_ =	swait.ge [sflag:s24], $0x3100  }
0x19: {  	[sflag:s24] =	ssyncset.done $0x0  }
0x1a: {  	[sflag:s24] =	ssyncadd.s32 $0xFFFFCF00  }
.LBB2_1:
0x1b: {  	s31 =	simm.s32 $0x100;
	s0 =	simm.s32 $0x0  }
.LBB2_2:
0x1c: {  	p0 =	sne.s32 s31, $0x6F00;
	[tilespmem:s0+$0x1B0] =	vst v2;
	s1 =	smov.u32 s31;
	s31 =	sadd.s32 $0x100, s31  }
.Ltmp2:
0x1d: {  	[tilespmem:s0+$0x1A0] =	vst v2;
	(pc) =	sbr.rel @p0 .LBB2_2-.Ltmp2, $3  }
0x1e: {  	[tilespmem:s0+$0x180] =	vst v2  }
0x1f: {  	[tilespmem:s0+$0x190] =	vst v2;
	_ =	sdelay $0x1  }
0x20: {  	s0 =	sshra.s32 s1, $0x2  }
0x21: {  	[tilespmem:s0+$0x1B0] =	vst v2  }
0x22: {  	[tilespmem:s0+$0x1A0] =	vst v2  }
0x23: {  	[tilespmem:s0+$0x180] =	vst v2  }
0x24: {  	[tilespmem:s0+$0x190] =	vst v2  }
0x25: {  	[spmem:s6] =	stream.linear.scatter [tilespmem:s23], [sflag:$0x2], $0x1C00, $0x38;
	[tilespmem:$0x1A9C0] =	vst v63  }
0x26: {  	_ =	swait.ge [sflag:s24], $0x1C00  }
0x27: {  	[sflag:s24] =	ssyncset.done $0x0  }
0x28: {  	[sflag:s24] =	ssyncadd.s32 $0xFFFFE400  }
0x29: {  	[spmem:s8] =	stream.linear.scatter [tilespmem:s23], [sflag:$0x2], $0x1C00, $0x38;
	[tilespmem:$0x1A9C0] =	vst v63  }
0x2a: {  	_ =	swait.ge [sflag:s24], $0x1C00  }
0x2b: {  	[sflag:s24] =	ssyncset.done $0x0  }
0x2c: {  	[sflag:s24] =	ssyncadd.s32 $0xFFFFE400  }
0x2d: {  	[spmem:s9] =	stream.linear.scatter [tilespmem:s23], [sflag:$0x2], $0x1C00, $0x38;
	[tilespmem:$0x1A9C0] =	vst v63  }
0x2e: {  	_ =	swait.ge [sflag:s24], $0x1C00  }
0x2f: {  	[sflag:s24] =	ssyncset.done $0x0  }
0x30: {  	[sflag:s24] =	ssyncadd.s32 $0xFFFFE400  }
0x31: {  	[spmem:s10] =	stream.linear.scatter [tilespmem:s23], [sflag:$0x2], $0x1C00, $0x38;
	[tilespmem:$0x1A9C0] =	vst v63  }
0x32: {  	_ =	swait.ge [sflag:s24], $0x1C00  }
0x33: {  	[sflag:s24] =	ssyncset.done $0x0  }
0x34: {  	[sflag:s24] =	ssyncadd.s32 $0xFFFFE400  }
0x35: {  	[spmem:s11] =	stream.linear.scatter [tilespmem:s23], [sflag:$0x2], $0x1C00, $0x38;
	[tilespmem:$0x1A9C0] =	vst v63  }
0x36: {  	_ =	swait.ge [sflag:s24], $0x1C00  }
0x37: {  	[sflag:s24] =	ssyncset.done $0x0  }
0x38: {  	[sflag:s24] =	ssyncadd.s32 $0xFFFFE400  }
0x39: {  	[spmem:s12] =	stream.linear.scatter [tilespmem:s23], [sflag:$0x2], $0x1C00, $0x38;
	[tilespmem:$0x1A9C0] =	vst v63  }
0x3a: {  	_ =	swait.ge [sflag:s24], $0x1C00  }
0x3b: {  	[sflag:s24] =	ssyncset.done $0x0  }
0x3c: {  	[sflag:s24] =	ssyncadd.s32 $0xFFFFE400  }
0x3d: {  	[spmem:s13] =	stream.linear.scatter [tilespmem:s23], [sflag:$0x2], $0x1C00, $0x38;
	[tilespmem:$0x1A9C0] =	vst v63  }
0x3e: {  	_ =	swait.ge [sflag:s24], $0x1C00  }
0x3f: {  	[sflag:s24] =	ssyncset.done $0x0  }
0x40: {  	[sflag:s24] =	ssyncadd.s32 $0xFFFFE400  }
0x41: {  	[spmem:s14] =	stream.linear.scatter [tilespmem:s23], [sflag:$0x2], $0x1C00, $0x38;
	[tilespmem:$0x1A9C0] =	vst v63  }
0x42: {  	_ =	swait.ge [sflag:s24], $0x1C00  }
0x43: {  	[sflag:s24] =	ssyncset.done $0x0  }
0x44: {  	[sflag:s24] =	ssyncadd.s32 $0xFFFFE400  }
0x45: {  	[spmem:s15] =	stream.linear.scatter [tilespmem:s23], [sflag:$0x2], $0x1C00, $0x38;
	[tilespmem:$0x1A9C0] =	vst v63  }
0x46: {  	_ =	swait.ge [sflag:s24], $0x1C00  }
0x47: {  	[sflag:s24] =	ssyncset.done $0x0  }
0x48: {  	[sflag:s24] =	ssyncadd.s32 $0xFFFFE400  }
0x49: {  	[spmem:s16] =	stream.linear.scatter [tilespmem:s23], [sflag:$0x2], $0x1C00, $0x38;
	[tilespmem:$0x1A9C0] =	vst v63  }
0x4a: {  	_ =	swait.ge [sflag:s24], $0x1C00  }
0x4b: {  	[sflag:s24] =	ssyncset.done $0x0  }
0x4c: {  	[sflag:s24] =	ssyncadd.s32 $0xFFFFE400  }
0x4d: {  	[spmem:s17] =	stream.linear.scatter [tilespmem:s23], [sflag:$0x2], $0x1C00, $0x38;
	[tilespmem:$0x1A9C0] =	vst v63  }
0x4e: {  	_ =	swait.ge [sflag:s24], $0x1C00  }
0x4f: {  	[sflag:s24] =	ssyncset.done $0x0  }
0x50: {  	[sflag:s24] =	ssyncadd.s32 $0xFFFFE400  }
0x51: {  	[spmem:s18] =	stream.linear.scatter [tilespmem:s23], [sflag:$0x2], $0x1C00, $0x38;
	[tilespmem:$0x1A9C0] =	vst v63  }
0x52: {  	_ =	swait.ge [sflag:s24], $0x1C00  }
0x53: {  	[sflag:s24] =	ssyncset.done $0x0  }
0x54: {  	[sflag:s24] =	ssyncadd.s32 $0xFFFFE400  }
0x55: {  	[spmem:s19] =	stream.linear.scatter [tilespmem:s23], [sflag:$0x2], $0x1C00, $0x38;
	[tilespmem:$0x1A9C0] =	vst v63  }
0x56: {  	_ =	swait.ge [sflag:s24], $0x1C00  }
0x57: {  	[sflag:s24] =	ssyncset.done $0x0  }
0x58: {  	[sflag:s24] =	ssyncadd.s32 $0xFFFFE400  }
0x59: {  	[spmem:s20] =	stream.linear.scatter [tilespmem:s23], [sflag:$0x2], $0x1C00, $0x38;
	[tilespmem:$0x1A9C0] =	vst v63  }
.Ltmp3:
0x5a: {  	_ =	swait.ge [sflag:s24], $0x1C00;
	(pc) =	sbr.rel .LBB2_4-.Ltmp3, $4  }
0x5b: {  	[sflag:s24] =	ssyncset.done $0x0  }
0x5c: {  	[sflag:s24] =	ssyncadd.s32 $0xFFFFE400  }
0x5d: {  	[bflag:$0x0] =	sbarrier.arrive $0xFFFF  }
0x5e: {  	s31 =	simm.s32 $0x0;
	s0 =	stileid.u32  }
.LBB2_6:
0x5f: {  	s31 =	sadd.s32 $0x100, s31  }
0x60: {  	p0 =	sne.s32 s31, $0x18700  }
.Ltmp4:
0x61: {  	_ = 	snop;
	(pc) =	sbr.rel @!p0 .LBB2_7-.Ltmp4, $2  }
0x62: {  	_ =	sdelay $0x2  }
0x63: {  	s0 =	sadd.s32 $0x10, s0  }
.LBB2_4:
0x64: {  	p0 =	sgt.u32 s0, $0x1869  }
.Ltmp5:
0x65: {  	_ = 	snop;
	(pc) =	sbr.rel @p0 .LBB2_6-.Ltmp5, $1  }
0x66: {  	_ =	sdelay $0x3  }
0x67: {  	s1 =	sadd.s32 s31, s22  }
0x68: {  	[tilespmem:s3], [sflag:$0x3] =	stream.linear.gather [hbm4b:s1+s3], $0x80, $0x38;
	[tilespmem:$0x1A9C0] =	vst v63  }
0x69: {  	_ =	swait.ge [sflag:s25], $0x80  }
0x6a: {  	[sflag:s25] =	ssyncset.done $0x0  }
0x6b: {  	s1 =	sadd.s32 s31, s21;
	[sflag:s25] =	ssyncadd.s32 $0xFFFFFF80  }
0x6c: {  	[tilespmem:s26], [sflag:$0x3] =	stream.linear.gather [hbm4b:s1+s3], $0x80, $0x38;
	[tilespmem:$0x1A9C0] =	vst v63  }
0x6d: {  	_ =	swait.ge [sflag:s25], $0x80  }
0x6e: {  	[sflag:s25] =	ssyncset.done $0x0  }
0x6f: {  	[sflag:s25] =	ssyncadd.s32 $0xFFFFFF80  }
0x70: {  	v3 =	vld [tilespmem:$0x80]  }
0x71: {  	v4 =	vld [tilespmem:$0x90]  }
0x72: {  	v5 =	vld [tilespmem:$0xA0]  }
0x73: {  	v6 =	vld [tilespmem:$0xB0]  }
0x74: {  	v7 =	vld [tilespmem:$0xC0]  }
0x75: {  	v8 =	vld [tilespmem:$0xD0]  }
0x76: {  	vm0 =	vge.s32 v3, v0;
	vm1 =	vlt.s32 v3, v1;
	v3 =	vsub.s32 v3, v0  }
0x77: {  	v9 =	vld [tilespmem:$0xE0];
	vm12 =	vge.s32 v4, v0;
	vm2 =	vlt.s32 v4, v1;
	v4 =	vsub.s32 v4, v0  }
0x78: {  	vm14 =	vge.s32 v5, v0;
	vm15 =	vlt.s32 v5, v1;
	vm4 =	vge.s32 v6, v0  }
0x79: {  	vm5 =	vlt.s32 v6, v1;
	v5 =	vsub.s32 v5, v0;
	v6 =	vsub.s32 v6, v0  }
0x7a: {  	vm6 =	vge.s32 v7, v0;
	vm7 =	vlt.s32 v7, v1;
	vm8 =	vge.s32 v8, v0  }
0x7b: {  	v10 =	vld [tilespmem:$0xF0];
	vm3 =	vlt.s32 v8, v1;
	v62 =	vsub.s32 v8, v0;
	vm0 =	vmand vm0, vm1  }
0x7c: {  	vm10 =	vge.s32 v9, v0;
	vm13 =	vmand vm12, vm2;
	v3 =	vnsel vm0, $0x6200, v3  }
0x7d: {  	vm11 =	vlt.s32 v9, v1;
	vm1 =	vmand vm4, vm5;
	v4 =	vnsel vm13, $0x6200, v4;
	[tilespmem:$0x100] =	vst v3  }
0x7e: {  	vm9 =	vmand vm8, vm3;
	vm0 =	vmand vm14, vm15;
	v6 =	vnsel vm1, $0x6200, v6;
	[tilespmem:$0x110] =	vst v4  }
0x7f: {  	v5 =	vnsel vm0, $0x6200, v5;
	vm0 =	vmand vm6, vm7;
	v3 =	vsub.s32 v7, v0;
	[tilespmem:$0x130] =	vst v6  }
0x80: {  	vm12 =	vmand vm10, vm11;
	vm13 =	vge.s32 v10, v0;
	[tilespmem:$0x120] =	vst v5;
	v3 =	vnsel vm0, $0x6200, v3  }
0x81: {  	vm14 =	vlt.s32 v10, v1;
	v4 =	vnsel vm9, $0x6200, v62;
	[tilespmem:$0x140] =	vst v3;
	v3 =	vsub.s32 v9, v0  }
0x82: {  	v63 =	vsub.s32 v10, v0;
	vm15 =	vmand vm13, vm14;
	[tilespmem:$0x150] =	vst v4;
	v3 =	vnsel vm12, $0x6200, v3  }
0x83: {  	[tilespmem:$0x160] =	vst v3;
	v3 =	vnsel vm15, $0x6200, v63  }
0x84: {  	[tilespmem:$0x170] =	vst v3  }
0x85: {  	[tilespmem:s23], [sflag:$0x1] =	stream.indirect.gather [hbm4b:s4+s26], $0x40, s3, s26, $0xb8;
	[tilespmem:$0x1A9C0] =	vst v63  }
0x86: {  	_ =	swait.ge [sflag:s28], $0x2000  }
0x87: {  	[sflag:s28] =	ssyncset.done $0x0  }
.Ltmp6:
0x88: {  	[sflag:s28] =	ssyncadd.s32 $0xFFFFE000;
	(pc) =	sbr.rel .LBB2_6-.Ltmp6, $4  }
0x89: {  	[spmem:s2] =	stream.indirect.scatter.add.f32 [tilespmem:s23], [sflag:$0x2], $0x40, s29, s26, $0xb8;
	[tilespmem:$0x1A9C0] =	vst v63  }
0x8a: {  	_ =	swait.ge [sflag:s24], $0x2000  }
0x8b: {  	[sflag:s24] =	ssyncset.done $0x0  }
0x8c: {  	[sflag:s24] =	ssyncadd.s32 $0xFFFFE000  }
.LBB2_8:
0x8d: {  	_ =	sfence.sel $0x180000  }
0x8e: {  	[bflag:$0x0] =	sbarrier.arrive $0xFFFF  }
0x8f: {  	_ =	strace $0x9000004D  }
0x90: {  	s0 =	stileid.u32;
	[bflag:$0x2] =	sbarrier.arrive $0xFFFF  }
0x91: {  	p0 =	sne.s32 s0, $0x0;
	s0 =	rddreg [dreg:$0x4]  }
0x92: {  	s0 =	sadd.s32 @!p0 $0x100000, s0  }
0x93: {  	[sflag:s0] =	ssyncadd.tile.s32 @!p0 $0x1;
	_ =	shalt  }
.Lfunc_end2:
_tile_overlayer_lowered:
.L_overlay_start_2:
0x94: {  	(tag) =	ssettag $0x2  }
0x95: {  	s0 =	rddreg [dreg:$0x0];
	s2 =	stileid.u32  }
0x96: {  	s1 =	rddreg [dreg:$0x1];
	p0 =	sne.s32 s2, $0x0  }
0x97: {  	s3 =	rddreg [dreg:$0x2];
	[bflag:$0x3] =	sbarrier.arrive $0xFFFF;
	s2 =	simm.s32 @!p0 $0x1C02  }
0x98: {  	[timem:s3], [sflag:s2] =	dma.local @!p0 [hbm:s0], s1  }
0x99: {  	s0 =	simm.s32 @!p0 $0x2  }
0x9a: {  	_ =	swait.ge @!p0 [sflag:s0], s1  }
0x9b: {  	s1 =	ssub.s32 @!p0 $0x0, s1;
	[sflag:s0] =	ssyncset.done @!p0 $0x0  }
0x9c: {  	[sflag:s0] =	ssyncadd.s32 @!p0 s1  }
0x9d: {  	[bflag:$0x3] =	sbarrier.arrive $0xFFFF  }
0x9e: {  	_ =	shalt  }

// kernel: kernel.25.cloned.1.call-start
scs
__scs_entry_jumppad:
0x0: {  	(pc) =	sbr.rel $0x88, $3  }
0x1: {  	(tag) =	ssettag $0x0;
	lr =	simm.s32 $0x1  }
0x2: {  	[smem:$0x3F89] =	sst lr;
	_ =	strace $0xD0000000  }
0x3: {  	_ = 	snop  }
0x4: {  	_ = 	snop  }
0x5: {  	_ = 	snop  }
0x6: {  	_ = 	snop  }
0x7: {  	_ = 	snop  }
__scs_overlays_trampoline_lowered:
0x8: {  	[smem:$0x3F98] =	sst s0  }
0x9: {  	[smem:$0x3F99] =	sst s1  }
0xa: {  	[smem:$0x3F9A] =	sst s2  }
0xb: {  	[smem:$0x3F9B] =	sst s3  }
0xc: {  	[smem:$0x3F9C] =	sst s4  }
0xd: {  	[smem:$0x3F9D] =	sst s5  }
0xe: {  	[smem:$0x3F9E] =	sst s6  }
0xf: {  	[smem:$0x3F9F] =	sst s7  }
0x10: {  	[smem:$0x3FA0] =	sst s8  }
0x11: {  	[smem:$0x3FA1] =	sst s9;
	s0 =	simm.s32 @!p0 $0x0  }
0x12: {  	s1 =	sld [smem:$0x3F87];
	s0 =	simm.s32 @p0 $0x1  }
0x13: {  	[smem:$0x3FA2] =	sst s0;
	s0 =	simm.s32 @!p1 $0x0  }
0x14: {  	s2 =	sld [smem:$0x3F86];
	s0 =	simm.s32 @p1 $0x1  }
0x15: {  	[smem:$0x3FA3] =	sst s0;
	s0 =	simm.s32 @!p2 $0x0  }
0x16: {  	s3 =	sld [smem:$0x3FDB];
	s0 =	simm.s32 @p2 $0x1  }
0x17: {  	s4 =	simm.s32 $0x1BF5;
	[smem:$0x3FA5] =	sst s0  }
0x18: {  	s0 =	sld [smem:$0x3F88];
	_ =	swait.ge [sflag:s4], $0x0  }
0x19: {  	s7 =	sld [smem:$0x3F89]  }
0x1a: {  	s8 =	sadd.s32 $0xFFFFE003, lr  }
0x1b: {  	s9 =	sadd.s32 $0xFFFFFEF7, lr;
	s5 =	simm.s32 $0xFFFFFFFF;
	p2 =	slt.u32 s8, $0xFFFFF086  }
0x1c: {  	p1 =	slt.u32 s9, $0xF7A;
	s5 =	simm.s32 @!p2 $0x0  }
0x1d: {  	s5 =	simm.s32 @p1 $0x1;
	p0 =	seq.s32 s7, s2  }
0x1e: {  	s7 =	smul.u32 @!p0 $0xF7A, s2;
	p2 =	seq.s32 @!p0 s5, $0x0  }
0x1f: {  	s9 =	smul.u32 $0xF7A, s1;
	s8 =	simm.s32 @!p0 $0x1BF5;
	p2 =	por !p2, p0  }
0x20: {  	[sflag:s8] =	ssyncset.s32 @!p0 $0xFFFFF086;
	s6 =	sadd.s32 @!p0 s3, s7;
	s7 =	simm.s32 @!p0 $0x108  }
0x21: {  	s3 =	sadd.s32 s3, s9;
	s6 =	sadd.s32 @!p0 $0x88, s6;
	s7 =	simm.s32 @p2 $0x1082  }
0x22: {  	[simem:s7], [sflag:s8] =	dma.local @!p0 [hbm:s6], $0xF7A  }
0x23: {  	s9 =	sor.u32 $0xD0000000, s2;
	s6 =	simm.s32 $0x108;
	_ =	swait.ge @!p0 [sflag:s8], $0x0  }
0x24: {  	s3 =	sadd.s32 $0x88, s3;
	s6 =	simm.s32 @!p1 $0x1082;
	[sflag:s4] =	ssyncset.s32 $0xFFFFF086  }
0x25: {  	[simem:s6], [sflag:s4] =	dma.local [hbm:s3], $0xF7A  }
0x26: {  	[smem:$0x3F89] =	sst s1;
	(tag) =	ssettag s2;
	_ =	strace s9  }
0x27: {  	s1 =	sld [smem:$0x3F99]  }
0x28: {  	s2 =	sld [smem:$0x3F9A]  }
0x29: {  	s4 =	sld [smem:$0x3F9C]  }
0x2a: {  	p0 =	seq.s32 s5, $0x0;
	s5 =	sld [smem:$0x3F9D]  }
0x2b: {  	s6 =	sld [smem:$0x3F9E]  }
0x2c: {  	s7 =	sld [smem:$0x3F9F]  }
0x2d: {  	s3 =	simm.s32 $0x108;
	s8 =	sld [smem:$0x3FA0]  }
0x2e: {  	s3 =	simm.s32 @!p0 $0x1082;
	s9 =	sld [smem:$0x3FA1]  }
0x2f: {  	lr =	sadd.s32 s0, s3;
	s0 =	sld [smem:$0x3F98]  }
0x30: {  	s3 =	sld [smem:$0x3F9B]  }
0x31: {  	[smem:$0x3FA4] =	sst s10  }
0x32: {  	s10 =	sld [smem:$0x3FA2];
	_ =	sdelay $0x3  }
0x33: {  	p0 =	seq.s32 s10, $0x1;
	s10 =	sld [smem:$0x3FA4];
	_ =	sdelay $0x3  }
0x34: {  	[smem:$0x3FA4] =	sst s10  }
0x35: {  	s10 =	sld [smem:$0x3FA3];
	_ =	sdelay $0x3  }
0x36: {  	p1 =	seq.s32 s10, $0x1;
	s10 =	sld [smem:$0x3FA4];
	_ =	sdelay $0x3  }
0x37: {  	[smem:$0x3FA4] =	sst s10  }
0x38: {  	s10 =	sld [smem:$0x3FA5]  }
0x39: {  	_ = 	snop;
	(pc) =	sbr.ind lr, $3  }
0x3a: {  	_ = 	snop  }
0x3b: {  	_ = 	snop  }
0x3c: {  	p2 =	seq.s32 s10, $0x1;
	s10 =	sld [smem:$0x3FA4]  }
0x3d: {  	_ =	shalt  }
0x3e: {  	_ =	shalt  }
0x3f: {  	_ =	shalt  }
0x40: {  	_ =	shalt  }
0x41: {  	_ =	shalt  }
0x42: {  	_ =	shalt  }
0x43: {  	_ =	shalt  }
0x44: {  	_ =	shalt  }
0x45: {  	_ =	shalt  }
0x46: {  	_ =	shalt  }
0x47: {  	_ =	shalt  }
0x48: {  	_ =	shalt  }
0x49: {  	_ =	shalt  }
0x4a: {  	_ =	shalt  }
0x4b: {  	_ =	shalt  }
0x4c: {  	_ =	shalt  }
0x4d: {  	_ =	shalt  }
0x4e: {  	_ =	shalt  }
0x4f: {  	_ =	shalt  }
0x50: {  	_ =	shalt  }
0x51: {  	_ =	shalt  }
0x52: {  	_ =	shalt  }
0x53: {  	_ =	shalt  }
0x54: {  	_ =	shalt  }
0x55: {  	_ =	shalt  }
0x56: {  	_ =	shalt  }
0x57: {  	_ =	shalt  }
0x58: {  	_ =	shalt  }
0x59: {  	_ =	shalt  }
0x5a: {  	_ =	shalt  }
0x5b: {  	_ =	shalt  }
0x5c: {  	_ =	shalt  }
0x5d: {  	_ =	shalt  }
0x5e: {  	_ =	shalt  }
0x5f: {  	_ =	shalt  }
0x60: {  	_ =	shalt  }
0x61: {  	_ =	shalt  }
0x62: {  	_ =	shalt  }
0x63: {  	_ =	shalt  }
0x64: {  	_ =	shalt  }
0x65: {  	_ =	shalt  }
0x66: {  	_ =	shalt  }
0x67: {  	_ =	shalt  }
0x68: {  	_ =	shalt  }
0x69: {  	_ =	shalt  }
0x6a: {  	_ =	shalt  }
0x6b: {  	_ =	shalt  }
0x6c: {  	_ =	shalt  }
0x6d: {  	_ =	shalt  }
0x6e: {  	_ =	shalt  }
0x6f: {  	_ =	shalt  }
0x70: {  	_ =	shalt  }
0x71: {  	_ =	shalt  }
0x72: {  	_ =	shalt  }
0x73: {  	_ =	shalt  }
0x74: {  	_ =	shalt  }
0x75: {  	_ =	shalt  }
0x76: {  	_ =	shalt  }
0x77: {  	_ =	shalt  }
0x78: {  	_ =	shalt  }
0x79: {  	_ =	shalt  }
0x7a: {  	_ =	shalt  }
0x7b: {  	_ =	shalt  }
0x7c: {  	_ =	shalt  }
0x7d: {  	_ =	shalt  }
0x7e: {  	_ =	shalt  }
0x7f: {  	_ =	shalt  }
0x80: {  	_ =	shalt  }
0x81: {  	_ =	shalt  }
0x82: {  	_ =	shalt  }
0x83: {  	_ =	shalt  }
0x84: {  	_ =	shalt  }
0x85: {  	_ =	shalt  }
0x86: {  	_ =	shalt  }
0x87: {  	_ =	shalt  }
.Lfunc_end0:
.L_simem_size_0:
called_computation.3_lowered:
.L_overlay_start_0:
0x88: {  	s2 =	sld [smem:$0x3FD9]  }
0x89: {  	s3 =	sld [smem:$0x3FFE];
	_ =	sdelay $0x1  }
0x8a: {  	s1 =	srdreg.scid  }
0x8b: {  	s0 =	sand.u32 $0x1, s1  }
0x8c: {  	s17 =	sshll.u32 s0, $0xA;
	s2 =	sadd.s32 s3, s2  }
0x8d: {  	s2 =	sadd.s32 s2, s17  }
0x8e: {  	[smem:$0x3FB0] =	sst s2  }
0x8f: {  	_ = 	snop  }
0x90: {  	s18 =	sld [smem:$0x3FB5]  }
0x91: {  	s4 =	sld [smem:$0x3FB4];
	(tm) =	ssettm $0x1  }
0x92: {  	s19 =	sld [smem:$0x3FFB];
	_ =	sdelay $0x3  }
0x93: {  	_ =	strace s19  }
0x94: {  	s2 =	sld [smem:$0x3FFC];
	_ =	sdelay $0x3  }
0x95: {  	_ =	strace s2  }
0x96: {  	s2 =	sld [smem:$0x3FFD];
	_ =	sdelay $0x3  }
0x97: {  	_ =	strace s2  }
0x98: {  	_ =	strace $0x8FFFFFFF  }
0x99: {  	s20 =	sld [smem:$0x3FDB];
	_ =	sdelay $0x1  }
0x9a: {  	s5 =	simm.s32 $_scs_section_size  }
0x9b: {  	s6 =	simm.s32 $_size__tile_overlayer_lowered;
	s7 =	simm.s32 $_tile_overlayer_lowered  }
0x9c: {  	s8 =	simm.s32 $0x1BFF;
	s21 =	sshll.u32 s7, $0x1;
	s5 =	sadd.s32 s5, s20  }
0x9d: {  	s22 =	simm.s32 $0x0;
	s6 =	sshll.u32 s6, $0x1;
	s7 =	sadd.s32 s21, s5  }
0x9e: {  	[timem:s22], [sflag:s8] =	dma.local [hbm:s7], s6  }
0x9f: {  	_ =	swait.ge [sflag:s8], s6  }
0xa0: {  	s6 =	ssub.s32 $0x0, s6;
	[sflag:s8] =	ssyncset.done $0x0  }
0xa1: {  	[sflag:s8] =	ssyncadd.s32 s6;
	_ =	sdelay $0x1  }
0xa2: {  	s23 =	simm.s32 $0x1B8B  }
0xa3: {  	_ =	swait.ge [sflag:s23], $0x1  }
0xa4: {  	[sflag:s23] =	ssyncset.done $0x0  }
0xa5: {  	[sflag:s23] =	ssyncadd.s32 $0xFFFFFFFF  }
0xa6: {  	s6 =	sld [smem:$0x0]  }
0xa7: {  	s7 =	sand.u32 $0xFFFFFFFE, s1  }
0xa8: {  	p0 =	sne.s32 s1, s7  }
0xa9: {  	s7 =	sshll.u32 @p0 s7, $0xE  }
0xaa: {  	s7 =	sadd.s32 @p0 $0x11B8D, s7;
	s8 =	sshll.u32 @p0 s6, $0x11  }
0xab: {  	s7 =	sor.u32 @p0 s8, s7  }
0xac: {  	[sflag:s7] =	ssyncadd.remote.s32 @p0 $0x1;
	_ =	sdelay $0x1  }
0xad: {  	s7 =	simm.s32 @p0 $0x1B8D  }
0xae: {  	_ =	swait.eq @p0 [sflag:s7], $0x1  }
0xaf: {  	[sflag:s7] =	ssyncadd.s32 @p0 $0xFFFFFFFF  }
0xb0: {  	s8 =	sshll.u32 @!p0 s1, $0xE  }
0xb1: {  	s8 =	sor.u32 @!p0 $0x4000, s8;
	s7 =	simm.s32 @!p0 $0x1B8D  }
0xb2: {  	s6 =	sshll.u32 @!p0 s6, $0x11;
	s8 =	sadd.s32 @!p0 $0x11B8D, s8;
	_ =	swait.eq @!p0 [sflag:s7], $0x1  }
0xb3: {  	s6 =	sor.u32 @!p0 s6, s8;
	[sflag:s7] =	ssyncadd.s32 @!p0 $0xFFFFFFFF  }
0xb4: {  	s25 =	simm.s32 $0x1B8E;
	s24 =	sld [smem:$0x3FFE];
	[sflag:s6] =	ssyncadd.remote.s32 @!p0 $0x1  }
0xb5: {  	s26 =	simm.s32 $execute0_lowered;
	[smem:$0x3FD2] =	sst s25  }
0xb6: {  	s7 =	sshll.u32 s26, $0x1;
	_ =	strace $0x80000052;
	[dreg:$0x1] =	wrdreg $0xFFFFFFFF  }
0xb7: {  	s28 =	simm.s32 $_size_execute0_lowered;
	s5 =	sadd.s32 s5, s7;
	[dreg:$0x0] =	wrdreg $0x0  }
0xb8: {  	s7 =	sshll.u32 s28, $0x1;
	[dreg:$0x2] =	wrdreg s5  }
0xb9: {  	[dreg:$0x3] =	wrdreg s7  }
0xba: {  	[dreg:$0x4] =	wrdreg $0xC0  }
0xbb: {  	_ =	task [dreg:s22], $0x5FFFF  }
0xbc: {  	[dreg:$0x1] =	wrdreg $0xFFFFFFFF  }
0xbd: {  	[dreg:$0x0] =	wrdreg $0x60  }
0xbe: {  	[dreg:$0x2] =	wrdreg s18  }
0xbf: {  	[dreg:$0x3] =	wrdreg s4  }
0xc0: {  	[dreg:$0x4] =	wrdreg s24  }
0xc1: {  	[dreg:$0x5] =	wrdreg $0x21800  }
0xc2: {  	[dreg:$0x6] =	wrdreg $0x9  }
0xc3: {  	_ =	task.clear_ibuf [dreg:s22], $0x7FFFF;
	_ =	strace $0x90000052  }
0xc4: {  	s29 =	simm.s32 $0x9;
	_ =	strace $0x80000054  }
0xc5: {  	_ =	swait.ge [sflag:s29], $0x1  }
0xc6: {  	[sflag:s29] =	ssyncadd.s32 $0xFFFFFFFF  }
0xc7: {  	_ =	strace $0x90000054  }
0xc8: {  	_ =	sfence  }
0xc9: {  	s30 =	sld [smem:$0x0];
	_ =	sdelay $0x2  }
0xca: {  	s31 =	sshll.u32 s1, $0xD;
	s1 =	sshrl.u32 s1, $0x2  }
0xcb: {  	s4 =	sand.u32 $0x4000, s31;
	s1 =	sadd.s32 s1, s30  }
0xcc: {  	s0 =	sor.u32 s4, s0;
	s1 =	sshll.u32 s1, $0x11  }
0xcd: {  	s0 =	sor.u32 s1, s0  }
0xce: {  	s0 =	sadd.s32 $0x8F2B, s0  }
0xcf: {  	[sflag:s0] =	ssyncadd.remote.s32 $0x1  }
0xd0: {  	_ =	sfence.sel $0xFFFF  }
0xd1: {  	[dreg:$0x0] =	wrdreg $0xFFFFFFFF;
	(pc) =	sbr.abs _section_cstart, $3  }
0xd2: {  	[dreg:$0x1] =	wrdreg $0xFFFFFFFF  }
0xd3: {  	_ =	task.clear_ibuf [dreg:s22], $0x2FFFF;
	_ =	strace $0x9FFFFFFF  }
0xd4: {  	(tm) =	ssettm $0x7FFFFFFF  }
0xd5: {  	_ =	shalt  }
tec
execute0_lowered:
.L_overlay_start_1:
0x0: {  	(tag) =	ssettag $0x1  }
0x1: {  	s12 =	rddreg [dreg:$0x0]  }
0x2: {  	s11 =	rddreg [dreg:$0x1]  }
0x3: {  	s5 =	rddreg [dreg:$0x2]  }
0x4: {  	s0 =	srdreg.scid;
	s2 =	rddreg [dreg:$0x3]  }
0x5: {  	s1 =	rddreg [dreg:$0x4];
	s3 =	simm.s32 $0x0;
	s14 =	simm.s32 $0x2  }
0x6: {  	s15 =	simm.s32 $0x3;
	s16 =	simm.s32 $0x80;
	s6 =	sand.u32 $0x1, s0  }
0x7: {  	s17 =	simm.s32 $0x1;
	s0 =	stileid.u32;
	s19 =	smul.u32 $0x1400, s6  }
0x8: {  	s18 =	simm.s32 $0x100;
	[smem:$0x7FF] =	sst s3;
	s4 =	smul.u32 $0x140, s0  }
0x9: {  	_ =	strace $0x80000053;
	s8 =	smul.u32 $0x14000, s0;
	s31 =	ssub.s32 $0x2, s6  }
0xa: {  	s13 =	sshll.u32 s0, $0x4;
	s21 =	sshll.u32 s0, $0x6;
	s6 =	sshrl.u32 s31, $0x1  }
0xb: {  	s11 =	sadd.s32 s13, s11;
	s12 =	sadd.s32 s13, s12;
	s13 =	simm.s32 $0x180  }
0xc: {  	s4 =	sadd.s32 s4, s19;
	s9 =	smin.u32 s19, $0x1310;
	s8 =	sshrl.u32 s8, $0x2  }
.Ltmp0:
0xd: {  	s10 =	ssub.s32 s31, s6;
	v0 =	vmov s19;
	s19 =	sor.u32 $0x1C02, s21;
	(pc) =	sbr.rel .LBB2_1-.Ltmp0, $4  }
0xe: {  	s21 =	simm.s32 $0x0;
	s7 =	sshll.u32 s4, $0x3;
	s4 =	sadd.s32 $0x124000, s5  }
0xf: {  	s20 =	sadd.s32 $0x1400, s9;
	s7 =	sadd.s32 s7, s5;
	s5 =	sadd.s32 s8, s2  }
0x10: {  	s6 =	sadd.s32 $0x186000, s7;
	s7 =	smax.u32 s10, $0x1;
	s8 =	sadd.s32 $0x1400, s5  }
0x11: {  	v2 =	vimm.f32 $0.0e+00;
	v1 =	vmov s20;
	s9 =	sadd.s32 $0x2800, s5;
	s10 =	sadd.s32 $0x3C00, s5;
	s20 =	sshrl.u32 s5, $0x3  }
.LBB2_7:
0x12: {  	s21 =	sadd.s32 $0x1, s21  }
0x13: {  	p0 =	sne.s32 s21, s7  }
.Ltmp1:
0x14: {  	[bflag:$0x0] =	sbarrier.arrive $0xFFFF;
	(pc) =	sbr.rel @!p0 .LBB2_8-.Ltmp1, $4  }
0x15: {  	[hbm:s6], [sflag:s19] =	dma.local [spmem:s20], $0xA00  }
0x16: {  	_ =	swait.ge [sflag:s14], $0xA00  }
0x17: {  	[sflag:s14] =	ssyncset.done $0x0  }
0x18: {  	[sflag:s14] =	ssyncadd.s32 $0xFFFFF600  }
.LBB2_1:
0x19: {  	s23 =	simm.s32 $0x100;
	s22 =	simm.s32 $0x0  }
.LBB2_2:
0x1a: {  	p0 =	sne.s32 s23, $0x4F00;
	[tilespmem:s22+$0x1B0] =	vst v2;
	s24 =	smov.u32 s23;
	s23 =	sadd.s32 $0x100, s23  }
.Ltmp2:
0x1b: {  	[tilespmem:s22+$0x1A0] =	vst v2;
	(pc) =	sbr.rel @p0 .LBB2_2-.Ltmp2, $3  }
0x1c: {  	[tilespmem:s22+$0x180] =	vst v2  }
0x1d: {  	[tilespmem:s22+$0x190] =	vst v2;
	_ =	sdelay $0x1  }
0x1e: {  	s22 =	sshra.s32 s24, $0x2  }
0x1f: {  	[tilespmem:s22+$0x1B0] =	vst v2  }
0x20: {  	[tilespmem:s22+$0x1A0] =	vst v2  }
0x21: {  	[tilespmem:s22+$0x180] =	vst v2  }
0x22: {  	[tilespmem:s22+$0x190] =	vst v2  }
0x23: {  	[spmem:s5] =	stream.linear.scatter [tilespmem:s13], [sflag:$0x2], $0x1400, $0x38;
	[tilespmem:$0x71C0] =	vst v63  }
0x24: {  	_ =	swait.ge [sflag:s14], $0x1400  }
0x25: {  	[sflag:s14] =	ssyncset.done $0x0  }
0x26: {  	[sflag:s14] =	ssyncadd.s32 $0xFFFFEC00  }
0x27: {  	[spmem:s8] =	stream.linear.scatter [tilespmem:s13], [sflag:$0x2], $0x1400, $0x38;
	[tilespmem:$0x71C0] =	vst v63  }
0x28: {  	_ =	swait.ge [sflag:s14], $0x1400  }
0x29: {  	[sflag:s14] =	ssyncset.done $0x0  }
0x2a: {  	[sflag:s14] =	ssyncadd.s32 $0xFFFFEC00  }
0x2b: {  	[spmem:s9] =	stream.linear.scatter [tilespmem:s13], [sflag:$0x2], $0x1400, $0x38;
	[tilespmem:$0x71C0] =	vst v63  }
0x2c: {  	_ =	swait.ge [sflag:s14], $0x1400  }
0x2d: {  	[sflag:s14] =	ssyncset.done $0x0  }
0x2e: {  	[sflag:s14] =	ssyncadd.s32 $0xFFFFEC00  }
0x2f: {  	[spmem:s10] =	stream.linear.scatter [tilespmem:s13], [sflag:$0x2], $0x1400, $0x38;
	[tilespmem:$0x71C0] =	vst v63  }
.Ltmp3:
0x30: {  	_ =	swait.ge [sflag:s14], $0x1400;
	(pc) =	sbr.rel .LBB2_4-.Ltmp3, $4  }
0x31: {  	[sflag:s14] =	ssyncset.done $0x0  }
0x32: {  	[sflag:s14] =	ssyncadd.s32 $0xFFFFEC00  }
0x33: {  	[bflag:$0x0] =	sbarrier.arrive $0xFFFF  }
0x34: {  	s22 =	simm.s32 $0x0;
	s23 =	stileid.u32  }
.LBB2_6:
0x35: {  	s22 =	sadd.s32 $0x100, s22  }
0x36: {  	p0 =	sne.s32 s22, $0x18700  }
.Ltmp4:
0x37: {  	_ = 	snop;
	(pc) =	sbr.rel @!p0 .LBB2_7-.Ltmp4, $2  }
0x38: {  	_ =	sdelay $0x2  }
0x39: {  	s23 =	sadd.s32 $0x10, s23  }
.LBB2_4:
0x3a: {  	p0 =	sgt.u32 s23, $0x1869  }
.Ltmp5:
0x3b: {  	_ = 	snop;
	(pc) =	sbr.rel @p0 .LBB2_6-.Ltmp5, $1  }
0x3c: {  	_ =	sdelay $0x3  }
0x3d: {  	s24 =	sadd.s32 s22, s12  }
0x3e: {  	[tilespmem:s3], [sflag:$0x3] =	stream.linear.gather [hbm4b:s24+s3], $0x80, $0x38;
	[tilespmem:$0x71C0] =	vst v63  }
0x3f: {  	_ =	swait.ge [sflag:s15], $0x80  }
0x40: {  	[sflag:s15] =	ssyncset.done $0x0  }
0x41: {  	s31 =	sadd.s32 s22, s11;
	[sflag:s15] =	ssyncadd.s32 $0xFFFFFF80  }
0x42: {  	[tilespmem:s16], [sflag:$0x3] =	stream.linear.gather [hbm4b:s31+s3], $0x80, $0x38;
	[tilespmem:$0x71C0] =	vst v63  }
0x43: {  	_ =	swait.ge [sflag:s15], $0x80  }
0x44: {  	[sflag:s15] =	ssyncset.done $0x0  }
0x45: {  	[sflag:s15] =	ssyncadd.s32 $0xFFFFFF80  }
0x46: {  	v3 =	vld [tilespmem:$0x80]  }
0x47: {  	v4 =	vld [tilespmem:$0x90]  }
0x48: {  	v5 =	vld [tilespmem:$0xA0]  }
0x49: {  	v6 =	vld [tilespmem:$0xB0]  }
0x4a: {  	v7 =	vld [tilespmem:$0xC0]  }
0x4b: {  	v8 =	vld [tilespmem:$0xD0]  }
0x4c: {  	vm0 =	vge.s32 v3, v0;
	vm1 =	vlt.s32 v3, v1;
	v3 =	vsub.s32 v3, v0  }
0x4d: {  	v9 =	vld [tilespmem:$0xE0];
	vm12 =	vge.s32 v4, v0;
	vm2 =	vlt.s32 v4, v1;
	v4 =	vsub.s32 v4, v0  }
0x4e: {  	vm14 =	vge.s32 v5, v0;
	vm15 =	vlt.s32 v5, v1;
	vm4 =	vge.s32 v6, v0  }
0x4f: {  	vm5 =	vlt.s32 v6, v1;
	v5 =	vsub.s32 v5, v0;
	v6 =	vsub.s32 v6, v0  }
0x50: {  	vm6 =	vge.s32 v7, v0;
	vm7 =	vlt.s32 v7, v1;
	vm8 =	vge.s32 v8, v0  }
0x51: {  	v10 =	vld [tilespmem:$0xF0];
	vm3 =	vlt.s32 v8, v1;
	v62 =	vsub.s32 v8, v0;
	vm0 =	vmand vm0, vm1  }
0x52: {  	vm10 =	vge.s32 v9, v0;
	vm13 =	vmand vm12, vm2;
	v3 =	vnsel vm0, $0x1400, v3  }
0x53: {  	vm11 =	vlt.s32 v9, v1;
	vm1 =	vmand vm4, vm5;
	v4 =	vnsel vm13, $0x1400, v4;
	[tilespmem:$0x100] =	vst v3  }
0x54: {  	vm9 =	vmand vm8, vm3;
	vm0 =	vmand vm14, vm15;
	v6 =	vnsel vm1, $0x1400, v6;
	[tilespmem:$0x110] =	vst v4  }
0x55: {  	v5 =	vnsel vm0, $0x1400, v5;
	vm0 =	vmand vm6, vm7;
	v3 =	vsub.s32 v7, v0;
	[tilespmem:$0x130] =	vst v6  }
0x56: {  	vm12 =	vmand vm10, vm11;
	vm13 =	vge.s32 v10, v0;
	[tilespmem:$0x120] =	vst v5;
	v3 =	vnsel vm0, $0x1400, v3  }
0x57: {  	vm14 =	vlt.s32 v10, v1;
	v4 =	vnsel vm9, $0x1400, v62;
	[tilespmem:$0x140] =	vst v3;
	v3 =	vsub.s32 v9, v0  }
0x58: {  	v63 =	vsub.s32 v10, v0;
	vm15 =	vmand vm13, vm14;
	[tilespmem:$0x150] =	vst v4;
	v3 =	vnsel vm12, $0x1400, v3  }
0x59: {  	[tilespmem:$0x160] =	vst v3;
	v3 =	vnsel vm15, $0x1400, v63  }
0x5a: {  	[tilespmem:$0x170] =	vst v3  }
0x5b: {  	[tilespmem:s13], [sflag:$0x1] =	stream.indirect.gather [hbm4b:s4+s16], $0x40, s3, s16, $0xb8;
	[tilespmem:$0x71C0] =	vst v63  }
0x5c: {  	_ =	swait.ge [sflag:s17], $0x2000  }
0x5d: {  	[sflag:s17] =	ssyncset.done $0x0  }
.Ltmp6:
0x5e: {  	[sflag:s17] =	ssyncadd.s32 $0xFFFFE000;
	(pc) =	sbr.rel .LBB2_6-.Ltmp6, $4  }
0x5f: {  	[spmem:s2] =	stream.indirect.scatter.add.f32 [tilespmem:s13], [sflag:$0x2], $0x40, s18, s16, $0xb8;
	[tilespmem:$0x71C0] =	vst v63  }
0x60: {  	_ =	swait.ge [sflag:s14], $0x2000  }
0x61: {  	[sflag:s14] =	ssyncset.done $0x0  }
0x62: {  	[sflag:s14] =	ssyncadd.s32 $0xFFFFE000  }
.LBB2_8:
0x63: {  	_ =	sfence.sel $0x180000  }
0x64: {  	[bflag:$0x0] =	sbarrier.arrive $0xFFFF  }
0x65: {  	p0 =	sne.s32 s0, $0x0;
	_ =	strace $0x90000053  }
0x66: {  	s0 =	sadd.s32 @!p0 $0x100000, s1;
	[bflag:$0x2] =	sbarrier.arrive $0xFFFF  }
0x67: {  	[sflag:s0] =	ssyncadd.tile.s32 @!p0 $0x1;
	_ =	shalt  }
.Lfunc_end2:
_tile_overlayer_lowered:
.L_overlay_start_2:
0x68: {  	(tag) =	ssettag $0x2  }
0x69: {  	s0 =	rddreg [dreg:$0x0];
	s2 =	stileid.u32  }
0x6a: {  	s1 =	rddreg [dreg:$0x1];
	p0 =	sne.s32 s2, $0x0  }
0x6b: {  	s3 =	rddreg [dreg:$0x2];
	[bflag:$0x3] =	sbarrier.arrive $0xFFFF;
	s2 =	simm.s32 @!p0 $0x1C02  }
0x6c: {  	[timem:s3], [sflag:s2] =	dma.local @!p0 [hbm:s0], s1  }
0x6d: {  	s0 =	simm.s32 @!p0 $0x2  }
0x6e: {  	_ =	swait.ge @!p0 [sflag:s0], s1  }
0x6f: {  	s1 =	ssub.s32 @!p0 $0x0, s1;
	[sflag:s0] =	ssyncset.done @!p0 $0x0  }
0x70: {  	[sflag:s0] =	ssyncadd.s32 @!p0 s1  }
0x71: {  	[bflag:$0x3] =	sbarrier.arrive $0xFFFF  }
0x72: {  	_ =	shalt  }

// kernel: kernel.28.cloned.1.call-start
scs
__scs_entry_jumppad:
0x0: {  	(pc) =	sbr.rel $0x88, $3  }
0x1: {  	(tag) =	ssettag $0x0;
	lr =	simm.s32 $0x1  }
0x2: {  	[smem:$0x3F89] =	sst lr;
	_ =	strace $0xD0000000  }
0x3: {  	_ = 	snop  }
0x4: {  	_ = 	snop  }
0x5: {  	_ = 	snop  }
0x6: {  	_ = 	snop  }
0x7: {  	_ = 	snop  }
__scs_overlays_trampoline_lowered:
0x8: {  	[smem:$0x3F98] =	sst s0  }
0x9: {  	[smem:$0x3F99] =	sst s1  }
0xa: {  	[smem:$0x3F9A] =	sst s2  }
0xb: {  	[smem:$0x3F9B] =	sst s3  }
0xc: {  	[smem:$0x3F9C] =	sst s4  }
0xd: {  	[smem:$0x3F9D] =	sst s5  }
0xe: {  	[smem:$0x3F9E] =	sst s6  }
0xf: {  	[smem:$0x3F9F] =	sst s7  }
0x10: {  	[smem:$0x3FA0] =	sst s8  }
0x11: {  	[smem:$0x3FA1] =	sst s9;
	s0 =	simm.s32 @!p0 $0x0  }
0x12: {  	s1 =	sld [smem:$0x3F87];
	s0 =	simm.s32 @p0 $0x1  }
0x13: {  	[smem:$0x3FA2] =	sst s0;
	s0 =	simm.s32 @!p1 $0x0  }
0x14: {  	s2 =	sld [smem:$0x3F86];
	s0 =	simm.s32 @p1 $0x1  }
0x15: {  	[smem:$0x3FA3] =	sst s0;
	s0 =	simm.s32 @!p2 $0x0  }
0x16: {  	s3 =	sld [smem:$0x3FDB];
	s0 =	simm.s32 @p2 $0x1  }
0x17: {  	s4 =	simm.s32 $0x1BF5;
	[smem:$0x3FA5] =	sst s0  }
0x18: {  	s0 =	sld [smem:$0x3F88];
	_ =	swait.ge [sflag:s4], $0x0  }
0x19: {  	s7 =	sld [smem:$0x3F89]  }
0x1a: {  	s8 =	sadd.s32 $0xFFFFE003, lr  }
0x1b: {  	s9 =	sadd.s32 $0xFFFFFEF7, lr;
	s5 =	simm.s32 $0xFFFFFFFF;
	p2 =	slt.u32 s8, $0xFFFFF086  }
0x1c: {  	p1 =	slt.u32 s9, $0xF7A;
	s5 =	simm.s32 @!p2 $0x0  }
0x1d: {  	s5 =	simm.s32 @p1 $0x1;
	p0 =	seq.s32 s7, s2  }
0x1e: {  	s7 =	smul.u32 @!p0 $0xF7A, s2;
	p2 =	seq.s32 @!p0 s5, $0x0  }
0x1f: {  	s9 =	smul.u32 $0xF7A, s1;
	s8 =	simm.s32 @!p0 $0x1BF5;
	p2 =	por !p2, p0  }
0x20: {  	[sflag:s8] =	ssyncset.s32 @!p0 $0xFFFFF086;
	s6 =	sadd.s32 @!p0 s3, s7;
	s7 =	simm.s32 @!p0 $0x108  }
0x21: {  	s3 =	sadd.s32 s3, s9;
	s6 =	sadd.s32 @!p0 $0x88, s6;
	s7 =	simm.s32 @p2 $0x1082  }
0x22: {  	[simem:s7], [sflag:s8] =	dma.local @!p0 [hbm:s6], $0xF7A  }
0x23: {  	s9 =	sor.u32 $0xD0000000, s2;
	s6 =	simm.s32 $0x108;
	_ =	swait.ge @!p0 [sflag:s8], $0x0  }
0x24: {  	s3 =	sadd.s32 $0x88, s3;
	s6 =	simm.s32 @!p1 $0x1082;
	[sflag:s4] =	ssyncset.s32 $0xFFFFF086  }
0x25: {  	[simem:s6], [sflag:s4] =	dma.local [hbm:s3], $0xF7A  }
0x26: {  	[smem:$0x3F89] =	sst s1;
	(tag) =	ssettag s2;
	_ =	strace s9  }
0x27: {  	s1 =	sld [smem:$0x3F99]  }
0x28: {  	s2 =	sld [smem:$0x3F9A]  }
0x29: {  	s4 =	sld [smem:$0x3F9C]  }
0x2a: {  	p0 =	seq.s32 s5, $0x0;
	s5 =	sld [smem:$0x3F9D]  }
0x2b: {  	s6 =	sld [smem:$0x3F9E]  }
0x2c: {  	s7 =	sld [smem:$0x3F9F]  }
0x2d: {  	s3 =	simm.s32 $0x108;
	s8 =	sld [smem:$0x3FA0]  }
0x2e: {  	s3 =	simm.s32 @!p0 $0x1082;
	s9 =	sld [smem:$0x3FA1]  }
0x2f: {  	lr =	sadd.s32 s0, s3;
	s0 =	sld [smem:$0x3F98]  }
0x30: {  	s3 =	sld [smem:$0x3F9B]  }
0x31: {  	[smem:$0x3FA4] =	sst s10  }
0x32: {  	s10 =	sld [smem:$0x3FA2];
	_ =	sdelay $0x3  }
0x33: {  	p0 =	seq.s32 s10, $0x1;
	s10 =	sld [smem:$0x3FA4];
	_ =	sdelay $0x3  }
0x34: {  	[smem:$0x3FA4] =	sst s10  }
0x35: {  	s10 =	sld [smem:$0x3FA3];
	_ =	sdelay $0x3  }
0x36: {  	p1 =	seq.s32 s10, $0x1;
	s10 =	sld [smem:$0x3FA4];
	_ =	sdelay $0x3  }
0x37: {  	[smem:$0x3FA4] =	sst s10  }
0x38: {  	s10 =	sld [smem:$0x3FA5]  }
0x39: {  	_ = 	snop;
	(pc) =	sbr.ind lr, $3  }
0x3a: {  	_ = 	snop  }
0x3b: {  	_ = 	snop  }
0x3c: {  	p2 =	seq.s32 s10, $0x1;
	s10 =	sld [smem:$0x3FA4]  }
0x3d: {  	_ =	shalt  }
0x3e: {  	_ =	shalt  }
0x3f: {  	_ =	shalt  }
0x40: {  	_ =	shalt  }
0x41: {  	_ =	shalt  }
0x42: {  	_ =	shalt  }
0x43: {  	_ =	shalt  }
0x44: {  	_ =	shalt  }
0x45: {  	_ =	shalt  }
0x46: {  	_ =	shalt  }
0x47: {  	_ =	shalt  }
0x48: {  	_ =	shalt  }
0x49: {  	_ =	shalt  }
0x4a: {  	_ =	shalt  }
0x4b: {  	_ =	shalt  }
0x4c: {  	_ =	shalt  }
0x4d: {  	_ =	shalt  }
0x4e: {  	_ =	shalt  }
0x4f: {  	_ =	shalt  }
0x50: {  	_ =	shalt  }
0x51: {  	_ =	shalt  }
0x52: {  	_ =	shalt  }
0x53: {  	_ =	shalt  }
0x54: {  	_ =	shalt  }
0x55: {  	_ =	shalt  }
0x56: {  	_ =	shalt  }
0x57: {  	_ =	shalt  }
0x58: {  	_ =	shalt  }
0x59: {  	_ =	shalt  }
0x5a: {  	_ =	shalt  }
0x5b: {  	_ =	shalt  }
0x5c: {  	_ =	shalt  }
0x5d: {  	_ =	shalt  }
0x5e: {  	_ =	shalt  }
0x5f: {  	_ =	shalt  }
0x60: {  	_ =	shalt  }
0x61: {  	_ =	shalt  }
0x62: {  	_ =	shalt  }
0x63: {  	_ =	shalt  }
0x64: {  	_ =	shalt  }
0x65: {  	_ =	shalt  }
0x66: {  	_ =	shalt  }
0x67: {  	_ =	shalt  }
0x68: {  	_ =	shalt  }
0x69: {  	_ =	shalt  }
0x6a: {  	_ =	shalt  }
0x6b: {  	_ =	shalt  }
0x6c: {  	_ =	shalt  }
0x6d: {  	_ =	shalt  }
0x6e: {  	_ =	shalt  }
0x6f: {  	_ =	shalt  }
0x70: {  	_ =	shalt  }
0x71: {  	_ =	shalt  }
0x72: {  	_ =	shalt  }
0x73: {  	_ =	shalt  }
0x74: {  	_ =	shalt  }
0x75: {  	_ =	shalt  }
0x76: {  	_ =	shalt  }
0x77: {  	_ =	shalt  }
0x78: {  	_ =	shalt  }
0x79: {  	_ =	shalt  }
0x7a: {  	_ =	shalt  }
0x7b: {  	_ =	shalt  }
0x7c: {  	_ =	shalt  }
0x7d: {  	_ =	shalt  }
0x7e: {  	_ =	shalt  }
0x7f: {  	_ =	shalt  }
0x80: {  	_ =	shalt  }
0x81: {  	_ =	shalt  }
0x82: {  	_ =	shalt  }
0x83: {  	_ =	shalt  }
0x84: {  	_ =	shalt  }
0x85: {  	_ =	shalt  }
0x86: {  	_ =	shalt  }
0x87: {  	_ =	shalt  }
.Lfunc_end0:
.L_simem_size_0:
called_computation.4_lowered:
.L_overlay_start_0:
0x88: {  	s2 =	sld [smem:$0x3FD9]  }
0x89: {  	s3 =	sld [smem:$0x3FFE];
	_ =	sdelay $0x1  }
0x8a: {  	s1 =	srdreg.scid  }
0x8b: {  	s0 =	sand.u32 $0x1, s1  }
0x8c: {  	s17 =	sshll.u32 s0, $0xA;
	s2 =	sadd.s32 s3, s2  }
0x8d: {  	s2 =	sadd.s32 s2, s17  }
0x8e: {  	[smem:$0x3FB0] =	sst s2  }
0x8f: {  	_ = 	snop  }
0x90: {  	s18 =	sld [smem:$0x3FB5]  }
0x91: {  	s4 =	sld [smem:$0x3FB4];
	(tm) =	ssettm $0x1  }
0x92: {  	s19 =	sld [smem:$0x3FFB];
	_ =	sdelay $0x3  }
0x93: {  	_ =	strace s19  }
0x94: {  	s2 =	sld [smem:$0x3FFC];
	_ =	sdelay $0x3  }
0x95: {  	_ =	strace s2  }
0x96: {  	s2 =	sld [smem:$0x3FFD];
	_ =	sdelay $0x3  }
0x97: {  	_ =	strace s2  }
0x98: {  	_ =	strace $0x8FFFFFFF  }
0x99: {  	s20 =	sld [smem:$0x3FDB];
	_ =	sdelay $0x1  }
0x9a: {  	s5 =	simm.s32 $_scs_section_size  }
0x9b: {  	s6 =	simm.s32 $_size__tile_overlayer_lowered;
	s7 =	simm.s32 $_tile_overlayer_lowered  }
0x9c: {  	s8 =	simm.s32 $0x1BFF;
	s21 =	sshll.u32 s7, $0x1;
	s5 =	sadd.s32 s5, s20  }
0x9d: {  	s22 =	simm.s32 $0x0;
	s6 =	sshll.u32 s6, $0x1;
	s7 =	sadd.s32 s21, s5  }
0x9e: {  	[timem:s22], [sflag:s8] =	dma.local [hbm:s7], s6  }
0x9f: {  	_ =	swait.ge [sflag:s8], s6  }
0xa0: {  	s6 =	ssub.s32 $0x0, s6;
	[sflag:s8] =	ssyncset.done $0x0  }
0xa1: {  	[sflag:s8] =	ssyncadd.s32 s6;
	_ =	sdelay $0x1  }
0xa2: {  	s23 =	simm.s32 $0x1B8B  }
0xa3: {  	_ =	swait.ge [sflag:s23], $0x1  }
0xa4: {  	[sflag:s23] =	ssyncset.done $0x0  }
0xa5: {  	[sflag:s23] =	ssyncadd.s32 $0xFFFFFFFF  }
0xa6: {  	s6 =	sld [smem:$0x0]  }
0xa7: {  	s7 =	sand.u32 $0xFFFFFFFE, s1  }
0xa8: {  	p0 =	sne.s32 s1, s7  }
0xa9: {  	s7 =	sshll.u32 @p0 s7, $0xE  }
0xaa: {  	s7 =	sadd.s32 @p0 $0x11B8D, s7;
	s8 =	sshll.u32 @p0 s6, $0x11  }
0xab: {  	s7 =	sor.u32 @p0 s8, s7  }
0xac: {  	[sflag:s7] =	ssyncadd.remote.s32 @p0 $0x1;
	_ =	sdelay $0x1  }
0xad: {  	s7 =	simm.s32 @p0 $0x1B8D  }
0xae: {  	_ =	swait.eq @p0 [sflag:s7], $0x1  }
0xaf: {  	[sflag:s7] =	ssyncadd.s32 @p0 $0xFFFFFFFF  }
0xb0: {  	s8 =	sshll.u32 @!p0 s1, $0xE  }
0xb1: {  	s8 =	sor.u32 @!p0 $0x4000, s8;
	s7 =	simm.s32 @!p0 $0x1B8D  }
0xb2: {  	s6 =	sshll.u32 @!p0 s6, $0x11;
	s8 =	sadd.s32 @!p0 $0x11B8D, s8;
	_ =	swait.eq @!p0 [sflag:s7], $0x1  }
0xb3: {  	s6 =	sor.u32 @!p0 s6, s8;
	[sflag:s7] =	ssyncadd.s32 @!p0 $0xFFFFFFFF  }
0xb4: {  	s25 =	simm.s32 $0x1B8E;
	s24 =	sld [smem:$0x3FFE];
	[sflag:s6] =	ssyncadd.remote.s32 @!p0 $0x1  }
0xb5: {  	s26 =	simm.s32 $execute0_lowered;
	[smem:$0x3FD2] =	sst s25  }
0xb6: {  	s7 =	sshll.u32 s26, $0x1;
	_ =	strace $0x8000004F;
	[dreg:$0x1] =	wrdreg $0xFFFFFFFF  }
0xb7: {  	s28 =	simm.s32 $_size_execute0_lowered;
	s5 =	sadd.s32 s5, s7;
	[dreg:$0x0] =	wrdreg $0x0  }
0xb8: {  	s7 =	sshll.u32 s28, $0x1;
	[dreg:$0x2] =	wrdreg s5  }
0xb9: {  	[dreg:$0x3] =	wrdreg s7  }
0xba: {  	[dreg:$0x4] =	wrdreg $0xC0  }
0xbb: {  	_ =	task [dreg:s22], $0x5FFFF  }
0xbc: {  	[dreg:$0x1] =	wrdreg $0xFFFFFFFF  }
0xbd: {  	[dreg:$0x0] =	wrdreg $0x60  }
0xbe: {  	[dreg:$0x2] =	wrdreg s4  }
0xbf: {  	[dreg:$0x3] =	wrdreg s18  }
0xc0: {  	[dreg:$0x4] =	wrdreg s24  }
0xc1: {  	[dreg:$0x5] =	wrdreg $0x21800  }
0xc2: {  	[dreg:$0x6] =	wrdreg $0xA  }
0xc3: {  	_ =	task.clear_ibuf [dreg:s22], $0x7FFFF;
	_ =	strace $0x9000004F  }
0xc4: {  	s29 =	simm.s32 $0xA;
	_ =	strace $0x80000051  }
0xc5: {  	_ =	swait.ge [sflag:s29], $0x1  }
0xc6: {  	[sflag:s29] =	ssyncadd.s32 $0xFFFFFFFF  }
0xc7: {  	_ =	strace $0x90000051  }
0xc8: {  	_ =	sfence  }
0xc9: {  	s30 =	sld [smem:$0x0];
	_ =	sdelay $0x2  }
0xca: {  	s31 =	sshll.u32 s1, $0xD;
	s1 =	sshrl.u32 s1, $0x2  }
0xcb: {  	s4 =	sand.u32 $0x4000, s31;
	s1 =	sadd.s32 s1, s30  }
0xcc: {  	s0 =	sor.u32 s4, s0;
	s1 =	sshll.u32 s1, $0x11  }
0xcd: {  	s0 =	sor.u32 s1, s0  }
0xce: {  	s0 =	sadd.s32 $0x8F2B, s0  }
0xcf: {  	[sflag:s0] =	ssyncadd.remote.s32 $0x1  }
0xd0: {  	_ =	sfence.sel $0xFFFF  }
0xd1: {  	[dreg:$0x0] =	wrdreg $0xFFFFFFFF;
	(pc) =	sbr.abs _section_cstart, $3  }
0xd2: {  	[dreg:$0x1] =	wrdreg $0xFFFFFFFF  }
0xd3: {  	_ =	task.clear_ibuf [dreg:s22], $0x2FFFF;
	_ =	strace $0x9FFFFFFF  }
0xd4: {  	(tm) =	ssettm $0x7FFFFFFF  }
0xd5: {  	_ =	shalt  }
tec
execute0_lowered:
.L_overlay_start_1:
0x0: {  	(tag) =	ssettag $0x1  }
0x1: {  	s0 =	rddreg [dreg:$0x0]  }
0x2: {  	s21 =	rddreg [dreg:$0x1]  }
0x3: {  	s5 =	rddreg [dreg:$0x2]  }
0x4: {  	s1 =	srdreg.scid;
	s2 =	rddreg [dreg:$0x3]  }
0x5: {  	s25 =	stileid.u32;
	s3 =	simm.s32 $0x0;
	s23 =	simm.s32 $0x180  }
0x6: {  	s24 =	simm.s32 $0x2;
	s30 =	simm.s32 $0x0;
	s6 =	smul.u32 $0x620, s25  }
0x7: {  	s4 =	sand.u32 $0x1, s1;
	[smem:$0x7FF] =	sst s3;
	s8 =	smul.u32 $0x62000, s25  }
0x8: {  	s22 =	sshll.u32 s25, $0x4;
	s25 =	simm.s32 $0x3;
	s28 =	smul.u32 $0x6200, s4  }
0x9: {  	_ =	strace $0x80000050;
	s7 =	ssub.s32 $0x2, s4;
	s4 =	sadd.s32 $0x110000, s5  }
0xa: {  	s21 =	sadd.s32 s22, s21;
	s22 =	sadd.s32 s22, s0;
	s26 =	sshrl.u32 s7, $0x1  }
0xb: {  	s8 =	sshrl.u32 s8, $0x2;
	s6 =	sadd.s32 s6, s28;
	s7 =	ssub.s32 s7, s26  }
0xc: {  	s31 =	smin.u32 s28, $0x6150;
	s26 =	simm.s32 $0x80;
	v0 =	vmov s28;
	s28 =	simm.s32 $0x1  }
0xd: {  	s6 =	sshll.u32 s6, $0x3;
	s29 =	sadd.s32 $0x6200, s31;
	s7 =	smax.u32 s7, $0x1  }
0xe: {  	s5 =	sadd.s32 s6, s5;
	s6 =	sadd.s32 s8, s2;
	v1 =	vmov s29;
	s29 =	simm.s32 $0x100  }
.Ltmp0:
0xf: {  	s5 =	sadd.s32 $0x1FC000, s5;
	s8 =	sadd.s32 $0x1C00, s6;
	(pc) =	sbr.rel .LBB2_1-.Ltmp0, $4  }
0x10: {  	s9 =	sadd.s32 $0x3800, s6;
	s10 =	sadd.s32 $0x5400, s6;
	s11 =	sadd.s32 $0x7000, s6  }
0x11: {  	s12 =	sadd.s32 $0x8C00, s6;
	s13 =	sadd.s32 $0xA800, s6;
	s14 =	sadd.s32 $0xC400, s6  }
0x12: {  	s15 =	sadd.s32 $0xE000, s6;
	s16 =	sadd.s32 $0xFC00, s6;
	s17 =	sadd.s32 $0x11800, s6  }
0x13: {  	v2 =	vimm.f32 $0.0e+00;
	s18 =	sadd.s32 $0x13400, s6;
	s19 =	sadd.s32 $0x15000, s6;
	s20 =	sadd.s32 $0x16C00, s6  }
.LBB2_7:
0x14: {  	s0 =	stileid.u32;
	s30 =	sadd.s32 $0x1, s30  }
0x15: {  	[bflag:$0x0] =	sbarrier.arrive $0xFFFF;
	s0 =	sshll.u32 s0, $0x6;
	p0 =	sne.s32 s30, s7  }
.Ltmp1:
0x16: {  	s1 =	sshrl.u32 s6, $0x3;
	s0 =	sor.u32 $0x1C02, s0;
	(pc) =	sbr.rel @!p0 .LBB2_8-.Ltmp1, $4  }
0x17: {  	[hbm:s5], [sflag:s0] =	dma.local [spmem:s1], $0x3100  }
0x18: {  	_ =	swait.ge [sflag:s24], $0x3100  }
0x19: {  	[sflag:s24] =	ssyncset.done $0x0  }
0x1a: {  	[sflag:s24] =	ssyncadd.s32 $0xFFFFCF00  }
.LBB2_1:
0x1b: {  	s31 =	simm.s32 $0x100;
	s0 =	simm.s32 $0x0  }
.LBB2_2:
0x1c: {  	p0 =	sne.s32 s31, $0x6F00;
	[tilespmem:s0+$0x1B0] =	vst v2;
	s1 =	smov.u32 s31;
	s31 =	sadd.s32 $0x100, s31  }
.Ltmp2:
0x1d: {  	[tilespmem:s0+$0x1A0] =	vst v2;
	(pc) =	sbr.rel @p0 .LBB2_2-.Ltmp2, $3  }
0x1e: {  	[tilespmem:s0+$0x180] =	vst v2  }
0x1f: {  	[tilespmem:s0+$0x190] =	vst v2;
	_ =	sdelay $0x1  }
0x20: {  	s0 =	sshra.s32 s1, $0x2  }
0x21: {  	[tilespmem:s0+$0x1B0] =	vst v2  }
0x22: {  	[tilespmem:s0+$0x1A0] =	vst v2  }
0x23: {  	[tilespmem:s0+$0x180] =	vst v2  }
0x24: {  	[tilespmem:s0+$0x190] =	vst v2  }
0x25: {  	[spmem:s6] =	stream.linear.scatter [tilespmem:s23], [sflag:$0x2], $0x1C00, $0x38;
	[tilespmem:$0x1A9C0] =	vst v63  }
0x26: {  	_ =	swait.ge [sflag:s24], $0x1C00  }
0x27: {  	[sflag:s24] =	ssyncset.done $0x0  }
0x28: {  	[sflag:s24] =	ssyncadd.s32 $0xFFFFE400  }
0x29: {  	[spmem:s8] =	stream.linear.scatter [tilespmem:s23], [sflag:$0x2], $0x1C00, $0x38;
	[tilespmem:$0x1A9C0] =	vst v63  }
0x2a: {  	_ =	swait.ge [sflag:s24], $0x1C00  }
0x2b: {  	[sflag:s24] =	ssyncset.done $0x0  }
0x2c: {  	[sflag:s24] =	ssyncadd.s32 $0xFFFFE400  }
0x2d: {  	[spmem:s9] =	stream.linear.scatter [tilespmem:s23], [sflag:$0x2], $0x1C00, $0x38;
	[tilespmem:$0x1A9C0] =	vst v63  }
0x2e: {  	_ =	swait.ge [sflag:s24], $0x1C00  }
0x2f: {  	[sflag:s24] =	ssyncset.done $0x0  }
0x30: {  	[sflag:s24] =	ssyncadd.s32 $0xFFFFE400  }
0x31: {  	[spmem:s10] =	stream.linear.scatter [tilespmem:s23], [sflag:$0x2], $0x1C00, $0x38;
	[tilespmem:$0x1A9C0] =	vst v63  }
0x32: {  	_ =	swait.ge [sflag:s24], $0x1C00  }
0x33: {  	[sflag:s24] =	ssyncset.done $0x0  }
0x34: {  	[sflag:s24] =	ssyncadd.s32 $0xFFFFE400  }
0x35: {  	[spmem:s11] =	stream.linear.scatter [tilespmem:s23], [sflag:$0x2], $0x1C00, $0x38;
	[tilespmem:$0x1A9C0] =	vst v63  }
0x36: {  	_ =	swait.ge [sflag:s24], $0x1C00  }
0x37: {  	[sflag:s24] =	ssyncset.done $0x0  }
0x38: {  	[sflag:s24] =	ssyncadd.s32 $0xFFFFE400  }
0x39: {  	[spmem:s12] =	stream.linear.scatter [tilespmem:s23], [sflag:$0x2], $0x1C00, $0x38;
	[tilespmem:$0x1A9C0] =	vst v63  }
0x3a: {  	_ =	swait.ge [sflag:s24], $0x1C00  }
0x3b: {  	[sflag:s24] =	ssyncset.done $0x0  }
0x3c: {  	[sflag:s24] =	ssyncadd.s32 $0xFFFFE400  }
0x3d: {  	[spmem:s13] =	stream.linear.scatter [tilespmem:s23], [sflag:$0x2], $0x1C00, $0x38;
	[tilespmem:$0x1A9C0] =	vst v63  }
0x3e: {  	_ =	swait.ge [sflag:s24], $0x1C00  }
0x3f: {  	[sflag:s24] =	ssyncset.done $0x0  }
0x40: {  	[sflag:s24] =	ssyncadd.s32 $0xFFFFE400  }
0x41: {  	[spmem:s14] =	stream.linear.scatter [tilespmem:s23], [sflag:$0x2], $0x1C00, $0x38;
	[tilespmem:$0x1A9C0] =	vst v63  }
0x42: {  	_ =	swait.ge [sflag:s24], $0x1C00  }
0x43: {  	[sflag:s24] =	ssyncset.done $0x0  }
0x44: {  	[sflag:s24] =	ssyncadd.s32 $0xFFFFE400  }
0x45: {  	[spmem:s15] =	stream.linear.scatter [tilespmem:s23], [sflag:$0x2], $0x1C00, $0x38;
	[tilespmem:$0x1A9C0] =	vst v63  }
0x46: {  	_ =	swait.ge [sflag:s24], $0x1C00  }
0x47: {  	[sflag:s24] =	ssyncset.done $0x0  }
0x48: {  	[sflag:s24] =	ssyncadd.s32 $0xFFFFE400  }
0x49: {  	[spmem:s16] =	stream.linear.scatter [tilespmem:s23], [sflag:$0x2], $0x1C00, $0x38;
	[tilespmem:$0x1A9C0] =	vst v63  }
0x4a: {  	_ =	swait.ge [sflag:s24], $0x1C00  }
0x4b: {  	[sflag:s24] =	ssyncset.done $0x0  }
0x4c: {  	[sflag:s24] =	ssyncadd.s32 $0xFFFFE400  }
0x4d: {  	[spmem:s17] =	stream.linear.scatter [tilespmem:s23], [sflag:$0x2], $0x1C00, $0x38;
	[tilespmem:$0x1A9C0] =	vst v63  }
0x4e: {  	_ =	swait.ge [sflag:s24], $0x1C00  }
0x4f: {  	[sflag:s24] =	ssyncset.done $0x0  }
0x50: {  	[sflag:s24] =	ssyncadd.s32 $0xFFFFE400  }
0x51: {  	[spmem:s18] =	stream.linear.scatter [tilespmem:s23], [sflag:$0x2], $0x1C00, $0x38;
	[tilespmem:$0x1A9C0] =	vst v63  }
0x52: {  	_ =	swait.ge [sflag:s24], $0x1C00  }
0x53: {  	[sflag:s24] =	ssyncset.done $0x0  }
0x54: {  	[sflag:s24] =	ssyncadd.s32 $0xFFFFE400  }
0x55: {  	[spmem:s19] =	stream.linear.scatter [tilespmem:s23], [sflag:$0x2], $0x1C00, $0x38;
	[tilespmem:$0x1A9C0] =	vst v63  }
0x56: {  	_ =	swait.ge [sflag:s24], $0x1C00  }
0x57: {  	[sflag:s24] =	ssyncset.done $0x0  }
0x58: {  	[sflag:s24] =	ssyncadd.s32 $0xFFFFE400  }
0x59: {  	[spmem:s20] =	stream.linear.scatter [tilespmem:s23], [sflag:$0x2], $0x1C00, $0x38;
	[tilespmem:$0x1A9C0] =	vst v63  }
.Ltmp3:
0x5a: {  	_ =	swait.ge [sflag:s24], $0x1C00;
	(pc) =	sbr.rel .LBB2_4-.Ltmp3, $4  }
0x5b: {  	[sflag:s24] =	ssyncset.done $0x0  }
0x5c: {  	[sflag:s24] =	ssyncadd.s32 $0xFFFFE400  }
0x5d: {  	[bflag:$0x0] =	sbarrier.arrive $0xFFFF  }
0x5e: {  	s31 =	simm.s32 $0x0;
	s0 =	stileid.u32  }
.LBB2_6:
0x5f: {  	s31 =	sadd.s32 $0x100, s31  }
0x60: {  	p0 =	sne.s32 s31, $0x18700  }
.Ltmp4:
0x61: {  	_ = 	snop;
	(pc) =	sbr.rel @!p0 .LBB2_7-.Ltmp4, $2  }
0x62: {  	_ =	sdelay $0x2  }
0x63: {  	s0 =	sadd.s32 $0x10, s0  }
.LBB2_4:
0x64: {  	p0 =	sgt.u32 s0, $0x1869  }
.Ltmp5:
0x65: {  	_ = 	snop;
	(pc) =	sbr.rel @p0 .LBB2_6-.Ltmp5, $1  }
0x66: {  	_ =	sdelay $0x3  }
0x67: {  	s1 =	sadd.s32 s31, s22  }
0x68: {  	[tilespmem:s3], [sflag:$0x3] =	stream.linear.gather [hbm4b:s1+s3], $0x80, $0x38;
	[tilespmem:$0x1A9C0] =	vst v63  }
0x69: {  	_ =	swait.ge [sflag:s25], $0x80  }
0x6a: {  	[sflag:s25] =	ssyncset.done $0x0  }
0x6b: {  	s1 =	sadd.s32 s31, s21;
	[sflag:s25] =	ssyncadd.s32 $0xFFFFFF80  }
0x6c: {  	[tilespmem:s26], [sflag:$0x3] =	stream.linear.gather [hbm4b:s1+s3], $0x80, $0x38;
	[tilespmem:$0x1A9C0] =	vst v63  }
0x6d: {  	_ =	swait.ge [sflag:s25], $0x80  }
0x6e: {  	[sflag:s25] =	ssyncset.done $0x0  }
0x6f: {  	[sflag:s25] =	ssyncadd.s32 $0xFFFFFF80  }
0x70: {  	v3 =	vld [tilespmem:$0x80]  }
0x71: {  	v4 =	vld [tilespmem:$0x90]  }
0x72: {  	v5 =	vld [tilespmem:$0xA0]  }
0x73: {  	v6 =	vld [tilespmem:$0xB0]  }
0x74: {  	v7 =	vld [tilespmem:$0xC0]  }
0x75: {  	v8 =	vld [tilespmem:$0xD0]  }
0x76: {  	vm0 =	vge.s32 v3, v0;
	vm1 =	vlt.s32 v3, v1;
	v3 =	vsub.s32 v3, v0  }
0x77: {  	v9 =	vld [tilespmem:$0xE0];
	vm12 =	vge.s32 v4, v0;
	vm2 =	vlt.s32 v4, v1;
	v4 =	vsub.s32 v4, v0  }
0x78: {  	vm14 =	vge.s32 v5, v0;
	vm15 =	vlt.s32 v5, v1;
	vm4 =	vge.s32 v6, v0  }
0x79: {  	vm5 =	vlt.s32 v6, v1;
	v5 =	vsub.s32 v5, v0;
	v6 =	vsub.s32 v6, v0  }
0x7a: {  	vm6 =	vge.s32 v7, v0;
	vm7 =	vlt.s32 v7, v1;
	vm8 =	vge.s32 v8, v0  }
0x7b: {  	v10 =	vld [tilespmem:$0xF0];
	vm3 =	vlt.s32 v8, v1;
	v62 =	vsub.s32 v8, v0;
	vm0 =	vmand vm0, vm1  }
0x7c: {  	vm10 =	vge.s32 v9, v0;
	vm13 =	vmand vm12, vm2;
	v3 =	vnsel vm0, $0x6200, v3  }
0x7d: {  	vm11 =	vlt.s32 v9, v1;
	vm1 =	vmand vm4, vm5;
	v4 =	vnsel vm13, $0x6200, v4;
	[tilespmem:$0x100] =	vst v3  }
0x7e: {  	vm9 =	vmand vm8, vm3;
	vm0 =	vmand vm14, vm15;
	v6 =	vnsel vm1, $0x6200, v6;
	[tilespmem:$0x110] =	vst v4  }
0x7f: {  	v5 =	vnsel vm0, $0x6200, v5;
	vm0 =	vmand vm6, vm7;
	v3 =	vsub.s32 v7, v0;
	[tilespmem:$0x130] =	vst v6  }
0x80: {  	vm12 =	vmand vm10, vm11;
	vm13 =	vge.s32 v10, v0;
	[tilespmem:$0x120] =	vst v5;
	v3 =	vnsel vm0, $0x6200, v3  }
0x81: {  	vm14 =	vlt.s32 v10, v1;
	v4 =	vnsel vm9, $0x6200, v62;
	[tilespmem:$0x140] =	vst v3;
	v3 =	vsub.s32 v9, v0  }
0x82: {  	v63 =	vsub.s32 v10, v0;
	vm15 =	vmand vm13, vm14;
	[tilespmem:$0x150] =	vst v4;
	v3 =	vnsel vm12, $0x6200, v3  }
0x83: {  	[tilespmem:$0x160] =	vst v3;
	v3 =	vnsel vm15, $0x6200, v63  }
0x84: {  	[tilespmem:$0x170] =	vst v3  }
0x85: {  	[tilespmem:s23], [sflag:$0x1] =	stream.indirect.gather [hbm4b:s4+s26], $0x40, s3, s26, $0xb8;
	[tilespmem:$0x1A9C0] =	vst v63  }
0x86: {  	_ =	swait.ge [sflag:s28], $0x2000  }
0x87: {  	[sflag:s28] =	ssyncset.done $0x0  }
.Ltmp6:
0x88: {  	[sflag:s28] =	ssyncadd.s32 $0xFFFFE000;
	(pc) =	sbr.rel .LBB2_6-.Ltmp6, $4  }
0x89: {  	[spmem:s2] =	stream.indirect.scatter.add.f32 [tilespmem:s23], [sflag:$0x2], $0x40, s29, s26, $0xb8;
	[tilespmem:$0x1A9C0] =	vst v63  }
0x8a: {  	_ =	swait.ge [sflag:s24], $0x2000  }
0x8b: {  	[sflag:s24] =	ssyncset.done $0x0  }
0x8c: {  	[sflag:s24] =	ssyncadd.s32 $0xFFFFE000  }
.LBB2_8:
0x8d: {  	_ =	sfence.sel $0x180000  }
0x8e: {  	[bflag:$0x0] =	sbarrier.arrive $0xFFFF  }
0x8f: {  	_ =	strace $0x90000050  }
0x90: {  	s0 =	stileid.u32;
	[bflag:$0x2] =	sbarrier.arrive $0xFFFF  }
0x91: {  	p0 =	sne.s32 s0, $0x0;
	s0 =	rddreg [dreg:$0x4]  }
0x92: {  	s0 =	sadd.s32 @!p0 $0x100000, s0  }
0x93: {  	[sflag:s0] =	ssyncadd.tile.s32 @!p0 $0x1;
	_ =	shalt  }
.Lfunc_end2:
_tile_overlayer_lowered:
.L_overlay_start_2:
0x94: {  	(tag) =	ssettag $0x2  }
0x95: {  	s0 =	rddreg [dreg:$0x0];
	s2 =	stileid.u32  }
0x96: {  	s1 =	rddreg [dreg:$0x1];
	p0 =	sne.s32 s2, $0x0  }
0x97: {  	s3 =	rddreg [dreg:$0x2];
	[bflag:$0x3] =	sbarrier.arrive $0xFFFF;
	s2 =	simm.s32 @!p0 $0x1C02  }
0x98: {  	[timem:s3], [sflag:s2] =	dma.local @!p0 [hbm:s0], s1  }
0x99: {  	s0 =	simm.s32 @!p0 $0x2  }
0x9a: {  	_ =	swait.ge @!p0 [sflag:s0], s1  }
0x9b: {  	s1 =	ssub.s32 @!p0 $0x0, s1;
	[sflag:s0] =	ssyncset.done @!p0 $0x0  }
0x9c: {  	[sflag:s0] =	ssyncadd.s32 @!p0 s1  }
0x9d: {  	[bflag:$0x3] =	sbarrier.arrive $0xFFFF  }
0x9e: {  	_ =	shalt  }

// kernel: kernel.31.cloned.1.call-start
scs
__scs_entry_jumppad:
0x0: {  	(pc) =	sbr.rel $0x88, $3  }
0x1: {  	(tag) =	ssettag $0x0;
	lr =	simm.s32 $0x1  }
0x2: {  	[smem:$0x3F89] =	sst lr;
	_ =	strace $0xD0000000  }
0x3: {  	_ = 	snop  }
0x4: {  	_ = 	snop  }
0x5: {  	_ = 	snop  }
0x6: {  	_ = 	snop  }
0x7: {  	_ = 	snop  }
__scs_overlays_trampoline_lowered:
0x8: {  	[smem:$0x3F98] =	sst s0  }
0x9: {  	[smem:$0x3F99] =	sst s1  }
0xa: {  	[smem:$0x3F9A] =	sst s2  }
0xb: {  	[smem:$0x3F9B] =	sst s3  }
0xc: {  	[smem:$0x3F9C] =	sst s4  }
0xd: {  	[smem:$0x3F9D] =	sst s5  }
0xe: {  	[smem:$0x3F9E] =	sst s6  }
0xf: {  	[smem:$0x3F9F] =	sst s7  }
0x10: {  	[smem:$0x3FA0] =	sst s8  }
0x11: {  	[smem:$0x3FA1] =	sst s9;
	s0 =	simm.s32 @!p0 $0x0  }
0x12: {  	s1 =	sld [smem:$0x3F87];
	s0 =	simm.s32 @p0 $0x1  }
0x13: {  	[smem:$0x3FA2] =	sst s0;
	s0 =	simm.s32 @!p1 $0x0  }
0x14: {  	s2 =	sld [smem:$0x3F86];
	s0 =	simm.s32 @p1 $0x1  }
0x15: {  	[smem:$0x3FA3] =	sst s0;
	s0 =	simm.s32 @!p2 $0x0  }
0x16: {  	s3 =	sld [smem:$0x3FDB];
	s0 =	simm.s32 @p2 $0x1  }
0x17: {  	s4 =	simm.s32 $0x1BF5;
	[smem:$0x3FA5] =	sst s0  }
0x18: {  	s0 =	sld [smem:$0x3F88];
	_ =	swait.ge [sflag:s4], $0x0  }
0x19: {  	s7 =	sld [smem:$0x3F89]  }
0x1a: {  	s8 =	sadd.s32 $0xFFFFE003, lr  }
0x1b: {  	s9 =	sadd.s32 $0xFFFFFEF7, lr;
	s5 =	simm.s32 $0xFFFFFFFF;
	p2 =	slt.u32 s8, $0xFFFFF086  }
0x1c: {  	p1 =	slt.u32 s9, $0xF7A;
	s5 =	simm.s32 @!p2 $0x0  }
0x1d: {  	s5 =	simm.s32 @p1 $0x1;
	p0 =	seq.s32 s7, s2  }
0x1e: {  	s7 =	smul.u32 @!p0 $0xF7A, s2;
	p2 =	seq.s32 @!p0 s5, $0x0  }
0x1f: {  	s9 =	smul.u32 $0xF7A, s1;
	s8 =	simm.s32 @!p0 $0x1BF5;
	p2 =	por !p2, p0  }
0x20: {  	[sflag:s8] =	ssyncset.s32 @!p0 $0xFFFFF086;
	s6 =	sadd.s32 @!p0 s3, s7;
	s7 =	simm.s32 @!p0 $0x108  }
0x21: {  	s3 =	sadd.s32 s3, s9;
	s6 =	sadd.s32 @!p0 $0x88, s6;
	s7 =	simm.s32 @p2 $0x1082  }
0x22: {  	[simem:s7], [sflag:s8] =	dma.local @!p0 [hbm:s6], $0xF7A  }
0x23: {  	s9 =	sor.u32 $0xD0000000, s2;
	s6 =	simm.s32 $0x108;
	_ =	swait.ge @!p0 [sflag:s8], $0x0  }
0x24: {  	s3 =	sadd.s32 $0x88, s3;
	s6 =	simm.s32 @!p1 $0x1082;
	[sflag:s4] =	ssyncset.s32 $0xFFFFF086  }
0x25: {  	[simem:s6], [sflag:s4] =	dma.local [hbm:s3], $0xF7A  }
0x26: {  	[smem:$0x3F89] =	sst s1;
	(tag) =	ssettag s2;
	_ =	strace s9  }
0x27: {  	s1 =	sld [smem:$0x3F99]  }
0x28: {  	s2 =	sld [smem:$0x3F9A]  }
0x29: {  	s4 =	sld [smem:$0x3F9C]  }
0x2a: {  	p0 =	seq.s32 s5, $0x0;
	s5 =	sld [smem:$0x3F9D]  }
0x2b: {  	s6 =	sld [smem:$0x3F9E]  }
0x2c: {  	s7 =	sld [smem:$0x3F9F]  }
0x2d: {  	s3 =	simm.s32 $0x108;
	s8 =	sld [smem:$0x3FA0]  }
0x2e: {  	s3 =	simm.s32 @!p0 $0x1082;
	s9 =	sld [smem:$0x3FA1]  }
0x2f: {  	lr =	sadd.s32 s0, s3;
	s0 =	sld [smem:$0x3F98]  }
0x30: {  	s3 =	sld [smem:$0x3F9B]  }
0x31: {  	[smem:$0x3FA4] =	sst s10  }
0x32: {  	s10 =	sld [smem:$0x3FA2];
	_ =	sdelay $0x3  }
0x33: {  	p0 =	seq.s32 s10, $0x1;
	s10 =	sld [smem:$0x3FA4];
	_ =	sdelay $0x3  }
0x34: {  	[smem:$0x3FA4] =	sst s10  }
0x35: {  	s10 =	sld [smem:$0x3FA3];
	_ =	sdelay $0x3  }
0x36: {  	p1 =	seq.s32 s10, $0x1;
	s10 =	sld [smem:$0x3FA4];
	_ =	sdelay $0x3  }
0x37: {  	[smem:$0x3FA4] =	sst s10  }
0x38: {  	s10 =	sld [smem:$0x3FA5]  }
0x39: {  	_ = 	snop;
	(pc) =	sbr.ind lr, $3  }
0x3a: {  	_ = 	snop  }
0x3b: {  	_ = 	snop  }
0x3c: {  	p2 =	seq.s32 s10, $0x1;
	s10 =	sld [smem:$0x3FA4]  }
0x3d: {  	_ =	shalt  }
0x3e: {  	_ =	shalt  }
0x3f: {  	_ =	shalt  }
0x40: {  	_ =	shalt  }
0x41: {  	_ =	shalt  }
0x42: {  	_ =	shalt  }
0x43: {  	_ =	shalt  }
0x44: {  	_ =	shalt  }
0x45: {  	_ =	shalt  }
0x46: {  	_ =	shalt  }
0x47: {  	_ =	shalt  }
0x48: {  	_ =	shalt  }
0x49: {  	_ =	shalt  }
0x4a: {  	_ =	shalt  }
0x4b: {  	_ =	shalt  }
0x4c: {  	_ =	shalt  }
0x4d: {  	_ =	shalt  }
0x4e: {  	_ =	shalt  }
0x4f: {  	_ =	shalt  }
0x50: {  	_ =	shalt  }
0x51: {  	_ =	shalt  }
0x52: {  	_ =	shalt  }
0x53: {  	_ =	shalt  }
0x54: {  	_ =	shalt  }
0x55: {  	_ =	shalt  }
0x56: {  	_ =	shalt  }
0x57: {  	_ =	shalt  }
0x58: {  	_ =	shalt  }
0x59: {  	_ =	shalt  }
0x5a: {  	_ =	shalt  }
0x5b: {  	_ =	shalt  }
0x5c: {  	_ =	shalt  }
0x5d: {  	_ =	shalt  }
0x5e: {  	_ =	shalt  }
0x5f: {  	_ =	shalt  }
0x60: {  	_ =	shalt  }
0x61: {  	_ =	shalt  }
0x62: {  	_ =	shalt  }
0x63: {  	_ =	shalt  }
0x64: {  	_ =	shalt  }
0x65: {  	_ =	shalt  }
0x66: {  	_ =	shalt  }
0x67: {  	_ =	shalt  }
0x68: {  	_ =	shalt  }
0x69: {  	_ =	shalt  }
0x6a: {  	_ =	shalt  }
0x6b: {  	_ =	shalt  }
0x6c: {  	_ =	shalt  }
0x6d: {  	_ =	shalt  }
0x6e: {  	_ =	shalt  }
0x6f: {  	_ =	shalt  }
0x70: {  	_ =	shalt  }
0x71: {  	_ =	shalt  }
0x72: {  	_ =	shalt  }
0x73: {  	_ =	shalt  }
0x74: {  	_ =	shalt  }
0x75: {  	_ =	shalt  }
0x76: {  	_ =	shalt  }
0x77: {  	_ =	shalt  }
0x78: {  	_ =	shalt  }
0x79: {  	_ =	shalt  }
0x7a: {  	_ =	shalt  }
0x7b: {  	_ =	shalt  }
0x7c: {  	_ =	shalt  }
0x7d: {  	_ =	shalt  }
0x7e: {  	_ =	shalt  }
0x7f: {  	_ =	shalt  }
0x80: {  	_ =	shalt  }
0x81: {  	_ =	shalt  }
0x82: {  	_ =	shalt  }
0x83: {  	_ =	shalt  }
0x84: {  	_ =	shalt  }
0x85: {  	_ =	shalt  }
0x86: {  	_ =	shalt  }
0x87: {  	_ =	shalt  }
.Lfunc_end0:
.L_simem_size_0:
called_computation.5_lowered:
.L_overlay_start_0:
0x88: {  	s2 =	sld [smem:$0x3FD9]  }
0x89: {  	s3 =	sld [smem:$0x3FFE];
	_ =	sdelay $0x1  }
0x8a: {  	s1 =	srdreg.scid  }
0x8b: {  	s0 =	sand.u32 $0x1, s1  }
0x8c: {  	s17 =	sshll.u32 s0, $0xA;
	s2 =	sadd.s32 s3, s2  }
0x8d: {  	s2 =	sadd.s32 s2, s17  }
0x8e: {  	[smem:$0x3FB0] =	sst s2  }
0x8f: {  	_ = 	snop  }
0x90: {  	s18 =	sld [smem:$0x3FB5]  }
0x91: {  	s4 =	sld [smem:$0x3FB4];
	(tm) =	ssettm $0x1  }
0x92: {  	s19 =	sld [smem:$0x3FFB];
	_ =	sdelay $0x3  }
0x93: {  	_ =	strace s19  }
0x94: {  	s2 =	sld [smem:$0x3FFC];
	_ =	sdelay $0x3  }
0x95: {  	_ =	strace s2  }
0x96: {  	s2 =	sld [smem:$0x3FFD];
	_ =	sdelay $0x3  }
0x97: {  	_ =	strace s2  }
0x98: {  	_ =	strace $0x8FFFFFFF  }
0x99: {  	s20 =	sld [smem:$0x3FDB];
	_ =	sdelay $0x1  }
0x9a: {  	s5 =	simm.s32 $_scs_section_size  }
0x9b: {  	s6 =	simm.s32 $_size__tile_overlayer_lowered;
	s7 =	simm.s32 $_tile_overlayer_lowered  }
0x9c: {  	s8 =	simm.s32 $0x1BFF;
	s21 =	sshll.u32 s7, $0x1;
	s5 =	sadd.s32 s5, s20  }
0x9d: {  	s22 =	simm.s32 $0x0;
	s6 =	sshll.u32 s6, $0x1;
	s7 =	sadd.s32 s21, s5  }
0x9e: {  	[timem:s22], [sflag:s8] =	dma.local [hbm:s7], s6  }
0x9f: {  	_ =	swait.ge [sflag:s8], s6  }
0xa0: {  	s6 =	ssub.s32 $0x0, s6;
	[sflag:s8] =	ssyncset.done $0x0  }
0xa1: {  	[sflag:s8] =	ssyncadd.s32 s6;
	_ =	sdelay $0x1  }
0xa2: {  	s23 =	simm.s32 $0x1B8B  }
0xa3: {  	_ =	swait.ge [sflag:s23], $0x1  }
0xa4: {  	[sflag:s23] =	ssyncset.done $0x0  }
0xa5: {  	[sflag:s23] =	ssyncadd.s32 $0xFFFFFFFF  }
0xa6: {  	s6 =	sld [smem:$0x0]  }
0xa7: {  	s7 =	sand.u32 $0xFFFFFFFE, s1  }
0xa8: {  	p0 =	sne.s32 s1, s7  }
0xa9: {  	s7 =	sshll.u32 @p0 s7, $0xE  }
0xaa: {  	s7 =	sadd.s32 @p0 $0x11B8D, s7;
	s8 =	sshll.u32 @p0 s6, $0x11  }
0xab: {  	s7 =	sor.u32 @p0 s8, s7  }
0xac: {  	[sflag:s7] =	ssyncadd.remote.s32 @p0 $0x1;
	_ =	sdelay $0x1  }
0xad: {  	s7 =	simm.s32 @p0 $0x1B8D  }
0xae: {  	_ =	swait.eq @p0 [sflag:s7], $0x1  }
0xaf: {  	[sflag:s7] =	ssyncadd.s32 @p0 $0xFFFFFFFF  }
0xb0: {  	s8 =	sshll.u32 @!p0 s1, $0xE  }
0xb1: {  	s8 =	sor.u32 @!p0 $0x4000, s8;
	s7 =	simm.s32 @!p0 $0x1B8D  }
0xb2: {  	s6 =	sshll.u32 @!p0 s6, $0x11;
	s8 =	sadd.s32 @!p0 $0x11B8D, s8;
	_ =	swait.eq @!p0 [sflag:s7], $0x1  }
0xb3: {  	s6 =	sor.u32 @!p0 s6, s8;
	[sflag:s7] =	ssyncadd.s32 @!p0 $0xFFFFFFFF  }
0xb4: {  	s25 =	simm.s32 $0x1B8E;
	s24 =	sld [smem:$0x3FFE];
	[sflag:s6] =	ssyncadd.remote.s32 @!p0 $0x1  }
0xb5: {  	s26 =	simm.s32 $execute0_lowered;
	[smem:$0x3FD2] =	sst s25  }
0xb6: {  	s7 =	sshll.u32 s26, $0x1;
	_ =	strace $0x80000055;
	[dreg:$0x1] =	wrdreg $0xFFFFFFFF  }
0xb7: {  	s28 =	simm.s32 $_size_execute0_lowered;
	s5 =	sadd.s32 s5, s7;
	[dreg:$0x0] =	wrdreg $0x0  }
0xb8: {  	s7 =	sshll.u32 s28, $0x1;
	[dreg:$0x2] =	wrdreg s5  }
0xb9: {  	[dreg:$0x3] =	wrdreg s7  }
0xba: {  	[dreg:$0x4] =	wrdreg $0xC0  }
0xbb: {  	_ =	task [dreg:s22], $0x5FFFF  }
0xbc: {  	[dreg:$0x1] =	wrdreg $0xFFFFFFFF  }
0xbd: {  	[dreg:$0x0] =	wrdreg $0x60  }
0xbe: {  	[dreg:$0x2] =	wrdreg s18  }
0xbf: {  	[dreg:$0x3] =	wrdreg s4  }
0xc0: {  	[dreg:$0x4] =	wrdreg s24  }
0xc1: {  	[dreg:$0x5] =	wrdreg $0x21800  }
0xc2: {  	[dreg:$0x6] =	wrdreg $0xA  }
0xc3: {  	_ =	task.clear_ibuf [dreg:s22], $0x7FFFF;
	_ =	strace $0x90000055  }
0xc4: {  	s29 =	simm.s32 $0xA;
	_ =	strace $0x80000057  }
0xc5: {  	_ =	swait.ge [sflag:s29], $0x1  }
0xc6: {  	[sflag:s29] =	ssyncadd.s32 $0xFFFFFFFF  }
0xc7: {  	_ =	strace $0x90000057  }
0xc8: {  	_ =	sfence  }
0xc9: {  	s30 =	sld [smem:$0x0];
	_ =	sdelay $0x2  }
0xca: {  	s31 =	sshll.u32 s1, $0xD;
	s1 =	sshrl.u32 s1, $0x2  }
0xcb: {  	s4 =	sand.u32 $0x4000, s31;
	s1 =	sadd.s32 s1, s30  }
0xcc: {  	s0 =	sor.u32 s4, s0;
	s1 =	sshll.u32 s1, $0x11  }
0xcd: {  	s0 =	sor.u32 s1, s0  }
0xce: {  	s0 =	sadd.s32 $0x8F2B, s0  }
0xcf: {  	[sflag:s0] =	ssyncadd.remote.s32 $0x1  }
0xd0: {  	_ =	sfence.sel $0xFFFF  }
0xd1: {  	[dreg:$0x0] =	wrdreg $0xFFFFFFFF;
	(pc) =	sbr.abs _section_cstart, $3  }
0xd2: {  	[dreg:$0x1] =	wrdreg $0xFFFFFFFF  }
0xd3: {  	_ =	task.clear_ibuf [dreg:s22], $0x2FFFF;
	_ =	strace $0x9FFFFFFF  }
0xd4: {  	(tm) =	ssettm $0x7FFFFFFF  }
0xd5: {  	_ =	shalt  }
tec
execute0_lowered:
.L_overlay_start_1:
0x0: {  	(tag) =	ssettag $0x1  }
0x1: {  	s12 =	rddreg [dreg:$0x0]  }
0x2: {  	s11 =	rddreg [dreg:$0x1]  }
0x3: {  	s5 =	rddreg [dreg:$0x2]  }
0x4: {  	s0 =	srdreg.scid;
	s2 =	rddreg [dreg:$0x3]  }
0x5: {  	s1 =	rddreg [dreg:$0x4];
	s3 =	simm.s32 $0x0;
	s14 =	simm.s32 $0x2  }
0x6: {  	s15 =	simm.s32 $0x3;
	s16 =	simm.s32 $0x80;
	s6 =	sand.u32 $0x1, s0  }
0x7: {  	s17 =	simm.s32 $0x1;
	s0 =	stileid.u32;
	s19 =	smul.u32 $0x1400, s6  }
0x8: {  	s18 =	simm.s32 $0x100;
	[smem:$0x7FF] =	sst s3;
	s4 =	smul.u32 $0x140, s0  }
0x9: {  	_ =	strace $0x80000056;
	s8 =	smul.u32 $0x14000, s0;
	s31 =	ssub.s32 $0x2, s6  }
0xa: {  	s13 =	sshll.u32 s0, $0x4;
	s21 =	sshll.u32 s0, $0x6;
	s6 =	sshrl.u32 s31, $0x1  }
0xb: {  	s11 =	sadd.s32 s13, s11;
	s12 =	sadd.s32 s13, s12;
	s13 =	simm.s32 $0x180  }
0xc: {  	s4 =	sadd.s32 s4, s19;
	s9 =	smin.u32 s19, $0x1310;
	s8 =	sshrl.u32 s8, $0x2  }
.Ltmp0:
0xd: {  	s10 =	ssub.s32 s31, s6;
	v0 =	vmov s19;
	s19 =	sor.u32 $0x1C02, s21;
	(pc) =	sbr.rel .LBB2_1-.Ltmp0, $4  }
0xe: {  	s21 =	simm.s32 $0x0;
	s7 =	sshll.u32 s4, $0x3;
	s4 =	sadd.s32 $0x1FC000, s5  }
0xf: {  	s20 =	sadd.s32 $0x1400, s9;
	s7 =	sadd.s32 s7, s5;
	s5 =	sadd.s32 s8, s2  }
0x10: {  	s6 =	sadd.s32 $0x110000, s7;
	s7 =	smax.u32 s10, $0x1;
	s8 =	sadd.s32 $0x1400, s5  }
0x11: {  	v2 =	vimm.f32 $0.0e+00;
	v1 =	vmov s20;
	s9 =	sadd.s32 $0x2800, s5;
	s10 =	sadd.s32 $0x3C00, s5;
	s20 =	sshrl.u32 s5, $0x3  }
.LBB2_7:
0x12: {  	s21 =	sadd.s32 $0x1, s21  }
0x13: {  	p0 =	sne.s32 s21, s7  }
.Ltmp1:
0x14: {  	[bflag:$0x0] =	sbarrier.arrive $0xFFFF;
	(pc) =	sbr.rel @!p0 .LBB2_8-.Ltmp1, $4  }
0x15: {  	[hbm:s6], [sflag:s19] =	dma.local [spmem:s20], $0xA00  }
0x16: {  	_ =	swait.ge [sflag:s14], $0xA00  }
0x17: {  	[sflag:s14] =	ssyncset.done $0x0  }
0x18: {  	[sflag:s14] =	ssyncadd.s32 $0xFFFFF600  }
.LBB2_1:
0x19: {  	s23 =	simm.s32 $0x100;
	s22 =	simm.s32 $0x0  }
.LBB2_2:
0x1a: {  	p0 =	sne.s32 s23, $0x4F00;
	[tilespmem:s22+$0x1B0] =	vst v2;
	s24 =	smov.u32 s23;
	s23 =	sadd.s32 $0x100, s23  }
.Ltmp2:
0x1b: {  	[tilespmem:s22+$0x1A0] =	vst v2;
	(pc) =	sbr.rel @p0 .LBB2_2-.Ltmp2, $3  }
0x1c: {  	[tilespmem:s22+$0x180] =	vst v2  }
0x1d: {  	[tilespmem:s22+$0x190] =	vst v2;
	_ =	sdelay $0x1  }
0x1e: {  	s22 =	sshra.s32 s24, $0x2  }
0x1f: {  	[tilespmem:s22+$0x1B0] =	vst v2  }
0x20: {  	[tilespmem:s22+$0x1A0] =	vst v2  }
0x21: {  	[tilespmem:s22+$0x180] =	vst v2  }
0x22: {  	[tilespmem:s22+$0x190] =	vst v2  }
0x23: {  	[spmem:s5] =	stream.linear.scatter [tilespmem:s13], [sflag:$0x2], $0x1400, $0x38;
	[tilespmem:$0x71C0] =	vst v63  }
0x24: {  	_ =	swait.ge [sflag:s14], $0x1400  }
0x25: {  	[sflag:s14] =	ssyncset.done $0x0  }
0x26: {  	[sflag:s14] =	ssyncadd.s32 $0xFFFFEC00  }
0x27: {  	[spmem:s8] =	stream.linear.scatter [tilespmem:s13], [sflag:$0x2], $0x1400, $0x38;
	[tilespmem:$0x71C0] =	vst v63  }
0x28: {  	_ =	swait.ge [sflag:s14], $0x1400  }
0x29: {  	[sflag:s14] =	ssyncset.done $0x0  }
0x2a: {  	[sflag:s14] =	ssyncadd.s32 $0xFFFFEC00  }
0x2b: {  	[spmem:s9] =	stream.linear.scatter [tilespmem:s13], [sflag:$0x2], $0x1400, $0x38;
	[tilespmem:$0x71C0] =	vst v63  }
0x2c: {  	_ =	swait.ge [sflag:s14], $0x1400  }
0x2d: {  	[sflag:s14] =	ssyncset.done $0x0  }
0x2e: {  	[sflag:s14] =	ssyncadd.s32 $0xFFFFEC00  }
0x2f: {  	[spmem:s10] =	stream.linear.scatter [tilespmem:s13], [sflag:$0x2], $0x1400, $0x38;
	[tilespmem:$0x71C0] =	vst v63  }
.Ltmp3:
0x30: {  	_ =	swait.ge [sflag:s14], $0x1400;
	(pc) =	sbr.rel .LBB2_4-.Ltmp3, $4  }
0x31: {  	[sflag:s14] =	ssyncset.done $0x0  }
0x32: {  	[sflag:s14] =	ssyncadd.s32 $0xFFFFEC00  }
0x33: {  	[bflag:$0x0] =	sbarrier.arrive $0xFFFF  }
0x34: {  	s22 =	simm.s32 $0x0;
	s23 =	stileid.u32  }
.LBB2_6:
0x35: {  	s22 =	sadd.s32 $0x100, s22  }
0x36: {  	p0 =	sne.s32 s22, $0x18700  }
.Ltmp4:
0x37: {  	_ = 	snop;
	(pc) =	sbr.rel @!p0 .LBB2_7-.Ltmp4, $2  }
0x38: {  	_ =	sdelay $0x2  }
0x39: {  	s23 =	sadd.s32 $0x10, s23  }
.LBB2_4:
0x3a: {  	p0 =	sgt.u32 s23, $0x1869  }
.Ltmp5:
0x3b: {  	_ = 	snop;
	(pc) =	sbr.rel @p0 .LBB2_6-.Ltmp5, $1  }
0x3c: {  	_ =	sdelay $0x3  }
0x3d: {  	s24 =	sadd.s32 s22, s12  }
0x3e: {  	[tilespmem:s3], [sflag:$0x3] =	stream.linear.gather [hbm4b:s24+s3], $0x80, $0x38;
	[tilespmem:$0x71C0] =	vst v63  }
0x3f: {  	_ =	swait.ge [sflag:s15], $0x80  }
0x40: {  	[sflag:s15] =	ssyncset.done $0x0  }
0x41: {  	s31 =	sadd.s32 s22, s11;
	[sflag:s15] =	ssyncadd.s32 $0xFFFFFF80  }
0x42: {  	[tilespmem:s16], [sflag:$0x3] =	stream.linear.gather [hbm4b:s31+s3], $0x80, $0x38;
	[tilespmem:$0x71C0] =	vst v63  }
0x43: {  	_ =	swait.ge [sflag:s15], $0x80  }
0x44: {  	[sflag:s15] =	ssyncset.done $0x0  }
0x45: {  	[sflag:s15] =	ssyncadd.s32 $0xFFFFFF80  }
0x46: {  	v3 =	vld [tilespmem:$0x80]  }
0x47: {  	v4 =	vld [tilespmem:$0x90]  }
0x48: {  	v5 =	vld [tilespmem:$0xA0]  }
0x49: {  	v6 =	vld [tilespmem:$0xB0]  }
0x4a: {  	v7 =	vld [tilespmem:$0xC0]  }
0x4b: {  	v8 =	vld [tilespmem:$0xD0]  }
0x4c: {  	vm0 =	vge.s32 v3, v0;
	vm1 =	vlt.s32 v3, v1;
	v3 =	vsub.s32 v3, v0  }
0x4d: {  	v9 =	vld [tilespmem:$0xE0];
	vm12 =	vge.s32 v4, v0;
	vm2 =	vlt.s32 v4, v1;
	v4 =	vsub.s32 v4, v0  }
0x4e: {  	vm14 =	vge.s32 v5, v0;
	vm15 =	vlt.s32 v5, v1;
	vm4 =	vge.s32 v6, v0  }
0x4f: {  	vm5 =	vlt.s32 v6, v1;
	v5 =	vsub.s32 v5, v0;
	v6 =	vsub.s32 v6, v0  }
0x50: {  	vm6 =	vge.s32 v7, v0;
	vm7 =	vlt.s32 v7, v1;
	vm8 =	vge.s32 v8, v0  }
0x51: {  	v10 =	vld [tilespmem:$0xF0];
	vm3 =	vlt.s32 v8, v1;
	v62 =	vsub.s32 v8, v0;
	vm0 =	vmand vm0, vm1  }
0x52: {  	vm10 =	vge.s32 v9, v0;
	vm13 =	vmand vm12, vm2;
	v3 =	vnsel vm0, $0x1400, v3  }
0x53: {  	vm11 =	vlt.s32 v9, v1;
	vm1 =	vmand vm4, vm5;
	v4 =	vnsel vm13, $0x1400, v4;
	[tilespmem:$0x100] =	vst v3  }
0x54: {  	vm9 =	vmand vm8, vm3;
	vm0 =	vmand vm14, vm15;
	v6 =	vnsel vm1, $0x1400, v6;
	[tilespmem:$0x110] =	vst v4  }
0x55: {  	v5 =	vnsel vm0, $0x1400, v5;
	vm0 =	vmand vm6, vm7;
	v3 =	vsub.s32 v7, v0;
	[tilespmem:$0x130] =	vst v6  }
0x56: {  	vm12 =	vmand vm10, vm11;
	vm13 =	vge.s32 v10, v0;
	[tilespmem:$0x120] =	vst v5;
	v3 =	vnsel vm0, $0x1400, v3  }
0x57: {  	vm14 =	vlt.s32 v10, v1;
	v4 =	vnsel vm9, $0x1400, v62;
	[tilespmem:$0x140] =	vst v3;
	v3 =	vsub.s32 v9, v0  }
0x58: {  	v63 =	vsub.s32 v10, v0;
	vm15 =	vmand vm13, vm14;
	[tilespmem:$0x150] =	vst v4;
	v3 =	vnsel vm12, $0x1400, v3  }
0x59: {  	[tilespmem:$0x160] =	vst v3;
	v3 =	vnsel vm15, $0x1400, v63  }
0x5a: {  	[tilespmem:$0x170] =	vst v3  }
0x5b: {  	[tilespmem:s13], [sflag:$0x1] =	stream.indirect.gather [hbm4b:s4+s16], $0x40, s3, s16, $0xb8;
	[tilespmem:$0x71C0] =	vst v63  }
0x5c: {  	_ =	swait.ge [sflag:s17], $0x2000  }
0x5d: {  	[sflag:s17] =	ssyncset.done $0x0  }
.Ltmp6:
0x5e: {  	[sflag:s17] =	ssyncadd.s32 $0xFFFFE000;
	(pc) =	sbr.rel .LBB2_6-.Ltmp6, $4  }
0x5f: {  	[spmem:s2] =	stream.indirect.scatter.add.f32 [tilespmem:s13], [sflag:$0x2], $0x40, s18, s16, $0xb8;
	[tilespmem:$0x71C0] =	vst v63  }
0x60: {  	_ =	swait.ge [sflag:s14], $0x2000  }
0x61: {  	[sflag:s14] =	ssyncset.done $0x0  }
0x62: {  	[sflag:s14] =	ssyncadd.s32 $0xFFFFE000  }
.LBB2_8:
0x63: {  	_ =	sfence.sel $0x180000  }
0x64: {  	[bflag:$0x0] =	sbarrier.arrive $0xFFFF  }
0x65: {  	p0 =	sne.s32 s0, $0x0;
	_ =	strace $0x90000056  }
0x66: {  	s0 =	sadd.s32 @!p0 $0x100000, s1;
	[bflag:$0x2] =	sbarrier.arrive $0xFFFF  }
0x67: {  	[sflag:s0] =	ssyncadd.tile.s32 @!p0 $0x1;
	_ =	shalt  }
.Lfunc_end2:
_tile_overlayer_lowered:
.L_overlay_start_2:
0x68: {  	(tag) =	ssettag $0x2  }
0x69: {  	s0 =	rddreg [dreg:$0x0];
	s2 =	stileid.u32  }
0x6a: {  	s1 =	rddreg [dreg:$0x1];
	p0 =	sne.s32 s2, $0x0  }
0x6b: {  	s3 =	rddreg [dreg:$0x2];
	[bflag:$0x3] =	sbarrier.arrive $0xFFFF;
	s2 =	simm.s32 @!p0 $0x1C02  }
0x6c: {  	[timem:s3], [sflag:s2] =	dma.local @!p0 [hbm:s0], s1  }
0x6d: {  	s0 =	simm.s32 @!p0 $0x2  }
0x6e: {  	_ =	swait.ge @!p0 [sflag:s0], s1  }
0x6f: {  	s1 =	ssub.s32 @!p0 $0x0, s1;
	[sflag:s0] =	ssyncset.done @!p0 $0x0  }
0x70: {  	[sflag:s0] =	ssyncadd.s32 @!p0 s1  }
0x71: {  	[bflag:$0x3] =	sbarrier.arrive $0xFFFF  }
0x72: {  	_ =	shalt  }

// kernel: kernel.34.cloned.1.call-start
scs
__scs_entry_jumppad:
0x0: {  	(pc) =	sbr.rel $0x88, $3  }
0x1: {  	(tag) =	ssettag $0x0;
	lr =	simm.s32 $0x1  }
0x2: {  	[smem:$0x3F89] =	sst lr;
	_ =	strace $0xD0000000  }
0x3: {  	_ = 	snop  }
0x4: {  	_ = 	snop  }
0x5: {  	_ = 	snop  }
0x6: {  	_ = 	snop  }
0x7: {  	_ = 	snop  }
__scs_overlays_trampoline_lowered:
0x8: {  	[smem:$0x3F98] =	sst s0  }
0x9: {  	[smem:$0x3F99] =	sst s1  }
0xa: {  	[smem:$0x3F9A] =	sst s2  }
0xb: {  	[smem:$0x3F9B] =	sst s3  }
0xc: {  	[smem:$0x3F9C] =	sst s4  }
0xd: {  	[smem:$0x3F9D] =	sst s5  }
0xe: {  	[smem:$0x3F9E] =	sst s6  }
0xf: {  	[smem:$0x3F9F] =	sst s7  }
0x10: {  	[smem:$0x3FA0] =	sst s8  }
0x11: {  	[smem:$0x3FA1] =	sst s9;
	s0 =	simm.s32 @!p0 $0x0  }
0x12: {  	s1 =	sld [smem:$0x3F87];
	s0 =	simm.s32 @p0 $0x1  }
0x13: {  	[smem:$0x3FA2] =	sst s0;
	s0 =	simm.s32 @!p1 $0x0  }
0x14: {  	s2 =	sld [smem:$0x3F86];
	s0 =	simm.s32 @p1 $0x1  }
0x15: {  	[smem:$0x3FA3] =	sst s0;
	s0 =	simm.s32 @!p2 $0x0  }
0x16: {  	s3 =	sld [smem:$0x3FDB];
	s0 =	simm.s32 @p2 $0x1  }
0x17: {  	s4 =	simm.s32 $0x1BF5;
	[smem:$0x3FA5] =	sst s0  }
0x18: {  	s0 =	sld [smem:$0x3F88];
	_ =	swait.ge [sflag:s4], $0x0  }
0x19: {  	s7 =	sld [smem:$0x3F89]  }
0x1a: {  	s8 =	sadd.s32 $0xFFFFE003, lr  }
0x1b: {  	s9 =	sadd.s32 $0xFFFFFEF7, lr;
	s5 =	simm.s32 $0xFFFFFFFF;
	p2 =	slt.u32 s8, $0xFFFFF086  }
0x1c: {  	p1 =	slt.u32 s9, $0xF7A;
	s5 =	simm.s32 @!p2 $0x0  }
0x1d: {  	s5 =	simm.s32 @p1 $0x1;
	p0 =	seq.s32 s7, s2  }
0x1e: {  	s7 =	smul.u32 @!p0 $0xF7A, s2;
	p2 =	seq.s32 @!p0 s5, $0x0  }
0x1f: {  	s9 =	smul.u32 $0xF7A, s1;
	s8 =	simm.s32 @!p0 $0x1BF5;
	p2 =	por !p2, p0  }
0x20: {  	[sflag:s8] =	ssyncset.s32 @!p0 $0xFFFFF086;
	s6 =	sadd.s32 @!p0 s3, s7;
	s7 =	simm.s32 @!p0 $0x108  }
0x21: {  	s3 =	sadd.s32 s3, s9;
	s6 =	sadd.s32 @!p0 $0x88, s6;
	s7 =	simm.s32 @p2 $0x1082  }
0x22: {  	[simem:s7], [sflag:s8] =	dma.local @!p0 [hbm:s6], $0xF7A  }
0x23: {  	s9 =	sor.u32 $0xD0000000, s2;
	s6 =	simm.s32 $0x108;
	_ =	swait.ge @!p0 [sflag:s8], $0x0  }
0x24: {  	s3 =	sadd.s32 $0x88, s3;
	s6 =	simm.s32 @!p1 $0x1082;
	[sflag:s4] =	ssyncset.s32 $0xFFFFF086  }
0x25: {  	[simem:s6], [sflag:s4] =	dma.local [hbm:s3], $0xF7A  }
0x26: {  	[smem:$0x3F89] =	sst s1;
	(tag) =	ssettag s2;
	_ =	strace s9  }
0x27: {  	s1 =	sld [smem:$0x3F99]  }
0x28: {  	s2 =	sld [smem:$0x3F9A]  }
0x29: {  	s4 =	sld [smem:$0x3F9C]  }
0x2a: {  	p0 =	seq.s32 s5, $0x0;
	s5 =	sld [smem:$0x3F9D]  }
0x2b: {  	s6 =	sld [smem:$0x3F9E]  }
0x2c: {  	s7 =	sld [smem:$0x3F9F]  }
0x2d: {  	s3 =	simm.s32 $0x108;
	s8 =	sld [smem:$0x3FA0]  }
0x2e: {  	s3 =	simm.s32 @!p0 $0x1082;
	s9 =	sld [smem:$0x3FA1]  }
0x2f: {  	lr =	sadd.s32 s0, s3;
	s0 =	sld [smem:$0x3F98]  }
0x30: {  	s3 =	sld [smem:$0x3F9B]  }
0x31: {  	[smem:$0x3FA4] =	sst s10  }
0x32: {  	s10 =	sld [smem:$0x3FA2];
	_ =	sdelay $0x3  }
0x33: {  	p0 =	seq.s32 s10, $0x1;
	s10 =	sld [smem:$0x3FA4];
	_ =	sdelay $0x3  }
0x34: {  	[smem:$0x3FA4] =	sst s10  }
0x35: {  	s10 =	sld [smem:$0x3FA3];
	_ =	sdelay $0x3  }
0x36: {  	p1 =	seq.s32 s10, $0x1;
	s10 =	sld [smem:$0x3FA4];
	_ =	sdelay $0x3  }
0x37: {  	[smem:$0x3FA4] =	sst s10  }
0x38: {  	s10 =	sld [smem:$0x3FA5]  }
0x39: {  	_ = 	snop;
	(pc) =	sbr.ind lr, $3  }
0x3a: {  	_ = 	snop  }
0x3b: {  	_ = 	snop  }
0x3c: {  	p2 =	seq.s32 s10, $0x1;
	s10 =	sld [smem:$0x3FA4]  }
0x3d: {  	_ =	shalt  }
0x3e: {  	_ =	shalt  }
0x3f: {  	_ =	shalt  }
0x40: {  	_ =	shalt  }
0x41: {  	_ =	shalt  }
0x42: {  	_ =	shalt  }
0x43: {  	_ =	shalt  }
0x44: {  	_ =	shalt  }
0x45: {  	_ =	shalt  }
0x46: {  	_ =	shalt  }
0x47: {  	_ =	shalt  }
0x48: {  	_ =	shalt  }
0x49: {  	_ =	shalt  }
0x4a: {  	_ =	shalt  }
0x4b: {  	_ =	shalt  }
0x4c: {  	_ =	shalt  }
0x4d: {  	_ =	shalt  }
0x4e: {  	_ =	shalt  }
0x4f: {  	_ =	shalt  }
0x50: {  	_ =	shalt  }
0x51: {  	_ =	shalt  }
0x52: {  	_ =	shalt  }
0x53: {  	_ =	shalt  }
0x54: {  	_ =	shalt  }
0x55: {  	_ =	shalt  }
0x56: {  	_ =	shalt  }
0x57: {  	_ =	shalt  }
0x58: {  	_ =	shalt  }
0x59: {  	_ =	shalt  }
0x5a: {  	_ =	shalt  }
0x5b: {  	_ =	shalt  }
0x5c: {  	_ =	shalt  }
0x5d: {  	_ =	shalt  }
0x5e: {  	_ =	shalt  }
0x5f: {  	_ =	shalt  }
0x60: {  	_ =	shalt  }
0x61: {  	_ =	shalt  }
0x62: {  	_ =	shalt  }
0x63: {  	_ =	shalt  }
0x64: {  	_ =	shalt  }
0x65: {  	_ =	shalt  }
0x66: {  	_ =	shalt  }
0x67: {  	_ =	shalt  }
0x68: {  	_ =	shalt  }
0x69: {  	_ =	shalt  }
0x6a: {  	_ =	shalt  }
0x6b: {  	_ =	shalt  }
0x6c: {  	_ =	shalt  }
0x6d: {  	_ =	shalt  }
0x6e: {  	_ =	shalt  }
0x6f: {  	_ =	shalt  }
0x70: {  	_ =	shalt  }
0x71: {  	_ =	shalt  }
0x72: {  	_ =	shalt  }
0x73: {  	_ =	shalt  }
0x74: {  	_ =	shalt  }
0x75: {  	_ =	shalt  }
0x76: {  	_ =	shalt  }
0x77: {  	_ =	shalt  }
0x78: {  	_ =	shalt  }
0x79: {  	_ =	shalt  }
0x7a: {  	_ =	shalt  }
0x7b: {  	_ =	shalt  }
0x7c: {  	_ =	shalt  }
0x7d: {  	_ =	shalt  }
0x7e: {  	_ =	shalt  }
0x7f: {  	_ =	shalt  }
0x80: {  	_ =	shalt  }
0x81: {  	_ =	shalt  }
0x82: {  	_ =	shalt  }
0x83: {  	_ =	shalt  }
0x84: {  	_ =	shalt  }
0x85: {  	_ =	shalt  }
0x86: {  	_ =	shalt  }
0x87: {  	_ =	shalt  }
.Lfunc_end0:
.L_simem_size_0:
called_computation.6_lowered:
.L_overlay_start_0:
0x88: {  	s2 =	sld [smem:$0x3FD9]  }
0x89: {  	s3 =	sld [smem:$0x3FFE];
	_ =	sdelay $0x1  }
0x8a: {  	s1 =	srdreg.scid  }
0x8b: {  	s0 =	sand.u32 $0x1, s1  }
0x8c: {  	s17 =	sshll.u32 s0, $0xA;
	s2 =	sadd.s32 s3, s2  }
0x8d: {  	s2 =	sadd.s32 s2, s17  }
0x8e: {  	[smem:$0x3FB0] =	sst s2  }
0x8f: {  	_ = 	snop  }
0x90: {  	s18 =	sld [smem:$0x3FB5]  }
0x91: {  	s4 =	sld [smem:$0x3FB4];
	(tm) =	ssettm $0x1  }
0x92: {  	s19 =	sld [smem:$0x3FFB];
	_ =	sdelay $0x3  }
0x93: {  	_ =	strace s19  }
0x94: {  	s2 =	sld [smem:$0x3FFC];
	_ =	sdelay $0x3  }
0x95: {  	_ =	strace s2  }
0x96: {  	s2 =	sld [smem:$0x3FFD];
	_ =	sdelay $0x3  }
0x97: {  	_ =	strace s2  }
0x98: {  	_ =	strace $0x8FFFFFFF  }
0x99: {  	s20 =	sld [smem:$0x3FDB];
	_ =	sdelay $0x1  }
0x9a: {  	s5 =	simm.s32 $_scs_section_size  }
0x9b: {  	s6 =	simm.s32 $_size__tile_overlayer_lowered;
	s7 =	simm.s32 $_tile_overlayer_lowered  }
0x9c: {  	s8 =	simm.s32 $0x1BFF;
	s21 =	sshll.u32 s7, $0x1;
	s5 =	sadd.s32 s5, s20  }
0x9d: {  	s22 =	simm.s32 $0x0;
	s6 =	sshll.u32 s6, $0x1;
	s7 =	sadd.s32 s21, s5  }
0x9e: {  	[timem:s22], [sflag:s8] =	dma.local [hbm:s7], s6  }
0x9f: {  	_ =	swait.ge [sflag:s8], s6  }
0xa0: {  	s6 =	ssub.s32 $0x0, s6;
	[sflag:s8] =	ssyncset.done $0x0  }
0xa1: {  	[sflag:s8] =	ssyncadd.s32 s6;
	_ =	sdelay $0x1  }
0xa2: {  	s23 =	simm.s32 $0x1B8B  }
0xa3: {  	_ =	swait.ge [sflag:s23], $0x1  }
0xa4: {  	[sflag:s23] =	ssyncset.done $0x0  }
0xa5: {  	[sflag:s23] =	ssyncadd.s32 $0xFFFFFFFF  }
0xa6: {  	s6 =	sld [smem:$0x0]  }
0xa7: {  	s7 =	sand.u32 $0xFFFFFFFE, s1  }
0xa8: {  	p0 =	sne.s32 s1, s7  }
0xa9: {  	s7 =	sshll.u32 @p0 s7, $0xE  }
0xaa: {  	s7 =	sadd.s32 @p0 $0x11B8D, s7;
	s8 =	sshll.u32 @p0 s6, $0x11  }
0xab: {  	s7 =	sor.u32 @p0 s8, s7  }
0xac: {  	[sflag:s7] =	ssyncadd.remote.s32 @p0 $0x1;
	_ =	sdelay $0x1  }
0xad: {  	s7 =	simm.s32 @p0 $0x1B8D  }
0xae: {  	_ =	swait.eq @p0 [sflag:s7], $0x1  }
0xaf: {  	[sflag:s7] =	ssyncadd.s32 @p0 $0xFFFFFFFF  }
0xb0: {  	s8 =	sshll.u32 @!p0 s1, $0xE  }
0xb1: {  	s8 =	sor.u32 @!p0 $0x4000, s8;
	s7 =	simm.s32 @!p0 $0x1B8D  }
0xb2: {  	s6 =	sshll.u32 @!p0 s6, $0x11;
	s8 =	sadd.s32 @!p0 $0x11B8D, s8;
	_ =	swait.eq @!p0 [sflag:s7], $0x1  }
0xb3: {  	s6 =	sor.u32 @!p0 s6, s8;
	[sflag:s7] =	ssyncadd.s32 @!p0 $0xFFFFFFFF  }
0xb4: {  	s25 =	simm.s32 $0x1B8E;
	s24 =	sld [smem:$0x3FFE];
	[sflag:s6] =	ssyncadd.remote.s32 @!p0 $0x1  }
0xb5: {  	s26 =	simm.s32 $execute0_lowered;
	[smem:$0x3FD2] =	sst s25  }
0xb6: {  	s7 =	sshll.u32 s26, $0x1;
	_ =	strace $0x80000058;
	[dreg:$0x1] =	wrdreg $0xFFFFFFFF  }
0xb7: {  	s28 =	simm.s32 $_size_execute0_lowered;
	s5 =	sadd.s32 s5, s7;
	[dreg:$0x0] =	wrdreg $0x0  }
0xb8: {  	s7 =	sshll.u32 s28, $0x1;
	[dreg:$0x2] =	wrdreg s5  }
0xb9: {  	[dreg:$0x3] =	wrdreg s7  }
0xba: {  	[dreg:$0x4] =	wrdreg $0xC0  }
0xbb: {  	_ =	task [dreg:s22], $0x5FFFF  }
0xbc: {  	[dreg:$0x1] =	wrdreg $0xFFFFFFFF  }
0xbd: {  	[dreg:$0x0] =	wrdreg $0x60  }
0xbe: {  	[dreg:$0x2] =	wrdreg s4  }
0xbf: {  	[dreg:$0x3] =	wrdreg s18  }
0xc0: {  	[dreg:$0x4] =	wrdreg s24  }
0xc1: {  	[dreg:$0x5] =	wrdreg $0x21800  }
0xc2: {  	[dreg:$0x6] =	wrdreg $0x9  }
0xc3: {  	_ =	task.clear_ibuf [dreg:s22], $0x7FFFF;
	_ =	strace $0x90000058  }
0xc4: {  	s29 =	simm.s32 $0x9;
	_ =	strace $0x8000005A  }
0xc5: {  	_ =	swait.ge [sflag:s29], $0x1  }
0xc6: {  	[sflag:s29] =	ssyncadd.s32 $0xFFFFFFFF  }
0xc7: {  	_ =	strace $0x9000005A  }
0xc8: {  	_ =	sfence  }
0xc9: {  	s30 =	sld [smem:$0x0];
	_ =	sdelay $0x2  }
0xca: {  	s31 =	sshll.u32 s1, $0xD;
	s1 =	sshrl.u32 s1, $0x2  }
0xcb: {  	s4 =	sand.u32 $0x4000, s31;
	s1 =	sadd.s32 s1, s30  }
0xcc: {  	s0 =	sor.u32 s4, s0;
	s1 =	sshll.u32 s1, $0x11  }
0xcd: {  	s0 =	sor.u32 s1, s0  }
0xce: {  	s0 =	sadd.s32 $0x8F2B, s0  }
0xcf: {  	[sflag:s0] =	ssyncadd.remote.s32 $0x1  }
0xd0: {  	_ =	sfence.sel $0xFFFF  }
0xd1: {  	[dreg:$0x0] =	wrdreg $0xFFFFFFFF;
	(pc) =	sbr.abs _section_cstart, $3  }
0xd2: {  	[dreg:$0x1] =	wrdreg $0xFFFFFFFF  }
0xd3: {  	_ =	task.clear_ibuf [dreg:s22], $0x2FFFF;
	_ =	strace $0x9FFFFFFF  }
0xd4: {  	(tm) =	ssettm $0x7FFFFFFF  }
0xd5: {  	_ =	shalt  }
tec
execute0_lowered:
.L_overlay_start_1:
0x0: {  	(tag) =	ssettag $0x1  }
0x1: {  	s0 =	rddreg [dreg:$0x0]  }
0x2: {  	s21 =	rddreg [dreg:$0x1]  }
0x3: {  	s5 =	rddreg [dreg:$0x2]  }
0x4: {  	s1 =	srdreg.scid;
	s2 =	rddreg [dreg:$0x3]  }
0x5: {  	s25 =	stileid.u32;
	s3 =	simm.s32 $0x0;
	s23 =	simm.s32 $0x180  }
0x6: {  	s24 =	simm.s32 $0x2;
	s30 =	simm.s32 $0x0;
	s6 =	smul.u32 $0x620, s25  }
0x7: {  	s4 =	sand.u32 $0x1, s1;
	[smem:$0x7FF] =	sst s3;
	s8 =	smul.u32 $0x62000, s25  }
0x8: {  	s22 =	sshll.u32 s25, $0x4;
	s25 =	simm.s32 $0x3;
	s28 =	smul.u32 $0x6200, s4  }
0x9: {  	_ =	strace $0x80000059;
	s7 =	ssub.s32 $0x2, s4;
	s4 =	sadd.s32 $0xCA800, s5  }
0xa: {  	s21 =	sadd.s32 s22, s21;
	s22 =	sadd.s32 s22, s0;
	s26 =	sshrl.u32 s7, $0x1  }
0xb: {  	s8 =	sshrl.u32 s8, $0x2;
	s6 =	sadd.s32 s6, s28;
	s7 =	ssub.s32 s7, s26  }
0xc: {  	s31 =	smin.u32 s28, $0x6150;
	s26 =	simm.s32 $0x80;
	v0 =	vmov s28;
	s28 =	simm.s32 $0x1  }
0xd: {  	s6 =	sshll.u32 s6, $0x3;
	s29 =	sadd.s32 $0x6200, s31;
	s7 =	smax.u32 s7, $0x1  }
0xe: {  	s5 =	sadd.s32 s6, s5;
	s6 =	sadd.s32 s8, s2;
	v1 =	vmov s29;
	s29 =	simm.s32 $0x100  }
.Ltmp0:
0xf: {  	s5 =	sadd.s32 $0x124000, s5;
	s8 =	sadd.s32 $0x1C00, s6;
	(pc) =	sbr.rel .LBB2_1-.Ltmp0, $4  }
0x10: {  	s9 =	sadd.s32 $0x3800, s6;
	s10 =	sadd.s32 $0x5400, s6;
	s11 =	sadd.s32 $0x7000, s6  }
0x11: {  	s12 =	sadd.s32 $0x8C00, s6;
	s13 =	sadd.s32 $0xA800, s6;
	s14 =	sadd.s32 $0xC400, s6  }
0x12: {  	s15 =	sadd.s32 $0xE000, s6;
	s16 =	sadd.s32 $0xFC00, s6;
	s17 =	sadd.s32 $0x11800, s6  }
0x13: {  	v2 =	vimm.f32 $0.0e+00;
	s18 =	sadd.s32 $0x13400, s6;
	s19 =	sadd.s32 $0x15000, s6;
	s20 =	sadd.s32 $0x16C00, s6  }
.LBB2_7:
0x14: {  	s0 =	stileid.u32;
	s30 =	sadd.s32 $0x1, s30  }
0x15: {  	[bflag:$0x0] =	sbarrier.arrive $0xFFFF;
	s0 =	sshll.u32 s0, $0x6;
	p0 =	sne.s32 s30, s7  }
.Ltmp1:
0x16: {  	s1 =	sshrl.u32 s6, $0x3;
	s0 =	sor.u32 $0x1C02, s0;
	(pc) =	sbr.rel @!p0 .LBB2_8-.Ltmp1, $4  }
0x17: {  	[hbm:s5], [sflag:s0] =	dma.local [spmem:s1], $0x3100  }
0x18: {  	_ =	swait.ge [sflag:s24], $0x3100  }
0x19: {  	[sflag:s24] =	ssyncset.done $0x0  }
0x1a: {  	[sflag:s24] =	ssyncadd.s32 $0xFFFFCF00  }
.LBB2_1:
0x1b: {  	s31 =	simm.s32 $0x100;
	s0 =	simm.s32 $0x0  }
.LBB2_2:
0x1c: {  	p0 =	sne.s32 s31, $0x6F00;
	[tilespmem:s0+$0x1B0] =	vst v2;
	s1 =	smov.u32 s31;
	s31 =	sadd.s32 $0x100, s31  }
.Ltmp2:
0x1d: {  	[tilespmem:s0+$0x1A0] =	vst v2;
	(pc) =	sbr.rel @p0 .LBB2_2-.Ltmp2, $3  }
0x1e: {  	[tilespmem:s0+$0x180] =	vst v2  }
0x1f: {  	[tilespmem:s0+$0x190] =	vst v2;
	_ =	sdelay $0x1  }
0x20: {  	s0 =	sshra.s32 s1, $0x2  }
0x21: {  	[tilespmem:s0+$0x1B0] =	vst v2  }
0x22: {  	[tilespmem:s0+$0x1A0] =	vst v2  }
0x23: {  	[tilespmem:s0+$0x180] =	vst v2  }
0x24: {  	[tilespmem:s0+$0x190] =	vst v2  }
0x25: {  	[spmem:s6] =	stream.linear.scatter [tilespmem:s23], [sflag:$0x2], $0x1C00, $0x38;
	[tilespmem:$0x1A9C0] =	vst v63  }
0x26: {  	_ =	swait.ge [sflag:s24], $0x1C00  }
0x27: {  	[sflag:s24] =	ssyncset.done $0x0  }
0x28: {  	[sflag:s24] =	ssyncadd.s32 $0xFFFFE400  }
0x29: {  	[spmem:s8] =	stream.linear.scatter [tilespmem:s23], [sflag:$0x2], $0x1C00, $0x38;
	[tilespmem:$0x1A9C0] =	vst v63  }
0x2a: {  	_ =	swait.ge [sflag:s24], $0x1C00  }
0x2b: {  	[sflag:s24] =	ssyncset.done $0x0  }
0x2c: {  	[sflag:s24] =	ssyncadd.s32 $0xFFFFE400  }
0x2d: {  	[spmem:s9] =	stream.linear.scatter [tilespmem:s23], [sflag:$0x2], $0x1C00, $0x38;
	[tilespmem:$0x1A9C0] =	vst v63  }
0x2e: {  	_ =	swait.ge [sflag:s24], $0x1C00  }
0x2f: {  	[sflag:s24] =	ssyncset.done $0x0  }
0x30: {  	[sflag:s24] =	ssyncadd.s32 $0xFFFFE400  }
0x31: {  	[spmem:s10] =	stream.linear.scatter [tilespmem:s23], [sflag:$0x2], $0x1C00, $0x38;
	[tilespmem:$0x1A9C0] =	vst v63  }
0x32: {  	_ =	swait.ge [sflag:s24], $0x1C00  }
0x33: {  	[sflag:s24] =	ssyncset.done $0x0  }
0x34: {  	[sflag:s24] =	ssyncadd.s32 $0xFFFFE400  }
0x35: {  	[spmem:s11] =	stream.linear.scatter [tilespmem:s23], [sflag:$0x2], $0x1C00, $0x38;
	[tilespmem:$0x1A9C0] =	vst v63  }
0x36: {  	_ =	swait.ge [sflag:s24], $0x1C00  }
0x37: {  	[sflag:s24] =	ssyncset.done $0x0  }
0x38: {  	[sflag:s24] =	ssyncadd.s32 $0xFFFFE400  }
0x39: {  	[spmem:s12] =	stream.linear.scatter [tilespmem:s23], [sflag:$0x2], $0x1C00, $0x38;
	[tilespmem:$0x1A9C0] =	vst v63  }
0x3a: {  	_ =	swait.ge [sflag:s24], $0x1C00  }
0x3b: {  	[sflag:s24] =	ssyncset.done $0x0  }
0x3c: {  	[sflag:s24] =	ssyncadd.s32 $0xFFFFE400  }
0x3d: {  	[spmem:s13] =	stream.linear.scatter [tilespmem:s23], [sflag:$0x2], $0x1C00, $0x38;
	[tilespmem:$0x1A9C0] =	vst v63  }
0x3e: {  	_ =	swait.ge [sflag:s24], $0x1C00  }
0x3f: {  	[sflag:s24] =	ssyncset.done $0x0  }
0x40: {  	[sflag:s24] =	ssyncadd.s32 $0xFFFFE400  }
0x41: {  	[spmem:s14] =	stream.linear.scatter [tilespmem:s23], [sflag:$0x2], $0x1C00, $0x38;
	[tilespmem:$0x1A9C0] =	vst v63  }
0x42: {  	_ =	swait.ge [sflag:s24], $0x1C00  }
0x43: {  	[sflag:s24] =	ssyncset.done $0x0  }
0x44: {  	[sflag:s24] =	ssyncadd.s32 $0xFFFFE400  }
0x45: {  	[spmem:s15] =	stream.linear.scatter [tilespmem:s23], [sflag:$0x2], $0x1C00, $0x38;
	[tilespmem:$0x1A9C0] =	vst v63  }
0x46: {  	_ =	swait.ge [sflag:s24], $0x1C00  }
0x47: {  	[sflag:s24] =	ssyncset.done $0x0  }
0x48: {  	[sflag:s24] =	ssyncadd.s32 $0xFFFFE400  }
0x49: {  	[spmem:s16] =	stream.linear.scatter [tilespmem:s23], [sflag:$0x2], $0x1C00, $0x38;
	[tilespmem:$0x1A9C0] =	vst v63  }
0x4a: {  	_ =	swait.ge [sflag:s24], $0x1C00  }
0x4b: {  	[sflag:s24] =	ssyncset.done $0x0  }
0x4c: {  	[sflag:s24] =	ssyncadd.s32 $0xFFFFE400  }
0x4d: {  	[spmem:s17] =	stream.linear.scatter [tilespmem:s23], [sflag:$0x2], $0x1C00, $0x38;
	[tilespmem:$0x1A9C0] =	vst v63  }
0x4e: {  	_ =	swait.ge [sflag:s24], $0x1C00  }
0x4f: {  	[sflag:s24] =	ssyncset.done $0x0  }
0x50: {  	[sflag:s24] =	ssyncadd.s32 $0xFFFFE400  }
0x51: {  	[spmem:s18] =	stream.linear.scatter [tilespmem:s23], [sflag:$0x2], $0x1C00, $0x38;
	[tilespmem:$0x1A9C0] =	vst v63  }
0x52: {  	_ =	swait.ge [sflag:s24], $0x1C00  }
0x53: {  	[sflag:s24] =	ssyncset.done $0x0  }
0x54: {  	[sflag:s24] =	ssyncadd.s32 $0xFFFFE400  }
0x55: {  	[spmem:s19] =	stream.linear.scatter [tilespmem:s23], [sflag:$0x2], $0x1C00, $0x38;
	[tilespmem:$0x1A9C0] =	vst v63  }
0x56: {  	_ =	swait.ge [sflag:s24], $0x1C00  }
0x57: {  	[sflag:s24] =	ssyncset.done $0x0  }
0x58: {  	[sflag:s24] =	ssyncadd.s32 $0xFFFFE400  }
0x59: {  	[spmem:s20] =	stream.linear.scatter [tilespmem:s23], [sflag:$0x2], $0x1C00, $0x38;
	[tilespmem:$0x1A9C0] =	vst v63  }
.Ltmp3:
0x5a: {  	_ =	swait.ge [sflag:s24], $0x1C00;
	(pc) =	sbr.rel .LBB2_4-.Ltmp3, $4  }
0x5b: {  	[sflag:s24] =	ssyncset.done $0x0  }
0x5c: {  	[sflag:s24] =	ssyncadd.s32 $0xFFFFE400  }
0x5d: {  	[bflag:$0x0] =	sbarrier.arrive $0xFFFF  }
0x5e: {  	s31 =	simm.s32 $0x0;
	s0 =	stileid.u32  }
.LBB2_6:
0x5f: {  	s31 =	sadd.s32 $0x100, s31  }
0x60: {  	p0 =	sne.s32 s31, $0x18700  }
.Ltmp4:
0x61: {  	_ = 	snop;
	(pc) =	sbr.rel @!p0 .LBB2_7-.Ltmp4, $2  }
0x62: {  	_ =	sdelay $0x2  }
0x63: {  	s0 =	sadd.s32 $0x10, s0  }
.LBB2_4:
0x64: {  	p0 =	sgt.u32 s0, $0x1869  }
.Ltmp5:
0x65: {  	_ = 	snop;
	(pc) =	sbr.rel @p0 .LBB2_6-.Ltmp5, $1  }
0x66: {  	_ =	sdelay $0x3  }
0x67: {  	s1 =	sadd.s32 s31, s22  }
0x68: {  	[tilespmem:s3], [sflag:$0x3] =	stream.linear.gather [hbm4b:s1+s3], $0x80, $0x38;
	[tilespmem:$0x1A9C0] =	vst v63  }
0x69: {  	_ =	swait.ge [sflag:s25], $0x80  }
0x6a: {  	[sflag:s25] =	ssyncset.done $0x0  }
0x6b: {  	s1 =	sadd.s32 s31, s21;
	[sflag:s25] =	ssyncadd.s32 $0xFFFFFF80  }
0x6c: {  	[tilespmem:s26], [sflag:$0x3] =	stream.linear.gather [hbm4b:s1+s3], $0x80, $0x38;
	[tilespmem:$0x1A9C0] =	vst v63  }
0x6d: {  	_ =	swait.ge [sflag:s25], $0x80  }
0x6e: {  	[sflag:s25] =	ssyncset.done $0x0  }
0x6f: {  	[sflag:s25] =	ssyncadd.s32 $0xFFFFFF80  }
0x70: {  	v3 =	vld [tilespmem:$0x80]  }
0x71: {  	v4 =	vld [tilespmem:$0x90]  }
0x72: {  	v5 =	vld [tilespmem:$0xA0]  }
0x73: {  	v6 =	vld [tilespmem:$0xB0]  }
0x74: {  	v7 =	vld [tilespmem:$0xC0]  }
0x75: {  	v8 =	vld [tilespmem:$0xD0]  }
0x76: {  	vm0 =	vge.s32 v3, v0;
	vm1 =	vlt.s32 v3, v1;
	v3 =	vsub.s32 v3, v0  }
0x77: {  	v9 =	vld [tilespmem:$0xE0];
	vm12 =	vge.s32 v4, v0;
	vm2 =	vlt.s32 v4, v1;
	v4 =	vsub.s32 v4, v0  }
0x78: {  	vm14 =	vge.s32 v5, v0;
	vm15 =	vlt.s32 v5, v1;
	vm4 =	vge.s32 v6, v0  }
0x79: {  	vm5 =	vlt.s32 v6, v1;
	v5 =	vsub.s32 v5, v0;
	v6 =	vsub.s32 v6, v0  }
0x7a: {  	vm6 =	vge.s32 v7, v0;
	vm7 =	vlt.s32 v7, v1;
	vm8 =	vge.s32 v8, v0  }
0x7b: {  	v10 =	vld [tilespmem:$0xF0];
	vm3 =	vlt.s32 v8, v1;
	v62 =	vsub.s32 v8, v0;
	vm0 =	vmand vm0, vm1  }
0x7c: {  	vm10 =	vge.s32 v9, v0;
	vm13 =	vmand vm12, vm2;
	v3 =	vnsel vm0, $0x6200, v3  }
0x7d: {  	vm11 =	vlt.s32 v9, v1;
	vm1 =	vmand vm4, vm5;
	v4 =	vnsel vm13, $0x6200, v4;
	[tilespmem:$0x100] =	vst v3  }
0x7e: {  	vm9 =	vmand vm8, vm3;
	vm0 =	vmand vm14, vm15;
	v6 =	vnsel vm1, $0x6200, v6;
	[tilespmem:$0x110] =	vst v4  }
0x7f: {  	v5 =	vnsel vm0, $0x6200, v5;
	vm0 =	vmand vm6, vm7;
	v3 =	vsub.s32 v7, v0;
	[tilespmem:$0x130] =	vst v6  }
0x80: {  	vm12 =	vmand vm10, vm11;
	vm13 =	vge.s32 v10, v0;
	[tilespmem:$0x120] =	vst v5;
	v3 =	vnsel vm0, $0x6200, v3  }
0x81: {  	vm14 =	vlt.s32 v10, v1;
	v4 =	vnsel vm9, $0x6200, v62;
	[tilespmem:$0x140] =	vst v3;
	v3 =	vsub.s32 v9, v0  }
0x82: {  	v63 =	vsub.s32 v10, v0;
	vm15 =	vmand vm13, vm14;
	[tilespmem:$0x150] =	vst v4;
	v3 =	vnsel vm12, $0x6200, v3  }
0x83: {  	[tilespmem:$0x160] =	vst v3;
	v3 =	vnsel vm15, $0x6200, v63  }
0x84: {  	[tilespmem:$0x170] =	vst v3  }
0x85: {  	[tilespmem:s23], [sflag:$0x1] =	stream.indirect.gather [hbm4b:s4+s26], $0x40, s3, s26, $0xb8;
	[tilespmem:$0x1A9C0] =	vst v63  }
0x86: {  	_ =	swait.ge [sflag:s28], $0x2000  }
0x87: {  	[sflag:s28] =	ssyncset.done $0x0  }
.Ltmp6:
0x88: {  	[sflag:s28] =	ssyncadd.s32 $0xFFFFE000;
	(pc) =	sbr.rel .LBB2_6-.Ltmp6, $4  }
0x89: {  	[spmem:s2] =	stream.indirect.scatter.add.f32 [tilespmem:s23], [sflag:$0x2], $0x40, s29, s26, $0xb8;
	[tilespmem:$0x1A9C0] =	vst v63  }
0x8a: {  	_ =	swait.ge [sflag:s24], $0x2000  }
0x8b: {  	[sflag:s24] =	ssyncset.done $0x0  }
0x8c: {  	[sflag:s24] =	ssyncadd.s32 $0xFFFFE000  }
.LBB2_8:
0x8d: {  	_ =	sfence.sel $0x180000  }
0x8e: {  	[bflag:$0x0] =	sbarrier.arrive $0xFFFF  }
0x8f: {  	_ =	strace $0x90000059  }
0x90: {  	s0 =	stileid.u32;
	[bflag:$0x2] =	sbarrier.arrive $0xFFFF  }
0x91: {  	p0 =	sne.s32 s0, $0x0;
	s0 =	rddreg [dreg:$0x4]  }
0x92: {  	s0 =	sadd.s32 @!p0 $0x100000, s0  }
0x93: {  	[sflag:s0] =	ssyncadd.tile.s32 @!p0 $0x1;
	_ =	shalt  }
.Lfunc_end2:
_tile_overlayer_lowered:
.L_overlay_start_2:
0x94: {  	(tag) =	ssettag $0x2  }
0x95: {  	s0 =	rddreg [dreg:$0x0];
	s2 =	stileid.u32  }
0x96: {  	s1 =	rddreg [dreg:$0x1];
	p0 =	sne.s32 s2, $0x0  }
0x97: {  	s3 =	rddreg [dreg:$0x2];
	[bflag:$0x3] =	sbarrier.arrive $0xFFFF;
	s2 =	simm.s32 @!p0 $0x1C02  }
0x98: {  	[timem:s3], [sflag:s2] =	dma.local @!p0 [hbm:s0], s1  }
0x99: {  	s0 =	simm.s32 @!p0 $0x2  }
0x9a: {  	_ =	swait.ge @!p0 [sflag:s0], s1  }
0x9b: {  	s1 =	ssub.s32 @!p0 $0x0, s1;
	[sflag:s0] =	ssyncset.done @!p0 $0x0  }
0x9c: {  	[sflag:s0] =	ssyncadd.s32 @!p0 s1  }
0x9d: {  	[bflag:$0x3] =	sbarrier.arrive $0xFFFF  }
0x9e: {  	_ =	shalt  }

// kernel: kernel.37.cloned.1.call-start
scs
__scs_entry_jumppad:
0x0: {  	(pc) =	sbr.rel $0x88, $3  }
0x1: {  	(tag) =	ssettag $0x0;
	lr =	simm.s32 $0x1  }
0x2: {  	[smem:$0x3F89] =	sst lr;
	_ =	strace $0xD0000000  }
0x3: {  	_ = 	snop  }
0x4: {  	_ = 	snop  }
0x5: {  	_ = 	snop  }
0x6: {  	_ = 	snop  }
0x7: {  	_ = 	snop  }
__scs_overlays_trampoline_lowered:
0x8: {  	[smem:$0x3F98] =	sst s0  }
0x9: {  	[smem:$0x3F99] =	sst s1  }
0xa: {  	[smem:$0x3F9A] =	sst s2  }
0xb: {  	[smem:$0x3F9B] =	sst s3  }
0xc: {  	[smem:$0x3F9C] =	sst s4  }
0xd: {  	[smem:$0x3F9D] =	sst s5  }
0xe: {  	[smem:$0x3F9E] =	sst s6  }
0xf: {  	[smem:$0x3F9F] =	sst s7  }
0x10: {  	[smem:$0x3FA0] =	sst s8  }
0x11: {  	[smem:$0x3FA1] =	sst s9;
	s0 =	simm.s32 @!p0 $0x0  }
0x12: {  	s1 =	sld [smem:$0x3F87];
	s0 =	simm.s32 @p0 $0x1  }
0x13: {  	[smem:$0x3FA2] =	sst s0;
	s0 =	simm.s32 @!p1 $0x0  }
0x14: {  	s2 =	sld [smem:$0x3F86];
	s0 =	simm.s32 @p1 $0x1  }
0x15: {  	[smem:$0x3FA3] =	sst s0;
	s0 =	simm.s32 @!p2 $0x0  }
0x16: {  	s3 =	sld [smem:$0x3FDB];
	s0 =	simm.s32 @p2 $0x1  }
0x17: {  	s4 =	simm.s32 $0x1BF5;
	[smem:$0x3FA5] =	sst s0  }
0x18: {  	s0 =	sld [smem:$0x3F88];
	_ =	swait.ge [sflag:s4], $0x0  }
0x19: {  	s7 =	sld [smem:$0x3F89]  }
0x1a: {  	s8 =	sadd.s32 $0xFFFFE003, lr  }
0x1b: {  	s9 =	sadd.s32 $0xFFFFFEF7, lr;
	s5 =	simm.s32 $0xFFFFFFFF;
	p2 =	slt.u32 s8, $0xFFFFF086  }
0x1c: {  	p1 =	slt.u32 s9, $0xF7A;
	s5 =	simm.s32 @!p2 $0x0  }
0x1d: {  	s5 =	simm.s32 @p1 $0x1;
	p0 =	seq.s32 s7, s2  }
0x1e: {  	s7 =	smul.u32 @!p0 $0xF7A, s2;
	p2 =	seq.s32 @!p0 s5, $0x0  }
0x1f: {  	s9 =	smul.u32 $0xF7A, s1;
	s8 =	simm.s32 @!p0 $0x1BF5;
	p2 =	por !p2, p0  }
0x20: {  	[sflag:s8] =	ssyncset.s32 @!p0 $0xFFFFF086;
	s6 =	sadd.s32 @!p0 s3, s7;
	s7 =	simm.s32 @!p0 $0x108  }
0x21: {  	s3 =	sadd.s32 s3, s9;
	s6 =	sadd.s32 @!p0 $0x88, s6;
	s7 =	simm.s32 @p2 $0x1082  }
0x22: {  	[simem:s7], [sflag:s8] =	dma.local @!p0 [hbm:s6], $0xF7A  }
0x23: {  	s9 =	sor.u32 $0xD0000000, s2;
	s6 =	simm.s32 $0x108;
	_ =	swait.ge @!p0 [sflag:s8], $0x0  }
0x24: {  	s3 =	sadd.s32 $0x88, s3;
	s6 =	simm.s32 @!p1 $0x1082;
	[sflag:s4] =	ssyncset.s32 $0xFFFFF086  }
0x25: {  	[simem:s6], [sflag:s4] =	dma.local [hbm:s3], $0xF7A  }
0x26: {  	[smem:$0x3F89] =	sst s1;
	(tag) =	ssettag s2;
	_ =	strace s9  }
0x27: {  	s1 =	sld [smem:$0x3F99]  }
0x28: {  	s2 =	sld [smem:$0x3F9A]  }
0x29: {  	s4 =	sld [smem:$0x3F9C]  }
0x2a: {  	p0 =	seq.s32 s5, $0x0;
	s5 =	sld [smem:$0x3F9D]  }
0x2b: {  	s6 =	sld [smem:$0x3F9E]  }
0x2c: {  	s7 =	sld [smem:$0x3F9F]  }
0x2d: {  	s3 =	simm.s32 $0x108;
	s8 =	sld [smem:$0x3FA0]  }
0x2e: {  	s3 =	simm.s32 @!p0 $0x1082;
	s9 =	sld [smem:$0x3FA1]  }
0x2f: {  	lr =	sadd.s32 s0, s3;
	s0 =	sld [smem:$0x3F98]  }
0x30: {  	s3 =	sld [smem:$0x3F9B]  }
0x31: {  	[smem:$0x3FA4] =	sst s10  }
0x32: {  	s10 =	sld [smem:$0x3FA2];
	_ =	sdelay $0x3  }
0x33: {  	p0 =	seq.s32 s10, $0x1;
	s10 =	sld [smem:$0x3FA4];
	_ =	sdelay $0x3  }
0x34: {  	[smem:$0x3FA4] =	sst s10  }
0x35: {  	s10 =	sld [smem:$0x3FA3];
	_ =	sdelay $0x3  }
0x36: {  	p1 =	seq.s32 s10, $0x1;
	s10 =	sld [smem:$0x3FA4];
	_ =	sdelay $0x3  }
0x37: {  	[smem:$0x3FA4] =	sst s10  }
0x38: {  	s10 =	sld [smem:$0x3FA5]  }
0x39: {  	_ = 	snop;
	(pc) =	sbr.ind lr, $3  }
0x3a: {  	_ = 	snop  }
0x3b: {  	_ = 	snop  }
0x3c: {  	p2 =	seq.s32 s10, $0x1;
	s10 =	sld [smem:$0x3FA4]  }
0x3d: {  	_ =	shalt  }
0x3e: {  	_ =	shalt  }
0x3f: {  	_ =	shalt  }
0x40: {  	_ =	shalt  }
0x41: {  	_ =	shalt  }
0x42: {  	_ =	shalt  }
0x43: {  	_ =	shalt  }
0x44: {  	_ =	shalt  }
0x45: {  	_ =	shalt  }
0x46: {  	_ =	shalt  }
0x47: {  	_ =	shalt  }
0x48: {  	_ =	shalt  }
0x49: {  	_ =	shalt  }
0x4a: {  	_ =	shalt  }
0x4b: {  	_ =	shalt  }
0x4c: {  	_ =	shalt  }
0x4d: {  	_ =	shalt  }
0x4e: {  	_ =	shalt  }
0x4f: {  	_ =	shalt  }
0x50: {  	_ =	shalt  }
0x51: {  	_ =	shalt  }
0x52: {  	_ =	shalt  }
0x53: {  	_ =	shalt  }
0x54: {  	_ =	shalt  }
0x55: {  	_ =	shalt  }
0x56: {  	_ =	shalt  }
0x57: {  	_ =	shalt  }
0x58: {  	_ =	shalt  }
0x59: {  	_ =	shalt  }
0x5a: {  	_ =	shalt  }
0x5b: {  	_ =	shalt  }
0x5c: {  	_ =	shalt  }
0x5d: {  	_ =	shalt  }
0x5e: {  	_ =	shalt  }
0x5f: {  	_ =	shalt  }
0x60: {  	_ =	shalt  }
0x61: {  	_ =	shalt  }
0x62: {  	_ =	shalt  }
0x63: {  	_ =	shalt  }
0x64: {  	_ =	shalt  }
0x65: {  	_ =	shalt  }
0x66: {  	_ =	shalt  }
0x67: {  	_ =	shalt  }
0x68: {  	_ =	shalt  }
0x69: {  	_ =	shalt  }
0x6a: {  	_ =	shalt  }
0x6b: {  	_ =	shalt  }
0x6c: {  	_ =	shalt  }
0x6d: {  	_ =	shalt  }
0x6e: {  	_ =	shalt  }
0x6f: {  	_ =	shalt  }
0x70: {  	_ =	shalt  }
0x71: {  	_ =	shalt  }
0x72: {  	_ =	shalt  }
0x73: {  	_ =	shalt  }
0x74: {  	_ =	shalt  }
0x75: {  	_ =	shalt  }
0x76: {  	_ =	shalt  }
0x77: {  	_ =	shalt  }
0x78: {  	_ =	shalt  }
0x79: {  	_ =	shalt  }
0x7a: {  	_ =	shalt  }
0x7b: {  	_ =	shalt  }
0x7c: {  	_ =	shalt  }
0x7d: {  	_ =	shalt  }
0x7e: {  	_ =	shalt  }
0x7f: {  	_ =	shalt  }
0x80: {  	_ =	shalt  }
0x81: {  	_ =	shalt  }
0x82: {  	_ =	shalt  }
0x83: {  	_ =	shalt  }
0x84: {  	_ =	shalt  }
0x85: {  	_ =	shalt  }
0x86: {  	_ =	shalt  }
0x87: {  	_ =	shalt  }
.Lfunc_end0:
.L_simem_size_0:
called_computation.7_lowered:
.L_overlay_start_0:
0x88: {  	s2 =	sld [smem:$0x3FD9]  }
0x89: {  	s3 =	sld [smem:$0x3FFE];
	_ =	sdelay $0x1  }
0x8a: {  	s1 =	srdreg.scid  }
0x8b: {  	s0 =	sand.u32 $0x1, s1  }
0x8c: {  	s17 =	sshll.u32 s0, $0xA;
	s2 =	sadd.s32 s3, s2  }
0x8d: {  	s2 =	sadd.s32 s2, s17  }
0x8e: {  	[smem:$0x3FB0] =	sst s2  }
0x8f: {  	_ = 	snop  }
0x90: {  	s2 =	sld [smem:$0x3FD0];
	(tm) =	ssettm $0x1  }
0x91: {  	s18 =	sld [smem:$0x3FFB];
	_ =	sdelay $0x3  }
0x92: {  	_ =	strace s18  }
0x93: {  	s3 =	sld [smem:$0x3FFC];
	_ =	sdelay $0x3  }
0x94: {  	_ =	strace s3  }
0x95: {  	s3 =	sld [smem:$0x3FFD];
	_ =	sdelay $0x3  }
0x96: {  	_ =	strace s3  }
0x97: {  	_ =	strace $0x8FFFFFFF  }
0x98: {  	s19 =	sld [smem:$0x3FDB];
	_ =	sdelay $0x1  }
0x99: {  	s4 =	simm.s32 $_scs_section_size  }
0x9a: {  	s5 =	simm.s32 $_size__tile_overlayer_lowered;
	s6 =	simm.s32 $_tile_overlayer_lowered  }
0x9b: {  	s22 =	simm.s32 $0x1BFF;
	s21 =	sshll.u32 s6, $0x1;
	s3 =	sadd.s32 s4, s19  }
0x9c: {  	s7 =	simm.s32 $0x0;
	s20 =	sshll.u32 s5, $0x1;
	s5 =	sadd.s32 s21, s3  }
0x9d: {  	[timem:s7], [sflag:s22] =	dma.local [hbm:s5], s20  }
0x9e: {  	_ =	swait.ge [sflag:s22], s20  }
0x9f: {  	s4 =	ssub.s32 $0x0, s20;
	[sflag:s22] =	ssyncset.done $0x0  }
0xa0: {  	[sflag:s22] =	ssyncadd.s32 s4;
	_ =	sdelay $0x1  }
0xa1: {  	s23 =	simm.s32 $0x1B8B  }
0xa2: {  	_ =	swait.ge [sflag:s23], $0x1  }
0xa3: {  	[sflag:s23] =	ssyncset.done $0x0  }
0xa4: {  	s25 =	simm.s32 $0x1B8E;
	s24 =	sld [smem:$0x3FFE];
	[sflag:s23] =	ssyncadd.s32 $0xFFFFFFFF  }
0xa5: {  	s26 =	simm.s32 $execute0_lowered;
	[smem:$0x3FD2] =	sst s25  }
0xa6: {  	s5 =	sshll.u32 s26, $0x1;
	_ =	strace $0x8000005B;
	[dreg:$0x1] =	wrdreg $0xFFFFFFFF  }
0xa7: {  	s28 =	simm.s32 $_size_execute0_lowered;
	s3 =	sadd.s32 s3, s5;
	[dreg:$0x0] =	wrdreg $0x0  }
0xa8: {  	s5 =	sshll.u32 s28, $0x1;
	[dreg:$0x2] =	wrdreg s3  }
0xa9: {  	[dreg:$0x3] =	wrdreg s5  }
0xaa: {  	[dreg:$0x4] =	wrdreg $0xC0  }
0xab: {  	_ =	task [dreg:s7], $0x5FFFF  }
0xac: {  	[dreg:$0x1] =	wrdreg $0xFFFFFFFF  }
0xad: {  	[dreg:$0x0] =	wrdreg $0x60  }
0xae: {  	[dreg:$0x2] =	wrdreg s24  }
0xaf: {  	[dreg:$0x3] =	wrdreg s2  }
0xb0: {  	[dreg:$0x4] =	wrdreg $0x9  }
0xb1: {  	_ =	task.clear_ibuf [dreg:s7], $0x5FFFF;
	_ =	strace $0x9000005B  }
0xb2: {  	s29 =	simm.s32 $0x9;
	_ =	strace $0x8000005D  }
0xb3: {  	_ =	swait.ge [sflag:s29], $0x1  }
0xb4: {  	[sflag:s29] =	ssyncadd.s32 $0xFFFFFFFF  }
0xb5: {  	_ =	strace $0x9000005D  }
0xb6: {  	_ =	sfence  }
0xb7: {  	s30 =	sld [smem:$0x0];
	_ =	sdelay $0x2  }
0xb8: {  	s31 =	sshll.u32 s1, $0xD;
	s1 =	sshrl.u32 s1, $0x2  }
0xb9: {  	s3 =	sand.u32 $0x4000, s31;
	s1 =	sadd.s32 s1, s30  }
0xba: {  	s0 =	sor.u32 s3, s0;
	s1 =	sshll.u32 s1, $0x11  }
0xbb: {  	s0 =	sor.u32 s1, s0  }
0xbc: {  	s0 =	sadd.s32 $0x8F2B, s0  }
0xbd: {  	[sflag:s0] =	ssyncadd.remote.s32 $0x1  }
0xbe: {  	_ =	sfence.sel $0xFFFF  }
0xbf: {  	[dreg:$0x0] =	wrdreg $0xFFFFFFFF;
	(pc) =	sbr.abs _section_cstart, $3  }
0xc0: {  	[dreg:$0x1] =	wrdreg $0xFFFFFFFF  }
0xc1: {  	_ =	task.clear_ibuf [dreg:s7], $0x2FFFF;
	_ =	strace $0x9FFFFFFF  }
0xc2: {  	(tm) =	ssettm $0x7FFFFFFF  }
0xc3: {  	_ =	shalt  }
tec
execute0_lowered:
.L_overlay_start_1:
0x0: {  	(tag) =	ssettag $0x1  }
0x1: {  	s4 =	rddreg [dreg:$0x0]  }
0x2: {  	s1 =	rddreg [dreg:$0x1]  }
0x3: {  	s0 =	rddreg [dreg:$0x2];
	s2 =	simm.s32 $0x0;
	s3 =	srdreg.scid  }
0x4: {  	s11 =	simm.s32 $0x80;
	s12 =	simm.s32 $0x100;
	s13 =	simm.s32 $0x2100  }
0x5: {  	s14 =	simm.s32 $0x1;
	s15 =	simm.s32 $0x2;
	s16 =	simm.s32 $0x4100  }
0x6: {  	s17 =	simm.s32 $0x4200;
	s18 =	simm.s32 $0x3;
	s19 =	simm.s32 $0x0  }
.Ltmp0:
0x7: {  	[smem:$0x7FF] =	sst s2;
	s8 =	sand.u32 $0x1, s3;
	(pc) =	sbr.rel .LBB2_1-.Ltmp0, $4  }
0x8: {  	s3 =	sadd.s32 $0x6800, s4;
	s5 =	sadd.s32 $0xE4C00, s4;
	s9 =	ssub.s32 $0x2, s8  }
0x9: {  	s6 =	sadd.s32 $0xE1A00, s4;
	s7 =	sadd.s32 $0xDE800, s4;
	s10 =	sshrl.u32 s9, $0x1  }
0xa: {  	v0 =	vlaneseq.u32;
	s4 =	stileid.u32;
	_ =	strace $0x8000005C;
	s9 =	ssub.s32 s9, s10  }
0xb: {  	v0 =	vmul.u32 $0x10, v0;
	s8 =	sshll.u32 s8, $0x4;
	s10 =	simm.s32 $0x4;
	s9 =	smax.u32 s9, $0x1  }
.LBB2_37:
0xc: {  	s19 =	sadd.s32 $0x1, s19  }
0xd: {  	p0 =	sne.s32 s19, s9  }
.Ltmp1:
0xe: {  	_ = 	snop;
	(pc) =	sbr.rel @!p0 .LBB2_38-.Ltmp1, $1  }
0xf: {  	_ =	sdelay $0x3  }
.LBB2_1:
.Ltmp2:
0x10: {  	(pc) =	sbr.rel .LBB2_2-.Ltmp2, $2  }
0x11: {  	_ =	sdelay $0x2  }
0x12: {  	s20 =	simm.s32 $0x0  }
.LBB2_36:
0x13: {  	s20 =	sadd.s32 $0x1, s20  }
0x14: {  	p0 =	sne.s32 s20, $0x19  }
.Ltmp3:
0x15: {  	_ = 	snop;
	(pc) =	sbr.rel @!p0 .LBB2_37-.Ltmp3, $1  }
0x16: {  	_ =	sdelay $0x3  }
.LBB2_2:
0x17: {  	s21 =	sshll.u32 s20, $0x5  }
0x18: {  	s21 =	sor.u32 s21, s8  }
0x19: {  	s21 =	sor.u32 s4, s21  }
0x1a: {  	p0 =	sgt.u32 s21, $0x30D  }
.Ltmp4:
0x1b: {  	_ = 	snop;
	(pc) =	sbr.rel @p0 .LBB2_36-.Ltmp4, $1  }
0x1c: {  	_ =	sdelay $0x3  }
0x1d: {  	s21 =	sshll.u32 s21, $0x4  }
0x1e: {  	s22 =	simm.s32 $0x0;
	s23 =	sadd.s32 s6, s21  }
0x1f: {  	[tilespmem:s22], [sflag:$0x4] =	stream.linear.gather [hbm4b:s23+s22], $0x80, $0x38;
	[tilespmem:$0x4280] =	vst v63  }
0x20: {  	_ =	swait.ge [sflag:s10], $0x80  }
0x21: {  	[sflag:s10] =	ssyncset.done $0x0  }
0x22: {  	s30 =	sadd.s32 s7, s21;
	[sflag:s10] =	ssyncadd.s32 $0xFFFFFF80  }
0x23: {  	[tilespmem:s11], [sflag:$0x4] =	stream.linear.gather [hbm4b:s30+s22], $0x80, $0x38;
	[tilespmem:$0x4280] =	vst v63  }
0x24: {  	_ =	swait.ge [sflag:s10], $0x80  }
0x25: {  	[sflag:s10] =	ssyncset.done $0x0  }
0x26: {  	[sflag:s10] =	ssyncadd.s32 $0xFFFFFF80  }
0x27: {  	[tilespmem:s12], [sflag:$0x1] =	stream.indirect.gather [hbm4b:s3+s11], $0x40, s22, s11, $0xb8;
	[tilespmem:$0x4280] =	vst v63  }
0x28: {  	_ = 	snop  }
0x29: {  	[tilespmem:s13], [sflag:$0x2] =	stream.indirect.gather [hbm4b:s5+s11], $0x40, s11, s11, $0xb8;
	[tilespmem:$0x4280] =	vst v63  }
0x2a: {  	_ =	swait.ge [sflag:s14], $0x2000  }
0x2b: {  	[sflag:s14] =	ssyncset.done $0x0  }
0x2c: {  	[sflag:s14] =	ssyncadd.s32 $0xFFFFE000  }
0x2d: {  	_ =	swait.ge [sflag:s15], $0x2000  }
0x2e: {  	[sflag:s15] =	ssyncset.done $0x0  }
0x2f: {  	s31 =	simm.s32 $0x0;
	[sflag:s15] =	ssyncadd.s32 $0xFFFFE000  }
0x30: {  	v1 =	vld [tilespmem:s31+$0x2100]  }
0x31: {  	v2 =	vld [tilespmem:s31+$0x100]  }
0x32: {  	v3 =	vld [tilespmem:s31+$0x110]  }
0x33: {  	v4 =	vld [tilespmem:s31+$0x2110]  }
0x34: {  	v5 =	vld [tilespmem:s31+$0x120]  }
0x35: {  	v6 =	vld [tilespmem:s31+$0x2120]  }
0x36: {  	v7 =	vld [tilespmem:s31+$0x130]  }
0x37: {  	v8 =	vld [tilespmem:s31+$0x2130]  }
0x38: {  	v1 =	vmul.f32 v1, v2;
	v2 =	vmul.f32 v4, v3;
	_ =	sdelay $0x1  }
0x39: {  	v1 =	vadd.f32 v2, v1;
	v2 =	vmul.f32 v6, v5;
	_ =	sdelay $0x1  }
0x3a: {  	v1 =	vadd.f32 v2, v1;
	v2 =	vmul.f32 v8, v7;
	_ =	sdelay $0x1  }
0x3b: {  	v1 =	vadd.f32 v2, v1  }
0x3c: {  	s23 =	simm.s32 $0x4100  }
0x3d: {  	s25 =	simm.s32 $0x40;
	[tilespmem:s23+$0x0] =	vst v1  }
0x3e: {  	v1 =	vld [tilespmem:s25+$0x2100]  }
0x3f: {  	v2 =	vld [tilespmem:s25+$0x100]  }
0x40: {  	s24 =	simm.s32 $0x200;
	v3 =	vld [tilespmem:s25+$0x110]  }
.LBB2_4:
0x41: {  	p0 =	sne.s32 s24, $0xF00;
	v4 =	vld [tilespmem:s25+$0x2110]  }
0x42: {  	v5 =	vld [tilespmem:s25+$0x120]  }
0x43: {  	v6 =	vld [tilespmem:s25+$0x2120]  }
0x44: {  	v7 =	vld [tilespmem:s25+$0x130]  }
0x45: {  	v8 =	vld [tilespmem:s25+$0x2130]  }
0x46: {  	v1 =	vmul.f32 v1, v2;
	v2 =	vmul.f32 v4, v3;
	_ =	sdelay $0x1  }
0x47: {  	v1 =	vadd.f32 v2, v1;
	v2 =	vmul.f32 v6, v5;
	_ =	sdelay $0x1  }
0x48: {  	v1 =	vadd.f32 v2, v1;
	v2 =	vmul.f32 v8, v7;
	_ =	sdelay $0x1  }
0x49: {  	v1 =	vadd.f32 v2, v1  }
.Ltmp5:
0x4a: {  	s23 =	sadd.s32 $0x10, s23;
	(pc) =	sbr.rel @p0 .LBB2_4-.Ltmp5, $4  }
0x4b: {  	s25 =	sshra.s32 s24, $0x2;
	[tilespmem:s23+$0x0] =	vst v1  }
0x4c: {  	v1 =	vld [tilespmem:s25+$0x2100]  }
0x4d: {  	v2 =	vld [tilespmem:s25+$0x100]  }
0x4e: {  	s24 =	sadd.s32 $0x100, s24;
	v3 =	vld [tilespmem:s25+$0x110]  }
0x4f: {  	v4 =	vld [tilespmem:s25+$0x2110]  }
0x50: {  	v5 =	vld [tilespmem:s25+$0x120]  }
0x51: {  	v6 =	vld [tilespmem:s25+$0x2120]  }
0x52: {  	v7 =	vld [tilespmem:s25+$0x130]  }
0x53: {  	v8 =	vld [tilespmem:s25+$0x2130]  }
0x54: {  	v1 =	vmul.f32 v1, v2;
	v2 =	vmul.f32 v4, v3;
	v3 =	vmov s22  }
0x55: {  	v3 =	vand.u32 $0xF, v3  }
0x56: {  	v1 =	vadd.f32 v2, v1;
	v2 =	vmul.f32 v6, v5;
	v3 =	vbroadcast v3, $0x0;
	_ =	sdelay $0x1  }
0x57: {  	s30 =	simm.s32 $0x1;
	v1 =	vadd.f32 v2, v1;
	v2 =	vmul.f32 v8, v7;
	v3 =	vor.u32 v0, v3  }
0x58: {  	v4 =	vmov s30  }
0x59: {  	v1 =	vadd.f32 v2, v1;
	v2 =	vand.u32 $0xF, v4  }
0x5a: {  	s31 =	sadd.s32 $0x10, s23;
	v4 =	vbroadcast v2, $0x0  }
0x5b: {  	[tilespmem:s31+$0x0] =	vst v1  }
0x5c: {  	s22 =	simm.s32 $0x2;
	v1 =	vimm.f32 $0.0e+00;
	v2 =	vld.idx.msk [tilespmem:v3+s16+$0x0], $0xffff;
	v3 =	vor.u32 v0, v4  }
.LBB2_6:
0x5d: {  	p0 =	sne.s32 s22, $0xF  }
.Ltmp6:
0x5e: {  	v4 =	vmov s22;
	s22 =	sadd.s32 $0x1, s22;
	(pc) =	sbr.rel @p0 .LBB2_6-.Ltmp6, $4  }
0x5f: {  	v4 =	vand.u32 $0xF, v4  }
0x60: {  	v4 =	vbroadcast v4, $0x0  }
0x61: {  	v1 =	vadd.f32 v2, v1;
	v2 =	vld.idx.msk [tilespmem:v3+s16+$0x0], $0xffff  }
0x62: {  	v3 =	vor.u32 v0, v4  }
0x63: {  	_ =	sdelay $0x3  }
0x64: {  	v3 =	vld.idx.msk [tilespmem:v3+s16+$0x0], $0xffff;
	_ =	sdelay $0x2  }
0x65: {  	v1 =	vadd.f32 v2, v1;
	_ =	sdelay $0x1  }
0x66: {  	v1 =	vadd.f32 v3, v1;
	_ =	sdelay $0x1  }
0x67: {  	s22 =	simm.s32 $0x0;
	[tilespmem:$0x4200] =	vst v1  }
0x68: {  	v1 =	vld [tilespmem:s22+$0x2500]  }
0x69: {  	v2 =	vld [tilespmem:s22+$0x500]  }
0x6a: {  	v3 =	vld [tilespmem:s22+$0x510]  }
0x6b: {  	v4 =	vld [tilespmem:s22+$0x2510]  }
0x6c: {  	v5 =	vld [tilespmem:s22+$0x520]  }
0x6d: {  	v6 =	vld [tilespmem:s22+$0x2520]  }
0x6e: {  	v7 =	vld [tilespmem:s22+$0x530]  }
0x6f: {  	v8 =	vld [tilespmem:s22+$0x2530]  }
0x70: {  	v1 =	vmul.f32 v1, v2;
	v2 =	vmul.f32 v4, v3;
	_ =	sdelay $0x1  }
0x71: {  	v1 =	vadd.f32 v2, v1;
	v2 =	vmul.f32 v6, v5;
	_ =	sdelay $0x1  }
0x72: {  	v1 =	vadd.f32 v2, v1;
	v2 =	vmul.f32 v8, v7;
	_ =	sdelay $0x1  }
0x73: {  	v1 =	vadd.f32 v2, v1  }
0x74: {  	s22 =	simm.s32 $0x4100  }
0x75: {  	s25 =	simm.s32 $0x40;
	[tilespmem:s22+$0x0] =	vst v1  }
0x76: {  	v1 =	vld [tilespmem:s25+$0x2500]  }
0x77: {  	v2 =	vld [tilespmem:s25+$0x500]  }
0x78: {  	s23 =	simm.s32 $0x0;
	s24 =	simm.s32 $0x200;
	v3 =	vld [tilespmem:s25+$0x510]  }
.LBB2_8:
0x79: {  	p0 =	sne.s32 s24, $0xF00;
	v4 =	vld [tilespmem:s25+$0x2510]  }
0x7a: {  	v5 =	vld [tilespmem:s25+$0x520]  }
0x7b: {  	v6 =	vld [tilespmem:s25+$0x2520]  }
0x7c: {  	v7 =	vld [tilespmem:s25+$0x530]  }
0x7d: {  	v8 =	vld [tilespmem:s25+$0x2530]  }
0x7e: {  	v1 =	vmul.f32 v1, v2;
	v2 =	vmul.f32 v4, v3;
	_ =	sdelay $0x1  }
0x7f: {  	v1 =	vadd.f32 v2, v1;
	v2 =	vmul.f32 v6, v5;
	_ =	sdelay $0x1  }
0x80: {  	v1 =	vadd.f32 v2, v1;
	v2 =	vmul.f32 v8, v7;
	_ =	sdelay $0x1  }
0x81: {  	v1 =	vadd.f32 v2, v1  }
.Ltmp7:
0x82: {  	s22 =	sadd.s32 $0x10, s22;
	(pc) =	sbr.rel @p0 .LBB2_8-.Ltmp7, $4  }
0x83: {  	s25 =	sshra.s32 s24, $0x2;
	[tilespmem:s22+$0x0] =	vst v1  }
0x84: {  	v1 =	vld [tilespmem:s25+$0x2500]  }
0x85: {  	v2 =	vld [tilespmem:s25+$0x500]  }
0x86: {  	s24 =	sadd.s32 $0x100, s24;
	v3 =	vld [tilespmem:s25+$0x510]  }
0x87: {  	v4 =	vld [tilespmem:s25+$0x2510]  }
0x88: {  	v5 =	vld [tilespmem:s25+$0x520]  }
0x89: {  	v6 =	vld [tilespmem:s25+$0x2520]  }
0x8a: {  	v7 =	vld [tilespmem:s25+$0x530]  }
0x8b: {  	v8 =	vld [tilespmem:s25+$0x2530]  }
0x8c: {  	v1 =	vmul.f32 v1, v2;
	v2 =	vmul.f32 v4, v3;
	v3 =	vmov s23  }
0x8d: {  	v3 =	vand.u32 $0xF, v3  }
0x8e: {  	v1 =	vadd.f32 v2, v1;
	v2 =	vmul.f32 v6, v5;
	v3 =	vbroadcast v3, $0x0;
	_ =	sdelay $0x1  }
0x8f: {  	s31 =	simm.s32 $0x1;
	v1 =	vadd.f32 v2, v1;
	v2 =	vmul.f32 v8, v7;
	v3 =	vor.u32 v0, v3  }
0x90: {  	v4 =	vmov s31  }
0x91: {  	v1 =	vadd.f32 v2, v1;
	v2 =	vand.u32 $0xF, v4  }
0x92: {  	s22 =	sadd.s32 $0x10, s22;
	v4 =	vbroadcast v2, $0x0  }
0x93: {  	[tilespmem:s22+$0x0] =	vst v1  }
0x94: {  	v1 =	vimm.f32 $0.0e+00;
	s22 =	simm.s32 $0x2;
	v2 =	vld.idx.msk [tilespmem:v3+s16+$0x0], $0xffff;
	v3 =	vor.u32 v0, v4  }
.LBB2_10:
0x95: {  	p0 =	sne.s32 s22, $0xF  }
.Ltmp8:
0x96: {  	v4 =	vmov s22;
	s22 =	sadd.s32 $0x1, s22;
	(pc) =	sbr.rel @p0 .LBB2_10-.Ltmp8, $4  }
0x97: {  	v4 =	vand.u32 $0xF, v4  }
0x98: {  	v4 =	vbroadcast v4, $0x0  }
0x99: {  	v1 =	vadd.f32 v2, v1;
	v2 =	vld.idx.msk [tilespmem:v3+s16+$0x0], $0xffff  }
0x9a: {  	v3 =	vor.u32 v0, v4  }
0x9b: {  	_ =	sdelay $0x3  }
0x9c: {  	v3 =	vld.idx.msk [tilespmem:v3+s16+$0x0], $0xffff;
	_ =	sdelay $0x2  }
0x9d: {  	v1 =	vadd.f32 v2, v1;
	_ =	sdelay $0x1  }
0x9e: {  	v1 =	vadd.f32 v3, v1;
	_ =	sdelay $0x1  }
0x9f: {  	s22 =	simm.s32 $0x0;
	[tilespmem:$0x4210] =	vst v1  }
0xa0: {  	v1 =	vld [tilespmem:s22+$0x2900]  }
0xa1: {  	v2 =	vld [tilespmem:s22+$0x900]  }
0xa2: {  	v3 =	vld [tilespmem:s22+$0x910]  }
0xa3: {  	v4 =	vld [tilespmem:s22+$0x2910]  }
0xa4: {  	v5 =	vld [tilespmem:s22+$0x920]  }
0xa5: {  	v6 =	vld [tilespmem:s22+$0x2920]  }
0xa6: {  	v7 =	vld [tilespmem:s22+$0x930]  }
0xa7: {  	v8 =	vld [tilespmem:s22+$0x2930]  }
0xa8: {  	v1 =	vmul.f32 v1, v2;
	v2 =	vmul.f32 v4, v3;
	_ =	sdelay $0x1  }
0xa9: {  	v1 =	vadd.f32 v2, v1;
	v2 =	vmul.f32 v6, v5;
	_ =	sdelay $0x1  }
0xaa: {  	v1 =	vadd.f32 v2, v1;
	v2 =	vmul.f32 v8, v7;
	_ =	sdelay $0x1  }
0xab: {  	v1 =	vadd.f32 v2, v1  }
0xac: {  	s22 =	simm.s32 $0x4100  }
0xad: {  	s25 =	simm.s32 $0x40;
	[tilespmem:s22+$0x0] =	vst v1  }
0xae: {  	v1 =	vld [tilespmem:s25+$0x2900]  }
0xaf: {  	v2 =	vld [tilespmem:s25+$0x900]  }
0xb0: {  	s23 =	simm.s32 $0x0;
	s24 =	simm.s32 $0x200;
	v3 =	vld [tilespmem:s25+$0x910]  }
.LBB2_12:
0xb1: {  	p0 =	sne.s32 s24, $0xF00;
	v4 =	vld [tilespmem:s25+$0x2910]  }
0xb2: {  	v5 =	vld [tilespmem:s25+$0x920]  }
0xb3: {  	v6 =	vld [tilespmem:s25+$0x2920]  }
0xb4: {  	v7 =	vld [tilespmem:s25+$0x930]  }
0xb5: {  	v8 =	vld [tilespmem:s25+$0x2930]  }
0xb6: {  	v1 =	vmul.f32 v1, v2;
	v2 =	vmul.f32 v4, v3;
	_ =	sdelay $0x1  }
0xb7: {  	v1 =	vadd.f32 v2, v1;
	v2 =	vmul.f32 v6, v5;
	_ =	sdelay $0x1  }
0xb8: {  	v1 =	vadd.f32 v2, v1;
	v2 =	vmul.f32 v8, v7;
	_ =	sdelay $0x1  }
0xb9: {  	v1 =	vadd.f32 v2, v1  }
.Ltmp9:
0xba: {  	s22 =	sadd.s32 $0x10, s22;
	(pc) =	sbr.rel @p0 .LBB2_12-.Ltmp9, $4  }
0xbb: {  	s25 =	sshra.s32 s24, $0x2;
	[tilespmem:s22+$0x0] =	vst v1  }
0xbc: {  	v1 =	vld [tilespmem:s25+$0x2900]  }
0xbd: {  	v2 =	vld [tilespmem:s25+$0x900]  }
0xbe: {  	s24 =	sadd.s32 $0x100, s24;
	v3 =	vld [tilespmem:s25+$0x910]  }
0xbf: {  	v4 =	vld [tilespmem:s25+$0x2910]  }
0xc0: {  	v5 =	vld [tilespmem:s25+$0x920]  }
0xc1: {  	v6 =	vld [tilespmem:s25+$0x2920]  }
0xc2: {  	v7 =	vld [tilespmem:s25+$0x930]  }
0xc3: {  	v8 =	vld [tilespmem:s25+$0x2930]  }
0xc4: {  	v1 =	vmul.f32 v1, v2;
	v2 =	vmul.f32 v4, v3;
	v3 =	vmov s23  }
0xc5: {  	v3 =	vand.u32 $0xF, v3  }
0xc6: {  	v1 =	vadd.f32 v2, v1;
	v2 =	vmul.f32 v6, v5;
	v3 =	vbroadcast v3, $0x0;
	_ =	sdelay $0x1  }
0xc7: {  	s31 =	simm.s32 $0x1;
	v1 =	vadd.f32 v2, v1;
	v2 =	vmul.f32 v8, v7;
	v3 =	vor.u32 v0, v3  }
0xc8: {  	v4 =	vmov s31  }
0xc9: {  	v1 =	vadd.f32 v2, v1;
	v2 =	vand.u32 $0xF, v4  }
0xca: {  	s22 =	sadd.s32 $0x10, s22;
	v4 =	vbroadcast v2, $0x0  }
0xcb: {  	[tilespmem:s22+$0x0] =	vst v1  }
0xcc: {  	v1 =	vimm.f32 $0.0e+00;
	s22 =	simm.s32 $0x2;
	v2 =	vld.idx.msk [tilespmem:v3+s16+$0x0], $0xffff;
	v3 =	vor.u32 v0, v4  }
.LBB2_14:
0xcd: {  	p0 =	sne.s32 s22, $0xF  }
.Ltmp10:
0xce: {  	v4 =	vmov s22;
	s22 =	sadd.s32 $0x1, s22;
	(pc) =	sbr.rel @p0 .LBB2_14-.Ltmp10, $4  }
0xcf: {  	v4 =	vand.u32 $0xF, v4  }
0xd0: {  	v4 =	vbroadcast v4, $0x0  }
0xd1: {  	v1 =	vadd.f32 v2, v1;
	v2 =	vld.idx.msk [tilespmem:v3+s16+$0x0], $0xffff  }
0xd2: {  	v3 =	vor.u32 v0, v4  }
0xd3: {  	_ =	sdelay $0x3  }
0xd4: {  	v3 =	vld.idx.msk [tilespmem:v3+s16+$0x0], $0xffff;
	_ =	sdelay $0x2  }
0xd5: {  	v1 =	vadd.f32 v2, v1;
	_ =	sdelay $0x1  }
0xd6: {  	v1 =	vadd.f32 v3, v1;
	_ =	sdelay $0x1  }
0xd7: {  	s22 =	simm.s32 $0x0;
	[tilespmem:$0x4220] =	vst v1  }
0xd8: {  	v1 =	vld [tilespmem:s22+$0x2D00]  }
0xd9: {  	v2 =	vld [tilespmem:s22+$0xD00]  }
0xda: {  	v3 =	vld [tilespmem:s22+$0xD10]  }
0xdb: {  	v4 =	vld [tilespmem:s22+$0x2D10]  }
0xdc: {  	v5 =	vld [tilespmem:s22+$0xD20]  }
0xdd: {  	v6 =	vld [tilespmem:s22+$0x2D20]  }
0xde: {  	v7 =	vld [tilespmem:s22+$0xD30]  }
0xdf: {  	v8 =	vld [tilespmem:s22+$0x2D30]  }
0xe0: {  	v1 =	vmul.f32 v1, v2;
	v2 =	vmul.f32 v4, v3;
	_ =	sdelay $0x1  }
0xe1: {  	v1 =	vadd.f32 v2, v1;
	v2 =	vmul.f32 v6, v5;
	_ =	sdelay $0x1  }
0xe2: {  	v1 =	vadd.f32 v2, v1;
	v2 =	vmul.f32 v8, v7;
	_ =	sdelay $0x1  }
0xe3: {  	v1 =	vadd.f32 v2, v1  }
0xe4: {  	s22 =	simm.s32 $0x4100  }
0xe5: {  	s25 =	simm.s32 $0x40;
	[tilespmem:s22+$0x0] =	vst v1  }
0xe6: {  	v1 =	vld [tilespmem:s25+$0x2D00]  }
0xe7: {  	v2 =	vld [tilespmem:s25+$0xD00]  }
0xe8: {  	s23 =	simm.s32 $0x0;
	s24 =	simm.s32 $0x200;
	v3 =	vld [tilespmem:s25+$0xD10]  }
.LBB2_16:
0xe9: {  	p0 =	sne.s32 s24, $0xF00;
	v4 =	vld [tilespmem:s25+$0x2D10]  }
0xea: {  	v5 =	vld [tilespmem:s25+$0xD20]  }
0xeb: {  	v6 =	vld [tilespmem:s25+$0x2D20]  }
0xec: {  	v7 =	vld [tilespmem:s25+$0xD30]  }
0xed: {  	v8 =	vld [tilespmem:s25+$0x2D30]  }
0xee: {  	v1 =	vmul.f32 v1, v2;
	v2 =	vmul.f32 v4, v3;
	_ =	sdelay $0x1  }
0xef: {  	v1 =	vadd.f32 v2, v1;
	v2 =	vmul.f32 v6, v5;
	_ =	sdelay $0x1  }
0xf0: {  	v1 =	vadd.f32 v2, v1;
	v2 =	vmul.f32 v8, v7;
	_ =	sdelay $0x1  }
0xf1: {  	v1 =	vadd.f32 v2, v1  }
.Ltmp11:
0xf2: {  	s22 =	sadd.s32 $0x10, s22;
	(pc) =	sbr.rel @p0 .LBB2_16-.Ltmp11, $4  }
0xf3: {  	s25 =	sshra.s32 s24, $0x2;
	[tilespmem:s22+$0x0] =	vst v1  }
0xf4: {  	v1 =	vld [tilespmem:s25+$0x2D00]  }
0xf5: {  	v2 =	vld [tilespmem:s25+$0xD00]  }
0xf6: {  	s24 =	sadd.s32 $0x100, s24;
	v3 =	vld [tilespmem:s25+$0xD10]  }
0xf7: {  	v4 =	vld [tilespmem:s25+$0x2D10]  }
0xf8: {  	v5 =	vld [tilespmem:s25+$0xD20]  }
0xf9: {  	v6 =	vld [tilespmem:s25+$0x2D20]  }
0xfa: {  	v7 =	vld [tilespmem:s25+$0xD30]  }
0xfb: {  	v8 =	vld [tilespmem:s25+$0x2D30]  }
0xfc: {  	v1 =	vmul.f32 v1, v2;
	v2 =	vmul.f32 v4, v3;
	v3 =	vmov s23  }
0xfd: {  	v3 =	vand.u32 $0xF, v3  }
0xfe: {  	v1 =	vadd.f32 v2, v1;
	v2 =	vmul.f32 v6, v5;
	v3 =	vbroadcast v3, $0x0;
	_ =	sdelay $0x1  }
0xff: {  	s31 =	simm.s32 $0x1;
	v1 =	vadd.f32 v2, v1;
	v2 =	vmul.f32 v8, v7;
	v3 =	vor.u32 v0, v3  }
0x100: {  	v4 =	vmov s31  }
0x101: {  	v1 =	vadd.f32 v2, v1;
	v2 =	vand.u32 $0xF, v4  }
0x102: {  	s22 =	sadd.s32 $0x10, s22;
	v4 =	vbroadcast v2, $0x0  }
0x103: {  	[tilespmem:s22+$0x0] =	vst v1  }
0x104: {  	v1 =	vimm.f32 $0.0e+00;
	s22 =	simm.s32 $0x2;
	v2 =	vld.idx.msk [tilespmem:v3+s16+$0x0], $0xffff;
	v3 =	vor.u32 v0, v4  }
.LBB2_18:
0x105: {  	p0 =	sne.s32 s22, $0xF  }
.Ltmp12:
0x106: {  	v4 =	vmov s22;
	s22 =	sadd.s32 $0x1, s22;
	(pc) =	sbr.rel @p0 .LBB2_18-.Ltmp12, $4  }
0x107: {  	v4 =	vand.u32 $0xF, v4  }
0x108: {  	v4 =	vbroadcast v4, $0x0  }
0x109: {  	v1 =	vadd.f32 v2, v1;
	v2 =	vld.idx.msk [tilespmem:v3+s16+$0x0], $0xffff  }
0x10a: {  	v3 =	vor.u32 v0, v4  }
0x10b: {  	_ =	sdelay $0x3  }
0x10c: {  	v3 =	vld.idx.msk [tilespmem:v3+s16+$0x0], $0xffff;
	_ =	sdelay $0x2  }
0x10d: {  	v1 =	vadd.f32 v2, v1;
	_ =	sdelay $0x1  }
0x10e: {  	v1 =	vadd.f32 v3, v1;
	_ =	sdelay $0x1  }
0x10f: {  	s22 =	simm.s32 $0x0;
	[tilespmem:$0x4230] =	vst v1  }
0x110: {  	v1 =	vld [tilespmem:s22+$0x3100]  }
0x111: {  	v2 =	vld [tilespmem:s22+$0x1100]  }
0x112: {  	v3 =	vld [tilespmem:s22+$0x1110]  }
0x113: {  	v4 =	vld [tilespmem:s22+$0x3110]  }
0x114: {  	v5 =	vld [tilespmem:s22+$0x1120]  }
0x115: {  	v6 =	vld [tilespmem:s22+$0x3120]  }
0x116: {  	v7 =	vld [tilespmem:s22+$0x1130]  }
0x117: {  	v8 =	vld [tilespmem:s22+$0x3130]  }
0x118: {  	v1 =	vmul.f32 v1, v2;
	v2 =	vmul.f32 v4, v3;
	_ =	sdelay $0x1  }
0x119: {  	v1 =	vadd.f32 v2, v1;
	v2 =	vmul.f32 v6, v5;
	_ =	sdelay $0x1  }
0x11a: {  	v1 =	vadd.f32 v2, v1;
	v2 =	vmul.f32 v8, v7;
	_ =	sdelay $0x1  }
0x11b: {  	v1 =	vadd.f32 v2, v1  }
0x11c: {  	s22 =	simm.s32 $0x4100  }
0x11d: {  	s25 =	simm.s32 $0x40;
	[tilespmem:s22+$0x0] =	vst v1  }
0x11e: {  	v1 =	vld [tilespmem:s25+$0x3100]  }
0x11f: {  	v2 =	vld [tilespmem:s25+$0x1100]  }
0x120: {  	s23 =	simm.s32 $0x0;
	s24 =	simm.s32 $0x200;
	v3 =	vld [tilespmem:s25+$0x1110]  }
.LBB2_20:
0x121: {  	p0 =	sne.s32 s24, $0xF00;
	v4 =	vld [tilespmem:s25+$0x3110]  }
0x122: {  	v5 =	vld [tilespmem:s25+$0x1120]  }
0x123: {  	v6 =	vld [tilespmem:s25+$0x3120]  }
0x124: {  	v7 =	vld [tilespmem:s25+$0x1130]  }
0x125: {  	v8 =	vld [tilespmem:s25+$0x3130]  }
0x126: {  	v1 =	vmul.f32 v1, v2;
	v2 =	vmul.f32 v4, v3;
	_ =	sdelay $0x1  }
0x127: {  	v1 =	vadd.f32 v2, v1;
	v2 =	vmul.f32 v6, v5;
	_ =	sdelay $0x1  }
0x128: {  	v1 =	vadd.f32 v2, v1;
	v2 =	vmul.f32 v8, v7;
	_ =	sdelay $0x1  }
0x129: {  	v1 =	vadd.f32 v2, v1  }
.Ltmp13:
0x12a: {  	s22 =	sadd.s32 $0x10, s22;
	(pc) =	sbr.rel @p0 .LBB2_20-.Ltmp13, $4  }
0x12b: {  	s25 =	sshra.s32 s24, $0x2;
	[tilespmem:s22+$0x0] =	vst v1  }
0x12c: {  	v1 =	vld [tilespmem:s25+$0x3100]  }
0x12d: {  	v2 =	vld [tilespmem:s25+$0x1100]  }
0x12e: {  	s24 =	sadd.s32 $0x100, s24;
	v3 =	vld [tilespmem:s25+$0x1110]  }
0x12f: {  	v4 =	vld [tilespmem:s25+$0x3110]  }
0x130: {  	v5 =	vld [tilespmem:s25+$0x1120]  }
0x131: {  	v6 =	vld [tilespmem:s25+$0x3120]  }
0x132: {  	v7 =	vld [tilespmem:s25+$0x1130]  }
0x133: {  	v8 =	vld [tilespmem:s25+$0x3130]  }
0x134: {  	v1 =	vmul.f32 v1, v2;
	v2 =	vmul.f32 v4, v3;
	v3 =	vmov s23  }
0x135: {  	v3 =	vand.u32 $0xF, v3  }
0x136: {  	v1 =	vadd.f32 v2, v1;
	v2 =	vmul.f32 v6, v5;
	v3 =	vbroadcast v3, $0x0;
	_ =	sdelay $0x1  }
0x137: {  	s31 =	simm.s32 $0x1;
	v1 =	vadd.f32 v2, v1;
	v2 =	vmul.f32 v8, v7;
	v3 =	vor.u32 v0, v3  }
0x138: {  	v4 =	vmov s31  }
0x139: {  	v1 =	vadd.f32 v2, v1;
	v2 =	vand.u32 $0xF, v4  }
0x13a: {  	s22 =	sadd.s32 $0x10, s22;
	v4 =	vbroadcast v2, $0x0  }
0x13b: {  	[tilespmem:s22+$0x0] =	vst v1  }
0x13c: {  	v1 =	vimm.f32 $0.0e+00;
	s22 =	simm.s32 $0x2;
	v2 =	vld.idx.msk [tilespmem:v3+s16+$0x0], $0xffff;
	v3 =	vor.u32 v0, v4  }
.LBB2_22:
0x13d: {  	p0 =	sne.s32 s22, $0xF  }
.Ltmp14:
0x13e: {  	v4 =	vmov s22;
	s22 =	sadd.s32 $0x1, s22;
	(pc) =	sbr.rel @p0 .LBB2_22-.Ltmp14, $4  }
0x13f: {  	v4 =	vand.u32 $0xF, v4  }
0x140: {  	v4 =	vbroadcast v4, $0x0  }
0x141: {  	v1 =	vadd.f32 v2, v1;
	v2 =	vld.idx.msk [tilespmem:v3+s16+$0x0], $0xffff  }
0x142: {  	v3 =	vor.u32 v0, v4  }
0x143: {  	_ =	sdelay $0x3  }
0x144: {  	v3 =	vld.idx.msk [tilespmem:v3+s16+$0x0], $0xffff;
	_ =	sdelay $0x2  }
0x145: {  	v1 =	vadd.f32 v2, v1;
	_ =	sdelay $0x1  }
0x146: {  	v1 =	vadd.f32 v3, v1;
	_ =	sdelay $0x1  }
0x147: {  	s22 =	simm.s32 $0x0;
	[tilespmem:$0x4240] =	vst v1  }
0x148: {  	v1 =	vld [tilespmem:s22+$0x3500]  }
0x149: {  	v2 =	vld [tilespmem:s22+$0x1500]  }
0x14a: {  	v3 =	vld [tilespmem:s22+$0x1510]  }
0x14b: {  	v4 =	vld [tilespmem:s22+$0x3510]  }
0x14c: {  	v5 =	vld [tilespmem:s22+$0x1520]  }
0x14d: {  	v6 =	vld [tilespmem:s22+$0x3520]  }
0x14e: {  	v7 =	vld [tilespmem:s22+$0x1530]  }
0x14f: {  	v8 =	vld [tilespmem:s22+$0x3530]  }
0x150: {  	v1 =	vmul.f32 v1, v2;
	v2 =	vmul.f32 v4, v3;
	_ =	sdelay $0x1  }
0x151: {  	v1 =	vadd.f32 v2, v1;
	v2 =	vmul.f32 v6, v5;
	_ =	sdelay $0x1  }
0x152: {  	v1 =	vadd.f32 v2, v1;
	v2 =	vmul.f32 v8, v7;
	_ =	sdelay $0x1  }
0x153: {  	v1 =	vadd.f32 v2, v1  }
0x154: {  	s22 =	simm.s32 $0x4100  }
0x155: {  	s25 =	simm.s32 $0x40;
	[tilespmem:s22+$0x0] =	vst v1  }
0x156: {  	v1 =	vld [tilespmem:s25+$0x3500]  }
0x157: {  	v2 =	vld [tilespmem:s25+$0x1500]  }
0x158: {  	s23 =	simm.s32 $0x0;
	s24 =	simm.s32 $0x200;
	v3 =	vld [tilespmem:s25+$0x1510]  }
.LBB2_24:
0x159: {  	p0 =	sne.s32 s24, $0xF00;
	v4 =	vld [tilespmem:s25+$0x3510]  }
0x15a: {  	v5 =	vld [tilespmem:s25+$0x1520]  }
0x15b: {  	v6 =	vld [tilespmem:s25+$0x3520]  }
0x15c: {  	v7 =	vld [tilespmem:s25+$0x1530]  }
0x15d: {  	v8 =	vld [tilespmem:s25+$0x3530]  }
0x15e: {  	v1 =	vmul.f32 v1, v2;
	v2 =	vmul.f32 v4, v3;
	_ =	sdelay $0x1  }
0x15f: {  	v1 =	vadd.f32 v2, v1;
	v2 =	vmul.f32 v6, v5;
	_ =	sdelay $0x1  }
0x160: {  	v1 =	vadd.f32 v2, v1;
	v2 =	vmul.f32 v8, v7;
	_ =	sdelay $0x1  }
0x161: {  	v1 =	vadd.f32 v2, v1  }
.Ltmp15:
0x162: {  	s22 =	sadd.s32 $0x10, s22;
	(pc) =	sbr.rel @p0 .LBB2_24-.Ltmp15, $4  }
0x163: {  	s25 =	sshra.s32 s24, $0x2;
	[tilespmem:s22+$0x0] =	vst v1  }
0x164: {  	v1 =	vld [tilespmem:s25+$0x3500]  }
0x165: {  	v2 =	vld [tilespmem:s25+$0x1500]  }
0x166: {  	s24 =	sadd.s32 $0x100, s24;
	v3 =	vld [tilespmem:s25+$0x1510]  }
0x167: {  	v4 =	vld [tilespmem:s25+$0x3510]  }
0x168: {  	v5 =	vld [tilespmem:s25+$0x1520]  }
0x169: {  	v6 =	vld [tilespmem:s25+$0x3520]  }
0x16a: {  	v7 =	vld [tilespmem:s25+$0x1530]  }
0x16b: {  	v8 =	vld [tilespmem:s25+$0x3530]  }
0x16c: {  	v1 =	vmul.f32 v1, v2;
	v2 =	vmul.f32 v4, v3;
	v3 =	vmov s23  }
0x16d: {  	v3 =	vand.u32 $0xF, v3  }
0x16e: {  	v1 =	vadd.f32 v2, v1;
	v2 =	vmul.f32 v6, v5;
	v3 =	vbroadcast v3, $0x0;
	_ =	sdelay $0x1  }
0x16f: {  	s31 =	simm.s32 $0x1;
	v1 =	vadd.f32 v2, v1;
	v2 =	vmul.f32 v8, v7;
	v3 =	vor.u32 v0, v3  }
0x170: {  	v4 =	vmov s31  }
0x171: {  	v1 =	vadd.f32 v2, v1;
	v2 =	vand.u32 $0xF, v4  }
0x172: {  	s22 =	sadd.s32 $0x10, s22;
	v4 =	vbroadcast v2, $0x0  }
0x173: {  	[tilespmem:s22+$0x0] =	vst v1  }
0x174: {  	v1 =	vimm.f32 $0.0e+00;
	s22 =	simm.s32 $0x2;
	v2 =	vld.idx.msk [tilespmem:v3+s16+$0x0], $0xffff;
	v3 =	vor.u32 v0, v4  }
.LBB2_26:
0x175: {  	p0 =	sne.s32 s22, $0xF  }
.Ltmp16:
0x176: {  	v4 =	vmov s22;
	s22 =	sadd.s32 $0x1, s22;
	(pc) =	sbr.rel @p0 .LBB2_26-.Ltmp16, $4  }
0x177: {  	v4 =	vand.u32 $0xF, v4  }
0x178: {  	v4 =	vbroadcast v4, $0x0  }
0x179: {  	v1 =	vadd.f32 v2, v1;
	v2 =	vld.idx.msk [tilespmem:v3+s16+$0x0], $0xffff  }
0x17a: {  	v3 =	vor.u32 v0, v4  }
0x17b: {  	_ =	sdelay $0x3  }
0x17c: {  	v3 =	vld.idx.msk [tilespmem:v3+s16+$0x0], $0xffff;
	_ =	sdelay $0x2  }
0x17d: {  	v1 =	vadd.f32 v2, v1;
	_ =	sdelay $0x1  }
0x17e: {  	v1 =	vadd.f32 v3, v1;
	_ =	sdelay $0x1  }
0x17f: {  	s22 =	simm.s32 $0x0;
	[tilespmem:$0x4250] =	vst v1  }
0x180: {  	v1 =	vld [tilespmem:s22+$0x3900]  }
0x181: {  	v2 =	vld [tilespmem:s22+$0x1900]  }
0x182: {  	v3 =	vld [tilespmem:s22+$0x1910]  }
0x183: {  	v4 =	vld [tilespmem:s22+$0x3910]  }
0x184: {  	v5 =	vld [tilespmem:s22+$0x1920]  }
0x185: {  	v6 =	vld [tilespmem:s22+$0x3920]  }
0x186: {  	v7 =	vld [tilespmem:s22+$0x1930]  }
0x187: {  	v8 =	vld [tilespmem:s22+$0x3930]  }
0x188: {  	v1 =	vmul.f32 v1, v2;
	v2 =	vmul.f32 v4, v3;
	_ =	sdelay $0x1  }
0x189: {  	v1 =	vadd.f32 v2, v1;
	v2 =	vmul.f32 v6, v5;
	_ =	sdelay $0x1  }
0x18a: {  	v1 =	vadd.f32 v2, v1;
	v2 =	vmul.f32 v8, v7;
	_ =	sdelay $0x1  }
0x18b: {  	v1 =	vadd.f32 v2, v1  }
0x18c: {  	s22 =	simm.s32 $0x4100  }
0x18d: {  	s25 =	simm.s32 $0x40;
	[tilespmem:s22+$0x0] =	vst v1  }
0x18e: {  	v1 =	vld [tilespmem:s25+$0x3900]  }
0x18f: {  	v2 =	vld [tilespmem:s25+$0x1900]  }
0x190: {  	s23 =	simm.s32 $0x0;
	s24 =	simm.s32 $0x200;
	v3 =	vld [tilespmem:s25+$0x1910]  }
.LBB2_28:
0x191: {  	p0 =	sne.s32 s24, $0xF00;
	v4 =	vld [tilespmem:s25+$0x3910]  }
0x192: {  	v5 =	vld [tilespmem:s25+$0x1920]  }
0x193: {  	v6 =	vld [tilespmem:s25+$0x3920]  }
0x194: {  	v7 =	vld [tilespmem:s25+$0x1930]  }
0x195: {  	v8 =	vld [tilespmem:s25+$0x3930]  }
0x196: {  	v1 =	vmul.f32 v1, v2;
	v2 =	vmul.f32 v4, v3;
	_ =	sdelay $0x1  }
0x197: {  	v1 =	vadd.f32 v2, v1;
	v2 =	vmul.f32 v6, v5;
	_ =	sdelay $0x1  }
0x198: {  	v1 =	vadd.f32 v2, v1;
	v2 =	vmul.f32 v8, v7;
	_ =	sdelay $0x1  }
0x199: {  	v1 =	vadd.f32 v2, v1  }
.Ltmp17:
0x19a: {  	s22 =	sadd.s32 $0x10, s22;
	(pc) =	sbr.rel @p0 .LBB2_28-.Ltmp17, $4  }
0x19b: {  	s25 =	sshra.s32 s24, $0x2;
	[tilespmem:s22+$0x0] =	vst v1  }
0x19c: {  	v1 =	vld [tilespmem:s25+$0x3900]  }
0x19d: {  	v2 =	vld [tilespmem:s25+$0x1900]  }
0x19e: {  	s24 =	sadd.s32 $0x100, s24;
	v3 =	vld [tilespmem:s25+$0x1910]  }
0x19f: {  	v4 =	vld [tilespmem:s25+$0x3910]  }
0x1a0: {  	v5 =	vld [tilespmem:s25+$0x1920]  }
0x1a1: {  	v6 =	vld [tilespmem:s25+$0x3920]  }
0x1a2: {  	v7 =	vld [tilespmem:s25+$0x1930]  }
0x1a3: {  	v8 =	vld [tilespmem:s25+$0x3930]  }
0x1a4: {  	v1 =	vmul.f32 v1, v2;
	v2 =	vmul.f32 v4, v3;
	v3 =	vmov s23  }
0x1a5: {  	v3 =	vand.u32 $0xF, v3  }
0x1a6: {  	v1 =	vadd.f32 v2, v1;
	v2 =	vmul.f32 v6, v5;
	v3 =	vbroadcast v3, $0x0;
	_ =	sdelay $0x1  }
0x1a7: {  	s31 =	simm.s32 $0x1;
	v1 =	vadd.f32 v2, v1;
	v2 =	vmul.f32 v8, v7;
	v3 =	vor.u32 v0, v3  }
0x1a8: {  	v4 =	vmov s31  }
0x1a9: {  	v1 =	vadd.f32 v2, v1;
	v2 =	vand.u32 $0xF, v4  }
0x1aa: {  	s22 =	sadd.s32 $0x10, s22;
	v4 =	vbroadcast v2, $0x0  }
0x1ab: {  	[tilespmem:s22+$0x0] =	vst v1  }
0x1ac: {  	v1 =	vimm.f32 $0.0e+00;
	s22 =	simm.s32 $0x2;
	v2 =	vld.idx.msk [tilespmem:v3+s16+$0x0], $0xffff;
	v3 =	vor.u32 v0, v4  }
.LBB2_30:
0x1ad: {  	p0 =	sne.s32 s22, $0xF  }
.Ltmp18:
0x1ae: {  	v4 =	vmov s22;
	s22 =	sadd.s32 $0x1, s22;
	(pc) =	sbr.rel @p0 .LBB2_30-.Ltmp18, $4  }
0x1af: {  	v4 =	vand.u32 $0xF, v4  }
0x1b0: {  	v4 =	vbroadcast v4, $0x0  }
0x1b1: {  	v1 =	vadd.f32 v2, v1;
	v2 =	vld.idx.msk [tilespmem:v3+s16+$0x0], $0xffff  }
0x1b2: {  	v3 =	vor.u32 v0, v4  }
0x1b3: {  	_ =	sdelay $0x3  }
0x1b4: {  	v3 =	vld.idx.msk [tilespmem:v3+s16+$0x0], $0xffff;
	_ =	sdelay $0x2  }
0x1b5: {  	v1 =	vadd.f32 v2, v1;
	_ =	sdelay $0x1  }
0x1b6: {  	v1 =	vadd.f32 v3, v1;
	_ =	sdelay $0x1  }
0x1b7: {  	s22 =	simm.s32 $0x0;
	[tilespmem:$0x4260] =	vst v1  }
0x1b8: {  	v1 =	vld [tilespmem:s22+$0x3D00]  }
0x1b9: {  	v2 =	vld [tilespmem:s22+$0x1D00]  }
0x1ba: {  	v3 =	vld [tilespmem:s22+$0x1D10]  }
0x1bb: {  	v4 =	vld [tilespmem:s22+$0x3D10]  }
0x1bc: {  	v5 =	vld [tilespmem:s22+$0x1D20]  }
0x1bd: {  	v6 =	vld [tilespmem:s22+$0x3D20]  }
0x1be: {  	v7 =	vld [tilespmem:s22+$0x1D30]  }
0x1bf: {  	v8 =	vld [tilespmem:s22+$0x3D30]  }
0x1c0: {  	v1 =	vmul.f32 v1, v2;
	v2 =	vmul.f32 v4, v3;
	_ =	sdelay $0x1  }
0x1c1: {  	v1 =	vadd.f32 v2, v1;
	v2 =	vmul.f32 v6, v5;
	_ =	sdelay $0x1  }
0x1c2: {  	v1 =	vadd.f32 v2, v1;
	v2 =	vmul.f32 v8, v7;
	_ =	sdelay $0x1  }
0x1c3: {  	v1 =	vadd.f32 v2, v1  }
0x1c4: {  	s22 =	simm.s32 $0x4100  }
0x1c5: {  	s25 =	simm.s32 $0x40;
	[tilespmem:s22+$0x0] =	vst v1  }
0x1c6: {  	v1 =	vld [tilespmem:s25+$0x3D00]  }
0x1c7: {  	v2 =	vld [tilespmem:s25+$0x1D00]  }
0x1c8: {  	s23 =	simm.s32 $0x0;
	s24 =	simm.s32 $0x200;
	v3 =	vld [tilespmem:s25+$0x1D10]  }
.LBB2_32:
0x1c9: {  	p0 =	sne.s32 s24, $0xF00;
	v4 =	vld [tilespmem:s25+$0x3D10]  }
0x1ca: {  	v5 =	vld [tilespmem:s25+$0x1D20]  }
0x1cb: {  	v6 =	vld [tilespmem:s25+$0x3D20]  }
0x1cc: {  	v7 =	vld [tilespmem:s25+$0x1D30]  }
0x1cd: {  	v8 =	vld [tilespmem:s25+$0x3D30]  }
0x1ce: {  	v1 =	vmul.f32 v1, v2;
	v2 =	vmul.f32 v4, v3;
	_ =	sdelay $0x1  }
0x1cf: {  	v1 =	vadd.f32 v2, v1;
	v2 =	vmul.f32 v6, v5;
	_ =	sdelay $0x1  }
0x1d0: {  	v1 =	vadd.f32 v2, v1;
	v2 =	vmul.f32 v8, v7;
	_ =	sdelay $0x1  }
0x1d1: {  	v1 =	vadd.f32 v2, v1  }
.Ltmp19:
0x1d2: {  	s22 =	sadd.s32 $0x10, s22;
	(pc) =	sbr.rel @p0 .LBB2_32-.Ltmp19, $4  }
0x1d3: {  	s25 =	sshra.s32 s24, $0x2;
	[tilespmem:s22+$0x0] =	vst v1  }
0x1d4: {  	v1 =	vld [tilespmem:s25+$0x3D00]  }
0x1d5: {  	v2 =	vld [tilespmem:s25+$0x1D00]  }
0x1d6: {  	s24 =	sadd.s32 $0x100, s24;
	v3 =	vld [tilespmem:s25+$0x1D10]  }
0x1d7: {  	v4 =	vld [tilespmem:s25+$0x3D10]  }
0x1d8: {  	v5 =	vld [tilespmem:s25+$0x1D20]  }
0x1d9: {  	v6 =	vld [tilespmem:s25+$0x3D20]  }
0x1da: {  	v7 =	vld [tilespmem:s25+$0x1D30]  }
0x1db: {  	v8 =	vld [tilespmem:s25+$0x3D30]  }
0x1dc: {  	v1 =	vmul.f32 v1, v2;
	v2 =	vmul.f32 v4, v3;
	v3 =	vmov s23  }
0x1dd: {  	v3 =	vand.u32 $0xF, v3  }
0x1de: {  	v1 =	vadd.f32 v2, v1;
	v2 =	vmul.f32 v6, v5;
	v3 =	vbroadcast v3, $0x0;
	_ =	sdelay $0x1  }
0x1df: {  	s31 =	simm.s32 $0x1;
	v1 =	vadd.f32 v2, v1;
	v2 =	vmul.f32 v8, v7;
	v3 =	vor.u32 v0, v3  }
0x1e0: {  	v4 =	vmov s31  }
0x1e1: {  	v1 =	vadd.f32 v2, v1;
	v2 =	vand.u32 $0xF, v4  }
0x1e2: {  	s22 =	sadd.s32 $0x10, s22;
	v4 =	vbroadcast v2, $0x0  }
0x1e3: {  	[tilespmem:s22+$0x0] =	vst v1  }
0x1e4: {  	v1 =	vimm.f32 $0.0e+00;
	s22 =	simm.s32 $0x2;
	v2 =	vld.idx.msk [tilespmem:v3+s16+$0x0], $0xffff;
	v3 =	vor.u32 v0, v4  }
.LBB2_34:
0x1e5: {  	p0 =	sne.s32 s22, $0xF  }
.Ltmp20:
0x1e6: {  	v4 =	vmov s22;
	s22 =	sadd.s32 $0x1, s22;
	(pc) =	sbr.rel @p0 .LBB2_34-.Ltmp20, $4  }
0x1e7: {  	v4 =	vand.u32 $0xF, v4  }
0x1e8: {  	v4 =	vbroadcast v4, $0x0  }
0x1e9: {  	v1 =	vadd.f32 v2, v1;
	v2 =	vld.idx.msk [tilespmem:v3+s16+$0x0], $0xffff  }
0x1ea: {  	v3 =	vor.u32 v0, v4  }
0x1eb: {  	_ =	sdelay $0x3  }
0x1ec: {  	v3 =	vld.idx.msk [tilespmem:v3+s16+$0x0], $0xffff;
	_ =	sdelay $0x2  }
0x1ed: {  	v1 =	vadd.f32 v2, v1;
	_ =	sdelay $0x1  }
0x1ee: {  	v1 =	vadd.f32 v3, v1;
	_ =	sdelay $0x1  }
.Ltmp21:
0x1ef: {  	s21 =	sadd.s32 s1, s21;
	[tilespmem:$0x4270] =	vst v1;
	(pc) =	sbr.rel .LBB2_36-.Ltmp21, $4  }
0x1f0: {  	[hbm4b:s21+s2] =	stream.linear.scatter [tilespmem:s17], [sflag:$0x3], $0x80, $0x38;
	[tilespmem:$0x4280] =	vst v63  }
0x1f1: {  	_ =	swait.ge [sflag:s18], $0x80  }
0x1f2: {  	[sflag:s18] =	ssyncset.done $0x0  }
0x1f3: {  	[sflag:s18] =	ssyncadd.s32 $0xFFFFFF80  }
.LBB2_38:
0x1f4: {  	_ =	sfence.sel $0x180000  }
0x1f5: {  	[bflag:$0x0] =	sbarrier.arrive $0xFFFF  }
0x1f6: {  	p0 =	sne.s32 s4, $0x0;
	_ =	strace $0x9000005C  }
0x1f7: {  	s0 =	sadd.s32 @!p0 $0x100000, s0;
	[bflag:$0x2] =	sbarrier.arrive $0xFFFF  }
0x1f8: {  	[sflag:s0] =	ssyncadd.tile.s32 @!p0 $0x1;
	_ =	shalt  }
.Lfunc_end2:
_tile_overlayer_lowered:
.L_overlay_start_2:
0x1f9: {  	(tag) =	ssettag $0x2  }
0x1fa: {  	s0 =	rddreg [dreg:$0x0];
	s2 =	stileid.u32  }
0x1fb: {  	s1 =	rddreg [dreg:$0x1];
	p0 =	sne.s32 s2, $0x0  }
0x1fc: {  	s3 =	rddreg [dreg:$0x2];
	[bflag:$0x3] =	sbarrier.arrive $0xFFFF;
	s2 =	simm.s32 @!p0 $0x1C03  }
0x1fd: {  	[timem:s3], [sflag:s2] =	dma.local @!p0 [hbm:s0], s1  }
0x1fe: {  	s0 =	simm.s32 @!p0 $0x3  }
0x1ff: {  	_ =	swait.ge @!p0 [sflag:s0], s1  }
0x200: {  	s1 =	ssub.s32 @!p0 $0x0, s1;
	[sflag:s0] =	ssyncset.done @!p0 $0x0  }
0x201: {  	[sflag:s0] =	ssyncadd.s32 @!p0 s1  }
0x202: {  	[bflag:$0x3] =	sbarrier.arrive $0xFFFF  }
0x203: {  	_ =	shalt  }

</sc_bundles>
